<compile_context>
chip_gen: v7x
topology: tpu7x:2x2x1
jax: 0.10.2.dev20260603
libtpu: 0.0.44.dev20260713+nightly
codegen_flags: <defaults>
</compile_context>

<pallas_src>
import jax
import jax.numpy as jnp
from jax import lax
from jax.experimental import pallas as pl
from jax.experimental.pallas import tpu as pltpu
from jax.experimental.pallas import tpu_sc as plsc

N_NODES = 10000
D = 256
DH = D // 2
N_EDGES = 160000
NC = 2
NS = 16
PAD_N = 10240
NPT = PAD_N // NS
EPT = 10240
PAD_E = EPT * NS
C = 16
NCHUNK = EPT // C
LG = 16
NSEG = DH // LG


def _permute(x, idx):
    dnums = lax.GatherDimensionNumbers(
        offset_dims=(), collapsed_slice_dims=(0,), start_index_map=(0,))
    return lax.gather(x, idx[:, None], dnums, (1,),
                      mode=lax.GatherScatterMode.PROMISE_IN_BOUNDS)


NBUF = 2


def _body(zs_hbm, src_hbm, dst_hbm, out_hbm,
          zsh, sidx, didx, srow, drow, outv,
          sem_s0, sem_s1, sem_d0, sem_d1):
    cid = lax.axis_index("c")
    sid = lax.axis_index("s")
    base = sid * EPT

    pltpu.sync_copy(zs_hbm.at[cid, pl.ds(sid * NPT, NPT)],
                    zsh.at[pl.ds(sid * NPT, NPT)])
    pltpu.sync_copy(src_hbm.at[pl.ds(base, EPT)], sidx)
    pltpu.sync_copy(dst_hbm.at[pl.ds(base, EPT)], didx)
    plsc.subcore_barrier()

    lane = lax.iota(jnp.int32, LG)
    perms = [(lane + s) & (LG - 1) for s in (8, 4, 2, 1)]
    sems = ((sem_s0, sem_d0), (sem_s1, sem_d1))

    def start(g, b):
        pltpu.async_copy(zsh.at[sidx.at[pl.ds(g * C, C)]], srow.at[b],
                         sems[b][0])
        pltpu.async_copy(zsh.at[didx.at[pl.ds(g * C, C)]], drow.at[b],
                         sems[b][1])

    def wait(g, b):
        pltpu.make_async_copy(zsh.at[sidx.at[pl.ds(g * C, C)]], srow.at[b],
                              sems[b][0]).wait()
        pltpu.make_async_copy(zsh.at[didx.at[pl.ds(g * C, C)]], drow.at[b],
                              sems[b][1]).wait()

    def compute(g, b):
        gvec = jnp.zeros((LG,), jnp.float32)
        for e in range(C):
            accs = [None] * 2
            for j in range(NSEG):
                prod = (srow[b, e, pl.ds(j * LG, LG)]
                        * drow[b, e, pl.ds(j * LG, LG)])
                a = j & 1
                accs[a] = prod if accs[a] is None else accs[a] + prod
            acc = accs[0] + accs[1]
            for p in perms:
                acc = acc + _permute(acc, p)
            gvec = jnp.where(lane == e, acc, gvec)
        outv[pl.ds(g * C, LG)] = gvec

    for b in range(NBUF):
        start(b, b)

    def outer(t, carry):
        for b in range(NBUF):
            g = NBUF * t + b
            wait(g, b)
            compute(g, b)

            @pl.when(g + NBUF < NCHUNK)
            def _():
                start(g + NBUF, b)
        return carry

    lax.fori_loop(0, NCHUNK // NBUF, outer, 0)
    pltpu.sync_copy(outv, out_hbm.at[cid, pl.ds(base, EPT)])


@jax.jit
def _partial_dots(zsplit, src, dst):
    mesh = plsc.VectorSubcoreMesh(core_axis_name="c", subcore_axis_name="s")
    f = pl.kernel(
        _body,
        mesh=mesh,
        out_type=jax.ShapeDtypeStruct((NC, PAD_E), jnp.float32),
        scratch_types=[
            pltpu.VMEM_SHARED((PAD_N, DH), jnp.float32),
            pltpu.VMEM((EPT,), jnp.int32),
            pltpu.VMEM((EPT,), jnp.int32),
            pltpu.VMEM((NBUF, C, DH), jnp.float32),
            pltpu.VMEM((NBUF, C, DH), jnp.float32),
            pltpu.VMEM((EPT,), jnp.float32),
            pltpu.SemaphoreType.DMA,
            pltpu.SemaphoreType.DMA,
            pltpu.SemaphoreType.DMA,
            pltpu.SemaphoreType.DMA,
        ],
    )
    return f(zsplit, src, dst)


def _combine_body(p0_ref, p1_ref, o_ref):
    v = p0_ref[...] + p1_ref[...]
    o_ref[...] = 1.0 / (1.0 + jnp.exp(-v))


@jax.jit
def _combine(p0, p1):
    rows = PAD_E // 128
    f = pl.pallas_call(
        _combine_body,
        out_shape=jax.ShapeDtypeStruct((rows, 128), jnp.float32),
        grid=(rows // 256,),
        in_specs=[pl.BlockSpec((256, 128), lambda i: (i, 0)),
                  pl.BlockSpec((256, 128), lambda i: (i, 0))],
        out_specs=pl.BlockSpec((256, 128), lambda i: (i, 0)),
    )
    return f(p0.reshape(rows, 128), p1.reshape(rows, 128))


def kernel(z, edge_index):
    zpad = jnp.pad(z, ((0, PAD_N - N_NODES), (0, 0)))
    zsplit = jnp.stack([zpad[:, :DH], zpad[:, DH:]])
    src = jnp.pad(edge_index[0].astype(jnp.int32), (0, PAD_E - N_EDGES))
    dst = jnp.pad(edge_index[1].astype(jnp.int32), (0, PAD_E - N_EDGES))
    partial = _partial_dots(zsplit, src, dst)
    out = _combine(partial[0], partial[1])
    return out.reshape(PAD_E)[:N_EDGES]

# --- scband reference (transcript-rebuilt; emitter-appended) ---
"""Pipeline reference for scband-reconstruct-7215545058051 (READ-ONLY COPY).

The authoritative reference and input builder live on the scoring server;
editing this copy changes nothing except your own understanding.
"""

import jax, jax.numpy as jnp
import numpy as np


def setup_inputs(seed: int = 0) -> dict:
    key = jax.random.key(seed)
    k1, k2 = jax.random.split(key)
    z = jax.random.normal(k1, (10000, 256), dtype=jnp.float32)
    edge_index = jax.random.randint(k2, (2, 160000), 0, 10000, dtype=jnp.int64)
    return {"z": z, "edge_index": edge_index}


def reference(z, edge_index):
    # Inner product decoder: sigma(z_src . z_dst) per edge
    src = jnp.take(z, edge_index[0], axis=0)
    dst = jnp.take(z, edge_index[1], axis=0)
    value = (src * dst).sum(axis=1)
    return jax.nn.sigmoid(value)

if __name__ == "__main__":
    import jax
    _d = setup_inputs()
    print(jax.jit(kernel)(*tuple(_d.values())))

</pallas_src>

<mosaic_0001>
#map = affine_map<(d0, d1) -> (0, 0, 0)>
#map1 = affine_map<(d0, d1) -> (0)>
#map2 = affine_map<(d0, d1) -> (0, 0)>
module attributes {stable_mosaic.version = 14 : i64} {
  func.func @_body(%arg0: i32, %arg1: i32, %arg2: memref<2x10240x128xf32, #tpu.memory_space<hbm>>, %arg3: memref<163840xi32, #tpu.memory_space<hbm>>, %arg4: memref<163840xi32, #tpu.memory_space<hbm>>, %arg5: memref<2x163840xf32, #tpu.memory_space<hbm>>, %arg6: memref<10240x128xf32, #tpu.memory_space<vmem_shared>>, %arg7: memref<10240xi32, #tpu.memory_space<vmem>>, %arg8: memref<10240xi32, #tpu.memory_space<vmem>>, %arg9: memref<2x16x128xf32, #tpu.memory_space<vmem>>, %arg10: memref<2x16x128xf32, #tpu.memory_space<vmem>>, %arg11: memref<10240xf32, #tpu.memory_space<vmem>>, %arg12: memref<!tpu.dma_semaphore, #tpu.memory_space<semaphore_mem>>, %arg13: memref<!tpu.dma_semaphore, #tpu.memory_space<semaphore_mem>>, %arg14: memref<!tpu.dma_semaphore, #tpu.memory_space<semaphore_mem>>, %arg15: memref<!tpu.dma_semaphore, #tpu.memory_space<semaphore_mem>>) attributes {dimension_semantics = [#tpu.dimension_semantics<core_parallel>, #tpu.dimension_semantics<subcore_parallel>], iteration_bounds = array<i64: 2, 16>, scalar_prefetch = 0 : i64, scratch_operands = 10 : i64, tpu.core_type = #tpu.core_type<sc_vector_subcore>, window_params = [{transform_indices = #map}, {transform_indices = #map1}, {transform_indices = #map1}, {transform_indices = #map2}]} {
    %mul3A = arith.constant 10240 : i32
    %mul3A_0 = arith.muli %arg1, %mul3A : i32
    %mul3A_1 = arith.constant 640 : i32
    %mul3A_2 = arith.muli %arg1, %mul3A_1 : i32
    %mul3A_3 = arith.constant 640 : i32
    %mul3A_4 = arith.muli %arg1, %mul3A_3 : i32
    "tpu.region"() ({
      %run_scoped3A = tpu.sem_alloc : memref<!tpu.dma_semaphore, #tpu.memory_space<semaphore_mem>>
      %dma_start3A_71 = arith.constant 0 : i32
      %dma_start3A_72 = tpu.memref_slice %arg6[%mul3A_4, %dma_start3A_71] : memref<10240x128xf32, #tpu.memory_space<vmem_shared>> -> memref<640x128xf32, #tpu.memory_space<vmem_shared>>
      %dma_start3A_73 = arith.constant 0 : i32
      %dma_start3A_74 = tpu.memref_slice %arg2[%arg0, %mul3A_2, %dma_start3A_73] : memref<2x10240x128xf32, #tpu.memory_space<hbm>> -> memref<1x640x128xf32, #tpu.memory_space<hbm>>
      %dma_start3A_75 = tpu.memref_squeeze %dma_start3A_74 : memref<1x640x128xf32, #tpu.memory_space<hbm>> -> memref<640x128xf32, #tpu.memory_space<hbm>>
      tpu.enqueue_dma source(%dma_start3A_75 : memref<640x128xf32, #tpu.memory_space<hbm>>) target(%dma_start3A_72 : memref<640x128xf32, #tpu.memory_space<vmem_shared>>) target_semaphore(%run_scoped3A : memref<!tpu.dma_semaphore, #tpu.memory_space<semaphore_mem>>)
      %dma_wait3A = arith.constant 0 : i32
      %dma_wait3A_76 = tpu.memref_slice %arg6[%mul3A_4, %dma_wait3A] : memref<10240x128xf32, #tpu.memory_space<vmem_shared>> -> memref<640x128xf32, #tpu.memory_space<vmem_shared>>
      %dma_wait3A_77 = arith.constant 0 : i32
      %dma_wait3A_78 = tpu.memref_slice %arg2[%arg0, %mul3A_2, %dma_wait3A_77] : memref<2x10240x128xf32, #tpu.memory_space<hbm>> -> memref<1x640x128xf32, #tpu.memory_space<hbm>>
      %dma_wait3A_79 = tpu.memref_squeeze %dma_wait3A_78 : memref<1x640x128xf32, #tpu.memory_space<hbm>> -> memref<640x128xf32, #tpu.memory_space<hbm>>
      tpu.wait_dma2 semaphore(%run_scoped3A : memref<!tpu.dma_semaphore, #tpu.memory_space<semaphore_mem>>) src(%dma_wait3A_79 : memref<640x128xf32, #tpu.memory_space<hbm>>) dst(%dma_wait3A_76 : memref<640x128xf32, #tpu.memory_space<vmem_shared>>)
      tpu.yield
    }) : () -> ()
    "tpu.region"() ({
      %run_scoped3A = tpu.sem_alloc : memref<!tpu.dma_semaphore, #tpu.memory_space<semaphore_mem>>
      %dma_start3A_71 = tpu.memref_slice %arg3[%mul3A_0] : memref<163840xi32, #tpu.memory_space<hbm>> -> memref<10240xi32, #tpu.memory_space<hbm>>
      %dma_start3A_72 = tpu.memref_slice %arg3[%mul3A_0] : memref<163840xi32, #tpu.memory_space<hbm>> -> memref<10240xi32, #tpu.memory_space<hbm>>
      tpu.enqueue_dma source(%dma_start3A_72 : memref<10240xi32, #tpu.memory_space<hbm>>) target(%arg7 : memref<10240xi32, #tpu.memory_space<vmem>>) target_semaphore(%run_scoped3A : memref<!tpu.dma_semaphore, #tpu.memory_space<semaphore_mem>>)
      %dma_wait3A = tpu.memref_slice %arg3[%mul3A_0] : memref<163840xi32, #tpu.memory_space<hbm>> -> memref<10240xi32, #tpu.memory_space<hbm>>
      %dma_wait3A_73 = tpu.memref_slice %arg3[%mul3A_0] : memref<163840xi32, #tpu.memory_space<hbm>> -> memref<10240xi32, #tpu.memory_space<hbm>>
      tpu.wait_dma2 semaphore(%run_scoped3A : memref<!tpu.dma_semaphore, #tpu.memory_space<semaphore_mem>>) src(%dma_wait3A_73 : memref<10240xi32, #tpu.memory_space<hbm>>) dst(%arg7 : memref<10240xi32, #tpu.memory_space<vmem>>)
      tpu.yield
    }) : () -> ()
    "tpu.region"() ({
      %run_scoped3A = tpu.sem_alloc : memref<!tpu.dma_semaphore, #tpu.memory_space<semaphore_mem>>
      %dma_start3A_71 = tpu.memref_slice %arg4[%mul3A_0] : memref<163840xi32, #tpu.memory_space<hbm>> -> memref<10240xi32, #tpu.memory_space<hbm>>
      %dma_start3A_72 = tpu.memref_slice %arg4[%mul3A_0] : memref<163840xi32, #tpu.memory_space<hbm>> -> memref<10240xi32, #tpu.memory_space<hbm>>
      tpu.enqueue_dma source(%dma_start3A_72 : memref<10240xi32, #tpu.memory_space<hbm>>) target(%arg8 : memref<10240xi32, #tpu.memory_space<vmem>>) target_semaphore(%run_scoped3A : memref<!tpu.dma_semaphore, #tpu.memory_space<semaphore_mem>>)
      %dma_wait3A = tpu.memref_slice %arg4[%mul3A_0] : memref<163840xi32, #tpu.memory_space<hbm>> -> memref<10240xi32, #tpu.memory_space<hbm>>
      %dma_wait3A_73 = tpu.memref_slice %arg4[%mul3A_0] : memref<163840xi32, #tpu.memory_space<hbm>> -> memref<10240xi32, #tpu.memory_space<hbm>>
      tpu.wait_dma2 semaphore(%run_scoped3A : memref<!tpu.dma_semaphore, #tpu.memory_space<semaphore_mem>>) src(%dma_wait3A_73 : memref<10240xi32, #tpu.memory_space<hbm>>) dst(%arg8 : memref<10240xi32, #tpu.memory_space<vmem>>)
      tpu.yield
    }) : () -> ()
    %barrier3A = arith.constant 0 : index
    tpu.barrier barrier_id(%barrier3A)
    %iota3A = tpu.iota {dimensions = array<i32: 0>} : vector<16xi32>
    %add3A = arith.constant 8 : i32
    %add3A_5 = vector.broadcast %add3A : i32 to vector<16xi32>
    %add3A_6 = arith.addi %iota3A, %add3A_5 : vector<16xi32>
    %and3A = arith.constant 15 : i32
    %and3A_7 = vector.broadcast %and3A : i32 to vector<16xi32>
    %and3A_8 = arith.andi %add3A_6, %and3A_7 : vector<16xi32>
    %add3A_9 = arith.constant 4 : i32
    %add3A_10 = vector.broadcast %add3A_9 : i32 to vector<16xi32>
    %add3A_11 = arith.addi %iota3A, %add3A_10 : vector<16xi32>
    %and3A_12 = arith.constant 15 : i32
    %and3A_13 = vector.broadcast %and3A_12 : i32 to vector<16xi32>
    %and3A_14 = arith.andi %add3A_11, %and3A_13 : vector<16xi32>
    %add3A_15 = arith.constant 2 : i32
    %add3A_16 = vector.broadcast %add3A_15 : i32 to vector<16xi32>
    %add3A_17 = arith.addi %iota3A, %add3A_16 : vector<16xi32>
    %and3A_18 = arith.constant 15 : i32
    %and3A_19 = vector.broadcast %and3A_18 : i32 to vector<16xi32>
    %and3A_20 = arith.andi %add3A_17, %and3A_19 : vector<16xi32>
    %add3A_21 = arith.constant 1 : i32
    %add3A_22 = vector.broadcast %add3A_21 : i32 to vector<16xi32>
    %add3A_23 = arith.addi %iota3A, %add3A_22 : vector<16xi32>
    %and3A_24 = arith.constant 15 : i32
    %and3A_25 = vector.broadcast %and3A_24 : i32 to vector<16xi32>
    %and3A_26 = arith.andi %add3A_23, %and3A_25 : vector<16xi32>
    %dma_start3A = arith.constant 0 : i32
    %dma_start3A_27 = arith.constant 0 : i32
    %dma_start3A_28 = arith.constant 0 : i32
    %dma_start3A_29 = tpu.memref_slice %arg9[%dma_start3A, %dma_start3A_27, %dma_start3A_28] : memref<2x16x128xf32, #tpu.memory_space<vmem>> -> memref<1x16x128xf32, #tpu.memory_space<vmem>>
    %dma_start3A_30 = tpu.memref_squeeze %dma_start3A_29 : memref<1x16x128xf32, #tpu.memory_space<vmem>> -> memref<16x128xf32, #tpu.memory_space<vmem>>
    %dma_start3A_31 = arith.constant 0 : i32
    %dma_start3A_32 = tpu.memref_slice %arg7[%dma_start3A_31] : memref<10240xi32, #tpu.memory_space<vmem>> -> memref<16xi32, #tpu.memory_space<vmem>>
    %dma_start3A_33 = arith.constant 0 : i32
    %dma_start3A_34 = arith.constant 0 : i32
    %dma_start3A_35 = tpu.memref_slice %arg6[%dma_start3A_33, %dma_start3A_34] : memref<10240x128xf32, #tpu.memory_space<vmem_shared>> -> memref<10240x128xf32, #tpu.memory_space<vmem_shared>>
    tpu.enqueue_indirect_dma source(%dma_start3A_35 : memref<10240x128xf32, #tpu.memory_space<vmem_shared>>) target(%dma_start3A_30 : memref<16x128xf32, #tpu.memory_space<vmem>>) offsets(%dma_start3A_32 : memref<16xi32, #tpu.memory_space<vmem>>) semaphore(%arg12 : memref<!tpu.dma_semaphore, #tpu.memory_space<semaphore_mem>>)
    %dma_start3A_36 = arith.constant 0 : i32
    %dma_start3A_37 = arith.constant 0 : i32
    %dma_start3A_38 = arith.constant 0 : i32
    %dma_start3A_39 = tpu.memref_slice %arg10[%dma_start3A_36, %dma_start3A_37, %dma_start3A_38] : memref<2x16x128xf32, #tpu.memory_space<vmem>> -> memref<1x16x128xf32, #tpu.memory_space<vmem>>
    %dma_start3A_40 = tpu.memref_squeeze %dma_start3A_39 : memref<1x16x128xf32, #tpu.memory_space<vmem>> -> memref<16x128xf32, #tpu.memory_space<vmem>>
    %dma_start3A_41 = arith.constant 0 : i32
    %dma_start3A_42 = tpu.memref_slice %arg8[%dma_start3A_41] : memref<10240xi32, #tpu.memory_space<vmem>> -> memref<16xi32, #tpu.memory_space<vmem>>
    %dma_start3A_43 = arith.constant 0 : i32
    %dma_start3A_44 = arith.constant 0 : i32
    %dma_start3A_45 = tpu.memref_slice %arg6[%dma_start3A_43, %dma_start3A_44] : memref<10240x128xf32, #tpu.memory_space<vmem_shared>> -> memref<10240x128xf32, #tpu.memory_space<vmem_shared>>
    tpu.enqueue_indirect_dma source(%dma_start3A_45 : memref<10240x128xf32, #tpu.memory_space<vmem_shared>>) target(%dma_start3A_40 : memref<16x128xf32, #tpu.memory_space<vmem>>) offsets(%dma_start3A_42 : memref<16xi32, #tpu.memory_space<vmem>>) semaphore(%arg14 : memref<!tpu.dma_semaphore, #tpu.memory_space<semaphore_mem>>)
    %dma_start3A_46 = arith.constant 1 : i32
    %dma_start3A_47 = arith.constant 0 : i32
    %dma_start3A_48 = arith.constant 0 : i32
    %dma_start3A_49 = tpu.memref_slice %arg9[%dma_start3A_46, %dma_start3A_47, %dma_start3A_48] : memref<2x16x128xf32, #tpu.memory_space<vmem>> -> memref<1x16x128xf32, #tpu.memory_space<vmem>>
    %dma_start3A_50 = tpu.memref_squeeze %dma_start3A_49 : memref<1x16x128xf32, #tpu.memory_space<vmem>> -> memref<16x128xf32, #tpu.memory_space<vmem>>
    %dma_start3A_51 = arith.constant 16 : i32
    %dma_start3A_52 = tpu.memref_slice %arg7[%dma_start3A_51] : memref<10240xi32, #tpu.memory_space<vmem>> -> memref<16xi32, #tpu.memory_space<vmem>>
    %dma_start3A_53 = arith.constant 0 : i32
    %dma_start3A_54 = arith.constant 0 : i32
    %dma_start3A_55 = tpu.memref_slice %arg6[%dma_start3A_53, %dma_start3A_54] : memref<10240x128xf32, #tpu.memory_space<vmem_shared>> -> memref<10240x128xf32, #tpu.memory_space<vmem_shared>>
    tpu.enqueue_indirect_dma source(%dma_start3A_55 : memref<10240x128xf32, #tpu.memory_space<vmem_shared>>) target(%dma_start3A_50 : memref<16x128xf32, #tpu.memory_space<vmem>>) offsets(%dma_start3A_52 : memref<16xi32, #tpu.memory_space<vmem>>) semaphore(%arg13 : memref<!tpu.dma_semaphore, #tpu.memory_space<semaphore_mem>>)
    %dma_start3A_56 = arith.constant 1 : i32
    %dma_start3A_57 = arith.constant 0 : i32
    %dma_start3A_58 = arith.constant 0 : i32
    %dma_start3A_59 = tpu.memref_slice %arg10[%dma_start3A_56, %dma_start3A_57, %dma_start3A_58] : memref<2x16x128xf32, #tpu.memory_space<vmem>> -> memref<1x16x128xf32, #tpu.memory_space<vmem>>
    %dma_start3A_60 = tpu.memref_squeeze %dma_start3A_59 : memref<1x16x128xf32, #tpu.memory_space<vmem>> -> memref<16x128xf32, #tpu.memory_space<vmem>>
    %dma_start3A_61 = arith.constant 16 : i32
    %dma_start3A_62 = tpu.memref_slice %arg8[%dma_start3A_61] : memref<10240xi32, #tpu.memory_space<vmem>> -> memref<16xi32, #tpu.memory_space<vmem>>
    %dma_start3A_63 = arith.constant 0 : i32
    %dma_start3A_64 = arith.constant 0 : i32
    %dma_start3A_65 = tpu.memref_slice %arg6[%dma_start3A_63, %dma_start3A_64] : memref<10240x128xf32, #tpu.memory_space<vmem_shared>> -> memref<10240x128xf32, #tpu.memory_space<vmem_shared>>
    tpu.enqueue_indirect_dma source(%dma_start3A_65 : memref<10240x128xf32, #tpu.memory_space<vmem_shared>>) target(%dma_start3A_60 : memref<16x128xf32, #tpu.memory_space<vmem>>) offsets(%dma_start3A_62 : memref<16xi32, #tpu.memory_space<vmem>>) semaphore(%arg15 : memref<!tpu.dma_semaphore, #tpu.memory_space<semaphore_mem>>)
    %scan3A = arith.constant 0 : i32
    %scan3A_66 = arith.constant 0 : i32
    %scan3A_67 = arith.constant 320 : i32
    %scan3A_68 = arith.addi %scan3A_66, %scan3A_67 : i32
    %scan3A_69 = arith.constant 1 : i32
    scf.for %scan3A_71 = %scan3A_66 to %scan3A_68 step %scan3A_69  : i32 {
      %mul3A_72 = arith.constant 2 : i32
      %mul3A_73 = arith.muli %mul3A_72, %scan3A_71 : i32
      %add3A_74 = arith.constant 0 : i32
      %add3A_75 = arith.addi %mul3A_73, %add3A_74 : i32
      %mul3A_76 = arith.constant 16 : i32
      %mul3A_77 = arith.muli %add3A_75, %mul3A_76 : i32
      %dma_wait3A = arith.constant 0 : i32
      %dma_wait3A_78 = arith.constant 0 : i32
      %dma_wait3A_79 = arith.constant 0 : i32
      %dma_wait3A_80 = tpu.memref_slice %arg9[%dma_wait3A, %dma_wait3A_78, %dma_wait3A_79] : memref<2x16x128xf32, #tpu.memory_space<vmem>> -> memref<1x16x128xf32, #tpu.memory_space<vmem>>
      %dma_wait3A_81 = tpu.memref_squeeze %dma_wait3A_80 : memref<1x16x128xf32, #tpu.memory_space<vmem>> -> memref<16x128xf32, #tpu.memory_space<vmem>>
      %dma_wait3A_82 = tpu.memref_slice %arg7[%mul3A_77] : memref<10240xi32, #tpu.memory_space<vmem>> -> memref<16xi32, #tpu.memory_space<vmem>>
      %dma_wait3A_83 = arith.constant 0 : i32
      %dma_wait3A_84 = arith.constant 0 : i32
      %dma_wait3A_85 = tpu.memref_slice %arg6[%dma_wait3A_83, %dma_wait3A_84] : memref<10240x128xf32, #tpu.memory_space<vmem_shared>> -> memref<10240x128xf32, #tpu.memory_space<vmem_shared>>
      tpu.wait_indirect_dma semaphore(%arg12 : memref<!tpu.dma_semaphore, #tpu.memory_space<semaphore_mem>>) src(%dma_wait3A_85 : memref<10240x128xf32, #tpu.memory_space<vmem_shared>>) dst(%dma_wait3A_81 : memref<16x128xf32, #tpu.memory_space<vmem>>)
      %mul3A_86 = arith.constant 16 : i32
      %mul3A_87 = arith.muli %add3A_75, %mul3A_86 : i32
      %dma_wait3A_88 = arith.constant 0 : i32
      %dma_wait3A_89 = arith.constant 0 : i32
      %dma_wait3A_90 = arith.constant 0 : i32
      %dma_wait3A_91 = tpu.memref_slice %arg10[%dma_wait3A_88, %dma_wait3A_89, %dma_wait3A_90] : memref<2x16x128xf32, #tpu.memory_space<vmem>> -> memref<1x16x128xf32, #tpu.memory_space<vmem>>
      %dma_wait3A_92 = tpu.memref_squeeze %dma_wait3A_91 : memref<1x16x128xf32, #tpu.memory_space<vmem>> -> memref<16x128xf32, #tpu.memory_space<vmem>>
      %dma_wait3A_93 = tpu.memref_slice %arg8[%mul3A_87] : memref<10240xi32, #tpu.memory_space<vmem>> -> memref<16xi32, #tpu.memory_space<vmem>>
      %dma_wait3A_94 = arith.constant 0 : i32
      %dma_wait3A_95 = arith.constant 0 : i32
      %dma_wait3A_96 = tpu.memref_slice %arg6[%dma_wait3A_94, %dma_wait3A_95] : memref<10240x128xf32, #tpu.memory_space<vmem_shared>> -> memref<10240x128xf32, #tpu.memory_space<vmem_shared>>
      tpu.wait_indirect_dma semaphore(%arg14 : memref<!tpu.dma_semaphore, #tpu.memory_space<semaphore_mem>>) src(%dma_wait3A_96 : memref<10240x128xf32, #tpu.memory_space<vmem_shared>>) dst(%dma_wait3A_92 : memref<16x128xf32, #tpu.memory_space<vmem>>)
      %broadcast_in_dim3A = arith.constant 0.000000e+00 : f32
      %broadcast_in_dim3A_97 = vector.broadcast %broadcast_in_dim3A : f32 to vector<16xf32>
      %get3A = arith.constant 0 : i32
      %get3A_98 = arith.constant 0 : i32
      %get3A_99 = arith.index_cast %get3A : i32 to index
      %get3A_100 = arith.index_cast %get3A_98 : i32 to index
      %get3A_101 = arith.constant 0 : index
      %get3A_102 = tpu.vector_load %arg9[%get3A_99, %get3A_100, %get3A_101] {strides = array<i32>} : memref<2x16x128xf32, #tpu.memory_space<vmem>>, vector<1x1x16xf32>,
      %get3A_103 = vector.shape_cast %get3A_102 : vector<1x1x16xf32> to vector<16xf32>
      %get3A_104 = arith.constant 0 : i32
      %get3A_105 = arith.constant 0 : i32
      %get3A_106 = arith.index_cast %get3A_104 : i32 to index
      %get3A_107 = arith.index_cast %get3A_105 : i32 to index
      %get3A_108 = arith.constant 0 : index
      %get3A_109 = tpu.vector_load %arg10[%get3A_106, %get3A_107, %get3A_108] {strides = array<i32>} : memref<2x16x128xf32, #tpu.memory_space<vmem>>, vector<1x1x16xf32>,
      %get3A_110 = vector.shape_cast %get3A_109 : vector<1x1x16xf32> to vector<16xf32>
      %mul3A_111 = arith.mulf %get3A_103, %get3A_110 : vector<16xf32>
      %get3A_112 = arith.constant 0 : i32
      %get3A_113 = arith.constant 0 : i32
      %get3A_114 = arith.index_cast %get3A_112 : i32 to index
      %get3A_115 = arith.index_cast %get3A_113 : i32 to index
      %get3A_116 = arith.constant 16 : index
      %get3A_117 = tpu.vector_load %arg9[%get3A_114, %get3A_115, %get3A_116] {strides = array<i32>} : memref<2x16x128xf32, #tpu.memory_space<vmem>>, vector<1x1x16xf32>,
      %get3A_118 = vector.shape_cast %get3A_117 : vector<1x1x16xf32> to vector<16xf32>
      %get3A_119 = arith.constant 0 : i32
      %get3A_120 = arith.constant 0 : i32
      %get3A_121 = arith.index_cast %get3A_119 : i32 to index
      %get3A_122 = arith.index_cast %get3A_120 : i32 to index
      %get3A_123 = arith.constant 16 : index
      %get3A_124 = tpu.vector_load %arg10[%get3A_121, %get3A_122, %get3A_123] {strides = array<i32>} : memref<2x16x128xf32, #tpu.memory_space<vmem>>, vector<1x1x16xf32>,
      %get3A_125 = vector.shape_cast %get3A_124 : vector<1x1x16xf32> to vector<16xf32>
      %mul3A_126 = arith.mulf %get3A_118, %get3A_125 : vector<16xf32>
      %get3A_127 = arith.constant 0 : i32
      %get3A_128 = arith.constant 0 : i32
      %get3A_129 = arith.index_cast %get3A_127 : i32 to index
      %get3A_130 = arith.index_cast %get3A_128 : i32 to index
      %get3A_131 = arith.constant 32 : index
      %get3A_132 = tpu.vector_load %arg9[%get3A_129, %get3A_130, %get3A_131] {strides = array<i32>} : memref<2x16x128xf32, #tpu.memory_space<vmem>>, vector<1x1x16xf32>,
      %get3A_133 = vector.shape_cast %get3A_132 : vector<1x1x16xf32> to vector<16xf32>
      %get3A_134 = arith.constant 0 : i32
      %get3A_135 = arith.constant 0 : i32
      %get3A_136 = arith.index_cast %get3A_134 : i32 to index
      %get3A_137 = arith.index_cast %get3A_135 : i32 to index
      %get3A_138 = arith.constant 32 : index
      %get3A_139 = tpu.vector_load %arg10[%get3A_136, %get3A_137, %get3A_138] {strides = array<i32>} : memref<2x16x128xf32, #tpu.memory_space<vmem>>, vector<1x1x16xf32>,
      %get3A_140 = vector.shape_cast %get3A_139 : vector<1x1x16xf32> to vector<16xf32>
      %mul3A_141 = arith.mulf %get3A_133, %get3A_140 : vector<16xf32>
      %add3A_142 = arith.addf %mul3A_111, %mul3A_141 : vector<16xf32>
      %get3A_143 = arith.constant 0 : i32
      %get3A_144 = arith.constant 0 : i32
      %get3A_145 = arith.index_cast %get3A_143 : i32 to index
      %get3A_146 = arith.index_cast %get3A_144 : i32 to index
      %get3A_147 = arith.constant 48 : index
      %get3A_148 = tpu.vector_load %arg9[%get3A_145, %get3A_146, %get3A_147] {strides = array<i32>} : memref<2x16x128xf32, #tpu.memory_space<vmem>>, vector<1x1x16xf32>,
      %get3A_149 = vector.shape_cast %get3A_148 : vector<1x1x16xf32> to vector<16xf32>
      %get3A_150 = arith.constant 0 : i32
      %get3A_151 = arith.constant 0 : i32
      %get3A_152 = arith.index_cast %get3A_150 : i32 to index
      %get3A_153 = arith.index_cast %get3A_151 : i32 to index
      %get3A_154 = arith.constant 48 : index
      %get3A_155 = tpu.vector_load %arg10[%get3A_152, %get3A_153, %get3A_154] {strides = array<i32>} : memref<2x16x128xf32, #tpu.memory_space<vmem>>, vector<1x1x16xf32>,
      %get3A_156 = vector.shape_cast %get3A_155 : vector<1x1x16xf32> to vector<16xf32>
      %mul3A_157 = arith.mulf %get3A_149, %get3A_156 : vector<16xf32>
      %add3A_158 = arith.addf %mul3A_126, %mul3A_157 : vector<16xf32>
      %get3A_159 = arith.constant 0 : i32
      %get3A_160 = arith.constant 0 : i32
      %get3A_161 = arith.index_cast %get3A_159 : i32 to index
      %get3A_162 = arith.index_cast %get3A_160 : i32 to index
      %get3A_163 = arith.constant 64 : index
      %get3A_164 = tpu.vector_load %arg9[%get3A_161, %get3A_162, %get3A_163] {strides = array<i32>} : memref<2x16x128xf32, #tpu.memory_space<vmem>>, vector<1x1x16xf32>,
      %get3A_165 = vector.shape_cast %get3A_164 : vector<1x1x16xf32> to vector<16xf32>
      %get3A_166 = arith.constant 0 : i32
      %get3A_167 = arith.constant 0 : i32
      %get3A_168 = arith.index_cast %get3A_166 : i32 to index
      %get3A_169 = arith.index_cast %get3A_167 : i32 to index
      %get3A_170 = arith.constant 64 : index
      %get3A_171 = tpu.vector_load %arg10[%get3A_168, %get3A_169, %get3A_170] {strides = array<i32>} : memref<2x16x128xf32, #tpu.memory_space<vmem>>, vector<1x1x16xf32>,
      %get3A_172 = vector.shape_cast %get3A_171 : vector<1x1x16xf32> to vector<16xf32>
      %mul3A_173 = arith.mulf %get3A_165, %get3A_172 : vector<16xf32>
      %add3A_174 = arith.addf %add3A_142, %mul3A_173 : vector<16xf32>
      %get3A_175 = arith.constant 0 : i32
      %get3A_176 = arith.constant 0 : i32
      %get3A_177 = arith.index_cast %get3A_175 : i32 to index
      %get3A_178 = arith.index_cast %get3A_176 : i32 to index
      %get3A_179 = arith.constant 80 : index
      %get3A_180 = tpu.vector_load %arg9[%get3A_177, %get3A_178, %get3A_179] {strides = array<i32>} : memref<2x16x128xf32, #tpu.memory_space<vmem>>, vector<1x1x16xf32>,
      %get3A_181 = vector.shape_cast %get3A_180 : vector<1x1x16xf32> to vector<16xf32>
      %get3A_182 = arith.constant 0 : i32
      %get3A_183 = arith.constant 0 : i32
      %get3A_184 = arith.index_cast %get3A_182 : i32 to index
      %get3A_185 = arith.index_cast %get3A_183 : i32 to index
      %get3A_186 = arith.constant 80 : index
      %get3A_187 = tpu.vector_load %arg10[%get3A_184, %get3A_185, %get3A_186] {strides = array<i32>} : memref<2x16x128xf32, #tpu.memory_space<vmem>>, vector<1x1x16xf32>,
      %get3A_188 = vector.shape_cast %get3A_187 : vector<1x1x16xf32> to vector<16xf32>
      %mul3A_189 = arith.mulf %get3A_181, %get3A_188 : vector<16xf32>
      %add3A_190 = arith.addf %add3A_158, %mul3A_189 : vector<16xf32>
      %get3A_191 = arith.constant 0 : i32
      %get3A_192 = arith.constant 0 : i32
      %get3A_193 = arith.index_cast %get3A_191 : i32 to index
      %get3A_194 = arith.index_cast %get3A_192 : i32 to index
      %get3A_195 = arith.constant 96 : index
      %get3A_196 = tpu.vector_load %arg9[%get3A_193, %get3A_194, %get3A_195] {strides = array<i32>} : memref<2x16x128xf32, #tpu.memory_space<vmem>>, vector<1x1x16xf32>,
      %get3A_197 = vector.shape_cast %get3A_196 : vector<1x1x16xf32> to vector<16xf32>
      %get3A_198 = arith.constant 0 : i32
      %get3A_199 = arith.constant 0 : i32
      %get3A_200 = arith.index_cast %get3A_198 : i32 to index
      %get3A_201 = arith.index_cast %get3A_199 : i32 to index
      %get3A_202 = arith.constant 96 : index
      %get3A_203 = tpu.vector_load %arg10[%get3A_200, %get3A_201, %get3A_202] {strides = array<i32>} : memref<2x16x128xf32, #tpu.memory_space<vmem>>, vector<1x1x16xf32>,
      %get3A_204 = vector.shape_cast %get3A_203 : vector<1x1x16xf32> to vector<16xf32>
      %mul3A_205 = arith.mulf %get3A_197, %get3A_204 : vector<16xf32>
      %add3A_206 = arith.addf %add3A_174, %mul3A_205 : vector<16xf32>
      %get3A_207 = arith.constant 0 : i32
      %get3A_208 = arith.constant 0 : i32
      %get3A_209 = arith.index_cast %get3A_207 : i32 to index
      %get3A_210 = arith.index_cast %get3A_208 : i32 to index
      %get3A_211 = arith.constant 112 : index
      %get3A_212 = tpu.vector_load %arg9[%get3A_209, %get3A_210, %get3A_211] {strides = array<i32>} : memref<2x16x128xf32, #tpu.memory_space<vmem>>, vector<1x1x16xf32>,
      %get3A_213 = vector.shape_cast %get3A_212 : vector<1x1x16xf32> to vector<16xf32>
      %get3A_214 = arith.constant 0 : i32
      %get3A_215 = arith.constant 0 : i32
      %get3A_216 = arith.index_cast %get3A_214 : i32 to index
      %get3A_217 = arith.index_cast %get3A_215 : i32 to index
      %get3A_218 = arith.constant 112 : index
      %get3A_219 = tpu.vector_load %arg10[%get3A_216, %get3A_217, %get3A_218] {strides = array<i32>} : memref<2x16x128xf32, #tpu.memory_space<vmem>>, vector<1x1x16xf32>,
      %get3A_220 = vector.shape_cast %get3A_219 : vector<1x1x16xf32> to vector<16xf32>
      %mul3A_221 = arith.mulf %get3A_213, %get3A_220 : vector<16xf32>
      %add3A_222 = arith.addf %add3A_190, %mul3A_221 : vector<16xf32>
      %add3A_223 = arith.addf %add3A_206, %add3A_222 : vector<16xf32>
      %broadcast_in_dim3A_224 = vector.shape_cast %and3A_8 : vector<16xi32> to vector<16x1xi32>
      %gather3A = vector.shape_cast %broadcast_in_dim3A_224 : vector<16x1xi32> to vector<16xi32>
      %gather3A_225 = tpu.dynamic_gather %add3A_223[%gather3A] in [0] : vector<16xf32>, vector<16xi32> -> vector<16xf32>
      %add3A_226 = arith.addf %add3A_223, %gather3A_225 : vector<16xf32>
      %broadcast_in_dim3A_227 = vector.shape_cast %and3A_14 : vector<16xi32> to vector<16x1xi32>
      %gather3A_228 = vector.shape_cast %broadcast_in_dim3A_227 : vector<16x1xi32> to vector<16xi32>
      %gather3A_229 = tpu.dynamic_gather %add3A_226[%gather3A_228] in [0] : vector<16xf32>, vector<16xi32> -> vector<16xf32>
      %add3A_230 = arith.addf %add3A_226, %gather3A_229 : vector<16xf32>
      %broadcast_in_dim3A_231 = vector.shape_cast %and3A_20 : vector<16xi32> to vector<16x1xi32>
      %gather3A_232 = vector.shape_cast %broadcast_in_dim3A_231 : vector<16x1xi32> to vector<16xi32>
      %gather3A_233 = tpu.dynamic_gather %add3A_230[%gather3A_232] in [0] : vector<16xf32>, vector<16xi32> -> vector<16xf32>
      %add3A_234 = arith.addf %add3A_230, %gather3A_233 : vector<16xf32>
      %broadcast_in_dim3A_235 = vector.shape_cast %and3A_26 : vector<16xi32> to vector<16x1xi32>
      %gather3A_236 = vector.shape_cast %broadcast_in_dim3A_235 : vector<16x1xi32> to vector<16xi32>
      %gather3A_237 = tpu.dynamic_gather %add3A_234[%gather3A_236] in [0] : vector<16xf32>, vector<16xi32> -> vector<16xf32>
      %add3A_238 = arith.addf %add3A_234, %gather3A_237 : vector<16xf32>
      %eq3A = arith.constant 0 : i32
      %eq3A_239 = vector.broadcast %eq3A : i32 to vector<16xi32>
      %eq3A_240 = arith.cmpi eq, %iota3A, %eq3A_239 : vector<16xi32>
      %select_n3A = arith.select %eq3A_240, %add3A_238, %broadcast_in_dim3A_97 : vector<16xi1>, vector<16xf32>
      %get3A_241 = arith.constant 0 : i32
      %get3A_242 = arith.constant 1 : i32
      %get3A_243 = arith.index_cast %get3A_241 : i32 to index
      %get3A_244 = arith.index_cast %get3A_242 : i32 to index
      %get3A_245 = arith.constant 0 : index
      %get3A_246 = tpu.vector_load %arg9[%get3A_243, %get3A_244, %get3A_245] {strides = array<i32>} : memref<2x16x128xf32, #tpu.memory_space<vmem>>, vector<1x1x16xf32>,
      %get3A_247 = vector.shape_cast %get3A_246 : vector<1x1x16xf32> to vector<16xf32>
      %get3A_248 = arith.constant 0 : i32
      %get3A_249 = arith.constant 1 : i32
      %get3A_250 = arith.index_cast %get3A_248 : i32 to index
      %get3A_251 = arith.index_cast %get3A_249 : i32 to index
      %get3A_252 = arith.constant 0 : index
      %get3A_253 = tpu.vector_load %arg10[%get3A_250, %get3A_251, %get3A_252] {strides = array<i32>} : memref<2x16x128xf32, #tpu.memory_space<vmem>>, vector<1x1x16xf32>,
      %get3A_254 = vector.shape_cast %get3A_253 : vector<1x1x16xf32> to vector<16xf32>
      %mul3A_255 = arith.mulf %get3A_247, %get3A_254 : vector<16xf32>
      %get3A_256 = arith.constant 0 : i32
      %get3A_257 = arith.constant 1 : i32
      %get3A_258 = arith.index_cast %get3A_256 : i32 to index
      %get3A_259 = arith.index_cast %get3A_257 : i32 to index
      %get3A_260 = arith.constant 16 : index
      %get3A_261 = tpu.vector_load %arg9[%get3A_258, %get3A_259, %get3A_260] {strides = array<i32>} : memref<2x16x128xf32, #tpu.memory_space<vmem>>, vector<1x1x16xf32>,
      %get3A_262 = vector.shape_cast %get3A_261 : vector<1x1x16xf32> to vector<16xf32>
      %get3A_263 = arith.constant 0 : i32
      %get3A_264 = arith.constant 1 : i32
      %get3A_265 = arith.index_cast %get3A_263 : i32 to index
      %get3A_266 = arith.index_cast %get3A_264 : i32 to index
      %get3A_267 = arith.constant 16 : index
      %get3A_268 = tpu.vector_load %arg10[%get3A_265, %get3A_266, %get3A_267] {strides = array<i32>} : memref<2x16x128xf32, #tpu.memory_space<vmem>>, vector<1x1x16xf32>,
      %get3A_269 = vector.shape_cast %get3A_268 : vector<1x1x16xf32> to vector<16xf32>
      %mul3A_270 = arith.mulf %get3A_262, %get3A_269 : vector<16xf32>
      %get3A_271 = arith.constant 0 : i32
      %get3A_272 = arith.constant 1 : i32
      %get3A_273 = arith.index_cast %get3A_271 : i32 to index
      %get3A_274 = arith.index_cast %get3A_272 : i32 to index
      %get3A_275 = arith.constant 32 : index
      %get3A_276 = tpu.vector_load %arg9[%get3A_273, %get3A_274, %get3A_275] {strides = array<i32>} : memref<2x16x128xf32, #tpu.memory_space<vmem>>, vector<1x1x16xf32>,
      %get3A_277 = vector.shape_cast %get3A_276 : vector<1x1x16xf32> to vector<16xf32>
      %get3A_278 = arith.constant 0 : i32
      %get3A_279 = arith.constant 1 : i32
      %get3A_280 = arith.index_cast %get3A_278 : i32 to index
      %get3A_281 = arith.index_cast %get3A_279 : i32 to index
      %get3A_282 = arith.constant 32 : index
      %get3A_283 = tpu.vector_load %arg10[%get3A_280, %get3A_281, %get3A_282] {strides = array<i32>} : memref<2x16x128xf32, #tpu.memory_space<vmem>>, vector<1x1x16xf32>,
      %get3A_284 = vector.shape_cast %get3A_283 : vector<1x1x16xf32> to vector<16xf32>
      %mul3A_285 = arith.mulf %get3A_277, %get3A_284 : vector<16xf32>
      %add3A_286 = arith.addf %mul3A_255, %mul3A_285 : vector<16xf32>
      %get3A_287 = arith.constant 0 : i32
      %get3A_288 = arith.constant 1 : i32
      %get3A_289 = arith.index_cast %get3A_287 : i32 to index
      %get3A_290 = arith.index_cast %get3A_288 : i32 to index
      %get3A_291 = arith.constant 48 : index
      %get3A_292 = tpu.vector_load %arg9[%get3A_289, %get3A_290, %get3A_291] {strides = array<i32>} : memref<2x16x128xf32, #tpu.memory_space<vmem>>, vector<1x1x16xf32>,
      %get3A_293 = vector.shape_cast %get3A_292 : vector<1x1x16xf32> to vector<16xf32>
      %get3A_294 = arith.constant 0 : i32
      %get3A_295 = arith.constant 1 : i32
      %get3A_296 = arith.index_cast %get3A_294 : i32 to index
      %get3A_297 = arith.index_cast %get3A_295 : i32 to index
      %get3A_298 = arith.constant 48 : index
      %get3A_299 = tpu.vector_load %arg10[%get3A_296, %get3A_297, %get3A_298] {strides = array<i32>} : memref<2x16x128xf32, #tpu.memory_space<vmem>>, vector<1x1x16xf32>,
      %get3A_300 = vector.shape_cast %get3A_299 : vector<1x1x16xf32> to vector<16xf32>
      %mul3A_301 = arith.mulf %get3A_293, %get3A_300 : vector<16xf32>
      %add3A_302 = arith.addf %mul3A_270, %mul3A_301 : vector<16xf32>
      %get3A_303 = arith.constant 0 : i32
      %get3A_304 = arith.constant 1 : i32
      %get3A_305 = arith.index_cast %get3A_303 : i32 to index
      %get3A_306 = arith.index_cast %get3A_304 : i32 to index
      %get3A_307 = arith.constant 64 : index
      %get3A_308 = tpu.vector_load %arg9[%get3A_305, %get3A_306, %get3A_307] {strides = array<i32>} : memref<2x16x128xf32, #tpu.memory_space<vmem>>, vector<1x1x16xf32>,
      %get3A_309 = vector.shape_cast %get3A_308 : vector<1x1x16xf32> to vector<16xf32>
      %get3A_310 = arith.constant 0 : i32
      %get3A_311 = arith.constant 1 : i32
      %get3A_312 = arith.index_cast %get3A_310 : i32 to index
      %get3A_313 = arith.index_cast %get3A_311 : i32 to index
      %get3A_314 = arith.constant 64 : index
      %get3A_315 = tpu.vector_load %arg10[%get3A_312, %get3A_313, %get3A_314] {strides = array<i32>} : memref<2x16x128xf32, #tpu.memory_space<vmem>>, vector<1x1x16xf32>,
      %get3A_316 = vector.shape_cast %get3A_315 : vector<1x1x16xf32> to vector<16xf32>
      %mul3A_317 = arith.mulf %get3A_309, %get3A_316 : vector<16xf32>
      %add3A_318 = arith.addf %add3A_286, %mul3A_317 : vector<16xf32>
      %get3A_319 = arith.constant 0 : i32
      %get3A_320 = arith.constant 1 : i32
      %get3A_321 = arith.index_cast %get3A_319 : i32 to index
      %get3A_322 = arith.index_cast %get3A_320 : i32 to index
      %get3A_323 = arith.constant 80 : index
      %get3A_324 = tpu.vector_load %arg9[%get3A_321, %get3A_322, %get3A_323] {strides = array<i32>} : memref<2x16x128xf32, #tpu.memory_space<vmem>>, vector<1x1x16xf32>,
      %get3A_325 = vector.shape_cast %get3A_324 : vector<1x1x16xf32> to vector<16xf32>
      %get3A_326 = arith.constant 0 : i32
      %get3A_327 = arith.constant 1 : i32
      %get3A_328 = arith.index_cast %get3A_326 : i32 to index
      %get3A_329 = arith.index_cast %get3A_327 : i32 to index
      %get3A_330 = arith.constant 80 : index
      %get3A_331 = tpu.vector_load %arg10[%get3A_328, %get3A_329, %get3A_330] {strides = array<i32>} : memref<2x16x128xf32, #tpu.memory_space<vmem>>, vector<1x1x16xf32>,
      %get3A_332 = vector.shape_cast %get3A_331 : vector<1x1x16xf32> to vector<16xf32>
      %mul3A_333 = arith.mulf %get3A_325, %get3A_332 : vector<16xf32>
      %add3A_334 = arith.addf %add3A_302, %mul3A_333 : vector<16xf32>
      %get3A_335 = arith.constant 0 : i32
      %get3A_336 = arith.constant 1 : i32
      %get3A_337 = arith.index_cast %get3A_335 : i32 to index
      %get3A_338 = arith.index_cast %get3A_336 : i32 to index
      %get3A_339 = arith.constant 96 : index
      %get3A_340 = tpu.vector_load %arg9[%get3A_337, %get3A_338, %get3A_339] {strides = array<i32>} : memref<2x16x128xf32, #tpu.memory_space<vmem>>, vector<1x1x16xf32>,
      %get3A_341 = vector.shape_cast %get3A_340 : vector<1x1x16xf32> to vector<16xf32>
      %get3A_342 = arith.constant 0 : i32
      %get3A_343 = arith.constant 1 : i32
      %get3A_344 = arith.index_cast %get3A_342 : i32 to index
      %get3A_345 = arith.index_cast %get3A_343 : i32 to index
      %get3A_346 = arith.constant 96 : index
      %get3A_347 = tpu.vector_load %arg10[%get3A_344, %get3A_345, %get3A_346] {strides = array<i32>} : memref<2x16x128xf32, #tpu.memory_space<vmem>>, vector<1x1x16xf32>,
      %get3A_348 = vector.shape_cast %get3A_347 : vector<1x1x16xf32> to vector<16xf32>
      %mul3A_349 = arith.mulf %get3A_341, %get3A_348 : vector<16xf32>
      %add3A_350 = arith.addf %add3A_318, %mul3A_349 : vector<16xf32>
      %get3A_351 = arith.constant 0 : i32
      %get3A_352 = arith.constant 1 : i32
      %get3A_353 = arith.index_cast %get3A_351 : i32 to index
      %get3A_354 = arith.index_cast %get3A_352 : i32 to index
      %get3A_355 = arith.constant 112 : index
      %get3A_356 = tpu.vector_load %arg9[%get3A_353, %get3A_354, %get3A_355] {strides = array<i32>} : memref<2x16x128xf32, #tpu.memory_space<vmem>>, vector<1x1x16xf32>,
      %get3A_357 = vector.shape_cast %get3A_356 : vector<1x1x16xf32> to vector<16xf32>
      %get3A_358 = arith.constant 0 : i32
      %get3A_359 = arith.constant 1 : i32
      %get3A_360 = arith.index_cast %get3A_358 : i32 to index
      %get3A_361 = arith.index_cast %get3A_359 : i32 to index
      %get3A_362 = arith.constant 112 : index
      %get3A_363 = tpu.vector_load %arg10[%get3A_360, %get3A_361, %get3A_362] {strides = array<i32>} : memref<2x16x128xf32, #tpu.memory_space<vmem>>, vector<1x1x16xf32>,
      %get3A_364 = vector.shape_cast %get3A_363 : vector<1x1x16xf32> to vector<16xf32>
      %mul3A_365 = arith.mulf %get3A_357, %get3A_364 : vector<16xf32>
      %add3A_366 = arith.addf %add3A_334, %mul3A_365 : vector<16xf32>
      %add3A_367 = arith.addf %add3A_350, %add3A_366 : vector<16xf32>
      %broadcast_in_dim3A_368 = vector.shape_cast %and3A_8 : vector<16xi32> to vector<16x1xi32>
      %gather3A_369 = vector.shape_cast %broadcast_in_dim3A_368 : vector<16x1xi32> to vector<16xi32>
      %gather3A_370 = tpu.dynamic_gather %add3A_367[%gather3A_369] in [0] : vector<16xf32>, vector<16xi32> -> vector<16xf32>
      %add3A_371 = arith.addf %add3A_367, %gather3A_370 : vector<16xf32>
      %broadcast_in_dim3A_372 = vector.shape_cast %and3A_14 : vector<16xi32> to vector<16x1xi32>
      %gather3A_373 = vector.shape_cast %broadcast_in_dim3A_372 : vector<16x1xi32> to vector<16xi32>
      %gather3A_374 = tpu.dynamic_gather %add3A_371[%gather3A_373] in [0] : vector<16xf32>, vector<16xi32> -> vector<16xf32>
      %add3A_375 = arith.addf %add3A_371, %gather3A_374 : vector<16xf32>
      %broadcast_in_dim3A_376 = vector.shape_cast %and3A_20 : vector<16xi32> to vector<16x1xi32>
      %gather3A_377 = vector.shape_cast %broadcast_in_dim3A_376 : vector<16x1xi32> to vector<16xi32>
      %gather3A_378 = tpu.dynamic_gather %add3A_375[%gather3A_377] in [0] : vector<16xf32>, vector<16xi32> -> vector<16xf32>
      %add3A_379 = arith.addf %add3A_375, %gather3A_378 : vector<16xf32>
      %broadcast_in_dim3A_380 = vector.shape_cast %and3A_26 : vector<16xi32> to vector<16x1xi32>
      %gather3A_381 = vector.shape_cast %broadcast_in_dim3A_380 : vector<16x1xi32> to vector<16xi32>
      %gather3A_382 = tpu.dynamic_gather %add3A_379[%gather3A_381] in [0] : vector<16xf32>, vector<16xi32> -> vector<16xf32>
      %add3A_383 = arith.addf %add3A_379, %gather3A_382 : vector<16xf32>
      %eq3A_384 = arith.constant 1 : i32
      %eq3A_385 = vector.broadcast %eq3A_384 : i32 to vector<16xi32>
      %eq3A_386 = arith.cmpi eq, %iota3A, %eq3A_385 : vector<16xi32>
      %select_n3A_387 = arith.select %eq3A_386, %add3A_383, %select_n3A : vector<16xi1>, vector<16xf32>
      %get3A_388 = arith.constant 0 : i32
      %get3A_389 = arith.constant 2 : i32
      %get3A_390 = arith.index_cast %get3A_388 : i32 to index
      %get3A_391 = arith.index_cast %get3A_389 : i32 to index
      %get3A_392 = arith.constant 0 : index
      %get3A_393 = tpu.vector_load %arg9[%get3A_390, %get3A_391, %get3A_392] {strides = array<i32>} : memref<2x16x128xf32, #tpu.memory_space<vmem>>, vector<1x1x16xf32>,
      %get3A_394 = vector.shape_cast %get3A_393 : vector<1x1x16xf32> to vector<16xf32>
      %get3A_395 = arith.constant 0 : i32
      %get3A_396 = arith.constant 2 : i32
      %get3A_397 = arith.index_cast %get3A_395 : i32 to index
      %get3A_398 = arith.index_cast %get3A_396 : i32 to index
      %get3A_399 = arith.constant 0 : index
      %get3A_400 = tpu.vector_load %arg10[%get3A_397, %get3A_398, %get3A_399] {strides = array<i32>} : memref<2x16x128xf32, #tpu.memory_space<vmem>>, vector<1x1x16xf32>,
      %get3A_401 = vector.shape_cast %get3A_400 : vector<1x1x16xf32> to vector<16xf32>
      %mul3A_402 = arith.mulf %get3A_394, %get3A_401 : vector<16xf32>
      %get3A_403 = arith.constant 0 : i32
      %get3A_404 = arith.constant 2 : i32
      %get3A_405 = arith.index_cast %get3A_403 : i32 to index
      %get3A_406 = arith.index_cast %get3A_404 : i32 to index
      %get3A_407 = arith.constant 16 : index
      %get3A_408 = tpu.vector_load %arg9[%get3A_405, %get3A_406, %get3A_407] {strides = array<i32>} : memref<2x16x128xf32, #tpu.memory_space<vmem>>, vector<1x1x16xf32>,
      %get3A_409 = vector.shape_cast %get3A_408 : vector<1x1x16xf32> to vector<16xf32>
      %get3A_410 = arith.constant 0 : i32
      %get3A_411 = arith.constant 2 : i32
      %get3A_412 = arith.index_cast %get3A_410 : i32 to index
      %get3A_413 = arith.index_cast %get3A_411 : i32 to index
      %get3A_414 = arith.constant 16 : index
      %get3A_415 = tpu.vector_load %arg10[%get3A_412, %get3A_413, %get3A_414] {strides = array<i32>} : memref<2x16x128xf32, #tpu.memory_space<vmem>>, vector<1x1x16xf32>,
      %get3A_416 = vector.shape_cast %get3A_415 : vector<1x1x16xf32> to vector<16xf32>
      %mul3A_417 = arith.mulf %get3A_409, %get3A_416 : vector<16xf32>
      %get3A_418 = arith.constant 0 : i32
      %get3A_419 = arith.constant 2 : i32
      %get3A_420 = arith.index_cast %get3A_418 : i32 to index
      %get3A_421 = arith.index_cast %get3A_419 : i32 to index
      %get3A_422 = arith.constant 32 : index
      %get3A_423 = tpu.vector_load %arg9[%get3A_420, %get3A_421, %get3A_422] {strides = array<i32>} : memref<2x16x128xf32, #tpu.memory_space<vmem>>, vector<1x1x16xf32>,
      %get3A_424 = vector.shape_cast %get3A_423 : vector<1x1x16xf32> to vector<16xf32>
      %get3A_425 = arith.constant 0 : i32
      %get3A_426 = arith.constant 2 : i32
      %get3A_427 = arith.index_cast %get3A_425 : i32 to index
      %get3A_428 = arith.index_cast %get3A_426 : i32 to index
      %get3A_429 = arith.constant 32 : index
      %get3A_430 = tpu.vector_load %arg10[%get3A_427, %get3A_428, %get3A_429] {strides = array<i32>} : memref<2x16x128xf32, #tpu.memory_space<vmem>>, vector<1x1x16xf32>,
      %get3A_431 = vector.shape_cast %get3A_430 : vector<1x1x16xf32> to vector<16xf32>
      %mul3A_432 = arith.mulf %get3A_424, %get3A_431 : vector<16xf32>
      %add3A_433 = arith.addf %mul3A_402, %mul3A_432 : vector<16xf32>
      %get3A_434 = arith.constant 0 : i32
      %get3A_435 = arith.constant 2 : i32
      %get3A_436 = arith.index_cast %get3A_434 : i32 to index
      %get3A_437 = arith.index_cast %get3A_435 : i32 to index
      %get3A_438 = arith.constant 48 : index
      %get3A_439 = tpu.vector_load %arg9[%get3A_436, %get3A_437, %get3A_438] {strides = array<i32>} : memref<2x16x128xf32, #tpu.memory_space<vmem>>, vector<1x1x16xf32>,
      %get3A_440 = vector.shape_cast %get3A_439 : vector<1x1x16xf32> to vector<16xf32>
      %get3A_441 = arith.constant 0 : i32
      %get3A_442 = arith.constant 2 : i32
      %get3A_443 = arith.index_cast %get3A_441 : i32 to index
      %get3A_444 = arith.index_cast %get3A_442 : i32 to index
      %get3A_445 = arith.constant 48 : index
      %get3A_446 = tpu.vector_load %arg10[%get3A_443, %get3A_444, %get3A_445] {strides = array<i32>} : memref<2x16x128xf32, #tpu.memory_space<vmem>>, vector<1x1x16xf32>,
      %get3A_447 = vector.shape_cast %get3A_446 : vector<1x1x16xf32> to vector<16xf32>
      %mul3A_448 = arith.mulf %get3A_440, %get3A_447 : vector<16xf32>
      %add3A_449 = arith.addf %mul3A_417, %mul3A_448 : vector<16xf32>
      %get3A_450 = arith.constant 0 : i32
      %get3A_451 = arith.constant 2 : i32
      %get3A_452 = arith.index_cast %get3A_450 : i32 to index
      %get3A_453 = arith.index_cast %get3A_451 : i32 to index
      %get3A_454 = arith.constant 64 : index
      %get3A_455 = tpu.vector_load %arg9[%get3A_452, %get3A_453, %get3A_454] {strides = array<i32>} : memref<2x16x128xf32, #tpu.memory_space<vmem>>, vector<1x1x16xf32>,
      %get3A_456 = vector.shape_cast %get3A_455 : vector<1x1x16xf32> to vector<16xf32>
      %get3A_457 = arith.constant 0 : i32
      %get3A_458 = arith.constant 2 : i32
      %get3A_459 = arith.index_cast %get3A_457 : i32 to index
      %get3A_460 = arith.index_cast %get3A_458 : i32 to index
      %get3A_461 = arith.constant 64 : index
      %get3A_462 = tpu.vector_load %arg10[%get3A_459, %get3A_460, %get3A_461] {strides = array<i32>} : memref<2x16x128xf32, #tpu.memory_space<vmem>>, vector<1x1x16xf32>,
      %get3A_463 = vector.shape_cast %get3A_462 : vector<1x1x16xf32> to vector<16xf32>
      %mul3A_464 = arith.mulf %get3A_456, %get3A_463 : vector<16xf32>
      %add3A_465 = arith.addf %add3A_433, %mul3A_464 : vector<16xf32>
      %get3A_466 = arith.constant 0 : i32
      %get3A_467 = arith.constant 2 : i32
      %get3A_468 = arith.index_cast %get3A_466 : i32 to index
      %get3A_469 = arith.index_cast %get3A_467 : i32 to index
      %get3A_470 = arith.constant 80 : index
      %get3A_471 = tpu.vector_load %arg9[%get3A_468, %get3A_469, %get3A_470] {strides = array<i32>} : memref<2x16x128xf32, #tpu.memory_space<vmem>>, vector<1x1x16xf32>,
      %get3A_472 = vector.shape_cast %get3A_471 : vector<1x1x16xf32> to vector<16xf32>
      %get3A_473 = arith.constant 0 : i32
      %get3A_474 = arith.constant 2 : i32
      %get3A_475 = arith.index_cast %get3A_473 : i32 to index
      %get3A_476 = arith.index_cast %get3A_474 : i32 to index
      %get3A_477 = arith.constant 80 : index
      %get3A_478 = tpu.vector_load %arg10[%get3A_475, %get3A_476, %get3A_477] {strides = array<i32>} : memref<2x16x128xf32, #tpu.memory_space<vmem>>, vector<1x1x16xf32>,
      %get3A_479 = vector.shape_cast %get3A_478 : vector<1x1x16xf32> to vector<16xf32>
      %mul3A_480 = arith.mulf %get3A_472, %get3A_479 : vector<16xf32>
      %add3A_481 = arith.addf %add3A_449, %mul3A_480 : vector<16xf32>
      %get3A_482 = arith.constant 0 : i32
      %get3A_483 = arith.constant 2 : i32
      %get3A_484 = arith.index_cast %get3A_482 : i32 to index
      %get3A_485 = arith.index_cast %get3A_483 : i32 to index
      %get3A_486 = arith.constant 96 : index
      %get3A_487 = tpu.vector_load %arg9[%get3A_484, %get3A_485, %get3A_486] {strides = array<i32>} : memref<2x16x128xf32, #tpu.memory_space<vmem>>, vector<1x1x16xf32>,
      %get3A_488 = vector.shape_cast %get3A_487 : vector<1x1x16xf32> to vector<16xf32>
      %get3A_489 = arith.constant 0 : i32
      %get3A_490 = arith.constant 2 : i32
      %get3A_491 = arith.index_cast %get3A_489 : i32 to index
      %get3A_492 = arith.index_cast %get3A_490 : i32 to index
      %get3A_493 = arith.constant 96 : index
      %get3A_494 = tpu.vector_load %arg10[%get3A_491, %get3A_492, %get3A_493] {strides = array<i32>} : memref<2x16x128xf32, #tpu.memory_space<vmem>>, vector<1x1x16xf32>,
      %get3A_495 = vector.shape_cast %get3A_494 : vector<1x1x16xf32> to vector<16xf32>
      %mul3A_496 = arith.mulf %get3A_488, %get3A_495 : vector<16xf32>
      %add3A_497 = arith.addf %add3A_465, %mul3A_496 : vector<16xf32>
      %get3A_498 = arith.constant 0 : i32
      %get3A_499 = arith.constant 2 : i32
      %get3A_500 = arith.index_cast %get3A_498 : i32 to index
      %get3A_501 = arith.index_cast %get3A_499 : i32 to index
      %get3A_502 = arith.constant 112 : index
      %get3A_503 = tpu.vector_load %arg9[%get3A_500, %get3A_501, %get3A_502] {strides = array<i32>} : memref<2x16x128xf32, #tpu.memory_space<vmem>>, vector<1x1x16xf32>,
      %get3A_504 = vector.shape_cast %get3A_503 : vector<1x1x16xf32> to vector<16xf32>
      %get3A_505 = arith.constant 0 : i32
      %get3A_506 = arith.constant 2 : i32
      %get3A_507 = arith.index_cast %get3A_505 : i32 to index
      %get3A_508 = arith.index_cast %get3A_506 : i32 to index
      %get3A_509 = arith.constant 112 : index
      %get3A_510 = tpu.vector_load %arg10[%get3A_507, %get3A_508, %get3A_509] {strides = array<i32>} : memref<2x16x128xf32, #tpu.memory_space<vmem>>, vector<1x1x16xf32>,
      %get3A_511 = vector.shape_cast %get3A_510 : vector<1x1x16xf32> to vector<16xf32>
      %mul3A_512 = arith.mulf %get3A_504, %get3A_511 : vector<16xf32>
      %add3A_513 = arith.addf %add3A_481, %mul3A_512 : vector<16xf32>
      %add3A_514 = arith.addf %add3A_497, %add3A_513 : vector<16xf32>
      %broadcast_in_dim3A_515 = vector.shape_cast %and3A_8 : vector<16xi32> to vector<16x1xi32>
      %gather3A_516 = vector.shape_cast %broadcast_in_dim3A_515 : vector<16x1xi32> to vector<16xi32>
      %gather3A_517 = tpu.dynamic_gather %add3A_514[%gather3A_516] in [0] : vector<16xf32>, vector<16xi32> -> vector<16xf32>
      %add3A_518 = arith.addf %add3A_514, %gather3A_517 : vector<16xf32>
      %broadcast_in_dim3A_519 = vector.shape_cast %and3A_14 : vector<16xi32> to vector<16x1xi32>
      %gather3A_520 = vector.shape_cast %broadcast_in_dim3A_519 : vector<16x1xi32> to vector<16xi32>
      %gather3A_521 = tpu.dynamic_gather %add3A_518[%gather3A_520] in [0] : vector<16xf32>, vector<16xi32> -> vector<16xf32>
      %add3A_522 = arith.addf %add3A_518, %gather3A_521 : vector<16xf32>
      %broadcast_in_dim3A_523 = vector.shape_cast %and3A_20 : vector<16xi32> to vector<16x1xi32>
      %gather3A_524 = vector.shape_cast %broadcast_in_dim3A_523 : vector<16x1xi32> to vector<16xi32>
      %gather3A_525 = tpu.dynamic_gather %add3A_522[%gather3A_524] in [0] : vector<16xf32>, vector<16xi32> -> vector<16xf32>
      %add3A_526 = arith.addf %add3A_522, %gather3A_525 : vector<16xf32>
      %broadcast_in_dim3A_527 = vector.shape_cast %and3A_26 : vector<16xi32> to vector<16x1xi32>
      %gather3A_528 = vector.shape_cast %broadcast_in_dim3A_527 : vector<16x1xi32> to vector<16xi32>
      %gather3A_529 = tpu.dynamic_gather %add3A_526[%gather3A_528] in [0] : vector<16xf32>, vector<16xi32> -> vector<16xf32>
      %add3A_530 = arith.addf %add3A_526, %gather3A_529 : vector<16xf32>
      %eq3A_531 = arith.constant 2 : i32
      %eq3A_532 = vector.broadcast %eq3A_531 : i32 to vector<16xi32>
      %eq3A_533 = arith.cmpi eq, %iota3A, %eq3A_532 : vector<16xi32>
      %select_n3A_534 = arith.select %eq3A_533, %add3A_530, %select_n3A_387 : vector<16xi1>, vector<16xf32>
      %get3A_535 = arith.constant 0 : i32
      %get3A_536 = arith.constant 3 : i32
      %get3A_537 = arith.index_cast %get3A_535 : i32 to index
      %get3A_538 = arith.index_cast %get3A_536 : i32 to index
      %get3A_539 = arith.constant 0 : index
      %get3A_540 = tpu.vector_load %arg9[%get3A_537, %get3A_538, %get3A_539] {strides = array<i32>} : memref<2x16x128xf32, #tpu.memory_space<vmem>>, vector<1x1x16xf32>,
      %get3A_541 = vector.shape_cast %get3A_540 : vector<1x1x16xf32> to vector<16xf32>
      %get3A_542 = arith.constant 0 : i32
      %get3A_543 = arith.constant 3 : i32
      %get3A_544 = arith.index_cast %get3A_542 : i32 to index
      %get3A_545 = arith.index_cast %get3A_543 : i32 to index
      %get3A_546 = arith.constant 0 : index
      %get3A_547 = tpu.vector_load %arg10[%get3A_544, %get3A_545, %get3A_546] {strides = array<i32>} : memref<2x16x128xf32, #tpu.memory_space<vmem>>, vector<1x1x16xf32>,
      %get3A_548 = vector.shape_cast %get3A_547 : vector<1x1x16xf32> to vector<16xf32>
      %mul3A_549 = arith.mulf %get3A_541, %get3A_548 : vector<16xf32>
      %get3A_550 = arith.constant 0 : i32
      %get3A_551 = arith.constant 3 : i32
      %get3A_552 = arith.index_cast %get3A_550 : i32 to index
      %get3A_553 = arith.index_cast %get3A_551 : i32 to index
      %get3A_554 = arith.constant 16 : index
      %get3A_555 = tpu.vector_load %arg9[%get3A_552, %get3A_553, %get3A_554] {strides = array<i32>} : memref<2x16x128xf32, #tpu.memory_space<vmem>>, vector<1x1x16xf32>,
      %get3A_556 = vector.shape_cast %get3A_555 : vector<1x1x16xf32> to vector<16xf32>
      %get3A_557 = arith.constant 0 : i32
      %get3A_558 = arith.constant 3 : i32
      %get3A_559 = arith.index_cast %get3A_557 : i32 to index
      %get3A_560 = arith.index_cast %get3A_558 : i32 to index
      %get3A_561 = arith.constant 16 : index
      %get3A_562 = tpu.vector_load %arg10[%get3A_559, %get3A_560, %get3A_561] {strides = array<i32>} : memref<2x16x128xf32, #tpu.memory_space<vmem>>, vector<1x1x16xf32>,
      %get3A_563 = vector.shape_cast %get3A_562 : vector<1x1x16xf32> to vector<16xf32>
      %mul3A_564 = arith.mulf %get3A_556, %get3A_563 : vector<16xf32>
      %get3A_565 = arith.constant 0 : i32
      %get3A_566 = arith.constant 3 : i32
      %get3A_567 = arith.index_cast %get3A_565 : i32 to index
      %get3A_568 = arith.index_cast %get3A_566 : i32 to index
      %get3A_569 = arith.constant 32 : index
      %get3A_570 = tpu.vector_load %arg9[%get3A_567, %get3A_568, %get3A_569] {strides = array<i32>} : memref<2x16x128xf32, #tpu.memory_space<vmem>>, vector<1x1x16xf32>,
      %get3A_571 = vector.shape_cast %get3A_570 : vector<1x1x16xf32> to vector<16xf32>
      %get3A_572 = arith.constant 0 : i32
      %get3A_573 = arith.constant 3 : i32
      %get3A_574 = arith.index_cast %get3A_572 : i32 to index
      %get3A_575 = arith.index_cast %get3A_573 : i32 to index
      %get3A_576 = arith.constant 32 : index
      %get3A_577 = tpu.vector_load %arg10[%get3A_574, %get3A_575, %get3A_576] {strides = array<i32>} : memref<2x16x128xf32, #tpu.memory_space<vmem>>, vector<1x1x16xf32>,
      %get3A_578 = vector.shape_cast %get3A_577 : vector<1x1x16xf32> to vector<16xf32>
      %mul3A_579 = arith.mulf %get3A_571, %get3A_578 : vector<16xf32>
      %add3A_580 = arith.addf %mul3A_549, %mul3A_579 : vector<16xf32>
      %get3A_581 = arith.constant 0 : i32
      %get3A_582 = arith.constant 3 : i32
      %get3A_583 = arith.index_cast %get3A_581 : i32 to index
      %get3A_584 = arith.index_cast %get3A_582 : i32 to index
      %get3A_585 = arith.constant 48 : index
      %get3A_586 = tpu.vector_load %arg9[%get3A_583, %get3A_584, %get3A_585] {strides = array<i32>} : memref<2x16x128xf32, #tpu.memory_space<vmem>>, vector<1x1x16xf32>,
      %get3A_587 = vector.shape_cast %get3A_586 : vector<1x1x16xf32> to vector<16xf32>
      %get3A_588 = arith.constant 0 : i32
      %get3A_589 = arith.constant 3 : i32
      %get3A_590 = arith.index_cast %get3A_588 : i32 to index
      %get3A_591 = arith.index_cast %get3A_589 : i32 to index
      %get3A_592 = arith.constant 48 : index
      %get3A_593 = tpu.vector_load %arg10[%get3A_590, %get3A_591, %get3A_592] {strides = array<i32>} : memref<2x16x128xf32, #tpu.memory_space<vmem>>, vector<1x1x16xf32>,
      %get3A_594 = vector.shape_cast %get3A_593 : vector<1x1x16xf32> to vector<16xf32>
      %mul3A_595 = arith.mulf %get3A_587, %get3A_594 : vector<16xf32>
      %add3A_596 = arith.addf %mul3A_564, %mul3A_595 : vector<16xf32>
      %get3A_597 = arith.constant 0 : i32
      %get3A_598 = arith.constant 3 : i32
      %get3A_599 = arith.index_cast %get3A_597 : i32 to index
      %get3A_600 = arith.index_cast %get3A_598 : i32 to index
      %get3A_601 = arith.constant 64 : index
      %get3A_602 = tpu.vector_load %arg9[%get3A_599, %get3A_600, %get3A_601] {strides = array<i32>} : memref<2x16x128xf32, #tpu.memory_space<vmem>>, vector<1x1x16xf32>,
      %get3A_603 = vector.shape_cast %get3A_602 : vector<1x1x16xf32> to vector<16xf32>
      %get3A_604 = arith.constant 0 : i32
      %get3A_605 = arith.constant 3 : i32
      %get3A_606 = arith.index_cast %get3A_604 : i32 to index
      %get3A_607 = arith.index_cast %get3A_605 : i32 to index
      %get3A_608 = arith.constant 64 : index
      %get3A_609 = tpu.vector_load %arg10[%get3A_606, %get3A_607, %get3A_608] {strides = array<i32>} : memref<2x16x128xf32, #tpu.memory_space<vmem>>, vector<1x1x16xf32>,
      %get3A_610 = vector.shape_cast %get3A_609 : vector<1x1x16xf32> to vector<16xf32>
      %mul3A_611 = arith.mulf %get3A_603, %get3A_610 : vector<16xf32>
      %add3A_612 = arith.addf %add3A_580, %mul3A_611 : vector<16xf32>
      %get3A_613 = arith.constant 0 : i32
      %get3A_614 = arith.constant 3 : i32
      %get3A_615 = arith.index_cast %get3A_613 : i32 to index
      %get3A_616 = arith.index_cast %get3A_614 : i32 to index
      %get3A_617 = arith.constant 80 : index
      %get3A_618 = tpu.vector_load %arg9[%get3A_615, %get3A_616, %get3A_617] {strides = array<i32>} : memref<2x16x128xf32, #tpu.memory_space<vmem>>, vector<1x1x16xf32>,
      %get3A_619 = vector.shape_cast %get3A_618 : vector<1x1x16xf32> to vector<16xf32>
      %get3A_620 = arith.constant 0 : i32
      %get3A_621 = arith.constant 3 : i32
      %get3A_622 = arith.index_cast %get3A_620 : i32 to index
      %get3A_623 = arith.index_cast %get3A_621 : i32 to index
      %get3A_624 = arith.constant 80 : index
      %get3A_625 = tpu.vector_load %arg10[%get3A_622, %get3A_623, %get3A_624] {strides = array<i32>} : memref<2x16x128xf32, #tpu.memory_space<vmem>>, vector<1x1x16xf32>,
      %get3A_626 = vector.shape_cast %get3A_625 : vector<1x1x16xf32> to vector<16xf32>
      %mul3A_627 = arith.mulf %get3A_619, %get3A_626 : vector<16xf32>
      %add3A_628 = arith.addf %add3A_596, %mul3A_627 : vector<16xf32>
      %get3A_629 = arith.constant 0 : i32
      %get3A_630 = arith.constant 3 : i32
      %get3A_631 = arith.index_cast %get3A_629 : i32 to index
      %get3A_632 = arith.index_cast %get3A_630 : i32 to index
      %get3A_633 = arith.constant 96 : index
      %get3A_634 = tpu.vector_load %arg9[%get3A_631, %get3A_632, %get3A_633] {strides = array<i32>} : memref<2x16x128xf32, #tpu.memory_space<vmem>>, vector<1x1x16xf32>,
      %get3A_635 = vector.shape_cast %get3A_634 : vector<1x1x16xf32> to vector<16xf32>
      %get3A_636 = arith.constant 0 : i32
      %get3A_637 = arith.constant 3 : i32
      %get3A_638 = arith.index_cast %get3A_636 : i32 to index
      %get3A_639 = arith.index_cast %get3A_637 : i32 to index
      %get3A_640 = arith.constant 96 : index
      %get3A_641 = tpu.vector_load %arg10[%get3A_638, %get3A_639, %get3A_640] {strides = array<i32>} : memref<2x16x128xf32, #tpu.memory_space<vmem>>, vector<1x1x16xf32>,
      %get3A_642 = vector.shape_cast %get3A_641 : vector<1x1x16xf32> to vector<16xf32>
      %mul3A_643 = arith.mulf %get3A_635, %get3A_642 : vector<16xf32>
      %add3A_644 = arith.addf %add3A_612, %mul3A_643 : vector<16xf32>
      %get3A_645 = arith.constant 0 : i32
      %get3A_646 = arith.constant 3 : i32
      %get3A_647 = arith.index_cast %get3A_645 : i32 to index
      %get3A_648 = arith.index_cast %get3A_646 : i32 to index
      %get3A_649 = arith.constant 112 : index
      %get3A_650 = tpu.vector_load %arg9[%get3A_647, %get3A_648, %get3A_649] {strides = array<i32>} : memref<2x16x128xf32, #tpu.memory_space<vmem>>, vector<1x1x16xf32>,
      %get3A_651 = vector.shape_cast %get3A_650 : vector<1x1x16xf32> to vector<16xf32>
      %get3A_652 = arith.constant 0 : i32
      %get3A_653 = arith.constant 3 : i32
      %get3A_654 = arith.index_cast %get3A_652 : i32 to index
      %get3A_655 = arith.index_cast %get3A_653 : i32 to index
      %get3A_656 = arith.constant 112 : index
      %get3A_657 = tpu.vector_load %arg10[%get3A_654, %get3A_655, %get3A_656] {strides = array<i32>} : memref<2x16x128xf32, #tpu.memory_space<vmem>>, vector<1x1x16xf32>,
      %get3A_658 = vector.shape_cast %get3A_657 : vector<1x1x16xf32> to vector<16xf32>
      %mul3A_659 = arith.mulf %get3A_651, %get3A_658 : vector<16xf32>
      %add3A_660 = arith.addf %add3A_628, %mul3A_659 : vector<16xf32>
      %add3A_661 = arith.addf %add3A_644, %add3A_660 : vector<16xf32>
      %broadcast_in_dim3A_662 = vector.shape_cast %and3A_8 : vector<16xi32> to vector<16x1xi32>
      %gather3A_663 = vector.shape_cast %broadcast_in_dim3A_662 : vector<16x1xi32> to vector<16xi32>
      %gather3A_664 = tpu.dynamic_gather %add3A_661[%gather3A_663] in [0] : vector<16xf32>, vector<16xi32> -> vector<16xf32>
      %add3A_665 = arith.addf %add3A_661, %gather3A_664 : vector<16xf32>
      %broadcast_in_dim3A_666 = vector.shape_cast %and3A_14 : vector<16xi32> to vector<16x1xi32>
      %gather3A_667 = vector.shape_cast %broadcast_in_dim3A_666 : vector<16x1xi32> to vector<16xi32>
      %gather3A_668 = tpu.dynamic_gather %add3A_665[%gather3A_667] in [0] : vector<16xf32>, vector<16xi32> -> vector<16xf32>
      %add3A_669 = arith.addf %add3A_665, %gather3A_668 : vector<16xf32>
      %broadcast_in_dim3A_670 = vector.shape_cast %and3A_20 : vector<16xi32> to vector<16x1xi32>
      %gather3A_671 = vector.shape_cast %broadcast_in_dim3A_670 : vector<16x1xi32> to vector<16xi32>
      %gather3A_672 = tpu.dynamic_gather %add3A_669[%gather3A_671] in [0] : vector<16xf32>, vector<16xi32> -> vector<16xf32>
      %add3A_673 = arith.addf %add3A_669, %gather3A_672 : vector<16xf32>
      %broadcast_in_dim3A_674 = vector.shape_cast %and3A_26 : vector<16xi32> to vector<16x1xi32>
      %gather3A_675 = vector.shape_cast %broadcast_in_dim3A_674 : vector<16x1xi32> to vector<16xi32>
      %gather3A_676 = tpu.dynamic_gather %add3A_673[%gather3A_675] in [0] : vector<16xf32>, vector<16xi32> -> vector<16xf32>
      %add3A_677 = arith.addf %add3A_673, %gather3A_676 : vector<16xf32>
      %eq3A_678 = arith.constant 3 : i32
      %eq3A_679 = vector.broadcast %eq3A_678 : i32 to vector<16xi32>
      %eq3A_680 = arith.cmpi eq, %iota3A, %eq3A_679 : vector<16xi32>
      %select_n3A_681 = arith.select %eq3A_680, %add3A_677, %select_n3A_534 : vector<16xi1>, vector<16xf32>
      %get3A_682 = arith.constant 0 : i32
      %get3A_683 = arith.constant 4 : i32
      %get3A_684 = arith.index_cast %get3A_682 : i32 to index
      %get3A_685 = arith.index_cast %get3A_683 : i32 to index
      %get3A_686 = arith.constant 0 : index
      %get3A_687 = tpu.vector_load %arg9[%get3A_684, %get3A_685, %get3A_686] {strides = array<i32>} : memref<2x16x128xf32, #tpu.memory_space<vmem>>, vector<1x1x16xf32>,
      %get3A_688 = vector.shape_cast %get3A_687 : vector<1x1x16xf32> to vector<16xf32>
      %get3A_689 = arith.constant 0 : i32
      %get3A_690 = arith.constant 4 : i32
      %get3A_691 = arith.index_cast %get3A_689 : i32 to index
      %get3A_692 = arith.index_cast %get3A_690 : i32 to index
      %get3A_693 = arith.constant 0 : index
      %get3A_694 = tpu.vector_load %arg10[%get3A_691, %get3A_692, %get3A_693] {strides = array<i32>} : memref<2x16x128xf32, #tpu.memory_space<vmem>>, vector<1x1x16xf32>,
      %get3A_695 = vector.shape_cast %get3A_694 : vector<1x1x16xf32> to vector<16xf32>
      %mul3A_696 = arith.mulf %get3A_688, %get3A_695 : vector<16xf32>
      %get3A_697 = arith.constant 0 : i32
      %get3A_698 = arith.constant 4 : i32
      %get3A_699 = arith.index_cast %get3A_697 : i32 to index
      %get3A_700 = arith.index_cast %get3A_698 : i32 to index
      %get3A_701 = arith.constant 16 : index
      %get3A_702 = tpu.vector_load %arg9[%get3A_699, %get3A_700, %get3A_701] {strides = array<i32>} : memref<2x16x128xf32, #tpu.memory_space<vmem>>, vector<1x1x16xf32>,
      %get3A_703 = vector.shape_cast %get3A_702 : vector<1x1x16xf32> to vector<16xf32>
      %get3A_704 = arith.constant 0 : i32
      %get3A_705 = arith.constant 4 : i32
      %get3A_706 = arith.index_cast %get3A_704 : i32 to index
      %get3A_707 = arith.index_cast %get3A_705 : i32 to index
      %get3A_708 = arith.constant 16 : index
      %get3A_709 = tpu.vector_load %arg10[%get3A_706, %get3A_707, %get3A_708] {strides = array<i32>} : memref<2x16x128xf32, #tpu.memory_space<vmem>>, vector<1x1x16xf32>,
      %get3A_710 = vector.shape_cast %get3A_709 : vector<1x1x16xf32> to vector<16xf32>
      %mul3A_711 = arith.mulf %get3A_703, %get3A_710 : vector<16xf32>
      %get3A_712 = arith.constant 0 : i32
      %get3A_713 = arith.constant 4 : i32
      %get3A_714 = arith.index_cast %get3A_712 : i32 to index
      %get3A_715 = arith.index_cast %get3A_713 : i32 to index
      %get3A_716 = arith.constant 32 : index
      %get3A_717 = tpu.vector_load %arg9[%get3A_714, %get3A_715, %get3A_716] {strides = array<i32>} : memref<2x16x128xf32, #tpu.memory_space<vmem>>, vector<1x1x16xf32>,
      %get3A_718 = vector.shape_cast %get3A_717 : vector<1x1x16xf32> to vector<16xf32>
      %get3A_719 = arith.constant 0 : i32
      %get3A_720 = arith.constant 4 : i32
      %get3A_721 = arith.index_cast %get3A_719 : i32 to index
      %get3A_722 = arith.index_cast %get3A_720 : i32 to index
      %get3A_723 = arith.constant 32 : index
      %get3A_724 = tpu.vector_load %arg10[%get3A_721, %get3A_722, %get3A_723] {strides = array<i32>} : memref<2x16x128xf32, #tpu.memory_space<vmem>>, vector<1x1x16xf32>,
      %get3A_725 = vector.shape_cast %get3A_724 : vector<1x1x16xf32> to vector<16xf32>
      %mul3A_726 = arith.mulf %get3A_718, %get3A_725 : vector<16xf32>
      %add3A_727 = arith.addf %mul3A_696, %mul3A_726 : vector<16xf32>
      %get3A_728 = arith.constant 0 : i32
      %get3A_729 = arith.constant 4 : i32
      %get3A_730 = arith.index_cast %get3A_728 : i32 to index
      %get3A_731 = arith.index_cast %get3A_729 : i32 to index
      %get3A_732 = arith.constant 48 : index
      %get3A_733 = tpu.vector_load %arg9[%get3A_730, %get3A_731, %get3A_732] {strides = array<i32>} : memref<2x16x128xf32, #tpu.memory_space<vmem>>, vector<1x1x16xf32>,
      %get3A_734 = vector.shape_cast %get3A_733 : vector<1x1x16xf32> to vector<16xf32>
      %get3A_735 = arith.constant 0 : i32
      %get3A_736 = arith.constant 4 : i32
      %get3A_737 = arith.index_cast %get3A_735 : i32 to index
      %get3A_738 = arith.index_cast %get3A_736 : i32 to index
      %get3A_739 = arith.constant 48 : index
      %get3A_740 = tpu.vector_load %arg10[%get3A_737, %get3A_738, %get3A_739] {strides = array<i32>} : memref<2x16x128xf32, #tpu.memory_space<vmem>>, vector<1x1x16xf32>,
      %get3A_741 = vector.shape_cast %get3A_740 : vector<1x1x16xf32> to vector<16xf32>
      %mul3A_742 = arith.mulf %get3A_734, %get3A_741 : vector<16xf32>
      %add3A_743 = arith.addf %mul3A_711, %mul3A_742 : vector<16xf32>
      %get3A_744 = arith.constant 0 : i32
      %get3A_745 = arith.constant 4 : i32
      %get3A_746 = arith.index_cast %get3A_744 : i32 to index
      %get3A_747 = arith.index_cast %get3A_745 : i32 to index
      %get3A_748 = arith.constant 64 : index
      %get3A_749 = tpu.vector_load %arg9[%get3A_746, %get3A_747, %get3A_748] {strides = array<i32>} : memref<2x16x128xf32, #tpu.memory_space<vmem>>, vector<1x1x16xf32>,
      %get3A_750 = vector.shape_cast %get3A_749 : vector<1x1x16xf32> to vector<16xf32>
      %get3A_751 = arith.constant 0 : i32
      %get3A_752 = arith.constant 4 : i32
      %get3A_753 = arith.index_cast %get3A_751 : i32 to index
      %get3A_754 = arith.index_cast %get3A_752 : i32 to index
      %get3A_755 = arith.constant 64 : index
      %get3A_756 = tpu.vector_load %arg10[%get3A_753, %get3A_754, %get3A_755] {strides = array<i32>} : memref<2x16x128xf32, #tpu.memory_space<vmem>>, vector<1x1x16xf32>,
      %get3A_757 = vector.shape_cast %get3A_756 : vector<1x1x16xf32> to vector<16xf32>
      %mul3A_758 = arith.mulf %get3A_750, %get3A_757 : vector<16xf32>
      %add3A_759 = arith.addf %add3A_727, %mul3A_758 : vector<16xf32>
      %get3A_760 = arith.constant 0 : i32
      %get3A_761 = arith.constant 4 : i32
      %get3A_762 = arith.index_cast %get3A_760 : i32 to index
      %get3A_763 = arith.index_cast %get3A_761 : i32 to index
      %get3A_764 = arith.constant 80 : index
      %get3A_765 = tpu.vector_load %arg9[%get3A_762, %get3A_763, %get3A_764] {strides = array<i32>} : memref<2x16x128xf32, #tpu.memory_space<vmem>>, vector<1x1x16xf32>,
      %get3A_766 = vector.shape_cast %get3A_765 : vector<1x1x16xf32> to vector<16xf32>
      %get3A_767 = arith.constant 0 : i32
      %get3A_768 = arith.constant 4 : i32
      %get3A_769 = arith.index_cast %get3A_767 : i32 to index
      %get3A_770 = arith.index_cast %get3A_768 : i32 to index
      %get3A_771 = arith.constant 80 : index
      %get3A_772 = tpu.vector_load %arg10[%get3A_769, %get3A_770, %get3A_771] {strides = array<i32>} : memref<2x16x128xf32, #tpu.memory_space<vmem>>, vector<1x1x16xf32>,
      %get3A_773 = vector.shape_cast %get3A_772 : vector<1x1x16xf32> to vector<16xf32>
      %mul3A_774 = arith.mulf %get3A_766, %get3A_773 : vector<16xf32>
      %add3A_775 = arith.addf %add3A_743, %mul3A_774 : vector<16xf32>
      %get3A_776 = arith.constant 0 : i32
      %get3A_777 = arith.constant 4 : i32
      %get3A_778 = arith.index_cast %get3A_776 : i32 to index
      %get3A_779 = arith.index_cast %get3A_777 : i32 to index
      %get3A_780 = arith.constant 96 : index
      %get3A_781 = tpu.vector_load %arg9[%get3A_778, %get3A_779, %get3A_780] {strides = array<i32>} : memref<2x16x128xf32, #tpu.memory_space<vmem>>, vector<1x1x16xf32>,
      %get3A_782 = vector.shape_cast %get3A_781 : vector<1x1x16xf32> to vector<16xf32>
      %get3A_783 = arith.constant 0 : i32
      %get3A_784 = arith.constant 4 : i32
      %get3A_785 = arith.index_cast %get3A_783 : i32 to index
      %get3A_786 = arith.index_cast %get3A_784 : i32 to index
      %get3A_787 = arith.constant 96 : index
      %get3A_788 = tpu.vector_load %arg10[%get3A_785, %get3A_786, %get3A_787] {strides = array<i32>} : memref<2x16x128xf32, #tpu.memory_space<vmem>>, vector<1x1x16xf32>,
      %get3A_789 = vector.shape_cast %get3A_788 : vector<1x1x16xf32> to vector<16xf32>
      %mul3A_790 = arith.mulf %get3A_782, %get3A_789 : vector<16xf32>
      %add3A_791 = arith.addf %add3A_759, %mul3A_790 : vector<16xf32>
      %get3A_792 = arith.constant 0 : i32
      %get3A_793 = arith.constant 4 : i32
      %get3A_794 = arith.index_cast %get3A_792 : i32 to index
      %get3A_795 = arith.index_cast %get3A_793 : i32 to index
      %get3A_796 = arith.constant 112 : index
      %get3A_797 = tpu.vector_load %arg9[%get3A_794, %get3A_795, %get3A_796] {strides = array<i32>} : memref<2x16x128xf32, #tpu.memory_space<vmem>>, vector<1x1x16xf32>,
      %get3A_798 = vector.shape_cast %get3A_797 : vector<1x1x16xf32> to vector<16xf32>
      %get3A_799 = arith.constant 0 : i32
      %get3A_800 = arith.constant 4 : i32
      %get3A_801 = arith.index_cast %get3A_799 : i32 to index
      %get3A_802 = arith.index_cast %get3A_800 : i32 to index
      %get3A_803 = arith.constant 112 : index
      %get3A_804 = tpu.vector_load %arg10[%get3A_801, %get3A_802, %get3A_803] {strides = array<i32>} : memref<2x16x128xf32, #tpu.memory_space<vmem>>, vector<1x1x16xf32>,
      %get3A_805 = vector.shape_cast %get3A_804 : vector<1x1x16xf32> to vector<16xf32>
      %mul3A_806 = arith.mulf %get3A_798, %get3A_805 : vector<16xf32>
      %add3A_807 = arith.addf %add3A_775, %mul3A_806 : vector<16xf32>
      %add3A_808 = arith.addf %add3A_791, %add3A_807 : vector<16xf32>
      %broadcast_in_dim3A_809 = vector.shape_cast %and3A_8 : vector<16xi32> to vector<16x1xi32>
      %gather3A_810 = vector.shape_cast %broadcast_in_dim3A_809 : vector<16x1xi32> to vector<16xi32>
      %gather3A_811 = tpu.dynamic_gather %add3A_808[%gather3A_810] in [0] : vector<16xf32>, vector<16xi32> -> vector<16xf32>
      %add3A_812 = arith.addf %add3A_808, %gather3A_811 : vector<16xf32>
      %broadcast_in_dim3A_813 = vector.shape_cast %and3A_14 : vector<16xi32> to vector<16x1xi32>
      %gather3A_814 = vector.shape_cast %broadcast_in_dim3A_813 : vector<16x1xi32> to vector<16xi32>
      %gather3A_815 = tpu.dynamic_gather %add3A_812[%gather3A_814] in [0] : vector<16xf32>, vector<16xi32> -> vector<16xf32>
      %add3A_816 = arith.addf %add3A_812, %gather3A_815 : vector<16xf32>
      %broadcast_in_dim3A_817 = vector.shape_cast %and3A_20 : vector<16xi32> to vector<16x1xi32>
      %gather3A_818 = vector.shape_cast %broadcast_in_dim3A_817 : vector<16x1xi32> to vector<16xi32>
      %gather3A_819 = tpu.dynamic_gather %add3A_816[%gather3A_818] in [0] : vector<16xf32>, vector<16xi32> -> vector<16xf32>
      %add3A_820 = arith.addf %add3A_816, %gather3A_819 : vector<16xf32>
      %broadcast_in_dim3A_821 = vector.shape_cast %and3A_26 : vector<16xi32> to vector<16x1xi32>
      %gather3A_822 = vector.shape_cast %broadcast_in_dim3A_821 : vector<16x1xi32> to vector<16xi32>
      %gather3A_823 = tpu.dynamic_gather %add3A_820[%gather3A_822] in [0] : vector<16xf32>, vector<16xi32> -> vector<16xf32>
      %add3A_824 = arith.addf %add3A_820, %gather3A_823 : vector<16xf32>
      %eq3A_825 = arith.constant 4 : i32
      %eq3A_826 = vector.broadcast %eq3A_825 : i32 to vector<16xi32>
      %eq3A_827 = arith.cmpi eq, %iota3A, %eq3A_826 : vector<16xi32>
      %select_n3A_828 = arith.select %eq3A_827, %add3A_824, %select_n3A_681 : vector<16xi1>, vector<16xf32>
      %get3A_829 = arith.constant 0 : i32
      %get3A_830 = arith.constant 5 : i32
      %get3A_831 = arith.index_cast %get3A_829 : i32 to index
      %get3A_832 = arith.index_cast %get3A_830 : i32 to index
      %get3A_833 = arith.constant 0 : index
      %get3A_834 = tpu.vector_load %arg9[%get3A_831, %get3A_832, %get3A_833] {strides = array<i32>} : memref<2x16x128xf32, #tpu.memory_space<vmem>>, vector<1x1x16xf32>,
      %get3A_835 = vector.shape_cast %get3A_834 : vector<1x1x16xf32> to vector<16xf32>
      %get3A_836 = arith.constant 0 : i32
      %get3A_837 = arith.constant 5 : i32
      %get3A_838 = arith.index_cast %get3A_836 : i32 to index
      %get3A_839 = arith.index_cast %get3A_837 : i32 to index
      %get3A_840 = arith.constant 0 : index
      %get3A_841 = tpu.vector_load %arg10[%get3A_838, %get3A_839, %get3A_840] {strides = array<i32>} : memref<2x16x128xf32, #tpu.memory_space<vmem>>, vector<1x1x16xf32>,
      %get3A_842 = vector.shape_cast %get3A_841 : vector<1x1x16xf32> to vector<16xf32>
      %mul3A_843 = arith.mulf %get3A_835, %get3A_842 : vector<16xf32>
      %get3A_844 = arith.constant 0 : i32
      %get3A_845 = arith.constant 5 : i32
      %get3A_846 = arith.index_cast %get3A_844 : i32 to index
      %get3A_847 = arith.index_cast %get3A_845 : i32 to index
      %get3A_848 = arith.constant 16 : index
      %get3A_849 = tpu.vector_load %arg9[%get3A_846, %get3A_847, %get3A_848] {strides = array<i32>} : memref<2x16x128xf32, #tpu.memory_space<vmem>>, vector<1x1x16xf32>,
      %get3A_850 = vector.shape_cast %get3A_849 : vector<1x1x16xf32> to vector<16xf32>
      %get3A_851 = arith.constant 0 : i32
      %get3A_852 = arith.constant 5 : i32
      %get3A_853 = arith.index_cast %get3A_851 : i32 to index
      %get3A_854 = arith.index_cast %get3A_852 : i32 to index
      %get3A_855 = arith.constant 16 : index
      %get3A_856 = tpu.vector_load %arg10[%get3A_853, %get3A_854, %get3A_855] {strides = array<i32>} : memref<2x16x128xf32, #tpu.memory_space<vmem>>, vector<1x1x16xf32>,
      %get3A_857 = vector.shape_cast %get3A_856 : vector<1x1x16xf32> to vector<16xf32>
      %mul3A_858 = arith.mulf %get3A_850, %get3A_857 : vector<16xf32>
      %get3A_859 = arith.constant 0 : i32
      %get3A_860 = arith.constant 5 : i32
      %get3A_861 = arith.index_cast %get3A_859 : i32 to index
      %get3A_862 = arith.index_cast %get3A_860 : i32 to index
      %get3A_863 = arith.constant 32 : index
      %get3A_864 = tpu.vector_load %arg9[%get3A_861, %get3A_862, %get3A_863] {strides = array<i32>} : memref<2x16x128xf32, #tpu.memory_space<vmem>>, vector<1x1x16xf32>,
      %get3A_865 = vector.shape_cast %get3A_864 : vector<1x1x16xf32> to vector<16xf32>
      %get3A_866 = arith.constant 0 : i32
      %get3A_867 = arith.constant 5 : i32
      %get3A_868 = arith.index_cast %get3A_866 : i32 to index
      %get3A_869 = arith.index_cast %get3A_867 : i32 to index
      %get3A_870 = arith.constant 32 : index
      %get3A_871 = tpu.vector_load %arg10[%get3A_868, %get3A_869, %get3A_870] {strides = array<i32>} : memref<2x16x128xf32, #tpu.memory_space<vmem>>, vector<1x1x16xf32>,
      %get3A_872 = vector.shape_cast %get3A_871 : vector<1x1x16xf32> to vector<16xf32>
      %mul3A_873 = arith.mulf %get3A_865, %get3A_872 : vector<16xf32>
      %add3A_874 = arith.addf %mul3A_843, %mul3A_873 : vector<16xf32>
      %get3A_875 = arith.constant 0 : i32
      %get3A_876 = arith.constant 5 : i32
      %get3A_877 = arith.index_cast %get3A_875 : i32 to index
      %get3A_878 = arith.index_cast %get3A_876 : i32 to index
      %get3A_879 = arith.constant 48 : index
      %get3A_880 = tpu.vector_load %arg9[%get3A_877, %get3A_878, %get3A_879] {strides = array<i32>} : memref<2x16x128xf32, #tpu.memory_space<vmem>>, vector<1x1x16xf32>,
      %get3A_881 = vector.shape_cast %get3A_880 : vector<1x1x16xf32> to vector<16xf32>
      %get3A_882 = arith.constant 0 : i32
      %get3A_883 = arith.constant 5 : i32
      %get3A_884 = arith.index_cast %get3A_882 : i32 to index
      %get3A_885 = arith.index_cast %get3A_883 : i32 to index
      %get3A_886 = arith.constant 48 : index
      %get3A_887 = tpu.vector_load %arg10[%get3A_884, %get3A_885, %get3A_886] {strides = array<i32>} : memref<2x16x128xf32, #tpu.memory_space<vmem>>, vector<1x1x16xf32>,
      %get3A_888 = vector.shape_cast %get3A_887 : vector<1x1x16xf32> to vector<16xf32>
      %mul3A_889 = arith.mulf %get3A_881, %get3A_888 : vector<16xf32>
      %add3A_890 = arith.addf %mul3A_858, %mul3A_889 : vector<16xf32>
      %get3A_891 = arith.constant 0 : i32
      %get3A_892 = arith.constant 5 : i32
      %get3A_893 = arith.index_cast %get3A_891 : i32 to index
      %get3A_894 = arith.index_cast %get3A_892 : i32 to index
      %get3A_895 = arith.constant 64 : index
      %get3A_896 = tpu.vector_load %arg9[%get3A_893, %get3A_894, %get3A_895] {strides = array<i32>} : memref<2x16x128xf32, #tpu.memory_space<vmem>>, vector<1x1x16xf32>,
      %get3A_897 = vector.shape_cast %get3A_896 : vector<1x1x16xf32> to vector<16xf32>
      %get3A_898 = arith.constant 0 : i32
      %get3A_899 = arith.constant 5 : i32
      %get3A_900 = arith.index_cast %get3A_898 : i32 to index
      %get3A_901 = arith.index_cast %get3A_899 : i32 to index
      %get3A_902 = arith.constant 64 : index
      %get3A_903 = tpu.vector_load %arg10[%get3A_900, %get3A_901, %get3A_902] {strides = array<i32>} : memref<2x16x128xf32, #tpu.memory_space<vmem>>, vector<1x1x16xf32>,
      %get3A_904 = vector.shape_cast %get3A_903 : vector<1x1x16xf32> to vector<16xf32>
      %mul3A_905 = arith.mulf %get3A_897, %get3A_904 : vector<16xf32>
      %add3A_906 = arith.addf %add3A_874, %mul3A_905 : vector<16xf32>
      %get3A_907 = arith.constant 0 : i32
      %get3A_908 = arith.constant 5 : i32
      %get3A_909 = arith.index_cast %get3A_907 : i32 to index
      %get3A_910 = arith.index_cast %get3A_908 : i32 to index
      %get3A_911 = arith.constant 80 : index
      %get3A_912 = tpu.vector_load %arg9[%get3A_909, %get3A_910, %get3A_911] {strides = array<i32>} : memref<2x16x128xf32, #tpu.memory_space<vmem>>, vector<1x1x16xf32>,
      %get3A_913 = vector.shape_cast %get3A_912 : vector<1x1x16xf32> to vector<16xf32>
      %get3A_914 = arith.constant 0 : i32
      %get3A_915 = arith.constant 5 : i32
      %get3A_916 = arith.index_cast %get3A_914 : i32 to index
      %get3A_917 = arith.index_cast %get3A_915 : i32 to index
      %get3A_918 = arith.constant 80 : index
      %get3A_919 = tpu.vector_load %arg10[%get3A_916, %get3A_917, %get3A_918] {strides = array<i32>} : memref<2x16x128xf32, #tpu.memory_space<vmem>>, vector<1x1x16xf32>,
      %get3A_920 = vector.shape_cast %get3A_919 : vector<1x1x16xf32> to vector<16xf32>
      %mul3A_921 = arith.mulf %get3A_913, %get3A_920 : vector<16xf32>
      %add3A_922 = arith.addf %add3A_890, %mul3A_921 : vector<16xf32>
      %get3A_923 = arith.constant 0 : i32
      %get3A_924 = arith.constant 5 : i32
      %get3A_925 = arith.index_cast %get3A_923 : i32 to index
      %get3A_926 = arith.index_cast %get3A_924 : i32 to index
      %get3A_927 = arith.constant 96 : index
      %get3A_928 = tpu.vector_load %arg9[%get3A_925, %get3A_926, %get3A_927] {strides = array<i32>} : memref<2x16x128xf32, #tpu.memory_space<vmem>>, vector<1x1x16xf32>,
      %get3A_929 = vector.shape_cast %get3A_928 : vector<1x1x16xf32> to vector<16xf32>
      %get3A_930 = arith.constant 0 : i32
      %get3A_931 = arith.constant 5 : i32
      %get3A_932 = arith.index_cast %get3A_930 : i32 to index
      %get3A_933 = arith.index_cast %get3A_931 : i32 to index
      %get3A_934 = arith.constant 96 : index
      %get3A_935 = tpu.vector_load %arg10[%get3A_932, %get3A_933, %get3A_934] {strides = array<i32>} : memref<2x16x128xf32, #tpu.memory_space<vmem>>, vector<1x1x16xf32>,
      %get3A_936 = vector.shape_cast %get3A_935 : vector<1x1x16xf32> to vector<16xf32>
      %mul3A_937 = arith.mulf %get3A_929, %get3A_936 : vector<16xf32>
      %add3A_938 = arith.addf %add3A_906, %mul3A_937 : vector<16xf32>
      %get3A_939 = arith.constant 0 : i32
      %get3A_940 = arith.constant 5 : i32
      %get3A_941 = arith.index_cast %get3A_939 : i32 to index
      %get3A_942 = arith.index_cast %get3A_940 : i32 to index
      %get3A_943 = arith.constant 112 : index
      %get3A_944 = tpu.vector_load %arg9[%get3A_941, %get3A_942, %get3A_943] {strides = array<i32>} : memref<2x16x128xf32, #tpu.memory_space<vmem>>, vector<1x1x16xf32>,
      %get3A_945 = vector.shape_cast %get3A_944 : vector<1x1x16xf32> to vector<16xf32>
      %get3A_946 = arith.constant 0 : i32
      %get3A_947 = arith.constant 5 : i32
      %get3A_948 = arith.index_cast %get3A_946 : i32 to index
      %get3A_949 = arith.index_cast %get3A_947 : i32 to index
      %get3A_950 = arith.constant 112 : index
      %get3A_951 = tpu.vector_load %arg10[%get3A_948, %get3A_949, %get3A_950] {strides = array<i32>} : memref<2x16x128xf32, #tpu.memory_space<vmem>>, vector<1x1x16xf32>,
      %get3A_952 = vector.shape_cast %get3A_951 : vector<1x1x16xf32> to vector<16xf32>
      %mul3A_953 = arith.mulf %get3A_945, %get3A_952 : vector<16xf32>
      %add3A_954 = arith.addf %add3A_922, %mul3A_953 : vector<16xf32>
      %add3A_955 = arith.addf %add3A_938, %add3A_954 : vector<16xf32>
      %broadcast_in_dim3A_956 = vector.shape_cast %and3A_8 : vector<16xi32> to vector<16x1xi32>
      %gather3A_957 = vector.shape_cast %broadcast_in_dim3A_956 : vector<16x1xi32> to vector<16xi32>
      %gather3A_958 = tpu.dynamic_gather %add3A_955[%gather3A_957] in [0] : vector<16xf32>, vector<16xi32> -> vector<16xf32>
      %add3A_959 = arith.addf %add3A_955, %gather3A_958 : vector<16xf32>
      %broadcast_in_dim3A_960 = vector.shape_cast %and3A_14 : vector<16xi32> to vector<16x1xi32>
      %gather3A_961 = vector.shape_cast %broadcast_in_dim3A_960 : vector<16x1xi32> to vector<16xi32>
      %gather3A_962 = tpu.dynamic_gather %add3A_959[%gather3A_961] in [0] : vector<16xf32>, vector<16xi32> -> vector<16xf32>
      %add3A_963 = arith.addf %add3A_959, %gather3A_962 : vector<16xf32>
      %broadcast_in_dim3A_964 = vector.shape_cast %and3A_20 : vector<16xi32> to vector<16x1xi32>
      %gather3A_965 = vector.shape_cast %broadcast_in_dim3A_964 : vector<16x1xi32> to vector<16xi32>
      %gather3A_966 = tpu.dynamic_gather %add3A_963[%gather3A_965] in [0] : vector<16xf32>, vector<16xi32> -> vector<16xf32>
      %add3A_967 = arith.addf %add3A_963, %gather3A_966 : vector<16xf32>
      %broadcast_in_dim3A_968 = vector.shape_cast %and3A_26 : vector<16xi32> to vector<16x1xi32>
      %gather3A_969 = vector.shape_cast %broadcast_in_dim3A_968 : vector<16x1xi32> to vector<16xi32>
      %gather3A_970 = tpu.dynamic_gather %add3A_967[%gather3A_969] in [0] : vector<16xf32>, vector<16xi32> -> vector<16xf32>
      %add3A_971 = arith.addf %add3A_967, %gather3A_970 : vector<16xf32>
      %eq3A_972 = arith.constant 5 : i32
      %eq3A_973 = vector.broadcast %eq3A_972 : i32 to vector<16xi32>
      %eq3A_974 = arith.cmpi eq, %iota3A, %eq3A_973 : vector<16xi32>
      %select_n3A_975 = arith.select %eq3A_974, %add3A_971, %select_n3A_828 : vector<16xi1>, vector<16xf32>
      %get3A_976 = arith.constant 0 : i32
      %get3A_977 = arith.constant 6 : i32
      %get3A_978 = arith.index_cast %get3A_976 : i32 to index
      %get3A_979 = arith.index_cast %get3A_977 : i32 to index
      %get3A_980 = arith.constant 0 : index
      %get3A_981 = tpu.vector_load %arg9[%get3A_978, %get3A_979, %get3A_980] {strides = array<i32>} : memref<2x16x128xf32, #tpu.memory_space<vmem>>, vector<1x1x16xf32>,
      %get3A_982 = vector.shape_cast %get3A_981 : vector<1x1x16xf32> to vector<16xf32>
      %get3A_983 = arith.constant 0 : i32
      %get3A_984 = arith.constant 6 : i32
      %get3A_985 = arith.index_cast %get3A_983 : i32 to index
      %get3A_986 = arith.index_cast %get3A_984 : i32 to index
      %get3A_987 = arith.constant 0 : index
      %get3A_988 = tpu.vector_load %arg10[%get3A_985, %get3A_986, %get3A_987] {strides = array<i32>} : memref<2x16x128xf32, #tpu.memory_space<vmem>>, vector<1x1x16xf32>,
      %get3A_989 = vector.shape_cast %get3A_988 : vector<1x1x16xf32> to vector<16xf32>
      %mul3A_990 = arith.mulf %get3A_982, %get3A_989 : vector<16xf32>
      %get3A_991 = arith.constant 0 : i32
      %get3A_992 = arith.constant 6 : i32
      %get3A_993 = arith.index_cast %get3A_991 : i32 to index
      %get3A_994 = arith.index_cast %get3A_992 : i32 to index
      %get3A_995 = arith.constant 16 : index
      %get3A_996 = tpu.vector_load %arg9[%get3A_993, %get3A_994, %get3A_995] {strides = array<i32>} : memref<2x16x128xf32, #tpu.memory_space<vmem>>, vector<1x1x16xf32>,
      %get3A_997 = vector.shape_cast %get3A_996 : vector<1x1x16xf32> to vector<16xf32>
      %get3A_998 = arith.constant 0 : i32
      %get3A_999 = arith.constant 6 : i32
      %get3A_1000 = arith.index_cast %get3A_998 : i32 to index
      %get3A_1001 = arith.index_cast %get3A_999 : i32 to index
      %get3A_1002 = arith.constant 16 : index
      %get3A_1003 = tpu.vector_load %arg10[%get3A_1000, %get3A_1001, %get3A_1002] {strides = array<i32>} : memref<2x16x128xf32, #tpu.memory_space<vmem>>, vector<1x1x16xf32>,
      %get3A_1004 = vector.shape_cast %get3A_1003 : vector<1x1x16xf32> to vector<16xf32>
      %mul3A_1005 = arith.mulf %get3A_997, %get3A_1004 : vector<16xf32>
      %get3A_1006 = arith.constant 0 : i32
      %get3A_1007 = arith.constant 6 : i32
      %get3A_1008 = arith.index_cast %get3A_1006 : i32 to index
      %get3A_1009 = arith.index_cast %get3A_1007 : i32 to index
      %get3A_1010 = arith.constant 32 : index
      %get3A_1011 = tpu.vector_load %arg9[%get3A_1008, %get3A_1009, %get3A_1010] {strides = array<i32>} : memref<2x16x128xf32, #tpu.memory_space<vmem>>, vector<1x1x16xf32>,
      %get3A_1012 = vector.shape_cast %get3A_1011 : vector<1x1x16xf32> to vector<16xf32>
      %get3A_1013 = arith.constant 0 : i32
      %get3A_1014 = arith.constant 6 : i32
      %get3A_1015 = arith.index_cast %get3A_1013 : i32 to index
      %get3A_1016 = arith.index_cast %get3A_1014 : i32 to index
      %get3A_1017 = arith.constant 32 : index
      %get3A_1018 = tpu.vector_load %arg10[%get3A_1015, %get3A_1016, %get3A_1017] {strides = array<i32>} : memref<2x16x128xf32, #tpu.memory_space<vmem>>, vector<1x1x16xf32>,
      %get3A_1019 = vector.shape_cast %get3A_1018 : vector<1x1x16xf32> to vector<16xf32>
      %mul3A_1020 = arith.mulf %get3A_1012, %get3A_1019 : vector<16xf32>
      %add3A_1021 = arith.addf %mul3A_990, %mul3A_1020 : vector<16xf32>
      %get3A_1022 = arith.constant 0 : i32
      %get3A_1023 = arith.constant 6 : i32
      %get3A_1024 = arith.index_cast %get3A_1022 : i32 to index
      %get3A_1025 = arith.index_cast %get3A_1023 : i32 to index
      %get3A_1026 = arith.constant 48 : index
      %get3A_1027 = tpu.vector_load %arg9[%get3A_1024, %get3A_1025, %get3A_1026] {strides = array<i32>} : memref<2x16x128xf32, #tpu.memory_space<vmem>>, vector<1x1x16xf32>,
      %get3A_1028 = vector.shape_cast %get3A_1027 : vector<1x1x16xf32> to vector<16xf32>
      %get3A_1029 = arith.constant 0 : i32
      %get3A_1030 = arith.constant 6 : i32
      %get3A_1031 = arith.index_cast %get3A_1029 : i32 to index
      %get3A_1032 = arith.index_cast %get3A_1030 : i32 to index
      %get3A_1033 = arith.constant 48 : index
      %get3A_1034 = tpu.vector_load %arg10[%get3A_1031, %get3A_1032, %get3A_1033] {strides = array<i32>} : memref<2x16x128xf32, #tpu.memory_space<vmem>>, vector<1x1x16xf32>,
      %get3A_1035 = vector.shape_cast %get3A_1034 : vector<1x1x16xf32> to vector<16xf32>
      %mul3A_1036 = arith.mulf %get3A_1028, %get3A_1035 : vector<16xf32>
      %add3A_1037 = arith.addf %mul3A_1005, %mul3A_1036 : vector<16xf32>
      %get3A_1038 = arith.constant 0 : i32
      %get3A_1039 = arith.constant 6 : i32
      %get3A_1040 = arith.index_cast %get3A_1038 : i32 to index
      %get3A_1041 = arith.index_cast %get3A_1039 : i32 to index
      %get3A_1042 = arith.constant 64 : index
      %get3A_1043 = tpu.vector_load %arg9[%get3A_1040, %get3A_1041, %get3A_1042] {strides = array<i32>} : memref<2x16x128xf32, #tpu.memory_space<vmem>>, vector<1x1x16xf32>,
      %get3A_1044 = vector.shape_cast %get3A_1043 : vector<1x1x16xf32> to vector<16xf32>
      %get3A_1045 = arith.constant 0 : i32
      %get3A_1046 = arith.constant 6 : i32
      %get3A_1047 = arith.index_cast %get3A_1045 : i32 to index
      %get3A_1048 = arith.index_cast %get3A_1046 : i32 to index
      %get3A_1049 = arith.constant 64 : index
      %get3A_1050 = tpu.vector_load %arg10[%get3A_1047, %get3A_1048, %get3A_1049] {strides = array<i32>} : memref<2x16x128xf32, #tpu.memory_space<vmem>>, vector<1x1x16xf32>,
      %get3A_1051 = vector.shape_cast %get3A_1050 : vector<1x1x16xf32> to vector<16xf32>
      %mul3A_1052 = arith.mulf %get3A_1044, %get3A_1051 : vector<16xf32>
      %add3A_1053 = arith.addf %add3A_1021, %mul3A_1052 : vector<16xf32>
      %get3A_1054 = arith.constant 0 : i32
      %get3A_1055 = arith.constant 6 : i32
      %get3A_1056 = arith.index_cast %get3A_1054 : i32 to index
      %get3A_1057 = arith.index_cast %get3A_1055 : i32 to index
      %get3A_1058 = arith.constant 80 : index
      %get3A_1059 = tpu.vector_load %arg9[%get3A_1056, %get3A_1057, %get3A_1058] {strides = array<i32>} : memref<2x16x128xf32, #tpu.memory_space<vmem>>, vector<1x1x16xf32>,
      %get3A_1060 = vector.shape_cast %get3A_1059 : vector<1x1x16xf32> to vector<16xf32>
      %get3A_1061 = arith.constant 0 : i32
      %get3A_1062 = arith.constant 6 : i32
      %get3A_1063 = arith.index_cast %get3A_1061 : i32 to index
      %get3A_1064 = arith.index_cast %get3A_1062 : i32 to index
      %get3A_1065 = arith.constant 80 : index
      %get3A_1066 = tpu.vector_load %arg10[%get3A_1063, %get3A_1064, %get3A_1065] {strides = array<i32>} : memref<2x16x128xf32, #tpu.memory_space<vmem>>, vector<1x1x16xf32>,
      %get3A_1067 = vector.shape_cast %get3A_1066 : vector<1x1x16xf32> to vector<16xf32>
      %mul3A_1068 = arith.mulf %get3A_1060, %get3A_1067 : vector<16xf32>
      %add3A_1069 = arith.addf %add3A_1037, %mul3A_1068 : vector<16xf32>
      %get3A_1070 = arith.constant 0 : i32
      %get3A_1071 = arith.constant 6 : i32
      %get3A_1072 = arith.index_cast %get3A_1070 : i32 to index
      %get3A_1073 = arith.index_cast %get3A_1071 : i32 to index
      %get3A_1074 = arith.constant 96 : index
      %get3A_1075 = tpu.vector_load %arg9[%get3A_1072, %get3A_1073, %get3A_1074] {strides = array<i32>} : memref<2x16x128xf32, #tpu.memory_space<vmem>>, vector<1x1x16xf32>,
      %get3A_1076 = vector.shape_cast %get3A_1075 : vector<1x1x16xf32> to vector<16xf32>
      %get3A_1077 = arith.constant 0 : i32
      %get3A_1078 = arith.constant 6 : i32
      %get3A_1079 = arith.index_cast %get3A_1077 : i32 to index
      %get3A_1080 = arith.index_cast %get3A_1078 : i32 to index
      %get3A_1081 = arith.constant 96 : index
      %get3A_1082 = tpu.vector_load %arg10[%get3A_1079, %get3A_1080, %get3A_1081] {strides = array<i32>} : memref<2x16x128xf32, #tpu.memory_space<vmem>>, vector<1x1x16xf32>,
      %get3A_1083 = vector.shape_cast %get3A_1082 : vector<1x1x16xf32> to vector<16xf32>
      %mul3A_1084 = arith.mulf %get3A_1076, %get3A_1083 : vector<16xf32>
      %add3A_1085 = arith.addf %add3A_1053, %mul3A_1084 : vector<16xf32>
      %get3A_1086 = arith.constant 0 : i32
      %get3A_1087 = arith.constant 6 : i32
      %get3A_1088 = arith.index_cast %get3A_1086 : i32 to index
      %get3A_1089 = arith.index_cast %get3A_1087 : i32 to index
      %get3A_1090 = arith.constant 112 : index
      %get3A_1091 = tpu.vector_load %arg9[%get3A_1088, %get3A_1089, %get3A_1090] {strides = array<i32>} : memref<2x16x128xf32, #tpu.memory_space<vmem>>, vector<1x1x16xf32>,
      %get3A_1092 = vector.shape_cast %get3A_1091 : vector<1x1x16xf32> to vector<16xf32>
      %get3A_1093 = arith.constant 0 : i32
      %get3A_1094 = arith.constant 6 : i32
      %get3A_1095 = arith.index_cast %get3A_1093 : i32 to index
      %get3A_1096 = arith.index_cast %get3A_1094 : i32 to index
      %get3A_1097 = arith.constant 112 : index
      %get3A_1098 = tpu.vector_load %arg10[%get3A_1095, %get3A_1096, %get3A_1097] {strides = array<i32>} : memref<2x16x128xf32, #tpu.memory_space<vmem>>, vector<1x1x16xf32>,
      %get3A_1099 = vector.shape_cast %get3A_1098 : vector<1x1x16xf32> to vector<16xf32>
      %mul3A_1100 = arith.mulf %get3A_1092, %get3A_1099 : vector<16xf32>
      %add3A_1101 = arith.addf %add3A_1069, %mul3A_1100 : vector<16xf32>
      %add3A_1102 = arith.addf %add3A_1085, %add3A_1101 : vector<16xf32>
      %broadcast_in_dim3A_1103 = vector.shape_cast %and3A_8 : vector<16xi32> to vector<16x1xi32>
      %gather3A_1104 = vector.shape_cast %broadcast_in_dim3A_1103 : vector<16x1xi32> to vector<16xi32>
      %gather3A_1105 = tpu.dynamic_gather %add3A_1102[%gather3A_1104] in [0] : vector<16xf32>, vector<16xi32> -> vector<16xf32>
      %add3A_1106 = arith.addf %add3A_1102, %gather3A_1105 : vector<16xf32>
      %broadcast_in_dim3A_1107 = vector.shape_cast %and3A_14 : vector<16xi32> to vector<16x1xi32>
      %gather3A_1108 = vector.shape_cast %broadcast_in_dim3A_1107 : vector<16x1xi32> to vector<16xi32>
      %gather3A_1109 = tpu.dynamic_gather %add3A_1106[%gather3A_1108] in [0] : vector<16xf32>, vector<16xi32> -> vector<16xf32>
      %add3A_1110 = arith.addf %add3A_1106, %gather3A_1109 : vector<16xf32>
      %broadcast_in_dim3A_1111 = vector.shape_cast %and3A_20 : vector<16xi32> to vector<16x1xi32>
      %gather3A_1112 = vector.shape_cast %broadcast_in_dim3A_1111 : vector<16x1xi32> to vector<16xi32>
      %gather3A_1113 = tpu.dynamic_gather %add3A_1110[%gather3A_1112] in [0] : vector<16xf32>, vector<16xi32> -> vector<16xf32>
      %add3A_1114 = arith.addf %add3A_1110, %gather3A_1113 : vector<16xf32>
      %broadcast_in_dim3A_1115 = vector.shape_cast %and3A_26 : vector<16xi32> to vector<16x1xi32>
      %gather3A_1116 = vector.shape_cast %broadcast_in_dim3A_1115 : vector<16x1xi32> to vector<16xi32>
      %gather3A_1117 = tpu.dynamic_gather %add3A_1114[%gather3A_1116] in [0] : vector<16xf32>, vector<16xi32> -> vector<16xf32>
      %add3A_1118 = arith.addf %add3A_1114, %gather3A_1117 : vector<16xf32>
      %eq3A_1119 = arith.constant 6 : i32
      %eq3A_1120 = vector.broadcast %eq3A_1119 : i32 to vector<16xi32>
      %eq3A_1121 = arith.cmpi eq, %iota3A, %eq3A_1120 : vector<16xi32>
      %select_n3A_1122 = arith.select %eq3A_1121, %add3A_1118, %select_n3A_975 : vector<16xi1>, vector<16xf32>
      %get3A_1123 = arith.constant 0 : i32
      %get3A_1124 = arith.constant 7 : i32
      %get3A_1125 = arith.index_cast %get3A_1123 : i32 to index
      %get3A_1126 = arith.index_cast %get3A_1124 : i32 to index
      %get3A_1127 = arith.constant 0 : index
      %get3A_1128 = tpu.vector_load %arg9[%get3A_1125, %get3A_1126, %get3A_1127] {strides = array<i32>} : memref<2x16x128xf32, #tpu.memory_space<vmem>>, vector<1x1x16xf32>,
      %get3A_1129 = vector.shape_cast %get3A_1128 : vector<1x1x16xf32> to vector<16xf32>
      %get3A_1130 = arith.constant 0 : i32
      %get3A_1131 = arith.constant 7 : i32
      %get3A_1132 = arith.index_cast %get3A_1130 : i32 to index
      %get3A_1133 = arith.index_cast %get3A_1131 : i32 to index
      %get3A_1134 = arith.constant 0 : index
      %get3A_1135 = tpu.vector_load %arg10[%get3A_1132, %get3A_1133, %get3A_1134] {strides = array<i32>} : memref<2x16x128xf32, #tpu.memory_space<vmem>>, vector<1x1x16xf32>,
      %get3A_1136 = vector.shape_cast %get3A_1135 : vector<1x1x16xf32> to vector<16xf32>
      %mul3A_1137 = arith.mulf %get3A_1129, %get3A_1136 : vector<16xf32>
      %get3A_1138 = arith.constant 0 : i32
      %get3A_1139 = arith.constant 7 : i32
      %get3A_1140 = arith.index_cast %get3A_1138 : i32 to index
      %get3A_1141 = arith.index_cast %get3A_1139 : i32 to index
      %get3A_1142 = arith.constant 16 : index
      %get3A_1143 = tpu.vector_load %arg9[%get3A_1140, %get3A_1141, %get3A_1142] {strides = array<i32>} : memref<2x16x128xf32, #tpu.memory_space<vmem>>, vector<1x1x16xf32>,
      %get3A_1144 = vector.shape_cast %get3A_1143 : vector<1x1x16xf32> to vector<16xf32>
      %get3A_1145 = arith.constant 0 : i32
      %get3A_1146 = arith.constant 7 : i32
      %get3A_1147 = arith.index_cast %get3A_1145 : i32 to index
      %get3A_1148 = arith.index_cast %get3A_1146 : i32 to index
      %get3A_1149 = arith.constant 16 : index
      %get3A_1150 = tpu.vector_load %arg10[%get3A_1147, %get3A_1148, %get3A_1149] {strides = array<i32>} : memref<2x16x128xf32, #tpu.memory_space<vmem>>, vector<1x1x16xf32>,
      %get3A_1151 = vector.shape_cast %get3A_1150 : vector<1x1x16xf32> to vector<16xf32>
      %mul3A_1152 = arith.mulf %get3A_1144, %get3A_1151 : vector<16xf32>
      %get3A_1153 = arith.constant 0 : i32
      %get3A_1154 = arith.constant 7 : i32
      %get3A_1155 = arith.index_cast %get3A_1153 : i32 to index
      %get3A_1156 = arith.index_cast %get3A_1154 : i32 to index
      %get3A_1157 = arith.constant 32 : index
      %get3A_1158 = tpu.vector_load %arg9[%get3A_1155, %get3A_1156, %get3A_1157] {strides = array<i32>} : memref<2x16x128xf32, #tpu.memory_space<vmem>>, vector<1x1x16xf32>,
      %get3A_1159 = vector.shape_cast %get3A_1158 : vector<1x1x16xf32> to vector<16xf32>
      %get3A_1160 = arith.constant 0 : i32
      %get3A_1161 = arith.constant 7 : i32
      %get3A_1162 = arith.index_cast %get3A_1160 : i32 to index
      %get3A_1163 = arith.index_cast %get3A_1161 : i32 to index
      %get3A_1164 = arith.constant 32 : index
      %get3A_1165 = tpu.vector_load %arg10[%get3A_1162, %get3A_1163, %get3A_1164] {strides = array<i32>} : memref<2x16x128xf32, #tpu.memory_space<vmem>>, vector<1x1x16xf32>,
      %get3A_1166 = vector.shape_cast %get3A_1165 : vector<1x1x16xf32> to vector<16xf32>
      %mul3A_1167 = arith.mulf %get3A_1159, %get3A_1166 : vector<16xf32>
      %add3A_1168 = arith.addf %mul3A_1137, %mul3A_1167 : vector<16xf32>
      %get3A_1169 = arith.constant 0 : i32
      %get3A_1170 = arith.constant 7 : i32
      %get3A_1171 = arith.index_cast %get3A_1169 : i32 to index
      %get3A_1172 = arith.index_cast %get3A_1170 : i32 to index
      %get3A_1173 = arith.constant 48 : index
      %get3A_1174 = tpu.vector_load %arg9[%get3A_1171, %get3A_1172, %get3A_1173] {strides = array<i32>} : memref<2x16x128xf32, #tpu.memory_space<vmem>>, vector<1x1x16xf32>,
      %get3A_1175 = vector.shape_cast %get3A_1174 : vector<1x1x16xf32> to vector<16xf32>
      %get3A_1176 = arith.constant 0 : i32
      %get3A_1177 = arith.constant 7 : i32
      %get3A_1178 = arith.index_cast %get3A_1176 : i32 to index
      %get3A_1179 = arith.index_cast %get3A_1177 : i32 to index
      %get3A_1180 = arith.constant 48 : index
      %get3A_1181 = tpu.vector_load %arg10[%get3A_1178, %get3A_1179, %get3A_1180] {strides = array<i32>} : memref<2x16x128xf32, #tpu.memory_space<vmem>>, vector<1x1x16xf32>,
      %get3A_1182 = vector.shape_cast %get3A_1181 : vector<1x1x16xf32> to vector<16xf32>
      %mul3A_1183 = arith.mulf %get3A_1175, %get3A_1182 : vector<16xf32>
      %add3A_1184 = arith.addf %mul3A_1152, %mul3A_1183 : vector<16xf32>
      %get3A_1185 = arith.constant 0 : i32
      %get3A_1186 = arith.constant 7 : i32
      %get3A_1187 = arith.index_cast %get3A_1185 : i32 to index
      %get3A_1188 = arith.index_cast %get3A_1186 : i32 to index
      %get3A_1189 = arith.constant 64 : index
      %get3A_1190 = tpu.vector_load %arg9[%get3A_1187, %get3A_1188, %get3A_1189] {strides = array<i32>} : memref<2x16x128xf32, #tpu.memory_space<vmem>>, vector<1x1x16xf32>,
      %get3A_1191 = vector.shape_cast %get3A_1190 : vector<1x1x16xf32> to vector<16xf32>
      %get3A_1192 = arith.constant 0 : i32
      %get3A_1193 = arith.constant 7 : i32
      %get3A_1194 = arith.index_cast %get3A_1192 : i32 to index
      %get3A_1195 = arith.index_cast %get3A_1193 : i32 to index
      %get3A_1196 = arith.constant 64 : index
      %get3A_1197 = tpu.vector_load %arg10[%get3A_1194, %get3A_1195, %get3A_1196] {strides = array<i32>} : memref<2x16x128xf32, #tpu.memory_space<vmem>>, vector<1x1x16xf32>,
      %get3A_1198 = vector.shape_cast %get3A_1197 : vector<1x1x16xf32> to vector<16xf32>
      %mul3A_1199 = arith.mulf %get3A_1191, %get3A_1198 : vector<16xf32>
      %add3A_1200 = arith.addf %add3A_1168, %mul3A_1199 : vector<16xf32>
      %get3A_1201 = arith.constant 0 : i32
      %get3A_1202 = arith.constant 7 : i32
      %get3A_1203 = arith.index_cast %get3A_1201 : i32 to index
      %get3A_1204 = arith.index_cast %get3A_1202 : i32 to index
      %get3A_1205 = arith.constant 80 : index
      %get3A_1206 = tpu.vector_load %arg9[%get3A_1203, %get3A_1204, %get3A_1205] {strides = array<i32>} : memref<2x16x128xf32, #tpu.memory_space<vmem>>, vector<1x1x16xf32>,
      %get3A_1207 = vector.shape_cast %get3A_1206 : vector<1x1x16xf32> to vector<16xf32>
      %get3A_1208 = arith.constant 0 : i32
      %get3A_1209 = arith.constant 7 : i32
      %get3A_1210 = arith.index_cast %get3A_1208 : i32 to index
      %get3A_1211 = arith.index_cast %get3A_1209 : i32 to index
      %get3A_1212 = arith.constant 80 : index
      %get3A_1213 = tpu.vector_load %arg10[%get3A_1210, %get3A_1211, %get3A_1212] {strides = array<i32>} : memref<2x16x128xf32, #tpu.memory_space<vmem>>, vector<1x1x16xf32>,
      %get3A_1214 = vector.shape_cast %get3A_1213 : vector<1x1x16xf32> to vector<16xf32>
      %mul3A_1215 = arith.mulf %get3A_1207, %get3A_1214 : vector<16xf32>
      %add3A_1216 = arith.addf %add3A_1184, %mul3A_1215 : vector<16xf32>
      %get3A_1217 = arith.constant 0 : i32
      %get3A_1218 = arith.constant 7 : i32
      %get3A_1219 = arith.index_cast %get3A_1217 : i32 to index
      %get3A_1220 = arith.index_cast %get3A_1218 : i32 to index
      %get3A_1221 = arith.constant 96 : index
      %get3A_1222 = tpu.vector_load %arg9[%get3A_1219, %get3A_1220, %get3A_1221] {strides = array<i32>} : memref<2x16x128xf32, #tpu.memory_space<vmem>>, vector<1x1x16xf32>,
      %get3A_1223 = vector.shape_cast %get3A_1222 : vector<1x1x16xf32> to vector<16xf32>
      %get3A_1224 = arith.constant 0 : i32
      %get3A_1225 = arith.constant 7 : i32
      %get3A_1226 = arith.index_cast %get3A_1224 : i32 to index
      %get3A_1227 = arith.index_cast %get3A_1225 : i32 to index
      %get3A_1228 = arith.constant 96 : index
      %get3A_1229 = tpu.vector_load %arg10[%get3A_1226, %get3A_1227, %get3A_1228] {strides = array<i32>} : memref<2x16x128xf32, #tpu.memory_space<vmem>>, vector<1x1x16xf32>,
      %get3A_1230 = vector.shape_cast %get3A_1229 : vector<1x1x16xf32> to vector<16xf32>
      %mul3A_1231 = arith.mulf %get3A_1223, %get3A_1230 : vector<16xf32>
      %add3A_1232 = arith.addf %add3A_1200, %mul3A_1231 : vector<16xf32>
      %get3A_1233 = arith.constant 0 : i32
      %get3A_1234 = arith.constant 7 : i32
      %get3A_1235 = arith.index_cast %get3A_1233 : i32 to index
      %get3A_1236 = arith.index_cast %get3A_1234 : i32 to index
      %get3A_1237 = arith.constant 112 : index
      %get3A_1238 = tpu.vector_load %arg9[%get3A_1235, %get3A_1236, %get3A_1237] {strides = array<i32>} : memref<2x16x128xf32, #tpu.memory_space<vmem>>, vector<1x1x16xf32>,
      %get3A_1239 = vector.shape_cast %get3A_1238 : vector<1x1x16xf32> to vector<16xf32>
      %get3A_1240 = arith.constant 0 : i32
      %get3A_1241 = arith.constant 7 : i32
      %get3A_1242 = arith.index_cast %get3A_1240 : i32 to index
      %get3A_1243 = arith.index_cast %get3A_1241 : i32 to index
      %get3A_1244 = arith.constant 112 : index
      %get3A_1245 = tpu.vector_load %arg10[%get3A_1242, %get3A_1243, %get3A_1244] {strides = array<i32>} : memref<2x16x128xf32, #tpu.memory_space<vmem>>, vector<1x1x16xf32>,
      %get3A_1246 = vector.shape_cast %get3A_1245 : vector<1x1x16xf32> to vector<16xf32>
      %mul3A_1247 = arith.mulf %get3A_1239, %get3A_1246 : vector<16xf32>
      %add3A_1248 = arith.addf %add3A_1216, %mul3A_1247 : vector<16xf32>
      %add3A_1249 = arith.addf %add3A_1232, %add3A_1248 : vector<16xf32>
      %broadcast_in_dim3A_1250 = vector.shape_cast %and3A_8 : vector<16xi32> to vector<16x1xi32>
      %gather3A_1251 = vector.shape_cast %broadcast_in_dim3A_1250 : vector<16x1xi32> to vector<16xi32>
      %gather3A_1252 = tpu.dynamic_gather %add3A_1249[%gather3A_1251] in [0] : vector<16xf32>, vector<16xi32> -> vector<16xf32>
      %add3A_1253 = arith.addf %add3A_1249, %gather3A_1252 : vector<16xf32>
      %broadcast_in_dim3A_1254 = vector.shape_cast %and3A_14 : vector<16xi32> to vector<16x1xi32>
      %gather3A_1255 = vector.shape_cast %broadcast_in_dim3A_1254 : vector<16x1xi32> to vector<16xi32>
      %gather3A_1256 = tpu.dynamic_gather %add3A_1253[%gather3A_1255] in [0] : vector<16xf32>, vector<16xi32> -> vector<16xf32>
      %add3A_1257 = arith.addf %add3A_1253, %gather3A_1256 : vector<16xf32>
      %broadcast_in_dim3A_1258 = vector.shape_cast %and3A_20 : vector<16xi32> to vector<16x1xi32>
      %gather3A_1259 = vector.shape_cast %broadcast_in_dim3A_1258 : vector<16x1xi32> to vector<16xi32>
      %gather3A_1260 = tpu.dynamic_gather %add3A_1257[%gather3A_1259] in [0] : vector<16xf32>, vector<16xi32> -> vector<16xf32>
      %add3A_1261 = arith.addf %add3A_1257, %gather3A_1260 : vector<16xf32>
      %broadcast_in_dim3A_1262 = vector.shape_cast %and3A_26 : vector<16xi32> to vector<16x1xi32>
      %gather3A_1263 = vector.shape_cast %broadcast_in_dim3A_1262 : vector<16x1xi32> to vector<16xi32>
      %gather3A_1264 = tpu.dynamic_gather %add3A_1261[%gather3A_1263] in [0] : vector<16xf32>, vector<16xi32> -> vector<16xf32>
      %add3A_1265 = arith.addf %add3A_1261, %gather3A_1264 : vector<16xf32>
      %eq3A_1266 = arith.constant 7 : i32
      %eq3A_1267 = vector.broadcast %eq3A_1266 : i32 to vector<16xi32>
      %eq3A_1268 = arith.cmpi eq, %iota3A, %eq3A_1267 : vector<16xi32>
      %select_n3A_1269 = arith.select %eq3A_1268, %add3A_1265, %select_n3A_1122 : vector<16xi1>, vector<16xf32>
      %get3A_1270 = arith.constant 0 : i32
      %get3A_1271 = arith.constant 8 : i32
      %get3A_1272 = arith.index_cast %get3A_1270 : i32 to index
      %get3A_1273 = arith.index_cast %get3A_1271 : i32 to index
      %get3A_1274 = arith.constant 0 : index
      %get3A_1275 = tpu.vector_load %arg9[%get3A_1272, %get3A_1273, %get3A_1274] {strides = array<i32>} : memref<2x16x128xf32, #tpu.memory_space<vmem>>, vector<1x1x16xf32>,
      %get3A_1276 = vector.shape_cast %get3A_1275 : vector<1x1x16xf32> to vector<16xf32>
      %get3A_1277 = arith.constant 0 : i32
      %get3A_1278 = arith.constant 8 : i32
      %get3A_1279 = arith.index_cast %get3A_1277 : i32 to index
      %get3A_1280 = arith.index_cast %get3A_1278 : i32 to index
      %get3A_1281 = arith.constant 0 : index
      %get3A_1282 = tpu.vector_load %arg10[%get3A_1279, %get3A_1280, %get3A_1281] {strides = array<i32>} : memref<2x16x128xf32, #tpu.memory_space<vmem>>, vector<1x1x16xf32>,
      %get3A_1283 = vector.shape_cast %get3A_1282 : vector<1x1x16xf32> to vector<16xf32>
      %mul3A_1284 = arith.mulf %get3A_1276, %get3A_1283 : vector<16xf32>
      %get3A_1285 = arith.constant 0 : i32
      %get3A_1286 = arith.constant 8 : i32
      %get3A_1287 = arith.index_cast %get3A_1285 : i32 to index
      %get3A_1288 = arith.index_cast %get3A_1286 : i32 to index
      %get3A_1289 = arith.constant 16 : index
      %get3A_1290 = tpu.vector_load %arg9[%get3A_1287, %get3A_1288, %get3A_1289] {strides = array<i32>} : memref<2x16x128xf32, #tpu.memory_space<vmem>>, vector<1x1x16xf32>,
      %get3A_1291 = vector.shape_cast %get3A_1290 : vector<1x1x16xf32> to vector<16xf32>
      %get3A_1292 = arith.constant 0 : i32
      %get3A_1293 = arith.constant 8 : i32
      %get3A_1294 = arith.index_cast %get3A_1292 : i32 to index
      %get3A_1295 = arith.index_cast %get3A_1293 : i32 to index
      %get3A_1296 = arith.constant 16 : index
      %get3A_1297 = tpu.vector_load %arg10[%get3A_1294, %get3A_1295, %get3A_1296] {strides = array<i32>} : memref<2x16x128xf32, #tpu.memory_space<vmem>>, vector<1x1x16xf32>,
      %get3A_1298 = vector.shape_cast %get3A_1297 : vector<1x1x16xf32> to vector<16xf32>
      %mul3A_1299 = arith.mulf %get3A_1291, %get3A_1298 : vector<16xf32>
      %get3A_1300 = arith.constant 0 : i32
      %get3A_1301 = arith.constant 8 : i32
      %get3A_1302 = arith.index_cast %get3A_1300 : i32 to index
      %get3A_1303 = arith.index_cast %get3A_1301 : i32 to index
      %get3A_1304 = arith.constant 32 : index
      %get3A_1305 = tpu.vector_load %arg9[%get3A_1302, %get3A_1303, %get3A_1304] {strides = array<i32>} : memref<2x16x128xf32, #tpu.memory_space<vmem>>, vector<1x1x16xf32>,
      %get3A_1306 = vector.shape_cast %get3A_1305 : vector<1x1x16xf32> to vector<16xf32>
      %get3A_1307 = arith.constant 0 : i32
      %get3A_1308 = arith.constant 8 : i32
      %get3A_1309 = arith.index_cast %get3A_1307 : i32 to index
      %get3A_1310 = arith.index_cast %get3A_1308 : i32 to index
      %get3A_1311 = arith.constant 32 : index
      %get3A_1312 = tpu.vector_load %arg10[%get3A_1309, %get3A_1310, %get3A_1311] {strides = array<i32>} : memref<2x16x128xf32, #tpu.memory_space<vmem>>, vector<1x1x16xf32>,
      %get3A_1313 = vector.shape_cast %get3A_1312 : vector<1x1x16xf32> to vector<16xf32>
      %mul3A_1314 = arith.mulf %get3A_1306, %get3A_1313 : vector<16xf32>
      %add3A_1315 = arith.addf %mul3A_1284, %mul3A_1314 : vector<16xf32>
      %get3A_1316 = arith.constant 0 : i32
      %get3A_1317 = arith.constant 8 : i32
      %get3A_1318 = arith.index_cast %get3A_1316 : i32 to index
      %get3A_1319 = arith.index_cast %get3A_1317 : i32 to index
      %get3A_1320 = arith.constant 48 : index
      %get3A_1321 = tpu.vector_load %arg9[%get3A_1318, %get3A_1319, %get3A_1320] {strides = array<i32>} : memref<2x16x128xf32, #tpu.memory_space<vmem>>, vector<1x1x16xf32>,
      %get3A_1322 = vector.shape_cast %get3A_1321 : vector<1x1x16xf32> to vector<16xf32>
      %get3A_1323 = arith.constant 0 : i32
      %get3A_1324 = arith.constant 8 : i32
      %get3A_1325 = arith.index_cast %get3A_1323 : i32 to index
      %get3A_1326 = arith.index_cast %get3A_1324 : i32 to index
      %get3A_1327 = arith.constant 48 : index
      %get3A_1328 = tpu.vector_load %arg10[%get3A_1325, %get3A_1326, %get3A_1327] {strides = array<i32>} : memref<2x16x128xf32, #tpu.memory_space<vmem>>, vector<1x1x16xf32>,
      %get3A_1329 = vector.shape_cast %get3A_1328 : vector<1x1x16xf32> to vector<16xf32>
      %mul3A_1330 = arith.mulf %get3A_1322, %get3A_1329 : vector<16xf32>
      %add3A_1331 = arith.addf %mul3A_1299, %mul3A_1330 : vector<16xf32>
      %get3A_1332 = arith.constant 0 : i32
      %get3A_1333 = arith.constant 8 : i32
      %get3A_1334 = arith.index_cast %get3A_1332 : i32 to index
      %get3A_1335 = arith.index_cast %get3A_1333 : i32 to index
      %get3A_1336 = arith.constant 64 : index
      %get3A_1337 = tpu.vector_load %arg9[%get3A_1334, %get3A_1335, %get3A_1336] {strides = array<i32>} : memref<2x16x128xf32, #tpu.memory_space<vmem>>, vector<1x1x16xf32>,
      %get3A_1338 = vector.shape_cast %get3A_1337 : vector<1x1x16xf32> to vector<16xf32>
      %get3A_1339 = arith.constant 0 : i32
      %get3A_1340 = arith.constant 8 : i32
      %get3A_1341 = arith.index_cast %get3A_1339 : i32 to index
      %get3A_1342 = arith.index_cast %get3A_1340 : i32 to index
      %get3A_1343 = arith.constant 64 : index
      %get3A_1344 = tpu.vector_load %arg10[%get3A_1341, %get3A_1342, %get3A_1343] {strides = array<i32>} : memref<2x16x128xf32, #tpu.memory_space<vmem>>, vector<1x1x16xf32>,
      %get3A_1345 = vector.shape_cast %get3A_1344 : vector<1x1x16xf32> to vector<16xf32>
      %mul3A_1346 = arith.mulf %get3A_1338, %get3A_1345 : vector<16xf32>
      %add3A_1347 = arith.addf %add3A_1315, %mul3A_1346 : vector<16xf32>
      %get3A_1348 = arith.constant 0 : i32
      %get3A_1349 = arith.constant 8 : i32
      %get3A_1350 = arith.index_cast %get3A_1348 : i32 to index
      %get3A_1351 = arith.index_cast %get3A_1349 : i32 to index
      %get3A_1352 = arith.constant 80 : index
      %get3A_1353 = tpu.vector_load %arg9[%get3A_1350, %get3A_1351, %get3A_1352] {strides = array<i32>} : memref<2x16x128xf32, #tpu.memory_space<vmem>>, vector<1x1x16xf32>,
      %get3A_1354 = vector.shape_cast %get3A_1353 : vector<1x1x16xf32> to vector<16xf32>
      %get3A_1355 = arith.constant 0 : i32
      %get3A_1356 = arith.constant 8 : i32
      %get3A_1357 = arith.index_cast %get3A_1355 : i32 to index
      %get3A_1358 = arith.index_cast %get3A_1356 : i32 to index
      %get3A_1359 = arith.constant 80 : index
      %get3A_1360 = tpu.vector_load %arg10[%get3A_1357, %get3A_1358, %get3A_1359] {strides = array<i32>} : memref<2x16x128xf32, #tpu.memory_space<vmem>>, vector<1x1x16xf32>,
      %get3A_1361 = vector.shape_cast %get3A_1360 : vector<1x1x16xf32> to vector<16xf32>
      %mul3A_1362 = arith.mulf %get3A_1354, %get3A_1361 : vector<16xf32>
      %add3A_1363 = arith.addf %add3A_1331, %mul3A_1362 : vector<16xf32>
      %get3A_1364 = arith.constant 0 : i32
      %get3A_1365 = arith.constant 8 : i32
      %get3A_1366 = arith.index_cast %get3A_1364 : i32 to index
      %get3A_1367 = arith.index_cast %get3A_1365 : i32 to index
      %get3A_1368 = arith.constant 96 : index
      %get3A_1369 = tpu.vector_load %arg9[%get3A_1366, %get3A_1367, %get3A_1368] {strides = array<i32>} : memref<2x16x128xf32, #tpu.memory_space<vmem>>, vector<1x1x16xf32>,
      %get3A_1370 = vector.shape_cast %get3A_1369 : vector<1x1x16xf32> to vector<16xf32>
      %get3A_1371 = arith.constant 0 : i32
      %get3A_1372 = arith.constant 8 : i32
      %get3A_1373 = arith.index_cast %get3A_1371 : i32 to index
      %get3A_1374 = arith.index_cast %get3A_1372 : i32 to index
      %get3A_1375 = arith.constant 96 : index
      %get3A_1376 = tpu.vector_load %arg10[%get3A_1373, %get3A_1374, %get3A_1375] {strides = array<i32>} : memref<2x16x128xf32, #tpu.memory_space<vmem>>, vector<1x1x16xf32>,
      %get3A_1377 = vector.shape_cast %get3A_1376 : vector<1x1x16xf32> to vector<16xf32>
      %mul3A_1378 = arith.mulf %get3A_1370, %get3A_1377 : vector<16xf32>
      %add3A_1379 = arith.addf %add3A_1347, %mul3A_1378 : vector<16xf32>
      %get3A_1380 = arith.constant 0 : i32
      %get3A_1381 = arith.constant 8 : i32
      %get3A_1382 = arith.index_cast %get3A_1380 : i32 to index
      %get3A_1383 = arith.index_cast %get3A_1381 : i32 to index
      %get3A_1384 = arith.constant 112 : index
      %get3A_1385 = tpu.vector_load %arg9[%get3A_1382, %get3A_1383, %get3A_1384] {strides = array<i32>} : memref<2x16x128xf32, #tpu.memory_space<vmem>>, vector<1x1x16xf32>,
      %get3A_1386 = vector.shape_cast %get3A_1385 : vector<1x1x16xf32> to vector<16xf32>
      %get3A_1387 = arith.constant 0 : i32
      %get3A_1388 = arith.constant 8 : i32
      %get3A_1389 = arith.index_cast %get3A_1387 : i32 to index
      %get3A_1390 = arith.index_cast %get3A_1388 : i32 to index
      %get3A_1391 = arith.constant 112 : index
      %get3A_1392 = tpu.vector_load %arg10[%get3A_1389, %get3A_1390, %get3A_1391] {strides = array<i32>} : memref<2x16x128xf32, #tpu.memory_space<vmem>>, vector<1x1x16xf32>,
      %get3A_1393 = vector.shape_cast %get3A_1392 : vector<1x1x16xf32> to vector<16xf32>
      %mul3A_1394 = arith.mulf %get3A_1386, %get3A_1393 : vector<16xf32>
      %add3A_1395 = arith.addf %add3A_1363, %mul3A_1394 : vector<16xf32>
      %add3A_1396 = arith.addf %add3A_1379, %add3A_1395 : vector<16xf32>
      %broadcast_in_dim3A_1397 = vector.shape_cast %and3A_8 : vector<16xi32> to vector<16x1xi32>
      %gather3A_1398 = vector.shape_cast %broadcast_in_dim3A_1397 : vector<16x1xi32> to vector<16xi32>
      %gather3A_1399 = tpu.dynamic_gather %add3A_1396[%gather3A_1398] in [0] : vector<16xf32>, vector<16xi32> -> vector<16xf32>
      %add3A_1400 = arith.addf %add3A_1396, %gather3A_1399 : vector<16xf32>
      %broadcast_in_dim3A_1401 = vector.shape_cast %and3A_14 : vector<16xi32> to vector<16x1xi32>
      %gather3A_1402 = vector.shape_cast %broadcast_in_dim3A_1401 : vector<16x1xi32> to vector<16xi32>
      %gather3A_1403 = tpu.dynamic_gather %add3A_1400[%gather3A_1402] in [0] : vector<16xf32>, vector<16xi32> -> vector<16xf32>
      %add3A_1404 = arith.addf %add3A_1400, %gather3A_1403 : vector<16xf32>
      %broadcast_in_dim3A_1405 = vector.shape_cast %and3A_20 : vector<16xi32> to vector<16x1xi32>
      %gather3A_1406 = vector.shape_cast %broadcast_in_dim3A_1405 : vector<16x1xi32> to vector<16xi32>
      %gather3A_1407 = tpu.dynamic_gather %add3A_1404[%gather3A_1406] in [0] : vector<16xf32>, vector<16xi32> -> vector<16xf32>
      %add3A_1408 = arith.addf %add3A_1404, %gather3A_1407 : vector<16xf32>
      %broadcast_in_dim3A_1409 = vector.shape_cast %and3A_26 : vector<16xi32> to vector<16x1xi32>
      %gather3A_1410 = vector.shape_cast %broadcast_in_dim3A_1409 : vector<16x1xi32> to vector<16xi32>
      %gather3A_1411 = tpu.dynamic_gather %add3A_1408[%gather3A_1410] in [0] : vector<16xf32>, vector<16xi32> -> vector<16xf32>
      %add3A_1412 = arith.addf %add3A_1408, %gather3A_1411 : vector<16xf32>
      %eq3A_1413 = arith.constant 8 : i32
      %eq3A_1414 = vector.broadcast %eq3A_1413 : i32 to vector<16xi32>
      %eq3A_1415 = arith.cmpi eq, %iota3A, %eq3A_1414 : vector<16xi32>
      %select_n3A_1416 = arith.select %eq3A_1415, %add3A_1412, %select_n3A_1269 : vector<16xi1>, vector<16xf32>
      %get3A_1417 = arith.constant 0 : i32
      %get3A_1418 = arith.constant 9 : i32
      %get3A_1419 = arith.index_cast %get3A_1417 : i32 to index
      %get3A_1420 = arith.index_cast %get3A_1418 : i32 to index
      %get3A_1421 = arith.constant 0 : index
      %get3A_1422 = tpu.vector_load %arg9[%get3A_1419, %get3A_1420, %get3A_1421] {strides = array<i32>} : memref<2x16x128xf32, #tpu.memory_space<vmem>>, vector<1x1x16xf32>,
      %get3A_1423 = vector.shape_cast %get3A_1422 : vector<1x1x16xf32> to vector<16xf32>
      %get3A_1424 = arith.constant 0 : i32
      %get3A_1425 = arith.constant 9 : i32
      %get3A_1426 = arith.index_cast %get3A_1424 : i32 to index
      %get3A_1427 = arith.index_cast %get3A_1425 : i32 to index
      %get3A_1428 = arith.constant 0 : index
      %get3A_1429 = tpu.vector_load %arg10[%get3A_1426, %get3A_1427, %get3A_1428] {strides = array<i32>} : memref<2x16x128xf32, #tpu.memory_space<vmem>>, vector<1x1x16xf32>,
      %get3A_1430 = vector.shape_cast %get3A_1429 : vector<1x1x16xf32> to vector<16xf32>
      %mul3A_1431 = arith.mulf %get3A_1423, %get3A_1430 : vector<16xf32>
      %get3A_1432 = arith.constant 0 : i32
      %get3A_1433 = arith.constant 9 : i32
      %get3A_1434 = arith.index_cast %get3A_1432 : i32 to index
      %get3A_1435 = arith.index_cast %get3A_1433 : i32 to index
      %get3A_1436 = arith.constant 16 : index
      %get3A_1437 = tpu.vector_load %arg9[%get3A_1434, %get3A_1435, %get3A_1436] {strides = array<i32>} : memref<2x16x128xf32, #tpu.memory_space<vmem>>, vector<1x1x16xf32>,
      %get3A_1438 = vector.shape_cast %get3A_1437 : vector<1x1x16xf32> to vector<16xf32>
      %get3A_1439 = arith.constant 0 : i32
      %get3A_1440 = arith.constant 9 : i32
      %get3A_1441 = arith.index_cast %get3A_1439 : i32 to index
      %get3A_1442 = arith.index_cast %get3A_1440 : i32 to index
      %get3A_1443 = arith.constant 16 : index
      %get3A_1444 = tpu.vector_load %arg10[%get3A_1441, %get3A_1442, %get3A_1443] {strides = array<i32>} : memref<2x16x128xf32, #tpu.memory_space<vmem>>, vector<1x1x16xf32>,
      %get3A_1445 = vector.shape_cast %get3A_1444 : vector<1x1x16xf32> to vector<16xf32>
      %mul3A_1446 = arith.mulf %get3A_1438, %get3A_1445 : vector<16xf32>
      %get3A_1447 = arith.constant 0 : i32
      %get3A_1448 = arith.constant 9 : i32
      %get3A_1449 = arith.index_cast %get3A_1447 : i32 to index
      %get3A_1450 = arith.index_cast %get3A_1448 : i32 to index
      %get3A_1451 = arith.constant 32 : index
      %get3A_1452 = tpu.vector_load %arg9[%get3A_1449, %get3A_1450, %get3A_1451] {strides = array<i32>} : memref<2x16x128xf32, #tpu.memory_space<vmem>>, vector<1x1x16xf32>,
      %get3A_1453 = vector.shape_cast %get3A_1452 : vector<1x1x16xf32> to vector<16xf32>
      %get3A_1454 = arith.constant 0 : i32
      %get3A_1455 = arith.constant 9 : i32
      %get3A_1456 = arith.index_cast %get3A_1454 : i32 to index
      %get3A_1457 = arith.index_cast %get3A_1455 : i32 to index
      %get3A_1458 = arith.constant 32 : index
      %get3A_1459 = tpu.vector_load %arg10[%get3A_1456, %get3A_1457, %get3A_1458] {strides = array<i32>} : memref<2x16x128xf32, #tpu.memory_space<vmem>>, vector<1x1x16xf32>,
      %get3A_1460 = vector.shape_cast %get3A_1459 : vector<1x1x16xf32> to vector<16xf32>
      %mul3A_1461 = arith.mulf %get3A_1453, %get3A_1460 : vector<16xf32>
      %add3A_1462 = arith.addf %mul3A_1431, %mul3A_1461 : vector<16xf32>
      %get3A_1463 = arith.constant 0 : i32
      %get3A_1464 = arith.constant 9 : i32
      %get3A_1465 = arith.index_cast %get3A_1463 : i32 to index
      %get3A_1466 = arith.index_cast %get3A_1464 : i32 to index
      %get3A_1467 = arith.constant 48 : index
      %get3A_1468 = tpu.vector_load %arg9[%get3A_1465, %get3A_1466, %get3A_1467] {strides = array<i32>} : memref<2x16x128xf32, #tpu.memory_space<vmem>>, vector<1x1x16xf32>,
      %get3A_1469 = vector.shape_cast %get3A_1468 : vector<1x1x16xf32> to vector<16xf32>
      %get3A_1470 = arith.constant 0 : i32
      %get3A_1471 = arith.constant 9 : i32
      %get3A_1472 = arith.index_cast %get3A_1470 : i32 to index
      %get3A_1473 = arith.index_cast %get3A_1471 : i32 to index
      %get3A_1474 = arith.constant 48 : index
      %get3A_1475 = tpu.vector_load %arg10[%get3A_1472, %get3A_1473, %get3A_1474] {strides = array<i32>} : memref<2x16x128xf32, #tpu.memory_space<vmem>>, vector<1x1x16xf32>,
      %get3A_1476 = vector.shape_cast %get3A_1475 : vector<1x1x16xf32> to vector<16xf32>
      %mul3A_1477 = arith.mulf %get3A_1469, %get3A_1476 : vector<16xf32>
      %add3A_1478 = arith.addf %mul3A_1446, %mul3A_1477 : vector<16xf32>
      %get3A_1479 = arith.constant 0 : i32
      %get3A_1480 = arith.constant 9 : i32
      %get3A_1481 = arith.index_cast %get3A_1479 : i32 to index
      %get3A_1482 = arith.index_cast %get3A_1480 : i32 to index
      %get3A_1483 = arith.constant 64 : index
      %get3A_1484 = tpu.vector_load %arg9[%get3A_1481, %get3A_1482, %get3A_1483] {strides = array<i32>} : memref<2x16x128xf32, #tpu.memory_space<vmem>>, vector<1x1x16xf32>,
      %get3A_1485 = vector.shape_cast %get3A_1484 : vector<1x1x16xf32> to vector<16xf32>
      %get3A_1486 = arith.constant 0 : i32
      %get3A_1487 = arith.constant 9 : i32
      %get3A_1488 = arith.index_cast %get3A_1486 : i32 to index
      %get3A_1489 = arith.index_cast %get3A_1487 : i32 to index
      %get3A_1490 = arith.constant 64 : index
      %get3A_1491 = tpu.vector_load %arg10[%get3A_1488, %get3A_1489, %get3A_1490] {strides = array<i32>} : memref<2x16x128xf32, #tpu.memory_space<vmem>>, vector<1x1x16xf32>,
      %get3A_1492 = vector.shape_cast %get3A_1491 : vector<1x1x16xf32> to vector<16xf32>
      %mul3A_1493 = arith.mulf %get3A_1485, %get3A_1492 : vector<16xf32>
      %add3A_1494 = arith.addf %add3A_1462, %mul3A_1493 : vector<16xf32>
      %get3A_1495 = arith.constant 0 : i32
      %get3A_1496 = arith.constant 9 : i32
      %get3A_1497 = arith.index_cast %get3A_1495 : i32 to index
      %get3A_1498 = arith.index_cast %get3A_1496 : i32 to index
      %get3A_1499 = arith.constant 80 : index
      %get3A_1500 = tpu.vector_load %arg9[%get3A_1497, %get3A_1498, %get3A_1499] {strides = array<i32>} : memref<2x16x128xf32, #tpu.memory_space<vmem>>, vector<1x1x16xf32>,
      %get3A_1501 = vector.shape_cast %get3A_1500 : vector<1x1x16xf32> to vector<16xf32>
      %get3A_1502 = arith.constant 0 : i32
      %get3A_1503 = arith.constant 9 : i32
      %get3A_1504 = arith.index_cast %get3A_1502 : i32 to index
      %get3A_1505 = arith.index_cast %get3A_1503 : i32 to index
      %get3A_1506 = arith.constant 80 : index
      %get3A_1507 = tpu.vector_load %arg10[%get3A_1504, %get3A_1505, %get3A_1506] {strides = array<i32>} : memref<2x16x128xf32, #tpu.memory_space<vmem>>, vector<1x1x16xf32>,
      %get3A_1508 = vector.shape_cast %get3A_1507 : vector<1x1x16xf32> to vector<16xf32>
      %mul3A_1509 = arith.mulf %get3A_1501, %get3A_1508 : vector<16xf32>
      %add3A_1510 = arith.addf %add3A_1478, %mul3A_1509 : vector<16xf32>
      %get3A_1511 = arith.constant 0 : i32
      %get3A_1512 = arith.constant 9 : i32
      %get3A_1513 = arith.index_cast %get3A_1511 : i32 to index
      %get3A_1514 = arith.index_cast %get3A_1512 : i32 to index
      %get3A_1515 = arith.constant 96 : index
      %get3A_1516 = tpu.vector_load %arg9[%get3A_1513, %get3A_1514, %get3A_1515] {strides = array<i32>} : memref<2x16x128xf32, #tpu.memory_space<vmem>>, vector<1x1x16xf32>,
      %get3A_1517 = vector.shape_cast %get3A_1516 : vector<1x1x16xf32> to vector<16xf32>
      %get3A_1518 = arith.constant 0 : i32
      %get3A_1519 = arith.constant 9 : i32
      %get3A_1520 = arith.index_cast %get3A_1518 : i32 to index
      %get3A_1521 = arith.index_cast %get3A_1519 : i32 to index
      %get3A_1522 = arith.constant 96 : index
      %get3A_1523 = tpu.vector_load %arg10[%get3A_1520, %get3A_1521, %get3A_1522] {strides = array<i32>} : memref<2x16x128xf32, #tpu.memory_space<vmem>>, vector<1x1x16xf32>,
      %get3A_1524 = vector.shape_cast %get3A_1523 : vector<1x1x16xf32> to vector<16xf32>
      %mul3A_1525 = arith.mulf %get3A_1517, %get3A_1524 : vector<16xf32>
      %add3A_1526 = arith.addf %add3A_1494, %mul3A_1525 : vector<16xf32>
      %get3A_1527 = arith.constant 0 : i32
      %get3A_1528 = arith.constant 9 : i32
      %get3A_1529 = arith.index_cast %get3A_1527 : i32 to index
      %get3A_1530 = arith.index_cast %get3A_1528 : i32 to index
      %get3A_1531 = arith.constant 112 : index
      %get3A_1532 = tpu.vector_load %arg9[%get3A_1529, %get3A_1530, %get3A_1531] {strides = array<i32>} : memref<2x16x128xf32, #tpu.memory_space<vmem>>, vector<1x1x16xf32>,
      %get3A_1533 = vector.shape_cast %get3A_1532 : vector<1x1x16xf32> to vector<16xf32>
      %get3A_1534 = arith.constant 0 : i32
      %get3A_1535 = arith.constant 9 : i32
      %get3A_1536 = arith.index_cast %get3A_1534 : i32 to index
      %get3A_1537 = arith.index_cast %get3A_1535 : i32 to index
      %get3A_1538 = arith.constant 112 : index
      %get3A_1539 = tpu.vector_load %arg10[%get3A_1536, %get3A_1537, %get3A_1538] {strides = array<i32>} : memref<2x16x128xf32, #tpu.memory_space<vmem>>, vector<1x1x16xf32>,
      %get3A_1540 = vector.shape_cast %get3A_1539 : vector<1x1x16xf32> to vector<16xf32>
      %mul3A_1541 = arith.mulf %get3A_1533, %get3A_1540 : vector<16xf32>
      %add3A_1542 = arith.addf %add3A_1510, %mul3A_1541 : vector<16xf32>
      %add3A_1543 = arith.addf %add3A_1526, %add3A_1542 : vector<16xf32>
      %broadcast_in_dim3A_1544 = vector.shape_cast %and3A_8 : vector<16xi32> to vector<16x1xi32>
      %gather3A_1545 = vector.shape_cast %broadcast_in_dim3A_1544 : vector<16x1xi32> to vector<16xi32>
      %gather3A_1546 = tpu.dynamic_gather %add3A_1543[%gather3A_1545] in [0] : vector<16xf32>, vector<16xi32> -> vector<16xf32>
      %add3A_1547 = arith.addf %add3A_1543, %gather3A_1546 : vector<16xf32>
      %broadcast_in_dim3A_1548 = vector.shape_cast %and3A_14 : vector<16xi32> to vector<16x1xi32>
      %gather3A_1549 = vector.shape_cast %broadcast_in_dim3A_1548 : vector<16x1xi32> to vector<16xi32>
      %gather3A_1550 = tpu.dynamic_gather %add3A_1547[%gather3A_1549] in [0] : vector<16xf32>, vector<16xi32> -> vector<16xf32>
      %add3A_1551 = arith.addf %add3A_1547, %gather3A_1550 : vector<16xf32>
      %broadcast_in_dim3A_1552 = vector.shape_cast %and3A_20 : vector<16xi32> to vector<16x1xi32>
      %gather3A_1553 = vector.shape_cast %broadcast_in_dim3A_1552 : vector<16x1xi32> to vector<16xi32>
      %gather3A_1554 = tpu.dynamic_gather %add3A_1551[%gather3A_1553] in [0] : vector<16xf32>, vector<16xi32> -> vector<16xf32>
      %add3A_1555 = arith.addf %add3A_1551, %gather3A_1554 : vector<16xf32>
      %broadcast_in_dim3A_1556 = vector.shape_cast %and3A_26 : vector<16xi32> to vector<16x1xi32>
      %gather3A_1557 = vector.shape_cast %broadcast_in_dim3A_1556 : vector<16x1xi32> to vector<16xi32>
      %gather3A_1558 = tpu.dynamic_gather %add3A_1555[%gather3A_1557] in [0] : vector<16xf32>, vector<16xi32> -> vector<16xf32>
      %add3A_1559 = arith.addf %add3A_1555, %gather3A_1558 : vector<16xf32>
      %eq3A_1560 = arith.constant 9 : i32
      %eq3A_1561 = vector.broadcast %eq3A_1560 : i32 to vector<16xi32>
      %eq3A_1562 = arith.cmpi eq, %iota3A, %eq3A_1561 : vector<16xi32>
      %select_n3A_1563 = arith.select %eq3A_1562, %add3A_1559, %select_n3A_1416 : vector<16xi1>, vector<16xf32>
      %get3A_1564 = arith.constant 0 : i32
      %get3A_1565 = arith.constant 10 : i32
      %get3A_1566 = arith.index_cast %get3A_1564 : i32 to index
      %get3A_1567 = arith.index_cast %get3A_1565 : i32 to index
      %get3A_1568 = arith.constant 0 : index
      %get3A_1569 = tpu.vector_load %arg9[%get3A_1566, %get3A_1567, %get3A_1568] {strides = array<i32>} : memref<2x16x128xf32, #tpu.memory_space<vmem>>, vector<1x1x16xf32>,
      %get3A_1570 = vector.shape_cast %get3A_1569 : vector<1x1x16xf32> to vector<16xf32>
      %get3A_1571 = arith.constant 0 : i32
      %get3A_1572 = arith.constant 10 : i32
      %get3A_1573 = arith.index_cast %get3A_1571 : i32 to index
      %get3A_1574 = arith.index_cast %get3A_1572 : i32 to index
      %get3A_1575 = arith.constant 0 : index
      %get3A_1576 = tpu.vector_load %arg10[%get3A_1573, %get3A_1574, %get3A_1575] {strides = array<i32>} : memref<2x16x128xf32, #tpu.memory_space<vmem>>, vector<1x1x16xf32>,
      %get3A_1577 = vector.shape_cast %get3A_1576 : vector<1x1x16xf32> to vector<16xf32>
      %mul3A_1578 = arith.mulf %get3A_1570, %get3A_1577 : vector<16xf32>
      %get3A_1579 = arith.constant 0 : i32
      %get3A_1580 = arith.constant 10 : i32
      %get3A_1581 = arith.index_cast %get3A_1579 : i32 to index
      %get3A_1582 = arith.index_cast %get3A_1580 : i32 to index
      %get3A_1583 = arith.constant 16 : index
      %get3A_1584 = tpu.vector_load %arg9[%get3A_1581, %get3A_1582, %get3A_1583] {strides = array<i32>} : memref<2x16x128xf32, #tpu.memory_space<vmem>>, vector<1x1x16xf32>,
      %get3A_1585 = vector.shape_cast %get3A_1584 : vector<1x1x16xf32> to vector<16xf32>
      %get3A_1586 = arith.constant 0 : i32
      %get3A_1587 = arith.constant 10 : i32
      %get3A_1588 = arith.index_cast %get3A_1586 : i32 to index
      %get3A_1589 = arith.index_cast %get3A_1587 : i32 to index
      %get3A_1590 = arith.constant 16 : index
      %get3A_1591 = tpu.vector_load %arg10[%get3A_1588, %get3A_1589, %get3A_1590] {strides = array<i32>} : memref<2x16x128xf32, #tpu.memory_space<vmem>>, vector<1x1x16xf32>,
      %get3A_1592 = vector.shape_cast %get3A_1591 : vector<1x1x16xf32> to vector<16xf32>
      %mul3A_1593 = arith.mulf %get3A_1585, %get3A_1592 : vector<16xf32>
      %get3A_1594 = arith.constant 0 : i32
      %get3A_1595 = arith.constant 10 : i32
      %get3A_1596 = arith.index_cast %get3A_1594 : i32 to index
      %get3A_1597 = arith.index_cast %get3A_1595 : i32 to index
      %get3A_1598 = arith.constant 32 : index
      %get3A_1599 = tpu.vector_load %arg9[%get3A_1596, %get3A_1597, %get3A_1598] {strides = array<i32>} : memref<2x16x128xf32, #tpu.memory_space<vmem>>, vector<1x1x16xf32>,
      %get3A_1600 = vector.shape_cast %get3A_1599 : vector<1x1x16xf32> to vector<16xf32>
      %get3A_1601 = arith.constant 0 : i32
      %get3A_1602 = arith.constant 10 : i32
      %get3A_1603 = arith.index_cast %get3A_1601 : i32 to index
      %get3A_1604 = arith.index_cast %get3A_1602 : i32 to index
      %get3A_1605 = arith.constant 32 : index
      %get3A_1606 = tpu.vector_load %arg10[%get3A_1603, %get3A_1604, %get3A_1605] {strides = array<i32>} : memref<2x16x128xf32, #tpu.memory_space<vmem>>, vector<1x1x16xf32>,
      %get3A_1607 = vector.shape_cast %get3A_1606 : vector<1x1x16xf32> to vector<16xf32>
      %mul3A_1608 = arith.mulf %get3A_1600, %get3A_1607 : vector<16xf32>
      %add3A_1609 = arith.addf %mul3A_1578, %mul3A_1608 : vector<16xf32>
      %get3A_1610 = arith.constant 0 : i32
      %get3A_1611 = arith.constant 10 : i32
      %get3A_1612 = arith.index_cast %get3A_1610 : i32 to index
      %get3A_1613 = arith.index_cast %get3A_1611 : i32 to index
      %get3A_1614 = arith.constant 48 : index
      %get3A_1615 = tpu.vector_load %arg9[%get3A_1612, %get3A_1613, %get3A_1614] {strides = array<i32>} : memref<2x16x128xf32, #tpu.memory_space<vmem>>, vector<1x1x16xf32>,
      %get3A_1616 = vector.shape_cast %get3A_1615 : vector<1x1x16xf32> to vector<16xf32>
      %get3A_1617 = arith.constant 0 : i32
      %get3A_1618 = arith.constant 10 : i32
      %get3A_1619 = arith.index_cast %get3A_1617 : i32 to index
      %get3A_1620 = arith.index_cast %get3A_1618 : i32 to index
      %get3A_1621 = arith.constant 48 : index
      %get3A_1622 = tpu.vector_load %arg10[%get3A_1619, %get3A_1620, %get3A_1621] {strides = array<i32>} : memref<2x16x128xf32, #tpu.memory_space<vmem>>, vector<1x1x16xf32>,
      %get3A_1623 = vector.shape_cast %get3A_1622 : vector<1x1x16xf32> to vector<16xf32>
      %mul3A_1624 = arith.mulf %get3A_1616, %get3A_1623 : vector<16xf32>
      %add3A_1625 = arith.addf %mul3A_1593, %mul3A_1624 : vector<16xf32>
      %get3A_1626 = arith.constant 0 : i32
      %get3A_1627 = arith.constant 10 : i32
      %get3A_1628 = arith.index_cast %get3A_1626 : i32 to index
      %get3A_1629 = arith.index_cast %get3A_1627 : i32 to index
      %get3A_1630 = arith.constant 64 : index
      %get3A_1631 = tpu.vector_load %arg9[%get3A_1628, %get3A_1629, %get3A_1630] {strides = array<i32>} : memref<2x16x128xf32, #tpu.memory_space<vmem>>, vector<1x1x16xf32>,
      %get3A_1632 = vector.shape_cast %get3A_1631 : vector<1x1x16xf32> to vector<16xf32>
      %get3A_1633 = arith.constant 0 : i32
      %get3A_1634 = arith.constant 10 : i32
      %get3A_1635 = arith.index_cast %get3A_1633 : i32 to index
      %get3A_1636 = arith.index_cast %get3A_1634 : i32 to index
      %get3A_1637 = arith.constant 64 : index
      %get3A_1638 = tpu.vector_load %arg10[%get3A_1635, %get3A_1636, %get3A_1637] {strides = array<i32>} : memref<2x16x128xf32, #tpu.memory_space<vmem>>, vector<1x1x16xf32>,
      %get3A_1639 = vector.shape_cast %get3A_1638 : vector<1x1x16xf32> to vector<16xf32>
      %mul3A_1640 = arith.mulf %get3A_1632, %get3A_1639 : vector<16xf32>
      %add3A_1641 = arith.addf %add3A_1609, %mul3A_1640 : vector<16xf32>
      %get3A_1642 = arith.constant 0 : i32
      %get3A_1643 = arith.constant 10 : i32
      %get3A_1644 = arith.index_cast %get3A_1642 : i32 to index
      %get3A_1645 = arith.index_cast %get3A_1643 : i32 to index
      %get3A_1646 = arith.constant 80 : index
      %get3A_1647 = tpu.vector_load %arg9[%get3A_1644, %get3A_1645, %get3A_1646] {strides = array<i32>} : memref<2x16x128xf32, #tpu.memory_space<vmem>>, vector<1x1x16xf32>,
      %get3A_1648 = vector.shape_cast %get3A_1647 : vector<1x1x16xf32> to vector<16xf32>
      %get3A_1649 = arith.constant 0 : i32
      %get3A_1650 = arith.constant 10 : i32
      %get3A_1651 = arith.index_cast %get3A_1649 : i32 to index
      %get3A_1652 = arith.index_cast %get3A_1650 : i32 to index
      %get3A_1653 = arith.constant 80 : index
      %get3A_1654 = tpu.vector_load %arg10[%get3A_1651, %get3A_1652, %get3A_1653] {strides = array<i32>} : memref<2x16x128xf32, #tpu.memory_space<vmem>>, vector<1x1x16xf32>,
      %get3A_1655 = vector.shape_cast %get3A_1654 : vector<1x1x16xf32> to vector<16xf32>
      %mul3A_1656 = arith.mulf %get3A_1648, %get3A_1655 : vector<16xf32>
      %add3A_1657 = arith.addf %add3A_1625, %mul3A_1656 : vector<16xf32>
      %get3A_1658 = arith.constant 0 : i32
      %get3A_1659 = arith.constant 10 : i32
      %get3A_1660 = arith.index_cast %get3A_1658 : i32 to index
      %get3A_1661 = arith.index_cast %get3A_1659 : i32 to index
      %get3A_1662 = arith.constant 96 : index
      %get3A_1663 = tpu.vector_load %arg9[%get3A_1660, %get3A_1661, %get3A_1662] {strides = array<i32>} : memref<2x16x128xf32, #tpu.memory_space<vmem>>, vector<1x1x16xf32>,
      %get3A_1664 = vector.shape_cast %get3A_1663 : vector<1x1x16xf32> to vector<16xf32>
      %get3A_1665 = arith.constant 0 : i32
      %get3A_1666 = arith.constant 10 : i32
      %get3A_1667 = arith.index_cast %get3A_1665 : i32 to index
      %get3A_1668 = arith.index_cast %get3A_1666 : i32 to index
      %get3A_1669 = arith.constant 96 : index
      %get3A_1670 = tpu.vector_load %arg10[%get3A_1667, %get3A_1668, %get3A_1669] {strides = array<i32>} : memref<2x16x128xf32, #tpu.memory_space<vmem>>, vector<1x1x16xf32>,
      %get3A_1671 = vector.shape_cast %get3A_1670 : vector<1x1x16xf32> to vector<16xf32>
      %mul3A_1672 = arith.mulf %get3A_1664, %get3A_1671 : vector<16xf32>
      %add3A_1673 = arith.addf %add3A_1641, %mul3A_1672 : vector<16xf32>
      %get3A_1674 = arith.constant 0 : i32
      %get3A_1675 = arith.constant 10 : i32
      %get3A_1676 = arith.index_cast %get3A_1674 : i32 to index
      %get3A_1677 = arith.index_cast %get3A_1675 : i32 to index
      %get3A_1678 = arith.constant 112 : index
      %get3A_1679 = tpu.vector_load %arg9[%get3A_1676, %get3A_1677, %get3A_1678] {strides = array<i32>} : memref<2x16x128xf32, #tpu.memory_space<vmem>>, vector<1x1x16xf32>,
      %get3A_1680 = vector.shape_cast %get3A_1679 : vector<1x1x16xf32> to vector<16xf32>
      %get3A_1681 = arith.constant 0 : i32
      %get3A_1682 = arith.constant 10 : i32
      %get3A_1683 = arith.index_cast %get3A_1681 : i32 to index
      %get3A_1684 = arith.index_cast %get3A_1682 : i32 to index
      %get3A_1685 = arith.constant 112 : index
      %get3A_1686 = tpu.vector_load %arg10[%get3A_1683, %get3A_1684, %get3A_1685] {strides = array<i32>} : memref<2x16x128xf32, #tpu.memory_space<vmem>>, vector<1x1x16xf32>,
      %get3A_1687 = vector.shape_cast %get3A_1686 : vector<1x1x16xf32> to vector<16xf32>
      %mul3A_1688 = arith.mulf %get3A_1680, %get3A_1687 : vector<16xf32>
      %add3A_1689 = arith.addf %add3A_1657, %mul3A_1688 : vector<16xf32>
      %add3A_1690 = arith.addf %add3A_1673, %add3A_1689 : vector<16xf32>
      %broadcast_in_dim3A_1691 = vector.shape_cast %and3A_8 : vector<16xi32> to vector<16x1xi32>
      %gather3A_1692 = vector.shape_cast %broadcast_in_dim3A_1691 : vector<16x1xi32> to vector<16xi32>
      %gather3A_1693 = tpu.dynamic_gather %add3A_1690[%gather3A_1692] in [0] : vector<16xf32>, vector<16xi32> -> vector<16xf32>
      %add3A_1694 = arith.addf %add3A_1690, %gather3A_1693 : vector<16xf32>
      %broadcast_in_dim3A_1695 = vector.shape_cast %and3A_14 : vector<16xi32> to vector<16x1xi32>
      %gather3A_1696 = vector.shape_cast %broadcast_in_dim3A_1695 : vector<16x1xi32> to vector<16xi32>
      %gather3A_1697 = tpu.dynamic_gather %add3A_1694[%gather3A_1696] in [0] : vector<16xf32>, vector<16xi32> -> vector<16xf32>
      %add3A_1698 = arith.addf %add3A_1694, %gather3A_1697 : vector<16xf32>
      %broadcast_in_dim3A_1699 = vector.shape_cast %and3A_20 : vector<16xi32> to vector<16x1xi32>
      %gather3A_1700 = vector.shape_cast %broadcast_in_dim3A_1699 : vector<16x1xi32> to vector<16xi32>
      %gather3A_1701 = tpu.dynamic_gather %add3A_1698[%gather3A_1700] in [0] : vector<16xf32>, vector<16xi32> -> vector<16xf32>
      %add3A_1702 = arith.addf %add3A_1698, %gather3A_1701 : vector<16xf32>
      %broadcast_in_dim3A_1703 = vector.shape_cast %and3A_26 : vector<16xi32> to vector<16x1xi32>
      %gather3A_1704 = vector.shape_cast %broadcast_in_dim3A_1703 : vector<16x1xi32> to vector<16xi32>
      %gather3A_1705 = tpu.dynamic_gather %add3A_1702[%gather3A_1704] in [0] : vector<16xf32>, vector<16xi32> -> vector<16xf32>
      %add3A_1706 = arith.addf %add3A_1702, %gather3A_1705 : vector<16xf32>
      %eq3A_1707 = arith.constant 10 : i32
      %eq3A_1708 = vector.broadcast %eq3A_1707 : i32 to vector<16xi32>
      %eq3A_1709 = arith.cmpi eq, %iota3A, %eq3A_1708 : vector<16xi32>
      %select_n3A_1710 = arith.select %eq3A_1709, %add3A_1706, %select_n3A_1563 : vector<16xi1>, vector<16xf32>
      %get3A_1711 = arith.constant 0 : i32
      %get3A_1712 = arith.constant 11 : i32
      %get3A_1713 = arith.index_cast %get3A_1711 : i32 to index
      %get3A_1714 = arith.index_cast %get3A_1712 : i32 to index
      %get3A_1715 = arith.constant 0 : index
      %get3A_1716 = tpu.vector_load %arg9[%get3A_1713, %get3A_1714, %get3A_1715] {strides = array<i32>} : memref<2x16x128xf32, #tpu.memory_space<vmem>>, vector<1x1x16xf32>,
      %get3A_1717 = vector.shape_cast %get3A_1716 : vector<1x1x16xf32> to vector<16xf32>
      %get3A_1718 = arith.constant 0 : i32
      %get3A_1719 = arith.constant 11 : i32
      %get3A_1720 = arith.index_cast %get3A_1718 : i32 to index
      %get3A_1721 = arith.index_cast %get3A_1719 : i32 to index
      %get3A_1722 = arith.constant 0 : index
      %get3A_1723 = tpu.vector_load %arg10[%get3A_1720, %get3A_1721, %get3A_1722] {strides = array<i32>} : memref<2x16x128xf32, #tpu.memory_space<vmem>>, vector<1x1x16xf32>,
      %get3A_1724 = vector.shape_cast %get3A_1723 : vector<1x1x16xf32> to vector<16xf32>
      %mul3A_1725 = arith.mulf %get3A_1717, %get3A_1724 : vector<16xf32>
      %get3A_1726 = arith.constant 0 : i32
      %get3A_1727 = arith.constant 11 : i32
      %get3A_1728 = arith.index_cast %get3A_1726 : i32 to index
      %get3A_1729 = arith.index_cast %get3A_1727 : i32 to index
      %get3A_1730 = arith.constant 16 : index
      %get3A_1731 = tpu.vector_load %arg9[%get3A_1728, %get3A_1729, %get3A_1730] {strides = array<i32>} : memref<2x16x128xf32, #tpu.memory_space<vmem>>, vector<1x1x16xf32>,
      %get3A_1732 = vector.shape_cast %get3A_1731 : vector<1x1x16xf32> to vector<16xf32>
      %get3A_1733 = arith.constant 0 : i32
      %get3A_1734 = arith.constant 11 : i32
      %get3A_1735 = arith.index_cast %get3A_1733 : i32 to index
      %get3A_1736 = arith.index_cast %get3A_1734 : i32 to index
      %get3A_1737 = arith.constant 16 : index
      %get3A_1738 = tpu.vector_load %arg10[%get3A_1735, %get3A_1736, %get3A_1737] {strides = array<i32>} : memref<2x16x128xf32, #tpu.memory_space<vmem>>, vector<1x1x16xf32>,
      %get3A_1739 = vector.shape_cast %get3A_1738 : vector<1x1x16xf32> to vector<16xf32>
      %mul3A_1740 = arith.mulf %get3A_1732, %get3A_1739 : vector<16xf32>
      %get3A_1741 = arith.constant 0 : i32
      %get3A_1742 = arith.constant 11 : i32
      %get3A_1743 = arith.index_cast %get3A_1741 : i32 to index
      %get3A_1744 = arith.index_cast %get3A_1742 : i32 to index
      %get3A_1745 = arith.constant 32 : index
      %get3A_1746 = tpu.vector_load %arg9[%get3A_1743, %get3A_1744, %get3A_1745] {strides = array<i32>} : memref<2x16x128xf32, #tpu.memory_space<vmem>>, vector<1x1x16xf32>,
      %get3A_1747 = vector.shape_cast %get3A_1746 : vector<1x1x16xf32> to vector<16xf32>
      %get3A_1748 = arith.constant 0 : i32
      %get3A_1749 = arith.constant 11 : i32
      %get3A_1750 = arith.index_cast %get3A_1748 : i32 to index
      %get3A_1751 = arith.index_cast %get3A_1749 : i32 to index
      %get3A_1752 = arith.constant 32 : index
      %get3A_1753 = tpu.vector_load %arg10[%get3A_1750, %get3A_1751, %get3A_1752] {strides = array<i32>} : memref<2x16x128xf32, #tpu.memory_space<vmem>>, vector<1x1x16xf32>,
      %get3A_1754 = vector.shape_cast %get3A_1753 : vector<1x1x16xf32> to vector<16xf32>
      %mul3A_1755 = arith.mulf %get3A_1747, %get3A_1754 : vector<16xf32>
      %add3A_1756 = arith.addf %mul3A_1725, %mul3A_1755 : vector<16xf32>
      %get3A_1757 = arith.constant 0 : i32
      %get3A_1758 = arith.constant 11 : i32
      %get3A_1759 = arith.index_cast %get3A_1757 : i32 to index
      %get3A_1760 = arith.index_cast %get3A_1758 : i32 to index
      %get3A_1761 = arith.constant 48 : index
      %get3A_1762 = tpu.vector_load %arg9[%get3A_1759, %get3A_1760, %get3A_1761] {strides = array<i32>} : memref<2x16x128xf32, #tpu.memory_space<vmem>>, vector<1x1x16xf32>,
      %get3A_1763 = vector.shape_cast %get3A_1762 : vector<1x1x16xf32> to vector<16xf32>
      %get3A_1764 = arith.constant 0 : i32
      %get3A_1765 = arith.constant 11 : i32
      %get3A_1766 = arith.index_cast %get3A_1764 : i32 to index
      %get3A_1767 = arith.index_cast %get3A_1765 : i32 to index
      %get3A_1768 = arith.constant 48 : index
      %get3A_1769 = tpu.vector_load %arg10[%get3A_1766, %get3A_1767, %get3A_1768] {strides = array<i32>} : memref<2x16x128xf32, #tpu.memory_space<vmem>>, vector<1x1x16xf32>,
      %get3A_1770 = vector.shape_cast %get3A_1769 : vector<1x1x16xf32> to vector<16xf32>
      %mul3A_1771 = arith.mulf %get3A_1763, %get3A_1770 : vector<16xf32>
      %add3A_1772 = arith.addf %mul3A_1740, %mul3A_1771 : vector<16xf32>
      %get3A_1773 = arith.constant 0 : i32
      %get3A_1774 = arith.constant 11 : i32
      %get3A_1775 = arith.index_cast %get3A_1773 : i32 to index
      %get3A_1776 = arith.index_cast %get3A_1774 : i32 to index
      %get3A_1777 = arith.constant 64 : index
      %get3A_1778 = tpu.vector_load %arg9[%get3A_1775, %get3A_1776, %get3A_1777] {strides = array<i32>} : memref<2x16x128xf32, #tpu.memory_space<vmem>>, vector<1x1x16xf32>,
      %get3A_1779 = vector.shape_cast %get3A_1778 : vector<1x1x16xf32> to vector<16xf32>
      %get3A_1780 = arith.constant 0 : i32
      %get3A_1781 = arith.constant 11 : i32
      %get3A_1782 = arith.index_cast %get3A_1780 : i32 to index
      %get3A_1783 = arith.index_cast %get3A_1781 : i32 to index
      %get3A_1784 = arith.constant 64 : index
      %get3A_1785 = tpu.vector_load %arg10[%get3A_1782, %get3A_1783, %get3A_1784] {strides = array<i32>} : memref<2x16x128xf32, #tpu.memory_space<vmem>>, vector<1x1x16xf32>,
      %get3A_1786 = vector.shape_cast %get3A_1785 : vector<1x1x16xf32> to vector<16xf32>
      %mul3A_1787 = arith.mulf %get3A_1779, %get3A_1786 : vector<16xf32>
      %add3A_1788 = arith.addf %add3A_1756, %mul3A_1787 : vector<16xf32>
      %get3A_1789 = arith.constant 0 : i32
      %get3A_1790 = arith.constant 11 : i32
      %get3A_1791 = arith.index_cast %get3A_1789 : i32 to index
      %get3A_1792 = arith.index_cast %get3A_1790 : i32 to index
      %get3A_1793 = arith.constant 80 : index
      %get3A_1794 = tpu.vector_load %arg9[%get3A_1791, %get3A_1792, %get3A_1793] {strides = array<i32>} : memref<2x16x128xf32, #tpu.memory_space<vmem>>, vector<1x1x16xf32>,
      %get3A_1795 = vector.shape_cast %get3A_1794 : vector<1x1x16xf32> to vector<16xf32>
      %get3A_1796 = arith.constant 0 : i32
      %get3A_1797 = arith.constant 11 : i32
      %get3A_1798 = arith.index_cast %get3A_1796 : i32 to index
      %get3A_1799 = arith.index_cast %get3A_1797 : i32 to index
      %get3A_1800 = arith.constant 80 : index
      %get3A_1801 = tpu.vector_load %arg10[%get3A_1798, %get3A_1799, %get3A_1800] {strides = array<i32>} : memref<2x16x128xf32, #tpu.memory_space<vmem>>, vector<1x1x16xf32>,
      %get3A_1802 = vector.shape_cast %get3A_1801 : vector<1x1x16xf32> to vector<16xf32>
      %mul3A_1803 = arith.mulf %get3A_1795, %get3A_1802 : vector<16xf32>
      %add3A_1804 = arith.addf %add3A_1772, %mul3A_1803 : vector<16xf32>
      %get3A_1805 = arith.constant 0 : i32
      %get3A_1806 = arith.constant 11 : i32
      %get3A_1807 = arith.index_cast %get3A_1805 : i32 to index
      %get3A_1808 = arith.index_cast %get3A_1806 : i32 to index
      %get3A_1809 = arith.constant 96 : index
      %get3A_1810 = tpu.vector_load %arg9[%get3A_1807, %get3A_1808, %get3A_1809] {strides = array<i32>} : memref<2x16x128xf32, #tpu.memory_space<vmem>>, vector<1x1x16xf32>,
      %get3A_1811 = vector.shape_cast %get3A_1810 : vector<1x1x16xf32> to vector<16xf32>
      %get3A_1812 = arith.constant 0 : i32
      %get3A_1813 = arith.constant 11 : i32
      %get3A_1814 = arith.index_cast %get3A_1812 : i32 to index
      %get3A_1815 = arith.index_cast %get3A_1813 : i32 to index
      %get3A_1816 = arith.constant 96 : index
      %get3A_1817 = tpu.vector_load %arg10[%get3A_1814, %get3A_1815, %get3A_1816] {strides = array<i32>} : memref<2x16x128xf32, #tpu.memory_space<vmem>>, vector<1x1x16xf32>,
      %get3A_1818 = vector.shape_cast %get3A_1817 : vector<1x1x16xf32> to vector<16xf32>
      %mul3A_1819 = arith.mulf %get3A_1811, %get3A_1818 : vector<16xf32>
      %add3A_1820 = arith.addf %add3A_1788, %mul3A_1819 : vector<16xf32>
      %get3A_1821 = arith.constant 0 : i32
      %get3A_1822 = arith.constant 11 : i32
      %get3A_1823 = arith.index_cast %get3A_1821 : i32 to index
      %get3A_1824 = arith.index_cast %get3A_1822 : i32 to index
      %get3A_1825 = arith.constant 112 : index
      %get3A_1826 = tpu.vector_load %arg9[%get3A_1823, %get3A_1824, %get3A_1825] {strides = array<i32>} : memref<2x16x128xf32, #tpu.memory_space<vmem>>, vector<1x1x16xf32>,
      %get3A_1827 = vector.shape_cast %get3A_1826 : vector<1x1x16xf32> to vector<16xf32>
      %get3A_1828 = arith.constant 0 : i32
      %get3A_1829 = arith.constant 11 : i32
      %get3A_1830 = arith.index_cast %get3A_1828 : i32 to index
      %get3A_1831 = arith.index_cast %get3A_1829 : i32 to index
      %get3A_1832 = arith.constant 112 : index
      %get3A_1833 = tpu.vector_load %arg10[%get3A_1830, %get3A_1831, %get3A_1832] {strides = array<i32>} : memref<2x16x128xf32, #tpu.memory_space<vmem>>, vector<1x1x16xf32>,
      %get3A_1834 = vector.shape_cast %get3A_1833 : vector<1x1x16xf32> to vector<16xf32>
      %mul3A_1835 = arith.mulf %get3A_1827, %get3A_1834 : vector<16xf32>
      %add3A_1836 = arith.addf %add3A_1804, %mul3A_1835 : vector<16xf32>
      %add3A_1837 = arith.addf %add3A_1820, %add3A_1836 : vector<16xf32>
      %broadcast_in_dim3A_1838 = vector.shape_cast %and3A_8 : vector<16xi32> to vector<16x1xi32>
      %gather3A_1839 = vector.shape_cast %broadcast_in_dim3A_1838 : vector<16x1xi32> to vector<16xi32>
      %gather3A_1840 = tpu.dynamic_gather %add3A_1837[%gather3A_1839] in [0] : vector<16xf32>, vector<16xi32> -> vector<16xf32>
      %add3A_1841 = arith.addf %add3A_1837, %gather3A_1840 : vector<16xf32>
      %broadcast_in_dim3A_1842 = vector.shape_cast %and3A_14 : vector<16xi32> to vector<16x1xi32>
      %gather3A_1843 = vector.shape_cast %broadcast_in_dim3A_1842 : vector<16x1xi32> to vector<16xi32>
      %gather3A_1844 = tpu.dynamic_gather %add3A_1841[%gather3A_1843] in [0] : vector<16xf32>, vector<16xi32> -> vector<16xf32>
      %add3A_1845 = arith.addf %add3A_1841, %gather3A_1844 : vector<16xf32>
      %broadcast_in_dim3A_1846 = vector.shape_cast %and3A_20 : vector<16xi32> to vector<16x1xi32>
      %gather3A_1847 = vector.shape_cast %broadcast_in_dim3A_1846 : vector<16x1xi32> to vector<16xi32>
      %gather3A_1848 = tpu.dynamic_gather %add3A_1845[%gather3A_1847] in [0] : vector<16xf32>, vector<16xi32> -> vector<16xf32>
      %add3A_1849 = arith.addf %add3A_1845, %gather3A_1848 : vector<16xf32>
      %broadcast_in_dim3A_1850 = vector.shape_cast %and3A_26 : vector<16xi32> to vector<16x1xi32>
      %gather3A_1851 = vector.shape_cast %broadcast_in_dim3A_1850 : vector<16x1xi32> to vector<16xi32>
      %gather3A_1852 = tpu.dynamic_gather %add3A_1849[%gather3A_1851] in [0] : vector<16xf32>, vector<16xi32> -> vector<16xf32>
      %add3A_1853 = arith.addf %add3A_1849, %gather3A_1852 : vector<16xf32>
      %eq3A_1854 = arith.constant 11 : i32
      %eq3A_1855 = vector.broadcast %eq3A_1854 : i32 to vector<16xi32>
      %eq3A_1856 = arith.cmpi eq, %iota3A, %eq3A_1855 : vector<16xi32>
      %select_n3A_1857 = arith.select %eq3A_1856, %add3A_1853, %select_n3A_1710 : vector<16xi1>, vector<16xf32>
      %get3A_1858 = arith.constant 0 : i32
      %get3A_1859 = arith.constant 12 : i32
      %get3A_1860 = arith.index_cast %get3A_1858 : i32 to index
      %get3A_1861 = arith.index_cast %get3A_1859 : i32 to index
      %get3A_1862 = arith.constant 0 : index
      %get3A_1863 = tpu.vector_load %arg9[%get3A_1860, %get3A_1861, %get3A_1862] {strides = array<i32>} : memref<2x16x128xf32, #tpu.memory_space<vmem>>, vector<1x1x16xf32>,
      %get3A_1864 = vector.shape_cast %get3A_1863 : vector<1x1x16xf32> to vector<16xf32>
      %get3A_1865 = arith.constant 0 : i32
      %get3A_1866 = arith.constant 12 : i32
      %get3A_1867 = arith.index_cast %get3A_1865 : i32 to index
      %get3A_1868 = arith.index_cast %get3A_1866 : i32 to index
      %get3A_1869 = arith.constant 0 : index
      %get3A_1870 = tpu.vector_load %arg10[%get3A_1867, %get3A_1868, %get3A_1869] {strides = array<i32>} : memref<2x16x128xf32, #tpu.memory_space<vmem>>, vector<1x1x16xf32>,
      %get3A_1871 = vector.shape_cast %get3A_1870 : vector<1x1x16xf32> to vector<16xf32>
      %mul3A_1872 = arith.mulf %get3A_1864, %get3A_1871 : vector<16xf32>
      %get3A_1873 = arith.constant 0 : i32
      %get3A_1874 = arith.constant 12 : i32
      %get3A_1875 = arith.index_cast %get3A_1873 : i32 to index
      %get3A_1876 = arith.index_cast %get3A_1874 : i32 to index
      %get3A_1877 = arith.constant 16 : index
      %get3A_1878 = tpu.vector_load %arg9[%get3A_1875, %get3A_1876, %get3A_1877] {strides = array<i32>} : memref<2x16x128xf32, #tpu.memory_space<vmem>>, vector<1x1x16xf32>,
      %get3A_1879 = vector.shape_cast %get3A_1878 : vector<1x1x16xf32> to vector<16xf32>
      %get3A_1880 = arith.constant 0 : i32
      %get3A_1881 = arith.constant 12 : i32
      %get3A_1882 = arith.index_cast %get3A_1880 : i32 to index
      %get3A_1883 = arith.index_cast %get3A_1881 : i32 to index
      %get3A_1884 = arith.constant 16 : index
      %get3A_1885 = tpu.vector_load %arg10[%get3A_1882, %get3A_1883, %get3A_1884] {strides = array<i32>} : memref<2x16x128xf32, #tpu.memory_space<vmem>>, vector<1x1x16xf32>,
      %get3A_1886 = vector.shape_cast %get3A_1885 : vector<1x1x16xf32> to vector<16xf32>
      %mul3A_1887 = arith.mulf %get3A_1879, %get3A_1886 : vector<16xf32>
      %get3A_1888 = arith.constant 0 : i32
      %get3A_1889 = arith.constant 12 : i32
      %get3A_1890 = arith.index_cast %get3A_1888 : i32 to index
      %get3A_1891 = arith.index_cast %get3A_1889 : i32 to index
      %get3A_1892 = arith.constant 32 : index
      %get3A_1893 = tpu.vector_load %arg9[%get3A_1890, %get3A_1891, %get3A_1892] {strides = array<i32>} : memref<2x16x128xf32, #tpu.memory_space<vmem>>, vector<1x1x16xf32>,
      %get3A_1894 = vector.shape_cast %get3A_1893 : vector<1x1x16xf32> to vector<16xf32>
      %get3A_1895 = arith.constant 0 : i32
      %get3A_1896 = arith.constant 12 : i32
      %get3A_1897 = arith.index_cast %get3A_1895 : i32 to index
      %get3A_1898 = arith.index_cast %get3A_1896 : i32 to index
      %get3A_1899 = arith.constant 32 : index
      %get3A_1900 = tpu.vector_load %arg10[%get3A_1897, %get3A_1898, %get3A_1899] {strides = array<i32>} : memref<2x16x128xf32, #tpu.memory_space<vmem>>, vector<1x1x16xf32>,
      %get3A_1901 = vector.shape_cast %get3A_1900 : vector<1x1x16xf32> to vector<16xf32>
      %mul3A_1902 = arith.mulf %get3A_1894, %get3A_1901 : vector<16xf32>
      %add3A_1903 = arith.addf %mul3A_1872, %mul3A_1902 : vector<16xf32>
      %get3A_1904 = arith.constant 0 : i32
      %get3A_1905 = arith.constant 12 : i32
      %get3A_1906 = arith.index_cast %get3A_1904 : i32 to index
      %get3A_1907 = arith.index_cast %get3A_1905 : i32 to index
      %get3A_1908 = arith.constant 48 : index
      %get3A_1909 = tpu.vector_load %arg9[%get3A_1906, %get3A_1907, %get3A_1908] {strides = array<i32>} : memref<2x16x128xf32, #tpu.memory_space<vmem>>, vector<1x1x16xf32>,
      %get3A_1910 = vector.shape_cast %get3A_1909 : vector<1x1x16xf32> to vector<16xf32>
      %get3A_1911 = arith.constant 0 : i32
      %get3A_1912 = arith.constant 12 : i32
      %get3A_1913 = arith.index_cast %get3A_1911 : i32 to index
      %get3A_1914 = arith.index_cast %get3A_1912 : i32 to index
      %get3A_1915 = arith.constant 48 : index
      %get3A_1916 = tpu.vector_load %arg10[%get3A_1913, %get3A_1914, %get3A_1915] {strides = array<i32>} : memref<2x16x128xf32, #tpu.memory_space<vmem>>, vector<1x1x16xf32>,
      %get3A_1917 = vector.shape_cast %get3A_1916 : vector<1x1x16xf32> to vector<16xf32>
      %mul3A_1918 = arith.mulf %get3A_1910, %get3A_1917 : vector<16xf32>
      %add3A_1919 = arith.addf %mul3A_1887, %mul3A_1918 : vector<16xf32>
      %get3A_1920 = arith.constant 0 : i32
      %get3A_1921 = arith.constant 12 : i32
      %get3A_1922 = arith.index_cast %get3A_1920 : i32 to index
      %get3A_1923 = arith.index_cast %get3A_1921 : i32 to index
      %get3A_1924 = arith.constant 64 : index
      %get3A_1925 = tpu.vector_load %arg9[%get3A_1922, %get3A_1923, %get3A_1924] {strides = array<i32>} : memref<2x16x128xf32, #tpu.memory_space<vmem>>, vector<1x1x16xf32>,
      %get3A_1926 = vector.shape_cast %get3A_1925 : vector<1x1x16xf32> to vector<16xf32>
      %get3A_1927 = arith.constant 0 : i32
      %get3A_1928 = arith.constant 12 : i32
      %get3A_1929 = arith.index_cast %get3A_1927 : i32 to index
      %get3A_1930 = arith.index_cast %get3A_1928 : i32 to index
      %get3A_1931 = arith.constant 64 : index
      %get3A_1932 = tpu.vector_load %arg10[%get3A_1929, %get3A_1930, %get3A_1931] {strides = array<i32>} : memref<2x16x128xf32, #tpu.memory_space<vmem>>, vector<1x1x16xf32>,
      %get3A_1933 = vector.shape_cast %get3A_1932 : vector<1x1x16xf32> to vector<16xf32>
      %mul3A_1934 = arith.mulf %get3A_1926, %get3A_1933 : vector<16xf32>
      %add3A_1935 = arith.addf %add3A_1903, %mul3A_1934 : vector<16xf32>
      %get3A_1936 = arith.constant 0 : i32
      %get3A_1937 = arith.constant 12 : i32
      %get3A_1938 = arith.index_cast %get3A_1936 : i32 to index
      %get3A_1939 = arith.index_cast %get3A_1937 : i32 to index
      %get3A_1940 = arith.constant 80 : index
      %get3A_1941 = tpu.vector_load %arg9[%get3A_1938, %get3A_1939, %get3A_1940] {strides = array<i32>} : memref<2x16x128xf32, #tpu.memory_space<vmem>>, vector<1x1x16xf32>,
      %get3A_1942 = vector.shape_cast %get3A_1941 : vector<1x1x16xf32> to vector<16xf32>
      %get3A_1943 = arith.constant 0 : i32
      %get3A_1944 = arith.constant 12 : i32
      %get3A_1945 = arith.index_cast %get3A_1943 : i32 to index
      %get3A_1946 = arith.index_cast %get3A_1944 : i32 to index
      %get3A_1947 = arith.constant 80 : index
      %get3A_1948 = tpu.vector_load %arg10[%get3A_1945, %get3A_1946, %get3A_1947] {strides = array<i32>} : memref<2x16x128xf32, #tpu.memory_space<vmem>>, vector<1x1x16xf32>,
      %get3A_1949 = vector.shape_cast %get3A_1948 : vector<1x1x16xf32> to vector<16xf32>
      %mul3A_1950 = arith.mulf %get3A_1942, %get3A_1949 : vector<16xf32>
      %add3A_1951 = arith.addf %add3A_1919, %mul3A_1950 : vector<16xf32>
      %get3A_1952 = arith.constant 0 : i32
      %get3A_1953 = arith.constant 12 : i32
      %get3A_1954 = arith.index_cast %get3A_1952 : i32 to index
      %get3A_1955 = arith.index_cast %get3A_1953 : i32 to index
      %get3A_1956 = arith.constant 96 : index
      %get3A_1957 = tpu.vector_load %arg9[%get3A_1954, %get3A_1955, %get3A_1956] {strides = array<i32>} : memref<2x16x128xf32, #tpu.memory_space<vmem>>, vector<1x1x16xf32>,
      %get3A_1958 = vector.shape_cast %get3A_1957 : vector<1x1x16xf32> to vector<16xf32>
      %get3A_1959 = arith.constant 0 : i32
      %get3A_1960 = arith.constant 12 : i32
      %get3A_1961 = arith.index_cast %get3A_1959 : i32 to index
      %get3A_1962 = arith.index_cast %get3A_1960 : i32 to index
      %get3A_1963 = arith.constant 96 : index
      %get3A_1964 = tpu.vector_load %arg10[%get3A_1961, %get3A_1962, %get3A_1963] {strides = array<i32>} : memref<2x16x128xf32, #tpu.memory_space<vmem>>, vector<1x1x16xf32>,
      %get3A_1965 = vector.shape_cast %get3A_1964 : vector<1x1x16xf32> to vector<16xf32>
      %mul3A_1966 = arith.mulf %get3A_1958, %get3A_1965 : vector<16xf32>
      %add3A_1967 = arith.addf %add3A_1935, %mul3A_1966 : vector<16xf32>
      %get3A_1968 = arith.constant 0 : i32
      %get3A_1969 = arith.constant 12 : i32
      %get3A_1970 = arith.index_cast %get3A_1968 : i32 to index
      %get3A_1971 = arith.index_cast %get3A_1969 : i32 to index
      %get3A_1972 = arith.constant 112 : index
      %get3A_1973 = tpu.vector_load %arg9[%get3A_1970, %get3A_1971, %get3A_1972] {strides = array<i32>} : memref<2x16x128xf32, #tpu.memory_space<vmem>>, vector<1x1x16xf32>,
      %get3A_1974 = vector.shape_cast %get3A_1973 : vector<1x1x16xf32> to vector<16xf32>
      %get3A_1975 = arith.constant 0 : i32
      %get3A_1976 = arith.constant 12 : i32
      %get3A_1977 = arith.index_cast %get3A_1975 : i32 to index
      %get3A_1978 = arith.index_cast %get3A_1976 : i32 to index
      %get3A_1979 = arith.constant 112 : index
      %get3A_1980 = tpu.vector_load %arg10[%get3A_1977, %get3A_1978, %get3A_1979] {strides = array<i32>} : memref<2x16x128xf32, #tpu.memory_space<vmem>>, vector<1x1x16xf32>,
      %get3A_1981 = vector.shape_cast %get3A_1980 : vector<1x1x16xf32> to vector<16xf32>
      %mul3A_1982 = arith.mulf %get3A_1974, %get3A_1981 : vector<16xf32>
      %add3A_1983 = arith.addf %add3A_1951, %mul3A_1982 : vector<16xf32>
      %add3A_1984 = arith.addf %add3A_1967, %add3A_1983 : vector<16xf32>
      %broadcast_in_dim3A_1985 = vector.shape_cast %and3A_8 : vector<16xi32> to vector<16x1xi32>
      %gather3A_1986 = vector.shape_cast %broadcast_in_dim3A_1985 : vector<16x1xi32> to vector<16xi32>
      %gather3A_1987 = tpu.dynamic_gather %add3A_1984[%gather3A_1986] in [0] : vector<16xf32>, vector<16xi32> -> vector<16xf32>
      %add3A_1988 = arith.addf %add3A_1984, %gather3A_1987 : vector<16xf32>
      %broadcast_in_dim3A_1989 = vector.shape_cast %and3A_14 : vector<16xi32> to vector<16x1xi32>
      %gather3A_1990 = vector.shape_cast %broadcast_in_dim3A_1989 : vector<16x1xi32> to vector<16xi32>
      %gather3A_1991 = tpu.dynamic_gather %add3A_1988[%gather3A_1990] in [0] : vector<16xf32>, vector<16xi32> -> vector<16xf32>
      %add3A_1992 = arith.addf %add3A_1988, %gather3A_1991 : vector<16xf32>
      %broadcast_in_dim3A_1993 = vector.shape_cast %and3A_20 : vector<16xi32> to vector<16x1xi32>
      %gather3A_1994 = vector.shape_cast %broadcast_in_dim3A_1993 : vector<16x1xi32> to vector<16xi32>
      %gather3A_1995 = tpu.dynamic_gather %add3A_1992[%gather3A_1994] in [0] : vector<16xf32>, vector<16xi32> -> vector<16xf32>
      %add3A_1996 = arith.addf %add3A_1992, %gather3A_1995 : vector<16xf32>
      %broadcast_in_dim3A_1997 = vector.shape_cast %and3A_26 : vector<16xi32> to vector<16x1xi32>
      %gather3A_1998 = vector.shape_cast %broadcast_in_dim3A_1997 : vector<16x1xi32> to vector<16xi32>
      %gather3A_1999 = tpu.dynamic_gather %add3A_1996[%gather3A_1998] in [0] : vector<16xf32>, vector<16xi32> -> vector<16xf32>
      %add3A_2000 = arith.addf %add3A_1996, %gather3A_1999 : vector<16xf32>
      %eq3A_2001 = arith.constant 12 : i32
      %eq3A_2002 = vector.broadcast %eq3A_2001 : i32 to vector<16xi32>
      %eq3A_2003 = arith.cmpi eq, %iota3A, %eq3A_2002 : vector<16xi32>
      %select_n3A_2004 = arith.select %eq3A_2003, %add3A_2000, %select_n3A_1857 : vector<16xi1>, vector<16xf32>
      %get3A_2005 = arith.constant 0 : i32
      %get3A_2006 = arith.constant 13 : i32
      %get3A_2007 = arith.index_cast %get3A_2005 : i32 to index
      %get3A_2008 = arith.index_cast %get3A_2006 : i32 to index
      %get3A_2009 = arith.constant 0 : index
      %get3A_2010 = tpu.vector_load %arg9[%get3A_2007, %get3A_2008, %get3A_2009] {strides = array<i32>} : memref<2x16x128xf32, #tpu.memory_space<vmem>>, vector<1x1x16xf32>,
      %get3A_2011 = vector.shape_cast %get3A_2010 : vector<1x1x16xf32> to vector<16xf32>
      %get3A_2012 = arith.constant 0 : i32
      %get3A_2013 = arith.constant 13 : i32
      %get3A_2014 = arith.index_cast %get3A_2012 : i32 to index
      %get3A_2015 = arith.index_cast %get3A_2013 : i32 to index
      %get3A_2016 = arith.constant 0 : index
      %get3A_2017 = tpu.vector_load %arg10[%get3A_2014, %get3A_2015, %get3A_2016] {strides = array<i32>} : memref<2x16x128xf32, #tpu.memory_space<vmem>>, vector<1x1x16xf32>,
      %get3A_2018 = vector.shape_cast %get3A_2017 : vector<1x1x16xf32> to vector<16xf32>
      %mul3A_2019 = arith.mulf %get3A_2011, %get3A_2018 : vector<16xf32>
      %get3A_2020 = arith.constant 0 : i32
      %get3A_2021 = arith.constant 13 : i32
      %get3A_2022 = arith.index_cast %get3A_2020 : i32 to index
      %get3A_2023 = arith.index_cast %get3A_2021 : i32 to index
      %get3A_2024 = arith.constant 16 : index
      %get3A_2025 = tpu.vector_load %arg9[%get3A_2022, %get3A_2023, %get3A_2024] {strides = array<i32>} : memref<2x16x128xf32, #tpu.memory_space<vmem>>, vector<1x1x16xf32>,
      %get3A_2026 = vector.shape_cast %get3A_2025 : vector<1x1x16xf32> to vector<16xf32>
      %get3A_2027 = arith.constant 0 : i32
      %get3A_2028 = arith.constant 13 : i32
      %get3A_2029 = arith.index_cast %get3A_2027 : i32 to index
      %get3A_2030 = arith.index_cast %get3A_2028 : i32 to index
      %get3A_2031 = arith.constant 16 : index
      %get3A_2032 = tpu.vector_load %arg10[%get3A_2029, %get3A_2030, %get3A_2031] {strides = array<i32>} : memref<2x16x128xf32, #tpu.memory_space<vmem>>, vector<1x1x16xf32>,
      %get3A_2033 = vector.shape_cast %get3A_2032 : vector<1x1x16xf32> to vector<16xf32>
      %mul3A_2034 = arith.mulf %get3A_2026, %get3A_2033 : vector<16xf32>
      %get3A_2035 = arith.constant 0 : i32
      %get3A_2036 = arith.constant 13 : i32
      %get3A_2037 = arith.index_cast %get3A_2035 : i32 to index
      %get3A_2038 = arith.index_cast %get3A_2036 : i32 to index
      %get3A_2039 = arith.constant 32 : index
      %get3A_2040 = tpu.vector_load %arg9[%get3A_2037, %get3A_2038, %get3A_2039] {strides = array<i32>} : memref<2x16x128xf32, #tpu.memory_space<vmem>>, vector<1x1x16xf32>,
      %get3A_2041 = vector.shape_cast %get3A_2040 : vector<1x1x16xf32> to vector<16xf32>
      %get3A_2042 = arith.constant 0 : i32
      %get3A_2043 = arith.constant 13 : i32
      %get3A_2044 = arith.index_cast %get3A_2042 : i32 to index
      %get3A_2045 = arith.index_cast %get3A_2043 : i32 to index
      %get3A_2046 = arith.constant 32 : index
      %get3A_2047 = tpu.vector_load %arg10[%get3A_2044, %get3A_2045, %get3A_2046] {strides = array<i32>} : memref<2x16x128xf32, #tpu.memory_space<vmem>>, vector<1x1x16xf32>,
      %get3A_2048 = vector.shape_cast %get3A_2047 : vector<1x1x16xf32> to vector<16xf32>
      %mul3A_2049 = arith.mulf %get3A_2041, %get3A_2048 : vector<16xf32>
      %add3A_2050 = arith.addf %mul3A_2019, %mul3A_2049 : vector<16xf32>
      %get3A_2051 = arith.constant 0 : i32
      %get3A_2052 = arith.constant 13 : i32
      %get3A_2053 = arith.index_cast %get3A_2051 : i32 to index
      %get3A_2054 = arith.index_cast %get3A_2052 : i32 to index
      %get3A_2055 = arith.constant 48 : index
      %get3A_2056 = tpu.vector_load %arg9[%get3A_2053, %get3A_2054, %get3A_2055] {strides = array<i32>} : memref<2x16x128xf32, #tpu.memory_space<vmem>>, vector<1x1x16xf32>,
      %get3A_2057 = vector.shape_cast %get3A_2056 : vector<1x1x16xf32> to vector<16xf32>
      %get3A_2058 = arith.constant 0 : i32
      %get3A_2059 = arith.constant 13 : i32
      %get3A_2060 = arith.index_cast %get3A_2058 : i32 to index
      %get3A_2061 = arith.index_cast %get3A_2059 : i32 to index
      %get3A_2062 = arith.constant 48 : index
      %get3A_2063 = tpu.vector_load %arg10[%get3A_2060, %get3A_2061, %get3A_2062] {strides = array<i32>} : memref<2x16x128xf32, #tpu.memory_space<vmem>>, vector<1x1x16xf32>,
      %get3A_2064 = vector.shape_cast %get3A_2063 : vector<1x1x16xf32> to vector<16xf32>
      %mul3A_2065 = arith.mulf %get3A_2057, %get3A_2064 : vector<16xf32>
      %add3A_2066 = arith.addf %mul3A_2034, %mul3A_2065 : vector<16xf32>
      %get3A_2067 = arith.constant 0 : i32
      %get3A_2068 = arith.constant 13 : i32
      %get3A_2069 = arith.index_cast %get3A_2067 : i32 to index
      %get3A_2070 = arith.index_cast %get3A_2068 : i32 to index
      %get3A_2071 = arith.constant 64 : index
      %get3A_2072 = tpu.vector_load %arg9[%get3A_2069, %get3A_2070, %get3A_2071] {strides = array<i32>} : memref<2x16x128xf32, #tpu.memory_space<vmem>>, vector<1x1x16xf32>,
      %get3A_2073 = vector.shape_cast %get3A_2072 : vector<1x1x16xf32> to vector<16xf32>
      %get3A_2074 = arith.constant 0 : i32
      %get3A_2075 = arith.constant 13 : i32
      %get3A_2076 = arith.index_cast %get3A_2074 : i32 to index
      %get3A_2077 = arith.index_cast %get3A_2075 : i32 to index
      %get3A_2078 = arith.constant 64 : index
      %get3A_2079 = tpu.vector_load %arg10[%get3A_2076, %get3A_2077, %get3A_2078] {strides = array<i32>} : memref<2x16x128xf32, #tpu.memory_space<vmem>>, vector<1x1x16xf32>,
      %get3A_2080 = vector.shape_cast %get3A_2079 : vector<1x1x16xf32> to vector<16xf32>
      %mul3A_2081 = arith.mulf %get3A_2073, %get3A_2080 : vector<16xf32>
      %add3A_2082 = arith.addf %add3A_2050, %mul3A_2081 : vector<16xf32>
      %get3A_2083 = arith.constant 0 : i32
      %get3A_2084 = arith.constant 13 : i32
      %get3A_2085 = arith.index_cast %get3A_2083 : i32 to index
      %get3A_2086 = arith.index_cast %get3A_2084 : i32 to index
      %get3A_2087 = arith.constant 80 : index
      %get3A_2088 = tpu.vector_load %arg9[%get3A_2085, %get3A_2086, %get3A_2087] {strides = array<i32>} : memref<2x16x128xf32, #tpu.memory_space<vmem>>, vector<1x1x16xf32>,
      %get3A_2089 = vector.shape_cast %get3A_2088 : vector<1x1x16xf32> to vector<16xf32>
      %get3A_2090 = arith.constant 0 : i32
      %get3A_2091 = arith.constant 13 : i32
      %get3A_2092 = arith.index_cast %get3A_2090 : i32 to index
      %get3A_2093 = arith.index_cast %get3A_2091 : i32 to index
      %get3A_2094 = arith.constant 80 : index
      %get3A_2095 = tpu.vector_load %arg10[%get3A_2092, %get3A_2093, %get3A_2094] {strides = array<i32>} : memref<2x16x128xf32, #tpu.memory_space<vmem>>, vector<1x1x16xf32>,
      %get3A_2096 = vector.shape_cast %get3A_2095 : vector<1x1x16xf32> to vector<16xf32>
      %mul3A_2097 = arith.mulf %get3A_2089, %get3A_2096 : vector<16xf32>
      %add3A_2098 = arith.addf %add3A_2066, %mul3A_2097 : vector<16xf32>
      %get3A_2099 = arith.constant 0 : i32
      %get3A_2100 = arith.constant 13 : i32
      %get3A_2101 = arith.index_cast %get3A_2099 : i32 to index
      %get3A_2102 = arith.index_cast %get3A_2100 : i32 to index
      %get3A_2103 = arith.constant 96 : index
      %get3A_2104 = tpu.vector_load %arg9[%get3A_2101, %get3A_2102, %get3A_2103] {strides = array<i32>} : memref<2x16x128xf32, #tpu.memory_space<vmem>>, vector<1x1x16xf32>,
      %get3A_2105 = vector.shape_cast %get3A_2104 : vector<1x1x16xf32> to vector<16xf32>
      %get3A_2106 = arith.constant 0 : i32
      %get3A_2107 = arith.constant 13 : i32
      %get3A_2108 = arith.index_cast %get3A_2106 : i32 to index
      %get3A_2109 = arith.index_cast %get3A_2107 : i32 to index
      %get3A_2110 = arith.constant 96 : index
      %get3A_2111 = tpu.vector_load %arg10[%get3A_2108, %get3A_2109, %get3A_2110] {strides = array<i32>} : memref<2x16x128xf32, #tpu.memory_space<vmem>>, vector<1x1x16xf32>,
      %get3A_2112 = vector.shape_cast %get3A_2111 : vector<1x1x16xf32> to vector<16xf32>
      %mul3A_2113 = arith.mulf %get3A_2105, %get3A_2112 : vector<16xf32>
      %add3A_2114 = arith.addf %add3A_2082, %mul3A_2113 : vector<16xf32>
      %get3A_2115 = arith.constant 0 : i32
      %get3A_2116 = arith.constant 13 : i32
      %get3A_2117 = arith.index_cast %get3A_2115 : i32 to index
      %get3A_2118 = arith.index_cast %get3A_2116 : i32 to index
      %get3A_2119 = arith.constant 112 : index
      %get3A_2120 = tpu.vector_load %arg9[%get3A_2117, %get3A_2118, %get3A_2119] {strides = array<i32>} : memref<2x16x128xf32, #tpu.memory_space<vmem>>, vector<1x1x16xf32>,
      %get3A_2121 = vector.shape_cast %get3A_2120 : vector<1x1x16xf32> to vector<16xf32>
      %get3A_2122 = arith.constant 0 : i32
      %get3A_2123 = arith.constant 13 : i32
      %get3A_2124 = arith.index_cast %get3A_2122 : i32 to index
      %get3A_2125 = arith.index_cast %get3A_2123 : i32 to index
      %get3A_2126 = arith.constant 112 : index
      %get3A_2127 = tpu.vector_load %arg10[%get3A_2124, %get3A_2125, %get3A_2126] {strides = array<i32>} : memref<2x16x128xf32, #tpu.memory_space<vmem>>, vector<1x1x16xf32>,
      %get3A_2128 = vector.shape_cast %get3A_2127 : vector<1x1x16xf32> to vector<16xf32>
      %mul3A_2129 = arith.mulf %get3A_2121, %get3A_2128 : vector<16xf32>
      %add3A_2130 = arith.addf %add3A_2098, %mul3A_2129 : vector<16xf32>
      %add3A_2131 = arith.addf %add3A_2114, %add3A_2130 : vector<16xf32>
      %broadcast_in_dim3A_2132 = vector.shape_cast %and3A_8 : vector<16xi32> to vector<16x1xi32>
      %gather3A_2133 = vector.shape_cast %broadcast_in_dim3A_2132 : vector<16x1xi32> to vector<16xi32>
      %gather3A_2134 = tpu.dynamic_gather %add3A_2131[%gather3A_2133] in [0] : vector<16xf32>, vector<16xi32> -> vector<16xf32>
      %add3A_2135 = arith.addf %add3A_2131, %gather3A_2134 : vector<16xf32>
      %broadcast_in_dim3A_2136 = vector.shape_cast %and3A_14 : vector<16xi32> to vector<16x1xi32>
      %gather3A_2137 = vector.shape_cast %broadcast_in_dim3A_2136 : vector<16x1xi32> to vector<16xi32>
      %gather3A_2138 = tpu.dynamic_gather %add3A_2135[%gather3A_2137] in [0] : vector<16xf32>, vector<16xi32> -> vector<16xf32>
      %add3A_2139 = arith.addf %add3A_2135, %gather3A_2138 : vector<16xf32>
      %broadcast_in_dim3A_2140 = vector.shape_cast %and3A_20 : vector<16xi32> to vector<16x1xi32>
      %gather3A_2141 = vector.shape_cast %broadcast_in_dim3A_2140 : vector<16x1xi32> to vector<16xi32>
      %gather3A_2142 = tpu.dynamic_gather %add3A_2139[%gather3A_2141] in [0] : vector<16xf32>, vector<16xi32> -> vector<16xf32>
      %add3A_2143 = arith.addf %add3A_2139, %gather3A_2142 : vector<16xf32>
      %broadcast_in_dim3A_2144 = vector.shape_cast %and3A_26 : vector<16xi32> to vector<16x1xi32>
      %gather3A_2145 = vector.shape_cast %broadcast_in_dim3A_2144 : vector<16x1xi32> to vector<16xi32>
      %gather3A_2146 = tpu.dynamic_gather %add3A_2143[%gather3A_2145] in [0] : vector<16xf32>, vector<16xi32> -> vector<16xf32>
      %add3A_2147 = arith.addf %add3A_2143, %gather3A_2146 : vector<16xf32>
      %eq3A_2148 = arith.constant 13 : i32
      %eq3A_2149 = vector.broadcast %eq3A_2148 : i32 to vector<16xi32>
      %eq3A_2150 = arith.cmpi eq, %iota3A, %eq3A_2149 : vector<16xi32>
      %select_n3A_2151 = arith.select %eq3A_2150, %add3A_2147, %select_n3A_2004 : vector<16xi1>, vector<16xf32>
      %get3A_2152 = arith.constant 0 : i32
      %get3A_2153 = arith.constant 14 : i32
      %get3A_2154 = arith.index_cast %get3A_2152 : i32 to index
      %get3A_2155 = arith.index_cast %get3A_2153 : i32 to index
      %get3A_2156 = arith.constant 0 : index
      %get3A_2157 = tpu.vector_load %arg9[%get3A_2154, %get3A_2155, %get3A_2156] {strides = array<i32>} : memref<2x16x128xf32, #tpu.memory_space<vmem>>, vector<1x1x16xf32>,
      %get3A_2158 = vector.shape_cast %get3A_2157 : vector<1x1x16xf32> to vector<16xf32>
      %get3A_2159 = arith.constant 0 : i32
      %get3A_2160 = arith.constant 14 : i32
      %get3A_2161 = arith.index_cast %get3A_2159 : i32 to index
      %get3A_2162 = arith.index_cast %get3A_2160 : i32 to index
      %get3A_2163 = arith.constant 0 : index
      %get3A_2164 = tpu.vector_load %arg10[%get3A_2161, %get3A_2162, %get3A_2163] {strides = array<i32>} : memref<2x16x128xf32, #tpu.memory_space<vmem>>, vector<1x1x16xf32>,
      %get3A_2165 = vector.shape_cast %get3A_2164 : vector<1x1x16xf32> to vector<16xf32>
      %mul3A_2166 = arith.mulf %get3A_2158, %get3A_2165 : vector<16xf32>
      %get3A_2167 = arith.constant 0 : i32
      %get3A_2168 = arith.constant 14 : i32
      %get3A_2169 = arith.index_cast %get3A_2167 : i32 to index
      %get3A_2170 = arith.index_cast %get3A_2168 : i32 to index
      %get3A_2171 = arith.constant 16 : index
      %get3A_2172 = tpu.vector_load %arg9[%get3A_2169, %get3A_2170, %get3A_2171] {strides = array<i32>} : memref<2x16x128xf32, #tpu.memory_space<vmem>>, vector<1x1x16xf32>,
      %get3A_2173 = vector.shape_cast %get3A_2172 : vector<1x1x16xf32> to vector<16xf32>
      %get3A_2174 = arith.constant 0 : i32
      %get3A_2175 = arith.constant 14 : i32
      %get3A_2176 = arith.index_cast %get3A_2174 : i32 to index
      %get3A_2177 = arith.index_cast %get3A_2175 : i32 to index
      %get3A_2178 = arith.constant 16 : index
      %get3A_2179 = tpu.vector_load %arg10[%get3A_2176, %get3A_2177, %get3A_2178] {strides = array<i32>} : memref<2x16x128xf32, #tpu.memory_space<vmem>>, vector<1x1x16xf32>,
      %get3A_2180 = vector.shape_cast %get3A_2179 : vector<1x1x16xf32> to vector<16xf32>
      %mul3A_2181 = arith.mulf %get3A_2173, %get3A_2180 : vector<16xf32>
      %get3A_2182 = arith.constant 0 : i32
      %get3A_2183 = arith.constant 14 : i32
      %get3A_2184 = arith.index_cast %get3A_2182 : i32 to index
      %get3A_2185 = arith.index_cast %get3A_2183 : i32 to index
      %get3A_2186 = arith.constant 32 : index
      %get3A_2187 = tpu.vector_load %arg9[%get3A_2184, %get3A_2185, %get3A_2186] {strides = array<i32>} : memref<2x16x128xf32, #tpu.memory_space<vmem>>, vector<1x1x16xf32>,
      %get3A_2188 = vector.shape_cast %get3A_2187 : vector<1x1x16xf32> to vector<16xf32>
      %get3A_2189 = arith.constant 0 : i32
      %get3A_2190 = arith.constant 14 : i32
      %get3A_2191 = arith.index_cast %get3A_2189 : i32 to index
      %get3A_2192 = arith.index_cast %get3A_2190 : i32 to index
      %get3A_2193 = arith.constant 32 : index
      %get3A_2194 = tpu.vector_load %arg10[%get3A_2191, %get3A_2192, %get3A_2193] {strides = array<i32>} : memref<2x16x128xf32, #tpu.memory_space<vmem>>, vector<1x1x16xf32>,
      %get3A_2195 = vector.shape_cast %get3A_2194 : vector<1x1x16xf32> to vector<16xf32>
      %mul3A_2196 = arith.mulf %get3A_2188, %get3A_2195 : vector<16xf32>
      %add3A_2197 = arith.addf %mul3A_2166, %mul3A_2196 : vector<16xf32>
      %get3A_2198 = arith.constant 0 : i32
      %get3A_2199 = arith.constant 14 : i32
      %get3A_2200 = arith.index_cast %get3A_2198 : i32 to index
      %get3A_2201 = arith.index_cast %get3A_2199 : i32 to index
      %get3A_2202 = arith.constant 48 : index
      %get3A_2203 = tpu.vector_load %arg9[%get3A_2200, %get3A_2201, %get3A_2202] {strides = array<i32>} : memref<2x16x128xf32, #tpu.memory_space<vmem>>, vector<1x1x16xf32>,
      %get3A_2204 = vector.shape_cast %get3A_2203 : vector<1x1x16xf32> to vector<16xf32>
      %get3A_2205 = arith.constant 0 : i32
      %get3A_2206 = arith.constant 14 : i32
      %get3A_2207 = arith.index_cast %get3A_2205 : i32 to index
      %get3A_2208 = arith.index_cast %get3A_2206 : i32 to index
      %get3A_2209 = arith.constant 48 : index
      %get3A_2210 = tpu.vector_load %arg10[%get3A_2207, %get3A_2208, %get3A_2209] {strides = array<i32>} : memref<2x16x128xf32, #tpu.memory_space<vmem>>, vector<1x1x16xf32>,
      %get3A_2211 = vector.shape_cast %get3A_2210 : vector<1x1x16xf32> to vector<16xf32>
      %mul3A_2212 = arith.mulf %get3A_2204, %get3A_2211 : vector<16xf32>
      %add3A_2213 = arith.addf %mul3A_2181, %mul3A_2212 : vector<16xf32>
      %get3A_2214 = arith.constant 0 : i32
      %get3A_2215 = arith.constant 14 : i32
      %get3A_2216 = arith.index_cast %get3A_2214 : i32 to index
      %get3A_2217 = arith.index_cast %get3A_2215 : i32 to index
      %get3A_2218 = arith.constant 64 : index
      %get3A_2219 = tpu.vector_load %arg9[%get3A_2216, %get3A_2217, %get3A_2218] {strides = array<i32>} : memref<2x16x128xf32, #tpu.memory_space<vmem>>, vector<1x1x16xf32>,
      %get3A_2220 = vector.shape_cast %get3A_2219 : vector<1x1x16xf32> to vector<16xf32>
      %get3A_2221 = arith.constant 0 : i32
      %get3A_2222 = arith.constant 14 : i32
      %get3A_2223 = arith.index_cast %get3A_2221 : i32 to index
      %get3A_2224 = arith.index_cast %get3A_2222 : i32 to index
      %get3A_2225 = arith.constant 64 : index
      %get3A_2226 = tpu.vector_load %arg10[%get3A_2223, %get3A_2224, %get3A_2225] {strides = array<i32>} : memref<2x16x128xf32, #tpu.memory_space<vmem>>, vector<1x1x16xf32>,
      %get3A_2227 = vector.shape_cast %get3A_2226 : vector<1x1x16xf32> to vector<16xf32>
      %mul3A_2228 = arith.mulf %get3A_2220, %get3A_2227 : vector<16xf32>
      %add3A_2229 = arith.addf %add3A_2197, %mul3A_2228 : vector<16xf32>
      %get3A_2230 = arith.constant 0 : i32
      %get3A_2231 = arith.constant 14 : i32
      %get3A_2232 = arith.index_cast %get3A_2230 : i32 to index
      %get3A_2233 = arith.index_cast %get3A_2231 : i32 to index
      %get3A_2234 = arith.constant 80 : index
      %get3A_2235 = tpu.vector_load %arg9[%get3A_2232, %get3A_2233, %get3A_2234] {strides = array<i32>} : memref<2x16x128xf32, #tpu.memory_space<vmem>>, vector<1x1x16xf32>,
      %get3A_2236 = vector.shape_cast %get3A_2235 : vector<1x1x16xf32> to vector<16xf32>
      %get3A_2237 = arith.constant 0 : i32
      %get3A_2238 = arith.constant 14 : i32
      %get3A_2239 = arith.index_cast %get3A_2237 : i32 to index
      %get3A_2240 = arith.index_cast %get3A_2238 : i32 to index
      %get3A_2241 = arith.constant 80 : index
      %get3A_2242 = tpu.vector_load %arg10[%get3A_2239, %get3A_2240, %get3A_2241] {strides = array<i32>} : memref<2x16x128xf32, #tpu.memory_space<vmem>>, vector<1x1x16xf32>,
      %get3A_2243 = vector.shape_cast %get3A_2242 : vector<1x1x16xf32> to vector<16xf32>
      %mul3A_2244 = arith.mulf %get3A_2236, %get3A_2243 : vector<16xf32>
      %add3A_2245 = arith.addf %add3A_2213, %mul3A_2244 : vector<16xf32>
      %get3A_2246 = arith.constant 0 : i32
      %get3A_2247 = arith.constant 14 : i32
      %get3A_2248 = arith.index_cast %get3A_2246 : i32 to index
      %get3A_2249 = arith.index_cast %get3A_2247 : i32 to index
      %get3A_2250 = arith.constant 96 : index
      %get3A_2251 = tpu.vector_load %arg9[%get3A_2248, %get3A_2249, %get3A_2250] {strides = array<i32>} : memref<2x16x128xf32, #tpu.memory_space<vmem>>, vector<1x1x16xf32>,
      %get3A_2252 = vector.shape_cast %get3A_2251 : vector<1x1x16xf32> to vector<16xf32>
      %get3A_2253 = arith.constant 0 : i32
      %get3A_2254 = arith.constant 14 : i32
      %get3A_2255 = arith.index_cast %get3A_2253 : i32 to index
      %get3A_2256 = arith.index_cast %get3A_2254 : i32 to index
      %get3A_2257 = arith.constant 96 : index
      %get3A_2258 = tpu.vector_load %arg10[%get3A_2255, %get3A_2256, %get3A_2257] {strides = array<i32>} : memref<2x16x128xf32, #tpu.memory_space<vmem>>, vector<1x1x16xf32>,
      %get3A_2259 = vector.shape_cast %get3A_2258 : vector<1x1x16xf32> to vector<16xf32>
      %mul3A_2260 = arith.mulf %get3A_2252, %get3A_2259 : vector<16xf32>
      %add3A_2261 = arith.addf %add3A_2229, %mul3A_2260 : vector<16xf32>
      %get3A_2262 = arith.constant 0 : i32
      %get3A_2263 = arith.constant 14 : i32
      %get3A_2264 = arith.index_cast %get3A_2262 : i32 to index
      %get3A_2265 = arith.index_cast %get3A_2263 : i32 to index
      %get3A_2266 = arith.constant 112 : index
      %get3A_2267 = tpu.vector_load %arg9[%get3A_2264, %get3A_2265, %get3A_2266] {strides = array<i32>} : memref<2x16x128xf32, #tpu.memory_space<vmem>>, vector<1x1x16xf32>,
      %get3A_2268 = vector.shape_cast %get3A_2267 : vector<1x1x16xf32> to vector<16xf32>
      %get3A_2269 = arith.constant 0 : i32
      %get3A_2270 = arith.constant 14 : i32
      %get3A_2271 = arith.index_cast %get3A_2269 : i32 to index
      %get3A_2272 = arith.index_cast %get3A_2270 : i32 to index
      %get3A_2273 = arith.constant 112 : index
      %get3A_2274 = tpu.vector_load %arg10[%get3A_2271, %get3A_2272, %get3A_2273] {strides = array<i32>} : memref<2x16x128xf32, #tpu.memory_space<vmem>>, vector<1x1x16xf32>,
      %get3A_2275 = vector.shape_cast %get3A_2274 : vector<1x1x16xf32> to vector<16xf32>
      %mul3A_2276 = arith.mulf %get3A_2268, %get3A_2275 : vector<16xf32>
      %add3A_2277 = arith.addf %add3A_2245, %mul3A_2276 : vector<16xf32>
      %add3A_2278 = arith.addf %add3A_2261, %add3A_2277 : vector<16xf32>
      %broadcast_in_dim3A_2279 = vector.shape_cast %and3A_8 : vector<16xi32> to vector<16x1xi32>
      %gather3A_2280 = vector.shape_cast %broadcast_in_dim3A_2279 : vector<16x1xi32> to vector<16xi32>
      %gather3A_2281 = tpu.dynamic_gather %add3A_2278[%gather3A_2280] in [0] : vector<16xf32>, vector<16xi32> -> vector<16xf32>
      %add3A_2282 = arith.addf %add3A_2278, %gather3A_2281 : vector<16xf32>
      %broadcast_in_dim3A_2283 = vector.shape_cast %and3A_14 : vector<16xi32> to vector<16x1xi32>
      %gather3A_2284 = vector.shape_cast %broadcast_in_dim3A_2283 : vector<16x1xi32> to vector<16xi32>
      %gather3A_2285 = tpu.dynamic_gather %add3A_2282[%gather3A_2284] in [0] : vector<16xf32>, vector<16xi32> -> vector<16xf32>
      %add3A_2286 = arith.addf %add3A_2282, %gather3A_2285 : vector<16xf32>
      %broadcast_in_dim3A_2287 = vector.shape_cast %and3A_20 : vector<16xi32> to vector<16x1xi32>
      %gather3A_2288 = vector.shape_cast %broadcast_in_dim3A_2287 : vector<16x1xi32> to vector<16xi32>
      %gather3A_2289 = tpu.dynamic_gather %add3A_2286[%gather3A_2288] in [0] : vector<16xf32>, vector<16xi32> -> vector<16xf32>
      %add3A_2290 = arith.addf %add3A_2286, %gather3A_2289 : vector<16xf32>
      %broadcast_in_dim3A_2291 = vector.shape_cast %and3A_26 : vector<16xi32> to vector<16x1xi32>
      %gather3A_2292 = vector.shape_cast %broadcast_in_dim3A_2291 : vector<16x1xi32> to vector<16xi32>
      %gather3A_2293 = tpu.dynamic_gather %add3A_2290[%gather3A_2292] in [0] : vector<16xf32>, vector<16xi32> -> vector<16xf32>
      %add3A_2294 = arith.addf %add3A_2290, %gather3A_2293 : vector<16xf32>
      %eq3A_2295 = arith.constant 14 : i32
      %eq3A_2296 = vector.broadcast %eq3A_2295 : i32 to vector<16xi32>
      %eq3A_2297 = arith.cmpi eq, %iota3A, %eq3A_2296 : vector<16xi32>
      %select_n3A_2298 = arith.select %eq3A_2297, %add3A_2294, %select_n3A_2151 : vector<16xi1>, vector<16xf32>
      %get3A_2299 = arith.constant 0 : i32
      %get3A_2300 = arith.constant 15 : i32
      %get3A_2301 = arith.index_cast %get3A_2299 : i32 to index
      %get3A_2302 = arith.index_cast %get3A_2300 : i32 to index
      %get3A_2303 = arith.constant 0 : index
      %get3A_2304 = tpu.vector_load %arg9[%get3A_2301, %get3A_2302, %get3A_2303] {strides = array<i32>} : memref<2x16x128xf32, #tpu.memory_space<vmem>>, vector<1x1x16xf32>,
      %get3A_2305 = vector.shape_cast %get3A_2304 : vector<1x1x16xf32> to vector<16xf32>
      %get3A_2306 = arith.constant 0 : i32
      %get3A_2307 = arith.constant 15 : i32
      %get3A_2308 = arith.index_cast %get3A_2306 : i32 to index
      %get3A_2309 = arith.index_cast %get3A_2307 : i32 to index
      %get3A_2310 = arith.constant 0 : index
      %get3A_2311 = tpu.vector_load %arg10[%get3A_2308, %get3A_2309, %get3A_2310] {strides = array<i32>} : memref<2x16x128xf32, #tpu.memory_space<vmem>>, vector<1x1x16xf32>,
      %get3A_2312 = vector.shape_cast %get3A_2311 : vector<1x1x16xf32> to vector<16xf32>
      %mul3A_2313 = arith.mulf %get3A_2305, %get3A_2312 : vector<16xf32>
      %get3A_2314 = arith.constant 0 : i32
      %get3A_2315 = arith.constant 15 : i32
      %get3A_2316 = arith.index_cast %get3A_2314 : i32 to index
      %get3A_2317 = arith.index_cast %get3A_2315 : i32 to index
      %get3A_2318 = arith.constant 16 : index
      %get3A_2319 = tpu.vector_load %arg9[%get3A_2316, %get3A_2317, %get3A_2318] {strides = array<i32>} : memref<2x16x128xf32, #tpu.memory_space<vmem>>, vector<1x1x16xf32>,
      %get3A_2320 = vector.shape_cast %get3A_2319 : vector<1x1x16xf32> to vector<16xf32>
      %get3A_2321 = arith.constant 0 : i32
      %get3A_2322 = arith.constant 15 : i32
      %get3A_2323 = arith.index_cast %get3A_2321 : i32 to index
      %get3A_2324 = arith.index_cast %get3A_2322 : i32 to index
      %get3A_2325 = arith.constant 16 : index
      %get3A_2326 = tpu.vector_load %arg10[%get3A_2323, %get3A_2324, %get3A_2325] {strides = array<i32>} : memref<2x16x128xf32, #tpu.memory_space<vmem>>, vector<1x1x16xf32>,
      %get3A_2327 = vector.shape_cast %get3A_2326 : vector<1x1x16xf32> to vector<16xf32>
      %mul3A_2328 = arith.mulf %get3A_2320, %get3A_2327 : vector<16xf32>
      %get3A_2329 = arith.constant 0 : i32
      %get3A_2330 = arith.constant 15 : i32
      %get3A_2331 = arith.index_cast %get3A_2329 : i32 to index
      %get3A_2332 = arith.index_cast %get3A_2330 : i32 to index
      %get3A_2333 = arith.constant 32 : index
      %get3A_2334 = tpu.vector_load %arg9[%get3A_2331, %get3A_2332, %get3A_2333] {strides = array<i32>} : memref<2x16x128xf32, #tpu.memory_space<vmem>>, vector<1x1x16xf32>,
      %get3A_2335 = vector.shape_cast %get3A_2334 : vector<1x1x16xf32> to vector<16xf32>
      %get3A_2336 = arith.constant 0 : i32
      %get3A_2337 = arith.constant 15 : i32
      %get3A_2338 = arith.index_cast %get3A_2336 : i32 to index
      %get3A_2339 = arith.index_cast %get3A_2337 : i32 to index
      %get3A_2340 = arith.constant 32 : index
      %get3A_2341 = tpu.vector_load %arg10[%get3A_2338, %get3A_2339, %get3A_2340] {strides = array<i32>} : memref<2x16x128xf32, #tpu.memory_space<vmem>>, vector<1x1x16xf32>,
      %get3A_2342 = vector.shape_cast %get3A_2341 : vector<1x1x16xf32> to vector<16xf32>
      %mul3A_2343 = arith.mulf %get3A_2335, %get3A_2342 : vector<16xf32>
      %add3A_2344 = arith.addf %mul3A_2313, %mul3A_2343 : vector<16xf32>
      %get3A_2345 = arith.constant 0 : i32
      %get3A_2346 = arith.constant 15 : i32
      %get3A_2347 = arith.index_cast %get3A_2345 : i32 to index
      %get3A_2348 = arith.index_cast %get3A_2346 : i32 to index
      %get3A_2349 = arith.constant 48 : index
      %get3A_2350 = tpu.vector_load %arg9[%get3A_2347, %get3A_2348, %get3A_2349] {strides = array<i32>} : memref<2x16x128xf32, #tpu.memory_space<vmem>>, vector<1x1x16xf32>,
      %get3A_2351 = vector.shape_cast %get3A_2350 : vector<1x1x16xf32> to vector<16xf32>
      %get3A_2352 = arith.constant 0 : i32
      %get3A_2353 = arith.constant 15 : i32
      %get3A_2354 = arith.index_cast %get3A_2352 : i32 to index
      %get3A_2355 = arith.index_cast %get3A_2353 : i32 to index
      %get3A_2356 = arith.constant 48 : index
      %get3A_2357 = tpu.vector_load %arg10[%get3A_2354, %get3A_2355, %get3A_2356] {strides = array<i32>} : memref<2x16x128xf32, #tpu.memory_space<vmem>>, vector<1x1x16xf32>,
      %get3A_2358 = vector.shape_cast %get3A_2357 : vector<1x1x16xf32> to vector<16xf32>
      %mul3A_2359 = arith.mulf %get3A_2351, %get3A_2358 : vector<16xf32>
      %add3A_2360 = arith.addf %mul3A_2328, %mul3A_2359 : vector<16xf32>
      %get3A_2361 = arith.constant 0 : i32
      %get3A_2362 = arith.constant 15 : i32
      %get3A_2363 = arith.index_cast %get3A_2361 : i32 to index
      %get3A_2364 = arith.index_cast %get3A_2362 : i32 to index
      %get3A_2365 = arith.constant 64 : index
      %get3A_2366 = tpu.vector_load %arg9[%get3A_2363, %get3A_2364, %get3A_2365] {strides = array<i32>} : memref<2x16x128xf32, #tpu.memory_space<vmem>>, vector<1x1x16xf32>,
      %get3A_2367 = vector.shape_cast %get3A_2366 : vector<1x1x16xf32> to vector<16xf32>
      %get3A_2368 = arith.constant 0 : i32
      %get3A_2369 = arith.constant 15 : i32
      %get3A_2370 = arith.index_cast %get3A_2368 : i32 to index
      %get3A_2371 = arith.index_cast %get3A_2369 : i32 to index
      %get3A_2372 = arith.constant 64 : index
      %get3A_2373 = tpu.vector_load %arg10[%get3A_2370, %get3A_2371, %get3A_2372] {strides = array<i32>} : memref<2x16x128xf32, #tpu.memory_space<vmem>>, vector<1x1x16xf32>,
      %get3A_2374 = vector.shape_cast %get3A_2373 : vector<1x1x16xf32> to vector<16xf32>
      %mul3A_2375 = arith.mulf %get3A_2367, %get3A_2374 : vector<16xf32>
      %add3A_2376 = arith.addf %add3A_2344, %mul3A_2375 : vector<16xf32>
      %get3A_2377 = arith.constant 0 : i32
      %get3A_2378 = arith.constant 15 : i32
      %get3A_2379 = arith.index_cast %get3A_2377 : i32 to index
      %get3A_2380 = arith.index_cast %get3A_2378 : i32 to index
      %get3A_2381 = arith.constant 80 : index
      %get3A_2382 = tpu.vector_load %arg9[%get3A_2379, %get3A_2380, %get3A_2381] {strides = array<i32>} : memref<2x16x128xf32, #tpu.memory_space<vmem>>, vector<1x1x16xf32>,
      %get3A_2383 = vector.shape_cast %get3A_2382 : vector<1x1x16xf32> to vector<16xf32>
      %get3A_2384 = arith.constant 0 : i32
      %get3A_2385 = arith.constant 15 : i32
      %get3A_2386 = arith.index_cast %get3A_2384 : i32 to index
      %get3A_2387 = arith.index_cast %get3A_2385 : i32 to index
      %get3A_2388 = arith.constant 80 : index
      %get3A_2389 = tpu.vector_load %arg10[%get3A_2386, %get3A_2387, %get3A_2388] {strides = array<i32>} : memref<2x16x128xf32, #tpu.memory_space<vmem>>, vector<1x1x16xf32>,
      %get3A_2390 = vector.shape_cast %get3A_2389 : vector<1x1x16xf32> to vector<16xf32>
      %mul3A_2391 = arith.mulf %get3A_2383, %get3A_2390 : vector<16xf32>
      %add3A_2392 = arith.addf %add3A_2360, %mul3A_2391 : vector<16xf32>
      %get3A_2393 = arith.constant 0 : i32
      %get3A_2394 = arith.constant 15 : i32
      %get3A_2395 = arith.index_cast %get3A_2393 : i32 to index
      %get3A_2396 = arith.index_cast %get3A_2394 : i32 to index
      %get3A_2397 = arith.constant 96 : index
      %get3A_2398 = tpu.vector_load %arg9[%get3A_2395, %get3A_2396, %get3A_2397] {strides = array<i32>} : memref<2x16x128xf32, #tpu.memory_space<vmem>>, vector<1x1x16xf32>,
      %get3A_2399 = vector.shape_cast %get3A_2398 : vector<1x1x16xf32> to vector<16xf32>
      %get3A_2400 = arith.constant 0 : i32
      %get3A_2401 = arith.constant 15 : i32
      %get3A_2402 = arith.index_cast %get3A_2400 : i32 to index
      %get3A_2403 = arith.index_cast %get3A_2401 : i32 to index
      %get3A_2404 = arith.constant 96 : index
      %get3A_2405 = tpu.vector_load %arg10[%get3A_2402, %get3A_2403, %get3A_2404] {strides = array<i32>} : memref<2x16x128xf32, #tpu.memory_space<vmem>>, vector<1x1x16xf32>,
      %get3A_2406 = vector.shape_cast %get3A_2405 : vector<1x1x16xf32> to vector<16xf32>
      %mul3A_2407 = arith.mulf %get3A_2399, %get3A_2406 : vector<16xf32>
      %add3A_2408 = arith.addf %add3A_2376, %mul3A_2407 : vector<16xf32>
      %get3A_2409 = arith.constant 0 : i32
      %get3A_2410 = arith.constant 15 : i32
      %get3A_2411 = arith.index_cast %get3A_2409 : i32 to index
      %get3A_2412 = arith.index_cast %get3A_2410 : i32 to index
      %get3A_2413 = arith.constant 112 : index
      %get3A_2414 = tpu.vector_load %arg9[%get3A_2411, %get3A_2412, %get3A_2413] {strides = array<i32>} : memref<2x16x128xf32, #tpu.memory_space<vmem>>, vector<1x1x16xf32>,
      %get3A_2415 = vector.shape_cast %get3A_2414 : vector<1x1x16xf32> to vector<16xf32>
      %get3A_2416 = arith.constant 0 : i32
      %get3A_2417 = arith.constant 15 : i32
      %get3A_2418 = arith.index_cast %get3A_2416 : i32 to index
      %get3A_2419 = arith.index_cast %get3A_2417 : i32 to index
      %get3A_2420 = arith.constant 112 : index
      %get3A_2421 = tpu.vector_load %arg10[%get3A_2418, %get3A_2419, %get3A_2420] {strides = array<i32>} : memref<2x16x128xf32, #tpu.memory_space<vmem>>, vector<1x1x16xf32>,
      %get3A_2422 = vector.shape_cast %get3A_2421 : vector<1x1x16xf32> to vector<16xf32>
      %mul3A_2423 = arith.mulf %get3A_2415, %get3A_2422 : vector<16xf32>
      %add3A_2424 = arith.addf %add3A_2392, %mul3A_2423 : vector<16xf32>
      %add3A_2425 = arith.addf %add3A_2408, %add3A_2424 : vector<16xf32>
      %broadcast_in_dim3A_2426 = vector.shape_cast %and3A_8 : vector<16xi32> to vector<16x1xi32>
      %gather3A_2427 = vector.shape_cast %broadcast_in_dim3A_2426 : vector<16x1xi32> to vector<16xi32>
      %gather3A_2428 = tpu.dynamic_gather %add3A_2425[%gather3A_2427] in [0] : vector<16xf32>, vector<16xi32> -> vector<16xf32>
      %add3A_2429 = arith.addf %add3A_2425, %gather3A_2428 : vector<16xf32>
      %broadcast_in_dim3A_2430 = vector.shape_cast %and3A_14 : vector<16xi32> to vector<16x1xi32>
      %gather3A_2431 = vector.shape_cast %broadcast_in_dim3A_2430 : vector<16x1xi32> to vector<16xi32>
      %gather3A_2432 = tpu.dynamic_gather %add3A_2429[%gather3A_2431] in [0] : vector<16xf32>, vector<16xi32> -> vector<16xf32>
      %add3A_2433 = arith.addf %add3A_2429, %gather3A_2432 : vector<16xf32>
      %broadcast_in_dim3A_2434 = vector.shape_cast %and3A_20 : vector<16xi32> to vector<16x1xi32>
      %gather3A_2435 = vector.shape_cast %broadcast_in_dim3A_2434 : vector<16x1xi32> to vector<16xi32>
      %gather3A_2436 = tpu.dynamic_gather %add3A_2433[%gather3A_2435] in [0] : vector<16xf32>, vector<16xi32> -> vector<16xf32>
      %add3A_2437 = arith.addf %add3A_2433, %gather3A_2436 : vector<16xf32>
      %broadcast_in_dim3A_2438 = vector.shape_cast %and3A_26 : vector<16xi32> to vector<16x1xi32>
      %gather3A_2439 = vector.shape_cast %broadcast_in_dim3A_2438 : vector<16x1xi32> to vector<16xi32>
      %gather3A_2440 = tpu.dynamic_gather %add3A_2437[%gather3A_2439] in [0] : vector<16xf32>, vector<16xi32> -> vector<16xf32>
      %add3A_2441 = arith.addf %add3A_2437, %gather3A_2440 : vector<16xf32>
      %eq3A_2442 = arith.constant 15 : i32
      %eq3A_2443 = vector.broadcast %eq3A_2442 : i32 to vector<16xi32>
      %eq3A_2444 = arith.cmpi eq, %iota3A, %eq3A_2443 : vector<16xi32>
      %select_n3A_2445 = arith.select %eq3A_2444, %add3A_2441, %select_n3A_2298 : vector<16xi1>, vector<16xf32>
      %mul3A_2446 = arith.constant 16 : i32
      %mul3A_2447 = arith.muli %add3A_75, %mul3A_2446 : i32
      %swap3A = arith.index_cast %mul3A_2447 : i32 to index
      %swap3A_2448 = tpu.vector_load %arg11[%swap3A] {strides = array<i32>} : memref<10240xf32, #tpu.memory_space<vmem>>, vector<16xf32>,
      %swap3A_2449 = vector.shape_cast %swap3A_2448 : vector<16xf32> to vector<16xf32>
      %swap3A_2450 = vector.shape_cast %select_n3A_2445 : vector<16xf32> to vector<16xf32>
      tpu.vector_store %arg11[%swap3A], %swap3A_2450 {strides = array<i32>} : memref<10240xf32, #tpu.memory_space<vmem>>, vector<16xf32>,
      %add3A_2451 = arith.constant 2 : i32
      %add3A_2452 = arith.addi %add3A_75, %add3A_2451 : i32
      %lt3A = arith.constant 640 : i32
      %lt3A_2453 = arith.cmpi slt, %add3A_2452, %lt3A : i32
      %convert_element_type3A = arith.extui %lt3A_2453 : i1 to i32
      %cond3A = arith.constant 0 : i32
      %cond3A_2454 = arith.cmpi ne, %convert_element_type3A, %cond3A : i32
      scf.if %cond3A_2454 {
        %add3A_4848 = arith.constant 2 : i32
        %add3A_4849 = arith.addi %add3A_75, %add3A_4848 : i32
        %mul3A_4850 = arith.constant 16 : i32
        %mul3A_4851 = arith.muli %add3A_4849, %mul3A_4850 : i32
        %dma_start3A_4852 = arith.constant 0 : i32
        %dma_start3A_4853 = arith.constant 0 : i32
        %dma_start3A_4854 = arith.constant 0 : i32
        %dma_start3A_4855 = tpu.memref_slice %arg9[%dma_start3A_4852, %dma_start3A_4853, %dma_start3A_4854] : memref<2x16x128xf32, #tpu.memory_space<vmem>> -> memref<1x16x128xf32, #tpu.memory_space<vmem>>
        %dma_start3A_4856 = tpu.memref_squeeze %dma_start3A_4855 : memref<1x16x128xf32, #tpu.memory_space<vmem>> -> memref<16x128xf32, #tpu.memory_space<vmem>>
        %dma_start3A_4857 = tpu.memref_slice %arg7[%mul3A_4851] : memref<10240xi32, #tpu.memory_space<vmem>> -> memref<16xi32, #tpu.memory_space<vmem>>
        %dma_start3A_4858 = arith.constant 0 : i32
        %dma_start3A_4859 = arith.constant 0 : i32
        %dma_start3A_4860 = tpu.memref_slice %arg6[%dma_start3A_4858, %dma_start3A_4859] : memref<10240x128xf32, #tpu.memory_space<vmem_shared>> -> memref<10240x128xf32, #tpu.memory_space<vmem_shared>>
        tpu.enqueue_indirect_dma source(%dma_start3A_4860 : memref<10240x128xf32, #tpu.memory_space<vmem_shared>>) target(%dma_start3A_4856 : memref<16x128xf32, #tpu.memory_space<vmem>>) offsets(%dma_start3A_4857 : memref<16xi32, #tpu.memory_space<vmem>>) semaphore(%arg12 : memref<!tpu.dma_semaphore, #tpu.memory_space<semaphore_mem>>)
        %mul3A_4861 = arith.constant 16 : i32
        %mul3A_4862 = arith.muli %add3A_4849, %mul3A_4861 : i32
        %dma_start3A_4863 = arith.constant 0 : i32
        %dma_start3A_4864 = arith.constant 0 : i32
        %dma_start3A_4865 = arith.constant 0 : i32
        %dma_start3A_4866 = tpu.memref_slice %arg10[%dma_start3A_4863, %dma_start3A_4864, %dma_start3A_4865] : memref<2x16x128xf32, #tpu.memory_space<vmem>> -> memref<1x16x128xf32, #tpu.memory_space<vmem>>
        %dma_start3A_4867 = tpu.memref_squeeze %dma_start3A_4866 : memref<1x16x128xf32, #tpu.memory_space<vmem>> -> memref<16x128xf32, #tpu.memory_space<vmem>>
        %dma_start3A_4868 = tpu.memref_slice %arg8[%mul3A_4862] : memref<10240xi32, #tpu.memory_space<vmem>> -> memref<16xi32, #tpu.memory_space<vmem>>
        %dma_start3A_4869 = arith.constant 0 : i32
        %dma_start3A_4870 = arith.constant 0 : i32
        %dma_start3A_4871 = tpu.memref_slice %arg6[%dma_start3A_4869, %dma_start3A_4870] : memref<10240x128xf32, #tpu.memory_space<vmem_shared>> -> memref<10240x128xf32, #tpu.memory_space<vmem_shared>>
        tpu.enqueue_indirect_dma source(%dma_start3A_4871 : memref<10240x128xf32, #tpu.memory_space<vmem_shared>>) target(%dma_start3A_4867 : memref<16x128xf32, #tpu.memory_space<vmem>>) offsets(%dma_start3A_4868 : memref<16xi32, #tpu.memory_space<vmem>>) semaphore(%arg14 : memref<!tpu.dma_semaphore, #tpu.memory_space<semaphore_mem>>)
      } else {
      }
      %mul3A_2455 = arith.constant 2 : i32
      %mul3A_2456 = arith.muli %mul3A_2455, %scan3A_71 : i32
      %add3A_2457 = arith.constant 1 : i32
      %add3A_2458 = arith.addi %mul3A_2456, %add3A_2457 : i32
      %mul3A_2459 = arith.constant 16 : i32
      %mul3A_2460 = arith.muli %add3A_2458, %mul3A_2459 : i32
      %dma_wait3A_2461 = arith.constant 1 : i32
      %dma_wait3A_2462 = arith.constant 0 : i32
      %dma_wait3A_2463 = arith.constant 0 : i32
      %dma_wait3A_2464 = tpu.memref_slice %arg9[%dma_wait3A_2461, %dma_wait3A_2462, %dma_wait3A_2463] : memref<2x16x128xf32, #tpu.memory_space<vmem>> -> memref<1x16x128xf32, #tpu.memory_space<vmem>>
      %dma_wait3A_2465 = tpu.memref_squeeze %dma_wait3A_2464 : memref<1x16x128xf32, #tpu.memory_space<vmem>> -> memref<16x128xf32, #tpu.memory_space<vmem>>
      %dma_wait3A_2466 = tpu.memref_slice %arg7[%mul3A_2460] : memref<10240xi32, #tpu.memory_space<vmem>> -> memref<16xi32, #tpu.memory_space<vmem>>
      %dma_wait3A_2467 = arith.constant 0 : i32
      %dma_wait3A_2468 = arith.constant 0 : i32
      %dma_wait3A_2469 = tpu.memref_slice %arg6[%dma_wait3A_2467, %dma_wait3A_2468] : memref<10240x128xf32, #tpu.memory_space<vmem_shared>> -> memref<10240x128xf32, #tpu.memory_space<vmem_shared>>
      tpu.wait_indirect_dma semaphore(%arg13 : memref<!tpu.dma_semaphore, #tpu.memory_space<semaphore_mem>>) src(%dma_wait3A_2469 : memref<10240x128xf32, #tpu.memory_space<vmem_shared>>) dst(%dma_wait3A_2465 : memref<16x128xf32, #tpu.memory_space<vmem>>)
      %mul3A_2470 = arith.constant 16 : i32
      %mul3A_2471 = arith.muli %add3A_2458, %mul3A_2470 : i32
      %dma_wait3A_2472 = arith.constant 1 : i32
      %dma_wait3A_2473 = arith.constant 0 : i32
      %dma_wait3A_2474 = arith.constant 0 : i32
      %dma_wait3A_2475 = tpu.memref_slice %arg10[%dma_wait3A_2472, %dma_wait3A_2473, %dma_wait3A_2474] : memref<2x16x128xf32, #tpu.memory_space<vmem>> -> memref<1x16x128xf32, #tpu.memory_space<vmem>>
      %dma_wait3A_2476 = tpu.memref_squeeze %dma_wait3A_2475 : memref<1x16x128xf32, #tpu.memory_space<vmem>> -> memref<16x128xf32, #tpu.memory_space<vmem>>
      %dma_wait3A_2477 = tpu.memref_slice %arg8[%mul3A_2471] : memref<10240xi32, #tpu.memory_space<vmem>> -> memref<16xi32, #tpu.memory_space<vmem>>
      %dma_wait3A_2478 = arith.constant 0 : i32
      %dma_wait3A_2479 = arith.constant 0 : i32
      %dma_wait3A_2480 = tpu.memref_slice %arg6[%dma_wait3A_2478, %dma_wait3A_2479] : memref<10240x128xf32, #tpu.memory_space<vmem_shared>> -> memref<10240x128xf32, #tpu.memory_space<vmem_shared>>
      tpu.wait_indirect_dma semaphore(%arg15 : memref<!tpu.dma_semaphore, #tpu.memory_space<semaphore_mem>>) src(%dma_wait3A_2480 : memref<10240x128xf32, #tpu.memory_space<vmem_shared>>) dst(%dma_wait3A_2476 : memref<16x128xf32, #tpu.memory_space<vmem>>)
      %broadcast_in_dim3A_2481 = arith.constant 0.000000e+00 : f32
      %broadcast_in_dim3A_2482 = vector.broadcast %broadcast_in_dim3A_2481 : f32 to vector<16xf32>
      %get3A_2483 = arith.constant 1 : i32
      %get3A_2484 = arith.constant 0 : i32
      %get3A_2485 = arith.index_cast %get3A_2483 : i32 to index
      %get3A_2486 = arith.index_cast %get3A_2484 : i32 to index
      %get3A_2487 = arith.constant 0 : index
      %get3A_2488 = tpu.vector_load %arg9[%get3A_2485, %get3A_2486, %get3A_2487] {strides = array<i32>} : memref<2x16x128xf32, #tpu.memory_space<vmem>>, vector<1x1x16xf32>,
      %get3A_2489 = vector.shape_cast %get3A_2488 : vector<1x1x16xf32> to vector<16xf32>
      %get3A_2490 = arith.constant 1 : i32
      %get3A_2491 = arith.constant 0 : i32
      %get3A_2492 = arith.index_cast %get3A_2490 : i32 to index
      %get3A_2493 = arith.index_cast %get3A_2491 : i32 to index
      %get3A_2494 = arith.constant 0 : index
      %get3A_2495 = tpu.vector_load %arg10[%get3A_2492, %get3A_2493, %get3A_2494] {strides = array<i32>} : memref<2x16x128xf32, #tpu.memory_space<vmem>>, vector<1x1x16xf32>,
      %get3A_2496 = vector.shape_cast %get3A_2495 : vector<1x1x16xf32> to vector<16xf32>
      %mul3A_2497 = arith.mulf %get3A_2489, %get3A_2496 : vector<16xf32>
      %get3A_2498 = arith.constant 1 : i32
      %get3A_2499 = arith.constant 0 : i32
      %get3A_2500 = arith.index_cast %get3A_2498 : i32 to index
      %get3A_2501 = arith.index_cast %get3A_2499 : i32 to index
      %get3A_2502 = arith.constant 16 : index
      %get3A_2503 = tpu.vector_load %arg9[%get3A_2500, %get3A_2501, %get3A_2502] {strides = array<i32>} : memref<2x16x128xf32, #tpu.memory_space<vmem>>, vector<1x1x16xf32>,
      %get3A_2504 = vector.shape_cast %get3A_2503 : vector<1x1x16xf32> to vector<16xf32>
      %get3A_2505 = arith.constant 1 : i32
      %get3A_2506 = arith.constant 0 : i32
      %get3A_2507 = arith.index_cast %get3A_2505 : i32 to index
      %get3A_2508 = arith.index_cast %get3A_2506 : i32 to index
      %get3A_2509 = arith.constant 16 : index
      %get3A_2510 = tpu.vector_load %arg10[%get3A_2507, %get3A_2508, %get3A_2509] {strides = array<i32>} : memref<2x16x128xf32, #tpu.memory_space<vmem>>, vector<1x1x16xf32>,
      %get3A_2511 = vector.shape_cast %get3A_2510 : vector<1x1x16xf32> to vector<16xf32>
      %mul3A_2512 = arith.mulf %get3A_2504, %get3A_2511 : vector<16xf32>
      %get3A_2513 = arith.constant 1 : i32
      %get3A_2514 = arith.constant 0 : i32
      %get3A_2515 = arith.index_cast %get3A_2513 : i32 to index
      %get3A_2516 = arith.index_cast %get3A_2514 : i32 to index
      %get3A_2517 = arith.constant 32 : index
      %get3A_2518 = tpu.vector_load %arg9[%get3A_2515, %get3A_2516, %get3A_2517] {strides = array<i32>} : memref<2x16x128xf32, #tpu.memory_space<vmem>>, vector<1x1x16xf32>,
      %get3A_2519 = vector.shape_cast %get3A_2518 : vector<1x1x16xf32> to vector<16xf32>
      %get3A_2520 = arith.constant 1 : i32
      %get3A_2521 = arith.constant 0 : i32
      %get3A_2522 = arith.index_cast %get3A_2520 : i32 to index
      %get3A_2523 = arith.index_cast %get3A_2521 : i32 to index
      %get3A_2524 = arith.constant 32 : index
      %get3A_2525 = tpu.vector_load %arg10[%get3A_2522, %get3A_2523, %get3A_2524] {strides = array<i32>} : memref<2x16x128xf32, #tpu.memory_space<vmem>>, vector<1x1x16xf32>,
      %get3A_2526 = vector.shape_cast %get3A_2525 : vector<1x1x16xf32> to vector<16xf32>
      %mul3A_2527 = arith.mulf %get3A_2519, %get3A_2526 : vector<16xf32>
      %add3A_2528 = arith.addf %mul3A_2497, %mul3A_2527 : vector<16xf32>
      %get3A_2529 = arith.constant 1 : i32
      %get3A_2530 = arith.constant 0 : i32
      %get3A_2531 = arith.index_cast %get3A_2529 : i32 to index
      %get3A_2532 = arith.index_cast %get3A_2530 : i32 to index
      %get3A_2533 = arith.constant 48 : index
      %get3A_2534 = tpu.vector_load %arg9[%get3A_2531, %get3A_2532, %get3A_2533] {strides = array<i32>} : memref<2x16x128xf32, #tpu.memory_space<vmem>>, vector<1x1x16xf32>,
      %get3A_2535 = vector.shape_cast %get3A_2534 : vector<1x1x16xf32> to vector<16xf32>
      %get3A_2536 = arith.constant 1 : i32
      %get3A_2537 = arith.constant 0 : i32
      %get3A_2538 = arith.index_cast %get3A_2536 : i32 to index
      %get3A_2539 = arith.index_cast %get3A_2537 : i32 to index
      %get3A_2540 = arith.constant 48 : index
      %get3A_2541 = tpu.vector_load %arg10[%get3A_2538, %get3A_2539, %get3A_2540] {strides = array<i32>} : memref<2x16x128xf32, #tpu.memory_space<vmem>>, vector<1x1x16xf32>,
      %get3A_2542 = vector.shape_cast %get3A_2541 : vector<1x1x16xf32> to vector<16xf32>
      %mul3A_2543 = arith.mulf %get3A_2535, %get3A_2542 : vector<16xf32>
      %add3A_2544 = arith.addf %mul3A_2512, %mul3A_2543 : vector<16xf32>
      %get3A_2545 = arith.constant 1 : i32
      %get3A_2546 = arith.constant 0 : i32
      %get3A_2547 = arith.index_cast %get3A_2545 : i32 to index
      %get3A_2548 = arith.index_cast %get3A_2546 : i32 to index
      %get3A_2549 = arith.constant 64 : index
      %get3A_2550 = tpu.vector_load %arg9[%get3A_2547, %get3A_2548, %get3A_2549] {strides = array<i32>} : memref<2x16x128xf32, #tpu.memory_space<vmem>>, vector<1x1x16xf32>,
      %get3A_2551 = vector.shape_cast %get3A_2550 : vector<1x1x16xf32> to vector<16xf32>
      %get3A_2552 = arith.constant 1 : i32
      %get3A_2553 = arith.constant 0 : i32
      %get3A_2554 = arith.index_cast %get3A_2552 : i32 to index
      %get3A_2555 = arith.index_cast %get3A_2553 : i32 to index
      %get3A_2556 = arith.constant 64 : index
      %get3A_2557 = tpu.vector_load %arg10[%get3A_2554, %get3A_2555, %get3A_2556] {strides = array<i32>} : memref<2x16x128xf32, #tpu.memory_space<vmem>>, vector<1x1x16xf32>,
      %get3A_2558 = vector.shape_cast %get3A_2557 : vector<1x1x16xf32> to vector<16xf32>
      %mul3A_2559 = arith.mulf %get3A_2551, %get3A_2558 : vector<16xf32>
      %add3A_2560 = arith.addf %add3A_2528, %mul3A_2559 : vector<16xf32>
      %get3A_2561 = arith.constant 1 : i32
      %get3A_2562 = arith.constant 0 : i32
      %get3A_2563 = arith.index_cast %get3A_2561 : i32 to index
      %get3A_2564 = arith.index_cast %get3A_2562 : i32 to index
      %get3A_2565 = arith.constant 80 : index
      %get3A_2566 = tpu.vector_load %arg9[%get3A_2563, %get3A_2564, %get3A_2565] {strides = array<i32>} : memref<2x16x128xf32, #tpu.memory_space<vmem>>, vector<1x1x16xf32>,
      %get3A_2567 = vector.shape_cast %get3A_2566 : vector<1x1x16xf32> to vector<16xf32>
      %get3A_2568 = arith.constant 1 : i32
      %get3A_2569 = arith.constant 0 : i32
      %get3A_2570 = arith.index_cast %get3A_2568 : i32 to index
      %get3A_2571 = arith.index_cast %get3A_2569 : i32 to index
      %get3A_2572 = arith.constant 80 : index
      %get3A_2573 = tpu.vector_load %arg10[%get3A_2570, %get3A_2571, %get3A_2572] {strides = array<i32>} : memref<2x16x128xf32, #tpu.memory_space<vmem>>, vector<1x1x16xf32>,
      %get3A_2574 = vector.shape_cast %get3A_2573 : vector<1x1x16xf32> to vector<16xf32>
      %mul3A_2575 = arith.mulf %get3A_2567, %get3A_2574 : vector<16xf32>
      %add3A_2576 = arith.addf %add3A_2544, %mul3A_2575 : vector<16xf32>
      %get3A_2577 = arith.constant 1 : i32
      %get3A_2578 = arith.constant 0 : i32
      %get3A_2579 = arith.index_cast %get3A_2577 : i32 to index
      %get3A_2580 = arith.index_cast %get3A_2578 : i32 to index
      %get3A_2581 = arith.constant 96 : index
      %get3A_2582 = tpu.vector_load %arg9[%get3A_2579, %get3A_2580, %get3A_2581] {strides = array<i32>} : memref<2x16x128xf32, #tpu.memory_space<vmem>>, vector<1x1x16xf32>,
      %get3A_2583 = vector.shape_cast %get3A_2582 : vector<1x1x16xf32> to vector<16xf32>
      %get3A_2584 = arith.constant 1 : i32
      %get3A_2585 = arith.constant 0 : i32
      %get3A_2586 = arith.index_cast %get3A_2584 : i32 to index
      %get3A_2587 = arith.index_cast %get3A_2585 : i32 to index
      %get3A_2588 = arith.constant 96 : index
      %get3A_2589 = tpu.vector_load %arg10[%get3A_2586, %get3A_2587, %get3A_2588] {strides = array<i32>} : memref<2x16x128xf32, #tpu.memory_space<vmem>>, vector<1x1x16xf32>,
      %get3A_2590 = vector.shape_cast %get3A_2589 : vector<1x1x16xf32> to vector<16xf32>
      %mul3A_2591 = arith.mulf %get3A_2583, %get3A_2590 : vector<16xf32>
      %add3A_2592 = arith.addf %add3A_2560, %mul3A_2591 : vector<16xf32>
      %get3A_2593 = arith.constant 1 : i32
      %get3A_2594 = arith.constant 0 : i32
      %get3A_2595 = arith.index_cast %get3A_2593 : i32 to index
      %get3A_2596 = arith.index_cast %get3A_2594 : i32 to index
      %get3A_2597 = arith.constant 112 : index
      %get3A_2598 = tpu.vector_load %arg9[%get3A_2595, %get3A_2596, %get3A_2597] {strides = array<i32>} : memref<2x16x128xf32, #tpu.memory_space<vmem>>, vector<1x1x16xf32>,
      %get3A_2599 = vector.shape_cast %get3A_2598 : vector<1x1x16xf32> to vector<16xf32>
      %get3A_2600 = arith.constant 1 : i32
      %get3A_2601 = arith.constant 0 : i32
      %get3A_2602 = arith.index_cast %get3A_2600 : i32 to index
      %get3A_2603 = arith.index_cast %get3A_2601 : i32 to index
      %get3A_2604 = arith.constant 112 : index
      %get3A_2605 = tpu.vector_load %arg10[%get3A_2602, %get3A_2603, %get3A_2604] {strides = array<i32>} : memref<2x16x128xf32, #tpu.memory_space<vmem>>, vector<1x1x16xf32>,
      %get3A_2606 = vector.shape_cast %get3A_2605 : vector<1x1x16xf32> to vector<16xf32>
      %mul3A_2607 = arith.mulf %get3A_2599, %get3A_2606 : vector<16xf32>
      %add3A_2608 = arith.addf %add3A_2576, %mul3A_2607 : vector<16xf32>
      %add3A_2609 = arith.addf %add3A_2592, %add3A_2608 : vector<16xf32>
      %broadcast_in_dim3A_2610 = vector.shape_cast %and3A_8 : vector<16xi32> to vector<16x1xi32>
      %gather3A_2611 = vector.shape_cast %broadcast_in_dim3A_2610 : vector<16x1xi32> to vector<16xi32>
      %gather3A_2612 = tpu.dynamic_gather %add3A_2609[%gather3A_2611] in [0] : vector<16xf32>, vector<16xi32> -> vector<16xf32>
      %add3A_2613 = arith.addf %add3A_2609, %gather3A_2612 : vector<16xf32>
      %broadcast_in_dim3A_2614 = vector.shape_cast %and3A_14 : vector<16xi32> to vector<16x1xi32>
      %gather3A_2615 = vector.shape_cast %broadcast_in_dim3A_2614 : vector<16x1xi32> to vector<16xi32>
      %gather3A_2616 = tpu.dynamic_gather %add3A_2613[%gather3A_2615] in [0] : vector<16xf32>, vector<16xi32> -> vector<16xf32>
      %add3A_2617 = arith.addf %add3A_2613, %gather3A_2616 : vector<16xf32>
      %broadcast_in_dim3A_2618 = vector.shape_cast %and3A_20 : vector<16xi32> to vector<16x1xi32>
      %gather3A_2619 = vector.shape_cast %broadcast_in_dim3A_2618 : vector<16x1xi32> to vector<16xi32>
      %gather3A_2620 = tpu.dynamic_gather %add3A_2617[%gather3A_2619] in [0] : vector<16xf32>, vector<16xi32> -> vector<16xf32>
      %add3A_2621 = arith.addf %add3A_2617, %gather3A_2620 : vector<16xf32>
      %broadcast_in_dim3A_2622 = vector.shape_cast %and3A_26 : vector<16xi32> to vector<16x1xi32>
      %gather3A_2623 = vector.shape_cast %broadcast_in_dim3A_2622 : vector<16x1xi32> to vector<16xi32>
      %gather3A_2624 = tpu.dynamic_gather %add3A_2621[%gather3A_2623] in [0] : vector<16xf32>, vector<16xi32> -> vector<16xf32>
      %add3A_2625 = arith.addf %add3A_2621, %gather3A_2624 : vector<16xf32>
      %eq3A_2626 = arith.constant 0 : i32
      %eq3A_2627 = vector.broadcast %eq3A_2626 : i32 to vector<16xi32>
      %eq3A_2628 = arith.cmpi eq, %iota3A, %eq3A_2627 : vector<16xi32>
      %select_n3A_2629 = arith.select %eq3A_2628, %add3A_2625, %broadcast_in_dim3A_2482 : vector<16xi1>, vector<16xf32>
      %get3A_2630 = arith.constant 1 : i32
      %get3A_2631 = arith.constant 1 : i32
      %get3A_2632 = arith.index_cast %get3A_2630 : i32 to index
      %get3A_2633 = arith.index_cast %get3A_2631 : i32 to index
      %get3A_2634 = arith.constant 0 : index
      %get3A_2635 = tpu.vector_load %arg9[%get3A_2632, %get3A_2633, %get3A_2634] {strides = array<i32>} : memref<2x16x128xf32, #tpu.memory_space<vmem>>, vector<1x1x16xf32>,
      %get3A_2636 = vector.shape_cast %get3A_2635 : vector<1x1x16xf32> to vector<16xf32>
      %get3A_2637 = arith.constant 1 : i32
      %get3A_2638 = arith.constant 1 : i32
      %get3A_2639 = arith.index_cast %get3A_2637 : i32 to index
      %get3A_2640 = arith.index_cast %get3A_2638 : i32 to index
      %get3A_2641 = arith.constant 0 : index
      %get3A_2642 = tpu.vector_load %arg10[%get3A_2639, %get3A_2640, %get3A_2641] {strides = array<i32>} : memref<2x16x128xf32, #tpu.memory_space<vmem>>, vector<1x1x16xf32>,
      %get3A_2643 = vector.shape_cast %get3A_2642 : vector<1x1x16xf32> to vector<16xf32>
      %mul3A_2644 = arith.mulf %get3A_2636, %get3A_2643 : vector<16xf32>
      %get3A_2645 = arith.constant 1 : i32
      %get3A_2646 = arith.constant 1 : i32
      %get3A_2647 = arith.index_cast %get3A_2645 : i32 to index
      %get3A_2648 = arith.index_cast %get3A_2646 : i32 to index
      %get3A_2649 = arith.constant 16 : index
      %get3A_2650 = tpu.vector_load %arg9[%get3A_2647, %get3A_2648, %get3A_2649] {strides = array<i32>} : memref<2x16x128xf32, #tpu.memory_space<vmem>>, vector<1x1x16xf32>,
      %get3A_2651 = vector.shape_cast %get3A_2650 : vector<1x1x16xf32> to vector<16xf32>
      %get3A_2652 = arith.constant 1 : i32
      %get3A_2653 = arith.constant 1 : i32
      %get3A_2654 = arith.index_cast %get3A_2652 : i32 to index
      %get3A_2655 = arith.index_cast %get3A_2653 : i32 to index
      %get3A_2656 = arith.constant 16 : index
      %get3A_2657 = tpu.vector_load %arg10[%get3A_2654, %get3A_2655, %get3A_2656] {strides = array<i32>} : memref<2x16x128xf32, #tpu.memory_space<vmem>>, vector<1x1x16xf32>,
      %get3A_2658 = vector.shape_cast %get3A_2657 : vector<1x1x16xf32> to vector<16xf32>
      %mul3A_2659 = arith.mulf %get3A_2651, %get3A_2658 : vector<16xf32>
      %get3A_2660 = arith.constant 1 : i32
      %get3A_2661 = arith.constant 1 : i32
      %get3A_2662 = arith.index_cast %get3A_2660 : i32 to index
      %get3A_2663 = arith.index_cast %get3A_2661 : i32 to index
      %get3A_2664 = arith.constant 32 : index
      %get3A_2665 = tpu.vector_load %arg9[%get3A_2662, %get3A_2663, %get3A_2664] {strides = array<i32>} : memref<2x16x128xf32, #tpu.memory_space<vmem>>, vector<1x1x16xf32>,
      %get3A_2666 = vector.shape_cast %get3A_2665 : vector<1x1x16xf32> to vector<16xf32>
      %get3A_2667 = arith.constant 1 : i32
      %get3A_2668 = arith.constant 1 : i32
      %get3A_2669 = arith.index_cast %get3A_2667 : i32 to index
      %get3A_2670 = arith.index_cast %get3A_2668 : i32 to index
      %get3A_2671 = arith.constant 32 : index
      %get3A_2672 = tpu.vector_load %arg10[%get3A_2669, %get3A_2670, %get3A_2671] {strides = array<i32>} : memref<2x16x128xf32, #tpu.memory_space<vmem>>, vector<1x1x16xf32>,
      %get3A_2673 = vector.shape_cast %get3A_2672 : vector<1x1x16xf32> to vector<16xf32>
      %mul3A_2674 = arith.mulf %get3A_2666, %get3A_2673 : vector<16xf32>
      %add3A_2675 = arith.addf %mul3A_2644, %mul3A_2674 : vector<16xf32>
      %get3A_2676 = arith.constant 1 : i32
      %get3A_2677 = arith.constant 1 : i32
      %get3A_2678 = arith.index_cast %get3A_2676 : i32 to index
      %get3A_2679 = arith.index_cast %get3A_2677 : i32 to index
      %get3A_2680 = arith.constant 48 : index
      %get3A_2681 = tpu.vector_load %arg9[%get3A_2678, %get3A_2679, %get3A_2680] {strides = array<i32>} : memref<2x16x128xf32, #tpu.memory_space<vmem>>, vector<1x1x16xf32>,
      %get3A_2682 = vector.shape_cast %get3A_2681 : vector<1x1x16xf32> to vector<16xf32>
      %get3A_2683 = arith.constant 1 : i32
      %get3A_2684 = arith.constant 1 : i32
      %get3A_2685 = arith.index_cast %get3A_2683 : i32 to index
      %get3A_2686 = arith.index_cast %get3A_2684 : i32 to index
      %get3A_2687 = arith.constant 48 : index
      %get3A_2688 = tpu.vector_load %arg10[%get3A_2685, %get3A_2686, %get3A_2687] {strides = array<i32>} : memref<2x16x128xf32, #tpu.memory_space<vmem>>, vector<1x1x16xf32>,
      %get3A_2689 = vector.shape_cast %get3A_2688 : vector<1x1x16xf32> to vector<16xf32>
      %mul3A_2690 = arith.mulf %get3A_2682, %get3A_2689 : vector<16xf32>
      %add3A_2691 = arith.addf %mul3A_2659, %mul3A_2690 : vector<16xf32>
      %get3A_2692 = arith.constant 1 : i32
      %get3A_2693 = arith.constant 1 : i32
      %get3A_2694 = arith.index_cast %get3A_2692 : i32 to index
      %get3A_2695 = arith.index_cast %get3A_2693 : i32 to index
      %get3A_2696 = arith.constant 64 : index
      %get3A_2697 = tpu.vector_load %arg9[%get3A_2694, %get3A_2695, %get3A_2696] {strides = array<i32>} : memref<2x16x128xf32, #tpu.memory_space<vmem>>, vector<1x1x16xf32>,
      %get3A_2698 = vector.shape_cast %get3A_2697 : vector<1x1x16xf32> to vector<16xf32>
      %get3A_2699 = arith.constant 1 : i32
      %get3A_2700 = arith.constant 1 : i32
      %get3A_2701 = arith.index_cast %get3A_2699 : i32 to index
      %get3A_2702 = arith.index_cast %get3A_2700 : i32 to index
      %get3A_2703 = arith.constant 64 : index
      %get3A_2704 = tpu.vector_load %arg10[%get3A_2701, %get3A_2702, %get3A_2703] {strides = array<i32>} : memref<2x16x128xf32, #tpu.memory_space<vmem>>, vector<1x1x16xf32>,
      %get3A_2705 = vector.shape_cast %get3A_2704 : vector<1x1x16xf32> to vector<16xf32>
      %mul3A_2706 = arith.mulf %get3A_2698, %get3A_2705 : vector<16xf32>
      %add3A_2707 = arith.addf %add3A_2675, %mul3A_2706 : vector<16xf32>
      %get3A_2708 = arith.constant 1 : i32
      %get3A_2709 = arith.constant 1 : i32
      %get3A_2710 = arith.index_cast %get3A_2708 : i32 to index
      %get3A_2711 = arith.index_cast %get3A_2709 : i32 to index
      %get3A_2712 = arith.constant 80 : index
      %get3A_2713 = tpu.vector_load %arg9[%get3A_2710, %get3A_2711, %get3A_2712] {strides = array<i32>} : memref<2x16x128xf32, #tpu.memory_space<vmem>>, vector<1x1x16xf32>,
      %get3A_2714 = vector.shape_cast %get3A_2713 : vector<1x1x16xf32> to vector<16xf32>
      %get3A_2715 = arith.constant 1 : i32
      %get3A_2716 = arith.constant 1 : i32
      %get3A_2717 = arith.index_cast %get3A_2715 : i32 to index
      %get3A_2718 = arith.index_cast %get3A_2716 : i32 to index
      %get3A_2719 = arith.constant 80 : index
      %get3A_2720 = tpu.vector_load %arg10[%get3A_2717, %get3A_2718, %get3A_2719] {strides = array<i32>} : memref<2x16x128xf32, #tpu.memory_space<vmem>>, vector<1x1x16xf32>,
      %get3A_2721 = vector.shape_cast %get3A_2720 : vector<1x1x16xf32> to vector<16xf32>
      %mul3A_2722 = arith.mulf %get3A_2714, %get3A_2721 : vector<16xf32>
      %add3A_2723 = arith.addf %add3A_2691, %mul3A_2722 : vector<16xf32>
      %get3A_2724 = arith.constant 1 : i32
      %get3A_2725 = arith.constant 1 : i32
      %get3A_2726 = arith.index_cast %get3A_2724 : i32 to index
      %get3A_2727 = arith.index_cast %get3A_2725 : i32 to index
      %get3A_2728 = arith.constant 96 : index
      %get3A_2729 = tpu.vector_load %arg9[%get3A_2726, %get3A_2727, %get3A_2728] {strides = array<i32>} : memref<2x16x128xf32, #tpu.memory_space<vmem>>, vector<1x1x16xf32>,
      %get3A_2730 = vector.shape_cast %get3A_2729 : vector<1x1x16xf32> to vector<16xf32>
      %get3A_2731 = arith.constant 1 : i32
      %get3A_2732 = arith.constant 1 : i32
      %get3A_2733 = arith.index_cast %get3A_2731 : i32 to index
      %get3A_2734 = arith.index_cast %get3A_2732 : i32 to index
      %get3A_2735 = arith.constant 96 : index
      %get3A_2736 = tpu.vector_load %arg10[%get3A_2733, %get3A_2734, %get3A_2735] {strides = array<i32>} : memref<2x16x128xf32, #tpu.memory_space<vmem>>, vector<1x1x16xf32>,
      %get3A_2737 = vector.shape_cast %get3A_2736 : vector<1x1x16xf32> to vector<16xf32>
      %mul3A_2738 = arith.mulf %get3A_2730, %get3A_2737 : vector<16xf32>
      %add3A_2739 = arith.addf %add3A_2707, %mul3A_2738 : vector<16xf32>
      %get3A_2740 = arith.constant 1 : i32
      %get3A_2741 = arith.constant 1 : i32
      %get3A_2742 = arith.index_cast %get3A_2740 : i32 to index
      %get3A_2743 = arith.index_cast %get3A_2741 : i32 to index
      %get3A_2744 = arith.constant 112 : index
      %get3A_2745 = tpu.vector_load %arg9[%get3A_2742, %get3A_2743, %get3A_2744] {strides = array<i32>} : memref<2x16x128xf32, #tpu.memory_space<vmem>>, vector<1x1x16xf32>,
      %get3A_2746 = vector.shape_cast %get3A_2745 : vector<1x1x16xf32> to vector<16xf32>
      %get3A_2747 = arith.constant 1 : i32
      %get3A_2748 = arith.constant 1 : i32
      %get3A_2749 = arith.index_cast %get3A_2747 : i32 to index
      %get3A_2750 = arith.index_cast %get3A_2748 : i32 to index
      %get3A_2751 = arith.constant 112 : index
      %get3A_2752 = tpu.vector_load %arg10[%get3A_2749, %get3A_2750, %get3A_2751] {strides = array<i32>} : memref<2x16x128xf32, #tpu.memory_space<vmem>>, vector<1x1x16xf32>,
      %get3A_2753 = vector.shape_cast %get3A_2752 : vector<1x1x16xf32> to vector<16xf32>
      %mul3A_2754 = arith.mulf %get3A_2746, %get3A_2753 : vector<16xf32>
      %add3A_2755 = arith.addf %add3A_2723, %mul3A_2754 : vector<16xf32>
      %add3A_2756 = arith.addf %add3A_2739, %add3A_2755 : vector<16xf32>
      %broadcast_in_dim3A_2757 = vector.shape_cast %and3A_8 : vector<16xi32> to vector<16x1xi32>
      %gather3A_2758 = vector.shape_cast %broadcast_in_dim3A_2757 : vector<16x1xi32> to vector<16xi32>
      %gather3A_2759 = tpu.dynamic_gather %add3A_2756[%gather3A_2758] in [0] : vector<16xf32>, vector<16xi32> -> vector<16xf32>
      %add3A_2760 = arith.addf %add3A_2756, %gather3A_2759 : vector<16xf32>
      %broadcast_in_dim3A_2761 = vector.shape_cast %and3A_14 : vector<16xi32> to vector<16x1xi32>
      %gather3A_2762 = vector.shape_cast %broadcast_in_dim3A_2761 : vector<16x1xi32> to vector<16xi32>
      %gather3A_2763 = tpu.dynamic_gather %add3A_2760[%gather3A_2762] in [0] : vector<16xf32>, vector<16xi32> -> vector<16xf32>
      %add3A_2764 = arith.addf %add3A_2760, %gather3A_2763 : vector<16xf32>
      %broadcast_in_dim3A_2765 = vector.shape_cast %and3A_20 : vector<16xi32> to vector<16x1xi32>
      %gather3A_2766 = vector.shape_cast %broadcast_in_dim3A_2765 : vector<16x1xi32> to vector<16xi32>
      %gather3A_2767 = tpu.dynamic_gather %add3A_2764[%gather3A_2766] in [0] : vector<16xf32>, vector<16xi32> -> vector<16xf32>
      %add3A_2768 = arith.addf %add3A_2764, %gather3A_2767 : vector<16xf32>
      %broadcast_in_dim3A_2769 = vector.shape_cast %and3A_26 : vector<16xi32> to vector<16x1xi32>
      %gather3A_2770 = vector.shape_cast %broadcast_in_dim3A_2769 : vector<16x1xi32> to vector<16xi32>
      %gather3A_2771 = tpu.dynamic_gather %add3A_2768[%gather3A_2770] in [0] : vector<16xf32>, vector<16xi32> -> vector<16xf32>
      %add3A_2772 = arith.addf %add3A_2768, %gather3A_2771 : vector<16xf32>
      %eq3A_2773 = arith.constant 1 : i32
      %eq3A_2774 = vector.broadcast %eq3A_2773 : i32 to vector<16xi32>
      %eq3A_2775 = arith.cmpi eq, %iota3A, %eq3A_2774 : vector<16xi32>
      %select_n3A_2776 = arith.select %eq3A_2775, %add3A_2772, %select_n3A_2629 : vector<16xi1>, vector<16xf32>
      %get3A_2777 = arith.constant 1 : i32
      %get3A_2778 = arith.constant 2 : i32
      %get3A_2779 = arith.index_cast %get3A_2777 : i32 to index
      %get3A_2780 = arith.index_cast %get3A_2778 : i32 to index
      %get3A_2781 = arith.constant 0 : index
      %get3A_2782 = tpu.vector_load %arg9[%get3A_2779, %get3A_2780, %get3A_2781] {strides = array<i32>} : memref<2x16x128xf32, #tpu.memory_space<vmem>>, vector<1x1x16xf32>,
      %get3A_2783 = vector.shape_cast %get3A_2782 : vector<1x1x16xf32> to vector<16xf32>
      %get3A_2784 = arith.constant 1 : i32
      %get3A_2785 = arith.constant 2 : i32
      %get3A_2786 = arith.index_cast %get3A_2784 : i32 to index
      %get3A_2787 = arith.index_cast %get3A_2785 : i32 to index
      %get3A_2788 = arith.constant 0 : index
      %get3A_2789 = tpu.vector_load %arg10[%get3A_2786, %get3A_2787, %get3A_2788] {strides = array<i32>} : memref<2x16x128xf32, #tpu.memory_space<vmem>>, vector<1x1x16xf32>,
      %get3A_2790 = vector.shape_cast %get3A_2789 : vector<1x1x16xf32> to vector<16xf32>
      %mul3A_2791 = arith.mulf %get3A_2783, %get3A_2790 : vector<16xf32>
      %get3A_2792 = arith.constant 1 : i32
      %get3A_2793 = arith.constant 2 : i32
      %get3A_2794 = arith.index_cast %get3A_2792 : i32 to index
      %get3A_2795 = arith.index_cast %get3A_2793 : i32 to index
      %get3A_2796 = arith.constant 16 : index
      %get3A_2797 = tpu.vector_load %arg9[%get3A_2794, %get3A_2795, %get3A_2796] {strides = array<i32>} : memref<2x16x128xf32, #tpu.memory_space<vmem>>, vector<1x1x16xf32>,
      %get3A_2798 = vector.shape_cast %get3A_2797 : vector<1x1x16xf32> to vector<16xf32>
      %get3A_2799 = arith.constant 1 : i32
      %get3A_2800 = arith.constant 2 : i32
      %get3A_2801 = arith.index_cast %get3A_2799 : i32 to index
      %get3A_2802 = arith.index_cast %get3A_2800 : i32 to index
      %get3A_2803 = arith.constant 16 : index
      %get3A_2804 = tpu.vector_load %arg10[%get3A_2801, %get3A_2802, %get3A_2803] {strides = array<i32>} : memref<2x16x128xf32, #tpu.memory_space<vmem>>, vector<1x1x16xf32>,
      %get3A_2805 = vector.shape_cast %get3A_2804 : vector<1x1x16xf32> to vector<16xf32>
      %mul3A_2806 = arith.mulf %get3A_2798, %get3A_2805 : vector<16xf32>
      %get3A_2807 = arith.constant 1 : i32
      %get3A_2808 = arith.constant 2 : i32
      %get3A_2809 = arith.index_cast %get3A_2807 : i32 to index
      %get3A_2810 = arith.index_cast %get3A_2808 : i32 to index
      %get3A_2811 = arith.constant 32 : index
      %get3A_2812 = tpu.vector_load %arg9[%get3A_2809, %get3A_2810, %get3A_2811] {strides = array<i32>} : memref<2x16x128xf32, #tpu.memory_space<vmem>>, vector<1x1x16xf32>,
      %get3A_2813 = vector.shape_cast %get3A_2812 : vector<1x1x16xf32> to vector<16xf32>
      %get3A_2814 = arith.constant 1 : i32
      %get3A_2815 = arith.constant 2 : i32
      %get3A_2816 = arith.index_cast %get3A_2814 : i32 to index
      %get3A_2817 = arith.index_cast %get3A_2815 : i32 to index
      %get3A_2818 = arith.constant 32 : index
      %get3A_2819 = tpu.vector_load %arg10[%get3A_2816, %get3A_2817, %get3A_2818] {strides = array<i32>} : memref<2x16x128xf32, #tpu.memory_space<vmem>>, vector<1x1x16xf32>,
      %get3A_2820 = vector.shape_cast %get3A_2819 : vector<1x1x16xf32> to vector<16xf32>
      %mul3A_2821 = arith.mulf %get3A_2813, %get3A_2820 : vector<16xf32>
      %add3A_2822 = arith.addf %mul3A_2791, %mul3A_2821 : vector<16xf32>
      %get3A_2823 = arith.constant 1 : i32
      %get3A_2824 = arith.constant 2 : i32
      %get3A_2825 = arith.index_cast %get3A_2823 : i32 to index
      %get3A_2826 = arith.index_cast %get3A_2824 : i32 to index
      %get3A_2827 = arith.constant 48 : index
      %get3A_2828 = tpu.vector_load %arg9[%get3A_2825, %get3A_2826, %get3A_2827] {strides = array<i32>} : memref<2x16x128xf32, #tpu.memory_space<vmem>>, vector<1x1x16xf32>,
      %get3A_2829 = vector.shape_cast %get3A_2828 : vector<1x1x16xf32> to vector<16xf32>
      %get3A_2830 = arith.constant 1 : i32
      %get3A_2831 = arith.constant 2 : i32
      %get3A_2832 = arith.index_cast %get3A_2830 : i32 to index
      %get3A_2833 = arith.index_cast %get3A_2831 : i32 to index
      %get3A_2834 = arith.constant 48 : index
      %get3A_2835 = tpu.vector_load %arg10[%get3A_2832, %get3A_2833, %get3A_2834] {strides = array<i32>} : memref<2x16x128xf32, #tpu.memory_space<vmem>>, vector<1x1x16xf32>,
      %get3A_2836 = vector.shape_cast %get3A_2835 : vector<1x1x16xf32> to vector<16xf32>
      %mul3A_2837 = arith.mulf %get3A_2829, %get3A_2836 : vector<16xf32>
      %add3A_2838 = arith.addf %mul3A_2806, %mul3A_2837 : vector<16xf32>
      %get3A_2839 = arith.constant 1 : i32
      %get3A_2840 = arith.constant 2 : i32
      %get3A_2841 = arith.index_cast %get3A_2839 : i32 to index
      %get3A_2842 = arith.index_cast %get3A_2840 : i32 to index
      %get3A_2843 = arith.constant 64 : index
      %get3A_2844 = tpu.vector_load %arg9[%get3A_2841, %get3A_2842, %get3A_2843] {strides = array<i32>} : memref<2x16x128xf32, #tpu.memory_space<vmem>>, vector<1x1x16xf32>,
      %get3A_2845 = vector.shape_cast %get3A_2844 : vector<1x1x16xf32> to vector<16xf32>
      %get3A_2846 = arith.constant 1 : i32
      %get3A_2847 = arith.constant 2 : i32
      %get3A_2848 = arith.index_cast %get3A_2846 : i32 to index
      %get3A_2849 = arith.index_cast %get3A_2847 : i32 to index
      %get3A_2850 = arith.constant 64 : index
      %get3A_2851 = tpu.vector_load %arg10[%get3A_2848, %get3A_2849, %get3A_2850] {strides = array<i32>} : memref<2x16x128xf32, #tpu.memory_space<vmem>>, vector<1x1x16xf32>,
      %get3A_2852 = vector.shape_cast %get3A_2851 : vector<1x1x16xf32> to vector<16xf32>
      %mul3A_2853 = arith.mulf %get3A_2845, %get3A_2852 : vector<16xf32>
      %add3A_2854 = arith.addf %add3A_2822, %mul3A_2853 : vector<16xf32>
      %get3A_2855 = arith.constant 1 : i32
      %get3A_2856 = arith.constant 2 : i32
      %get3A_2857 = arith.index_cast %get3A_2855 : i32 to index
      %get3A_2858 = arith.index_cast %get3A_2856 : i32 to index
      %get3A_2859 = arith.constant 80 : index
      %get3A_2860 = tpu.vector_load %arg9[%get3A_2857, %get3A_2858, %get3A_2859] {strides = array<i32>} : memref<2x16x128xf32, #tpu.memory_space<vmem>>, vector<1x1x16xf32>,
      %get3A_2861 = vector.shape_cast %get3A_2860 : vector<1x1x16xf32> to vector<16xf32>
      %get3A_2862 = arith.constant 1 : i32
      %get3A_2863 = arith.constant 2 : i32
      %get3A_2864 = arith.index_cast %get3A_2862 : i32 to index
      %get3A_2865 = arith.index_cast %get3A_2863 : i32 to index
      %get3A_2866 = arith.constant 80 : index
      %get3A_2867 = tpu.vector_load %arg10[%get3A_2864, %get3A_2865, %get3A_2866] {strides = array<i32>} : memref<2x16x128xf32, #tpu.memory_space<vmem>>, vector<1x1x16xf32>,
      %get3A_2868 = vector.shape_cast %get3A_2867 : vector<1x1x16xf32> to vector<16xf32>
      %mul3A_2869 = arith.mulf %get3A_2861, %get3A_2868 : vector<16xf32>
      %add3A_2870 = arith.addf %add3A_2838, %mul3A_2869 : vector<16xf32>
      %get3A_2871 = arith.constant 1 : i32
      %get3A_2872 = arith.constant 2 : i32
      %get3A_2873 = arith.index_cast %get3A_2871 : i32 to index
      %get3A_2874 = arith.index_cast %get3A_2872 : i32 to index
      %get3A_2875 = arith.constant 96 : index
      %get3A_2876 = tpu.vector_load %arg9[%get3A_2873, %get3A_2874, %get3A_2875] {strides = array<i32>} : memref<2x16x128xf32, #tpu.memory_space<vmem>>, vector<1x1x16xf32>,
      %get3A_2877 = vector.shape_cast %get3A_2876 : vector<1x1x16xf32> to vector<16xf32>
      %get3A_2878 = arith.constant 1 : i32
      %get3A_2879 = arith.constant 2 : i32
      %get3A_2880 = arith.index_cast %get3A_2878 : i32 to index
      %get3A_2881 = arith.index_cast %get3A_2879 : i32 to index
      %get3A_2882 = arith.constant 96 : index
      %get3A_2883 = tpu.vector_load %arg10[%get3A_2880, %get3A_2881, %get3A_2882] {strides = array<i32>} : memref<2x16x128xf32, #tpu.memory_space<vmem>>, vector<1x1x16xf32>,
      %get3A_2884 = vector.shape_cast %get3A_2883 : vector<1x1x16xf32> to vector<16xf32>
      %mul3A_2885 = arith.mulf %get3A_2877, %get3A_2884 : vector<16xf32>
      %add3A_2886 = arith.addf %add3A_2854, %mul3A_2885 : vector<16xf32>
      %get3A_2887 = arith.constant 1 : i32
      %get3A_2888 = arith.constant 2 : i32
      %get3A_2889 = arith.index_cast %get3A_2887 : i32 to index
      %get3A_2890 = arith.index_cast %get3A_2888 : i32 to index
      %get3A_2891 = arith.constant 112 : index
      %get3A_2892 = tpu.vector_load %arg9[%get3A_2889, %get3A_2890, %get3A_2891] {strides = array<i32>} : memref<2x16x128xf32, #tpu.memory_space<vmem>>, vector<1x1x16xf32>,
      %get3A_2893 = vector.shape_cast %get3A_2892 : vector<1x1x16xf32> to vector<16xf32>
      %get3A_2894 = arith.constant 1 : i32
      %get3A_2895 = arith.constant 2 : i32
      %get3A_2896 = arith.index_cast %get3A_2894 : i32 to index
      %get3A_2897 = arith.index_cast %get3A_2895 : i32 to index
      %get3A_2898 = arith.constant 112 : index
      %get3A_2899 = tpu.vector_load %arg10[%get3A_2896, %get3A_2897, %get3A_2898] {strides = array<i32>} : memref<2x16x128xf32, #tpu.memory_space<vmem>>, vector<1x1x16xf32>,
      %get3A_2900 = vector.shape_cast %get3A_2899 : vector<1x1x16xf32> to vector<16xf32>
      %mul3A_2901 = arith.mulf %get3A_2893, %get3A_2900 : vector<16xf32>
      %add3A_2902 = arith.addf %add3A_2870, %mul3A_2901 : vector<16xf32>
      %add3A_2903 = arith.addf %add3A_2886, %add3A_2902 : vector<16xf32>
      %broadcast_in_dim3A_2904 = vector.shape_cast %and3A_8 : vector<16xi32> to vector<16x1xi32>
      %gather3A_2905 = vector.shape_cast %broadcast_in_dim3A_2904 : vector<16x1xi32> to vector<16xi32>
      %gather3A_2906 = tpu.dynamic_gather %add3A_2903[%gather3A_2905] in [0] : vector<16xf32>, vector<16xi32> -> vector<16xf32>
      %add3A_2907 = arith.addf %add3A_2903, %gather3A_2906 : vector<16xf32>
      %broadcast_in_dim3A_2908 = vector.shape_cast %and3A_14 : vector<16xi32> to vector<16x1xi32>
      %gather3A_2909 = vector.shape_cast %broadcast_in_dim3A_2908 : vector<16x1xi32> to vector<16xi32>
      %gather3A_2910 = tpu.dynamic_gather %add3A_2907[%gather3A_2909] in [0] : vector<16xf32>, vector<16xi32> -> vector<16xf32>
      %add3A_2911 = arith.addf %add3A_2907, %gather3A_2910 : vector<16xf32>
      %broadcast_in_dim3A_2912 = vector.shape_cast %and3A_20 : vector<16xi32> to vector<16x1xi32>
      %gather3A_2913 = vector.shape_cast %broadcast_in_dim3A_2912 : vector<16x1xi32> to vector<16xi32>
      %gather3A_2914 = tpu.dynamic_gather %add3A_2911[%gather3A_2913] in [0] : vector<16xf32>, vector<16xi32> -> vector<16xf32>
      %add3A_2915 = arith.addf %add3A_2911, %gather3A_2914 : vector<16xf32>
      %broadcast_in_dim3A_2916 = vector.shape_cast %and3A_26 : vector<16xi32> to vector<16x1xi32>
      %gather3A_2917 = vector.shape_cast %broadcast_in_dim3A_2916 : vector<16x1xi32> to vector<16xi32>
      %gather3A_2918 = tpu.dynamic_gather %add3A_2915[%gather3A_2917] in [0] : vector<16xf32>, vector<16xi32> -> vector<16xf32>
      %add3A_2919 = arith.addf %add3A_2915, %gather3A_2918 : vector<16xf32>
      %eq3A_2920 = arith.constant 2 : i32
      %eq3A_2921 = vector.broadcast %eq3A_2920 : i32 to vector<16xi32>
      %eq3A_2922 = arith.cmpi eq, %iota3A, %eq3A_2921 : vector<16xi32>
      %select_n3A_2923 = arith.select %eq3A_2922, %add3A_2919, %select_n3A_2776 : vector<16xi1>, vector<16xf32>
      %get3A_2924 = arith.constant 1 : i32
      %get3A_2925 = arith.constant 3 : i32
      %get3A_2926 = arith.index_cast %get3A_2924 : i32 to index
      %get3A_2927 = arith.index_cast %get3A_2925 : i32 to index
      %get3A_2928 = arith.constant 0 : index
      %get3A_2929 = tpu.vector_load %arg9[%get3A_2926, %get3A_2927, %get3A_2928] {strides = array<i32>} : memref<2x16x128xf32, #tpu.memory_space<vmem>>, vector<1x1x16xf32>,
      %get3A_2930 = vector.shape_cast %get3A_2929 : vector<1x1x16xf32> to vector<16xf32>
      %get3A_2931 = arith.constant 1 : i32
      %get3A_2932 = arith.constant 3 : i32
      %get3A_2933 = arith.index_cast %get3A_2931 : i32 to index
      %get3A_2934 = arith.index_cast %get3A_2932 : i32 to index
      %get3A_2935 = arith.constant 0 : index
      %get3A_2936 = tpu.vector_load %arg10[%get3A_2933, %get3A_2934, %get3A_2935] {strides = array<i32>} : memref<2x16x128xf32, #tpu.memory_space<vmem>>, vector<1x1x16xf32>,
      %get3A_2937 = vector.shape_cast %get3A_2936 : vector<1x1x16xf32> to vector<16xf32>
      %mul3A_2938 = arith.mulf %get3A_2930, %get3A_2937 : vector<16xf32>
      %get3A_2939 = arith.constant 1 : i32
      %get3A_2940 = arith.constant 3 : i32
      %get3A_2941 = arith.index_cast %get3A_2939 : i32 to index
      %get3A_2942 = arith.index_cast %get3A_2940 : i32 to index
      %get3A_2943 = arith.constant 16 : index
      %get3A_2944 = tpu.vector_load %arg9[%get3A_2941, %get3A_2942, %get3A_2943] {strides = array<i32>} : memref<2x16x128xf32, #tpu.memory_space<vmem>>, vector<1x1x16xf32>,
      %get3A_2945 = vector.shape_cast %get3A_2944 : vector<1x1x16xf32> to vector<16xf32>
      %get3A_2946 = arith.constant 1 : i32
      %get3A_2947 = arith.constant 3 : i32
      %get3A_2948 = arith.index_cast %get3A_2946 : i32 to index
      %get3A_2949 = arith.index_cast %get3A_2947 : i32 to index
      %get3A_2950 = arith.constant 16 : index
      %get3A_2951 = tpu.vector_load %arg10[%get3A_2948, %get3A_2949, %get3A_2950] {strides = array<i32>} : memref<2x16x128xf32, #tpu.memory_space<vmem>>, vector<1x1x16xf32>,
      %get3A_2952 = vector.shape_cast %get3A_2951 : vector<1x1x16xf32> to vector<16xf32>
      %mul3A_2953 = arith.mulf %get3A_2945, %get3A_2952 : vector<16xf32>
      %get3A_2954 = arith.constant 1 : i32
      %get3A_2955 = arith.constant 3 : i32
      %get3A_2956 = arith.index_cast %get3A_2954 : i32 to index
      %get3A_2957 = arith.index_cast %get3A_2955 : i32 to index
      %get3A_2958 = arith.constant 32 : index
      %get3A_2959 = tpu.vector_load %arg9[%get3A_2956, %get3A_2957, %get3A_2958] {strides = array<i32>} : memref<2x16x128xf32, #tpu.memory_space<vmem>>, vector<1x1x16xf32>,
      %get3A_2960 = vector.shape_cast %get3A_2959 : vector<1x1x16xf32> to vector<16xf32>
      %get3A_2961 = arith.constant 1 : i32
      %get3A_2962 = arith.constant 3 : i32
      %get3A_2963 = arith.index_cast %get3A_2961 : i32 to index
      %get3A_2964 = arith.index_cast %get3A_2962 : i32 to index
      %get3A_2965 = arith.constant 32 : index
      %get3A_2966 = tpu.vector_load %arg10[%get3A_2963, %get3A_2964, %get3A_2965] {strides = array<i32>} : memref<2x16x128xf32, #tpu.memory_space<vmem>>, vector<1x1x16xf32>,
      %get3A_2967 = vector.shape_cast %get3A_2966 : vector<1x1x16xf32> to vector<16xf32>
      %mul3A_2968 = arith.mulf %get3A_2960, %get3A_2967 : vector<16xf32>
      %add3A_2969 = arith.addf %mul3A_2938, %mul3A_2968 : vector<16xf32>
      %get3A_2970 = arith.constant 1 : i32
      %get3A_2971 = arith.constant 3 : i32
      %get3A_2972 = arith.index_cast %get3A_2970 : i32 to index
      %get3A_2973 = arith.index_cast %get3A_2971 : i32 to index
      %get3A_2974 = arith.constant 48 : index
      %get3A_2975 = tpu.vector_load %arg9[%get3A_2972, %get3A_2973, %get3A_2974] {strides = array<i32>} : memref<2x16x128xf32, #tpu.memory_space<vmem>>, vector<1x1x16xf32>,
      %get3A_2976 = vector.shape_cast %get3A_2975 : vector<1x1x16xf32> to vector<16xf32>
      %get3A_2977 = arith.constant 1 : i32
      %get3A_2978 = arith.constant 3 : i32
      %get3A_2979 = arith.index_cast %get3A_2977 : i32 to index
      %get3A_2980 = arith.index_cast %get3A_2978 : i32 to index
      %get3A_2981 = arith.constant 48 : index
      %get3A_2982 = tpu.vector_load %arg10[%get3A_2979, %get3A_2980, %get3A_2981] {strides = array<i32>} : memref<2x16x128xf32, #tpu.memory_space<vmem>>, vector<1x1x16xf32>,
      %get3A_2983 = vector.shape_cast %get3A_2982 : vector<1x1x16xf32> to vector<16xf32>
      %mul3A_2984 = arith.mulf %get3A_2976, %get3A_2983 : vector<16xf32>
      %add3A_2985 = arith.addf %mul3A_2953, %mul3A_2984 : vector<16xf32>
      %get3A_2986 = arith.constant 1 : i32
      %get3A_2987 = arith.constant 3 : i32
      %get3A_2988 = arith.index_cast %get3A_2986 : i32 to index
      %get3A_2989 = arith.index_cast %get3A_2987 : i32 to index
      %get3A_2990 = arith.constant 64 : index
      %get3A_2991 = tpu.vector_load %arg9[%get3A_2988, %get3A_2989, %get3A_2990] {strides = array<i32>} : memref<2x16x128xf32, #tpu.memory_space<vmem>>, vector<1x1x16xf32>,
      %get3A_2992 = vector.shape_cast %get3A_2991 : vector<1x1x16xf32> to vector<16xf32>
      %get3A_2993 = arith.constant 1 : i32
      %get3A_2994 = arith.constant 3 : i32
      %get3A_2995 = arith.index_cast %get3A_2993 : i32 to index
      %get3A_2996 = arith.index_cast %get3A_2994 : i32 to index
      %get3A_2997 = arith.constant 64 : index
      %get3A_2998 = tpu.vector_load %arg10[%get3A_2995, %get3A_2996, %get3A_2997] {strides = array<i32>} : memref<2x16x128xf32, #tpu.memory_space<vmem>>, vector<1x1x16xf32>,
      %get3A_2999 = vector.shape_cast %get3A_2998 : vector<1x1x16xf32> to vector<16xf32>
      %mul3A_3000 = arith.mulf %get3A_2992, %get3A_2999 : vector<16xf32>
      %add3A_3001 = arith.addf %add3A_2969, %mul3A_3000 : vector<16xf32>
      %get3A_3002 = arith.constant 1 : i32
      %get3A_3003 = arith.constant 3 : i32
      %get3A_3004 = arith.index_cast %get3A_3002 : i32 to index
      %get3A_3005 = arith.index_cast %get3A_3003 : i32 to index
      %get3A_3006 = arith.constant 80 : index
      %get3A_3007 = tpu.vector_load %arg9[%get3A_3004, %get3A_3005, %get3A_3006] {strides = array<i32>} : memref<2x16x128xf32, #tpu.memory_space<vmem>>, vector<1x1x16xf32>,
      %get3A_3008 = vector.shape_cast %get3A_3007 : vector<1x1x16xf32> to vector<16xf32>
      %get3A_3009 = arith.constant 1 : i32
      %get3A_3010 = arith.constant 3 : i32
      %get3A_3011 = arith.index_cast %get3A_3009 : i32 to index
      %get3A_3012 = arith.index_cast %get3A_3010 : i32 to index
      %get3A_3013 = arith.constant 80 : index
      %get3A_3014 = tpu.vector_load %arg10[%get3A_3011, %get3A_3012, %get3A_3013] {strides = array<i32>} : memref<2x16x128xf32, #tpu.memory_space<vmem>>, vector<1x1x16xf32>,
      %get3A_3015 = vector.shape_cast %get3A_3014 : vector<1x1x16xf32> to vector<16xf32>
      %mul3A_3016 = arith.mulf %get3A_3008, %get3A_3015 : vector<16xf32>
      %add3A_3017 = arith.addf %add3A_2985, %mul3A_3016 : vector<16xf32>
      %get3A_3018 = arith.constant 1 : i32
      %get3A_3019 = arith.constant 3 : i32
      %get3A_3020 = arith.index_cast %get3A_3018 : i32 to index
      %get3A_3021 = arith.index_cast %get3A_3019 : i32 to index
      %get3A_3022 = arith.constant 96 : index
      %get3A_3023 = tpu.vector_load %arg9[%get3A_3020, %get3A_3021, %get3A_3022] {strides = array<i32>} : memref<2x16x128xf32, #tpu.memory_space<vmem>>, vector<1x1x16xf32>,
      %get3A_3024 = vector.shape_cast %get3A_3023 : vector<1x1x16xf32> to vector<16xf32>
      %get3A_3025 = arith.constant 1 : i32
      %get3A_3026 = arith.constant 3 : i32
      %get3A_3027 = arith.index_cast %get3A_3025 : i32 to index
      %get3A_3028 = arith.index_cast %get3A_3026 : i32 to index
      %get3A_3029 = arith.constant 96 : index
      %get3A_3030 = tpu.vector_load %arg10[%get3A_3027, %get3A_3028, %get3A_3029] {strides = array<i32>} : memref<2x16x128xf32, #tpu.memory_space<vmem>>, vector<1x1x16xf32>,
      %get3A_3031 = vector.shape_cast %get3A_3030 : vector<1x1x16xf32> to vector<16xf32>
      %mul3A_3032 = arith.mulf %get3A_3024, %get3A_3031 : vector<16xf32>
      %add3A_3033 = arith.addf %add3A_3001, %mul3A_3032 : vector<16xf32>
      %get3A_3034 = arith.constant 1 : i32
      %get3A_3035 = arith.constant 3 : i32
      %get3A_3036 = arith.index_cast %get3A_3034 : i32 to index
      %get3A_3037 = arith.index_cast %get3A_3035 : i32 to index
      %get3A_3038 = arith.constant 112 : index
      %get3A_3039 = tpu.vector_load %arg9[%get3A_3036, %get3A_3037, %get3A_3038] {strides = array<i32>} : memref<2x16x128xf32, #tpu.memory_space<vmem>>, vector<1x1x16xf32>,
      %get3A_3040 = vector.shape_cast %get3A_3039 : vector<1x1x16xf32> to vector<16xf32>
      %get3A_3041 = arith.constant 1 : i32
      %get3A_3042 = arith.constant 3 : i32
      %get3A_3043 = arith.index_cast %get3A_3041 : i32 to index
      %get3A_3044 = arith.index_cast %get3A_3042 : i32 to index
      %get3A_3045 = arith.constant 112 : index
      %get3A_3046 = tpu.vector_load %arg10[%get3A_3043, %get3A_3044, %get3A_3045] {strides = array<i32>} : memref<2x16x128xf32, #tpu.memory_space<vmem>>, vector<1x1x16xf32>,
      %get3A_3047 = vector.shape_cast %get3A_3046 : vector<1x1x16xf32> to vector<16xf32>
      %mul3A_3048 = arith.mulf %get3A_3040, %get3A_3047 : vector<16xf32>
      %add3A_3049 = arith.addf %add3A_3017, %mul3A_3048 : vector<16xf32>
      %add3A_3050 = arith.addf %add3A_3033, %add3A_3049 : vector<16xf32>
      %broadcast_in_dim3A_3051 = vector.shape_cast %and3A_8 : vector<16xi32> to vector<16x1xi32>
      %gather3A_3052 = vector.shape_cast %broadcast_in_dim3A_3051 : vector<16x1xi32> to vector<16xi32>
      %gather3A_3053 = tpu.dynamic_gather %add3A_3050[%gather3A_3052] in [0] : vector<16xf32>, vector<16xi32> -> vector<16xf32>
      %add3A_3054 = arith.addf %add3A_3050, %gather3A_3053 : vector<16xf32>
      %broadcast_in_dim3A_3055 = vector.shape_cast %and3A_14 : vector<16xi32> to vector<16x1xi32>
      %gather3A_3056 = vector.shape_cast %broadcast_in_dim3A_3055 : vector<16x1xi32> to vector<16xi32>
      %gather3A_3057 = tpu.dynamic_gather %add3A_3054[%gather3A_3056] in [0] : vector<16xf32>, vector<16xi32> -> vector<16xf32>
      %add3A_3058 = arith.addf %add3A_3054, %gather3A_3057 : vector<16xf32>
      %broadcast_in_dim3A_3059 = vector.shape_cast %and3A_20 : vector<16xi32> to vector<16x1xi32>
      %gather3A_3060 = vector.shape_cast %broadcast_in_dim3A_3059 : vector<16x1xi32> to vector<16xi32>
      %gather3A_3061 = tpu.dynamic_gather %add3A_3058[%gather3A_3060] in [0] : vector<16xf32>, vector<16xi32> -> vector<16xf32>
      %add3A_3062 = arith.addf %add3A_3058, %gather3A_3061 : vector<16xf32>
      %broadcast_in_dim3A_3063 = vector.shape_cast %and3A_26 : vector<16xi32> to vector<16x1xi32>
      %gather3A_3064 = vector.shape_cast %broadcast_in_dim3A_3063 : vector<16x1xi32> to vector<16xi32>
      %gather3A_3065 = tpu.dynamic_gather %add3A_3062[%gather3A_3064] in [0] : vector<16xf32>, vector<16xi32> -> vector<16xf32>
      %add3A_3066 = arith.addf %add3A_3062, %gather3A_3065 : vector<16xf32>
      %eq3A_3067 = arith.constant 3 : i32
      %eq3A_3068 = vector.broadcast %eq3A_3067 : i32 to vector<16xi32>
      %eq3A_3069 = arith.cmpi eq, %iota3A, %eq3A_3068 : vector<16xi32>
      %select_n3A_3070 = arith.select %eq3A_3069, %add3A_3066, %select_n3A_2923 : vector<16xi1>, vector<16xf32>
      %get3A_3071 = arith.constant 1 : i32
      %get3A_3072 = arith.constant 4 : i32
      %get3A_3073 = arith.index_cast %get3A_3071 : i32 to index
      %get3A_3074 = arith.index_cast %get3A_3072 : i32 to index
      %get3A_3075 = arith.constant 0 : index
      %get3A_3076 = tpu.vector_load %arg9[%get3A_3073, %get3A_3074, %get3A_3075] {strides = array<i32>} : memref<2x16x128xf32, #tpu.memory_space<vmem>>, vector<1x1x16xf32>,
      %get3A_3077 = vector.shape_cast %get3A_3076 : vector<1x1x16xf32> to vector<16xf32>
      %get3A_3078 = arith.constant 1 : i32
      %get3A_3079 = arith.constant 4 : i32
      %get3A_3080 = arith.index_cast %get3A_3078 : i32 to index
      %get3A_3081 = arith.index_cast %get3A_3079 : i32 to index
      %get3A_3082 = arith.constant 0 : index
      %get3A_3083 = tpu.vector_load %arg10[%get3A_3080, %get3A_3081, %get3A_3082] {strides = array<i32>} : memref<2x16x128xf32, #tpu.memory_space<vmem>>, vector<1x1x16xf32>,
      %get3A_3084 = vector.shape_cast %get3A_3083 : vector<1x1x16xf32> to vector<16xf32>
      %mul3A_3085 = arith.mulf %get3A_3077, %get3A_3084 : vector<16xf32>
      %get3A_3086 = arith.constant 1 : i32
      %get3A_3087 = arith.constant 4 : i32
      %get3A_3088 = arith.index_cast %get3A_3086 : i32 to index
      %get3A_3089 = arith.index_cast %get3A_3087 : i32 to index
      %get3A_3090 = arith.constant 16 : index
      %get3A_3091 = tpu.vector_load %arg9[%get3A_3088, %get3A_3089, %get3A_3090] {strides = array<i32>} : memref<2x16x128xf32, #tpu.memory_space<vmem>>, vector<1x1x16xf32>,
      %get3A_3092 = vector.shape_cast %get3A_3091 : vector<1x1x16xf32> to vector<16xf32>
      %get3A_3093 = arith.constant 1 : i32
      %get3A_3094 = arith.constant 4 : i32
      %get3A_3095 = arith.index_cast %get3A_3093 : i32 to index
      %get3A_3096 = arith.index_cast %get3A_3094 : i32 to index
      %get3A_3097 = arith.constant 16 : index
      %get3A_3098 = tpu.vector_load %arg10[%get3A_3095, %get3A_3096, %get3A_3097] {strides = array<i32>} : memref<2x16x128xf32, #tpu.memory_space<vmem>>, vector<1x1x16xf32>,
      %get3A_3099 = vector.shape_cast %get3A_3098 : vector<1x1x16xf32> to vector<16xf32>
      %mul3A_3100 = arith.mulf %get3A_3092, %get3A_3099 : vector<16xf32>
      %get3A_3101 = arith.constant 1 : i32
      %get3A_3102 = arith.constant 4 : i32
      %get3A_3103 = arith.index_cast %get3A_3101 : i32 to index
      %get3A_3104 = arith.index_cast %get3A_3102 : i32 to index
      %get3A_3105 = arith.constant 32 : index
      %get3A_3106 = tpu.vector_load %arg9[%get3A_3103, %get3A_3104, %get3A_3105] {strides = array<i32>} : memref<2x16x128xf32, #tpu.memory_space<vmem>>, vector<1x1x16xf32>,
      %get3A_3107 = vector.shape_cast %get3A_3106 : vector<1x1x16xf32> to vector<16xf32>
      %get3A_3108 = arith.constant 1 : i32
      %get3A_3109 = arith.constant 4 : i32
      %get3A_3110 = arith.index_cast %get3A_3108 : i32 to index
      %get3A_3111 = arith.index_cast %get3A_3109 : i32 to index
      %get3A_3112 = arith.constant 32 : index
      %get3A_3113 = tpu.vector_load %arg10[%get3A_3110, %get3A_3111, %get3A_3112] {strides = array<i32>} : memref<2x16x128xf32, #tpu.memory_space<vmem>>, vector<1x1x16xf32>,
      %get3A_3114 = vector.shape_cast %get3A_3113 : vector<1x1x16xf32> to vector<16xf32>
      %mul3A_3115 = arith.mulf %get3A_3107, %get3A_3114 : vector<16xf32>
      %add3A_3116 = arith.addf %mul3A_3085, %mul3A_3115 : vector<16xf32>
      %get3A_3117 = arith.constant 1 : i32
      %get3A_3118 = arith.constant 4 : i32
      %get3A_3119 = arith.index_cast %get3A_3117 : i32 to index
      %get3A_3120 = arith.index_cast %get3A_3118 : i32 to index
      %get3A_3121 = arith.constant 48 : index
      %get3A_3122 = tpu.vector_load %arg9[%get3A_3119, %get3A_3120, %get3A_3121] {strides = array<i32>} : memref<2x16x128xf32, #tpu.memory_space<vmem>>, vector<1x1x16xf32>,
      %get3A_3123 = vector.shape_cast %get3A_3122 : vector<1x1x16xf32> to vector<16xf32>
      %get3A_3124 = arith.constant 1 : i32
      %get3A_3125 = arith.constant 4 : i32
      %get3A_3126 = arith.index_cast %get3A_3124 : i32 to index
      %get3A_3127 = arith.index_cast %get3A_3125 : i32 to index
      %get3A_3128 = arith.constant 48 : index
      %get3A_3129 = tpu.vector_load %arg10[%get3A_3126, %get3A_3127, %get3A_3128] {strides = array<i32>} : memref<2x16x128xf32, #tpu.memory_space<vmem>>, vector<1x1x16xf32>,
      %get3A_3130 = vector.shape_cast %get3A_3129 : vector<1x1x16xf32> to vector<16xf32>
      %mul3A_3131 = arith.mulf %get3A_3123, %get3A_3130 : vector<16xf32>
      %add3A_3132 = arith.addf %mul3A_3100, %mul3A_3131 : vector<16xf32>
      %get3A_3133 = arith.constant 1 : i32
      %get3A_3134 = arith.constant 4 : i32
      %get3A_3135 = arith.index_cast %get3A_3133 : i32 to index
      %get3A_3136 = arith.index_cast %get3A_3134 : i32 to index
      %get3A_3137 = arith.constant 64 : index
      %get3A_3138 = tpu.vector_load %arg9[%get3A_3135, %get3A_3136, %get3A_3137] {strides = array<i32>} : memref<2x16x128xf32, #tpu.memory_space<vmem>>, vector<1x1x16xf32>,
      %get3A_3139 = vector.shape_cast %get3A_3138 : vector<1x1x16xf32> to vector<16xf32>
      %get3A_3140 = arith.constant 1 : i32
      %get3A_3141 = arith.constant 4 : i32
      %get3A_3142 = arith.index_cast %get3A_3140 : i32 to index
      %get3A_3143 = arith.index_cast %get3A_3141 : i32 to index
      %get3A_3144 = arith.constant 64 : index
      %get3A_3145 = tpu.vector_load %arg10[%get3A_3142, %get3A_3143, %get3A_3144] {strides = array<i32>} : memref<2x16x128xf32, #tpu.memory_space<vmem>>, vector<1x1x16xf32>,
      %get3A_3146 = vector.shape_cast %get3A_3145 : vector<1x1x16xf32> to vector<16xf32>
      %mul3A_3147 = arith.mulf %get3A_3139, %get3A_3146 : vector<16xf32>
      %add3A_3148 = arith.addf %add3A_3116, %mul3A_3147 : vector<16xf32>
      %get3A_3149 = arith.constant 1 : i32
      %get3A_3150 = arith.constant 4 : i32
      %get3A_3151 = arith.index_cast %get3A_3149 : i32 to index
      %get3A_3152 = arith.index_cast %get3A_3150 : i32 to index
      %get3A_3153 = arith.constant 80 : index
      %get3A_3154 = tpu.vector_load %arg9[%get3A_3151, %get3A_3152, %get3A_3153] {strides = array<i32>} : memref<2x16x128xf32, #tpu.memory_space<vmem>>, vector<1x1x16xf32>,
      %get3A_3155 = vector.shape_cast %get3A_3154 : vector<1x1x16xf32> to vector<16xf32>
      %get3A_3156 = arith.constant 1 : i32
      %get3A_3157 = arith.constant 4 : i32
      %get3A_3158 = arith.index_cast %get3A_3156 : i32 to index
      %get3A_3159 = arith.index_cast %get3A_3157 : i32 to index
      %get3A_3160 = arith.constant 80 : index
      %get3A_3161 = tpu.vector_load %arg10[%get3A_3158, %get3A_3159, %get3A_3160] {strides = array<i32>} : memref<2x16x128xf32, #tpu.memory_space<vmem>>, vector<1x1x16xf32>,
      %get3A_3162 = vector.shape_cast %get3A_3161 : vector<1x1x16xf32> to vector<16xf32>
      %mul3A_3163 = arith.mulf %get3A_3155, %get3A_3162 : vector<16xf32>
      %add3A_3164 = arith.addf %add3A_3132, %mul3A_3163 : vector<16xf32>
      %get3A_3165 = arith.constant 1 : i32
      %get3A_3166 = arith.constant 4 : i32
      %get3A_3167 = arith.index_cast %get3A_3165 : i32 to index
      %get3A_3168 = arith.index_cast %get3A_3166 : i32 to index
      %get3A_3169 = arith.constant 96 : index
      %get3A_3170 = tpu.vector_load %arg9[%get3A_3167, %get3A_3168, %get3A_3169] {strides = array<i32>} : memref<2x16x128xf32, #tpu.memory_space<vmem>>, vector<1x1x16xf32>,
      %get3A_3171 = vector.shape_cast %get3A_3170 : vector<1x1x16xf32> to vector<16xf32>
      %get3A_3172 = arith.constant 1 : i32
      %get3A_3173 = arith.constant 4 : i32
      %get3A_3174 = arith.index_cast %get3A_3172 : i32 to index
      %get3A_3175 = arith.index_cast %get3A_3173 : i32 to index
      %get3A_3176 = arith.constant 96 : index
      %get3A_3177 = tpu.vector_load %arg10[%get3A_3174, %get3A_3175, %get3A_3176] {strides = array<i32>} : memref<2x16x128xf32, #tpu.memory_space<vmem>>, vector<1x1x16xf32>,
      %get3A_3178 = vector.shape_cast %get3A_3177 : vector<1x1x16xf32> to vector<16xf32>
      %mul3A_3179 = arith.mulf %get3A_3171, %get3A_3178 : vector<16xf32>
      %add3A_3180 = arith.addf %add3A_3148, %mul3A_3179 : vector<16xf32>
      %get3A_3181 = arith.constant 1 : i32
      %get3A_3182 = arith.constant 4 : i32
      %get3A_3183 = arith.index_cast %get3A_3181 : i32 to index
      %get3A_3184 = arith.index_cast %get3A_3182 : i32 to index
      %get3A_3185 = arith.constant 112 : index
      %get3A_3186 = tpu.vector_load %arg9[%get3A_3183, %get3A_3184, %get3A_3185] {strides = array<i32>} : memref<2x16x128xf32, #tpu.memory_space<vmem>>, vector<1x1x16xf32>,
      %get3A_3187 = vector.shape_cast %get3A_3186 : vector<1x1x16xf32> to vector<16xf32>
      %get3A_3188 = arith.constant 1 : i32
      %get3A_3189 = arith.constant 4 : i32
      %get3A_3190 = arith.index_cast %get3A_3188 : i32 to index
      %get3A_3191 = arith.index_cast %get3A_3189 : i32 to index
      %get3A_3192 = arith.constant 112 : index
      %get3A_3193 = tpu.vector_load %arg10[%get3A_3190, %get3A_3191, %get3A_3192] {strides = array<i32>} : memref<2x16x128xf32, #tpu.memory_space<vmem>>, vector<1x1x16xf32>,
      %get3A_3194 = vector.shape_cast %get3A_3193 : vector<1x1x16xf32> to vector<16xf32>
      %mul3A_3195 = arith.mulf %get3A_3187, %get3A_3194 : vector<16xf32>
      %add3A_3196 = arith.addf %add3A_3164, %mul3A_3195 : vector<16xf32>
      %add3A_3197 = arith.addf %add3A_3180, %add3A_3196 : vector<16xf32>
      %broadcast_in_dim3A_3198 = vector.shape_cast %and3A_8 : vector<16xi32> to vector<16x1xi32>
      %gather3A_3199 = vector.shape_cast %broadcast_in_dim3A_3198 : vector<16x1xi32> to vector<16xi32>
      %gather3A_3200 = tpu.dynamic_gather %add3A_3197[%gather3A_3199] in [0] : vector<16xf32>, vector<16xi32> -> vector<16xf32>
      %add3A_3201 = arith.addf %add3A_3197, %gather3A_3200 : vector<16xf32>
      %broadcast_in_dim3A_3202 = vector.shape_cast %and3A_14 : vector<16xi32> to vector<16x1xi32>
      %gather3A_3203 = vector.shape_cast %broadcast_in_dim3A_3202 : vector<16x1xi32> to vector<16xi32>
      %gather3A_3204 = tpu.dynamic_gather %add3A_3201[%gather3A_3203] in [0] : vector<16xf32>, vector<16xi32> -> vector<16xf32>
      %add3A_3205 = arith.addf %add3A_3201, %gather3A_3204 : vector<16xf32>
      %broadcast_in_dim3A_3206 = vector.shape_cast %and3A_20 : vector<16xi32> to vector<16x1xi32>
      %gather3A_3207 = vector.shape_cast %broadcast_in_dim3A_3206 : vector<16x1xi32> to vector<16xi32>
      %gather3A_3208 = tpu.dynamic_gather %add3A_3205[%gather3A_3207] in [0] : vector<16xf32>, vector<16xi32> -> vector<16xf32>
      %add3A_3209 = arith.addf %add3A_3205, %gather3A_3208 : vector<16xf32>
      %broadcast_in_dim3A_3210 = vector.shape_cast %and3A_26 : vector<16xi32> to vector<16x1xi32>
      %gather3A_3211 = vector.shape_cast %broadcast_in_dim3A_3210 : vector<16x1xi32> to vector<16xi32>
      %gather3A_3212 = tpu.dynamic_gather %add3A_3209[%gather3A_3211] in [0] : vector<16xf32>, vector<16xi32> -> vector<16xf32>
      %add3A_3213 = arith.addf %add3A_3209, %gather3A_3212 : vector<16xf32>
      %eq3A_3214 = arith.constant 4 : i32
      %eq3A_3215 = vector.broadcast %eq3A_3214 : i32 to vector<16xi32>
      %eq3A_3216 = arith.cmpi eq, %iota3A, %eq3A_3215 : vector<16xi32>
      %select_n3A_3217 = arith.select %eq3A_3216, %add3A_3213, %select_n3A_3070 : vector<16xi1>, vector<16xf32>
      %get3A_3218 = arith.constant 1 : i32
      %get3A_3219 = arith.constant 5 : i32
      %get3A_3220 = arith.index_cast %get3A_3218 : i32 to index
      %get3A_3221 = arith.index_cast %get3A_3219 : i32 to index
      %get3A_3222 = arith.constant 0 : index
      %get3A_3223 = tpu.vector_load %arg9[%get3A_3220, %get3A_3221, %get3A_3222] {strides = array<i32>} : memref<2x16x128xf32, #tpu.memory_space<vmem>>, vector<1x1x16xf32>,
      %get3A_3224 = vector.shape_cast %get3A_3223 : vector<1x1x16xf32> to vector<16xf32>
      %get3A_3225 = arith.constant 1 : i32
      %get3A_3226 = arith.constant 5 : i32
      %get3A_3227 = arith.index_cast %get3A_3225 : i32 to index
      %get3A_3228 = arith.index_cast %get3A_3226 : i32 to index
      %get3A_3229 = arith.constant 0 : index
      %get3A_3230 = tpu.vector_load %arg10[%get3A_3227, %get3A_3228, %get3A_3229] {strides = array<i32>} : memref<2x16x128xf32, #tpu.memory_space<vmem>>, vector<1x1x16xf32>,
      %get3A_3231 = vector.shape_cast %get3A_3230 : vector<1x1x16xf32> to vector<16xf32>
      %mul3A_3232 = arith.mulf %get3A_3224, %get3A_3231 : vector<16xf32>
      %get3A_3233 = arith.constant 1 : i32
      %get3A_3234 = arith.constant 5 : i32
      %get3A_3235 = arith.index_cast %get3A_3233 : i32 to index
      %get3A_3236 = arith.index_cast %get3A_3234 : i32 to index
      %get3A_3237 = arith.constant 16 : index
      %get3A_3238 = tpu.vector_load %arg9[%get3A_3235, %get3A_3236, %get3A_3237] {strides = array<i32>} : memref<2x16x128xf32, #tpu.memory_space<vmem>>, vector<1x1x16xf32>,
      %get3A_3239 = vector.shape_cast %get3A_3238 : vector<1x1x16xf32> to vector<16xf32>
      %get3A_3240 = arith.constant 1 : i32
      %get3A_3241 = arith.constant 5 : i32
      %get3A_3242 = arith.index_cast %get3A_3240 : i32 to index
      %get3A_3243 = arith.index_cast %get3A_3241 : i32 to index
      %get3A_3244 = arith.constant 16 : index
      %get3A_3245 = tpu.vector_load %arg10[%get3A_3242, %get3A_3243, %get3A_3244] {strides = array<i32>} : memref<2x16x128xf32, #tpu.memory_space<vmem>>, vector<1x1x16xf32>,
      %get3A_3246 = vector.shape_cast %get3A_3245 : vector<1x1x16xf32> to vector<16xf32>
      %mul3A_3247 = arith.mulf %get3A_3239, %get3A_3246 : vector<16xf32>
      %get3A_3248 = arith.constant 1 : i32
      %get3A_3249 = arith.constant 5 : i32
      %get3A_3250 = arith.index_cast %get3A_3248 : i32 to index
      %get3A_3251 = arith.index_cast %get3A_3249 : i32 to index
      %get3A_3252 = arith.constant 32 : index
      %get3A_3253 = tpu.vector_load %arg9[%get3A_3250, %get3A_3251, %get3A_3252] {strides = array<i32>} : memref<2x16x128xf32, #tpu.memory_space<vmem>>, vector<1x1x16xf32>,
      %get3A_3254 = vector.shape_cast %get3A_3253 : vector<1x1x16xf32> to vector<16xf32>
      %get3A_3255 = arith.constant 1 : i32
      %get3A_3256 = arith.constant 5 : i32
      %get3A_3257 = arith.index_cast %get3A_3255 : i32 to index
      %get3A_3258 = arith.index_cast %get3A_3256 : i32 to index
      %get3A_3259 = arith.constant 32 : index
      %get3A_3260 = tpu.vector_load %arg10[%get3A_3257, %get3A_3258, %get3A_3259] {strides = array<i32>} : memref<2x16x128xf32, #tpu.memory_space<vmem>>, vector<1x1x16xf32>,
      %get3A_3261 = vector.shape_cast %get3A_3260 : vector<1x1x16xf32> to vector<16xf32>
      %mul3A_3262 = arith.mulf %get3A_3254, %get3A_3261 : vector<16xf32>
      %add3A_3263 = arith.addf %mul3A_3232, %mul3A_3262 : vector<16xf32>
      %get3A_3264 = arith.constant 1 : i32
      %get3A_3265 = arith.constant 5 : i32
      %get3A_3266 = arith.index_cast %get3A_3264 : i32 to index
      %get3A_3267 = arith.index_cast %get3A_3265 : i32 to index
      %get3A_3268 = arith.constant 48 : index
      %get3A_3269 = tpu.vector_load %arg9[%get3A_3266, %get3A_3267, %get3A_3268] {strides = array<i32>} : memref<2x16x128xf32, #tpu.memory_space<vmem>>, vector<1x1x16xf32>,
      %get3A_3270 = vector.shape_cast %get3A_3269 : vector<1x1x16xf32> to vector<16xf32>
      %get3A_3271 = arith.constant 1 : i32
      %get3A_3272 = arith.constant 5 : i32
      %get3A_3273 = arith.index_cast %get3A_3271 : i32 to index
      %get3A_3274 = arith.index_cast %get3A_3272 : i32 to index
      %get3A_3275 = arith.constant 48 : index
      %get3A_3276 = tpu.vector_load %arg10[%get3A_3273, %get3A_3274, %get3A_3275] {strides = array<i32>} : memref<2x16x128xf32, #tpu.memory_space<vmem>>, vector<1x1x16xf32>,
      %get3A_3277 = vector.shape_cast %get3A_3276 : vector<1x1x16xf32> to vector<16xf32>
      %mul3A_3278 = arith.mulf %get3A_3270, %get3A_3277 : vector<16xf32>
      %add3A_3279 = arith.addf %mul3A_3247, %mul3A_3278 : vector<16xf32>
      %get3A_3280 = arith.constant 1 : i32
      %get3A_3281 = arith.constant 5 : i32
      %get3A_3282 = arith.index_cast %get3A_3280 : i32 to index
      %get3A_3283 = arith.index_cast %get3A_3281 : i32 to index
      %get3A_3284 = arith.constant 64 : index
      %get3A_3285 = tpu.vector_load %arg9[%get3A_3282, %get3A_3283, %get3A_3284] {strides = array<i32>} : memref<2x16x128xf32, #tpu.memory_space<vmem>>, vector<1x1x16xf32>,
      %get3A_3286 = vector.shape_cast %get3A_3285 : vector<1x1x16xf32> to vector<16xf32>
      %get3A_3287 = arith.constant 1 : i32
      %get3A_3288 = arith.constant 5 : i32
      %get3A_3289 = arith.index_cast %get3A_3287 : i32 to index
      %get3A_3290 = arith.index_cast %get3A_3288 : i32 to index
      %get3A_3291 = arith.constant 64 : index
      %get3A_3292 = tpu.vector_load %arg10[%get3A_3289, %get3A_3290, %get3A_3291] {strides = array<i32>} : memref<2x16x128xf32, #tpu.memory_space<vmem>>, vector<1x1x16xf32>,
      %get3A_3293 = vector.shape_cast %get3A_3292 : vector<1x1x16xf32> to vector<16xf32>
      %mul3A_3294 = arith.mulf %get3A_3286, %get3A_3293 : vector<16xf32>
      %add3A_3295 = arith.addf %add3A_3263, %mul3A_3294 : vector<16xf32>
      %get3A_3296 = arith.constant 1 : i32
      %get3A_3297 = arith.constant 5 : i32
      %get3A_3298 = arith.index_cast %get3A_3296 : i32 to index
      %get3A_3299 = arith.index_cast %get3A_3297 : i32 to index
      %get3A_3300 = arith.constant 80 : index
      %get3A_3301 = tpu.vector_load %arg9[%get3A_3298, %get3A_3299, %get3A_3300] {strides = array<i32>} : memref<2x16x128xf32, #tpu.memory_space<vmem>>, vector<1x1x16xf32>,
      %get3A_3302 = vector.shape_cast %get3A_3301 : vector<1x1x16xf32> to vector<16xf32>
      %get3A_3303 = arith.constant 1 : i32
      %get3A_3304 = arith.constant 5 : i32
      %get3A_3305 = arith.index_cast %get3A_3303 : i32 to index
      %get3A_3306 = arith.index_cast %get3A_3304 : i32 to index
      %get3A_3307 = arith.constant 80 : index
      %get3A_3308 = tpu.vector_load %arg10[%get3A_3305, %get3A_3306, %get3A_3307] {strides = array<i32>} : memref<2x16x128xf32, #tpu.memory_space<vmem>>, vector<1x1x16xf32>,
      %get3A_3309 = vector.shape_cast %get3A_3308 : vector<1x1x16xf32> to vector<16xf32>
      %mul3A_3310 = arith.mulf %get3A_3302, %get3A_3309 : vector<16xf32>
      %add3A_3311 = arith.addf %add3A_3279, %mul3A_3310 : vector<16xf32>
      %get3A_3312 = arith.constant 1 : i32
      %get3A_3313 = arith.constant 5 : i32
      %get3A_3314 = arith.index_cast %get3A_3312 : i32 to index
      %get3A_3315 = arith.index_cast %get3A_3313 : i32 to index
      %get3A_3316 = arith.constant 96 : index
      %get3A_3317 = tpu.vector_load %arg9[%get3A_3314, %get3A_3315, %get3A_3316] {strides = array<i32>} : memref<2x16x128xf32, #tpu.memory_space<vmem>>, vector<1x1x16xf32>,
      %get3A_3318 = vector.shape_cast %get3A_3317 : vector<1x1x16xf32> to vector<16xf32>
      %get3A_3319 = arith.constant 1 : i32
      %get3A_3320 = arith.constant 5 : i32
      %get3A_3321 = arith.index_cast %get3A_3319 : i32 to index
      %get3A_3322 = arith.index_cast %get3A_3320 : i32 to index
      %get3A_3323 = arith.constant 96 : index
      %get3A_3324 = tpu.vector_load %arg10[%get3A_3321, %get3A_3322, %get3A_3323] {strides = array<i32>} : memref<2x16x128xf32, #tpu.memory_space<vmem>>, vector<1x1x16xf32>,
      %get3A_3325 = vector.shape_cast %get3A_3324 : vector<1x1x16xf32> to vector<16xf32>
      %mul3A_3326 = arith.mulf %get3A_3318, %get3A_3325 : vector<16xf32>
      %add3A_3327 = arith.addf %add3A_3295, %mul3A_3326 : vector<16xf32>
      %get3A_3328 = arith.constant 1 : i32
      %get3A_3329 = arith.constant 5 : i32
      %get3A_3330 = arith.index_cast %get3A_3328 : i32 to index
      %get3A_3331 = arith.index_cast %get3A_3329 : i32 to index
      %get3A_3332 = arith.constant 112 : index
      %get3A_3333 = tpu.vector_load %arg9[%get3A_3330, %get3A_3331, %get3A_3332] {strides = array<i32>} : memref<2x16x128xf32, #tpu.memory_space<vmem>>, vector<1x1x16xf32>,
      %get3A_3334 = vector.shape_cast %get3A_3333 : vector<1x1x16xf32> to vector<16xf32>
      %get3A_3335 = arith.constant 1 : i32
      %get3A_3336 = arith.constant 5 : i32
      %get3A_3337 = arith.index_cast %get3A_3335 : i32 to index
      %get3A_3338 = arith.index_cast %get3A_3336 : i32 to index
      %get3A_3339 = arith.constant 112 : index
      %get3A_3340 = tpu.vector_load %arg10[%get3A_3337, %get3A_3338, %get3A_3339] {strides = array<i32>} : memref<2x16x128xf32, #tpu.memory_space<vmem>>, vector<1x1x16xf32>,
      %get3A_3341 = vector.shape_cast %get3A_3340 : vector<1x1x16xf32> to vector<16xf32>
      %mul3A_3342 = arith.mulf %get3A_3334, %get3A_3341 : vector<16xf32>
      %add3A_3343 = arith.addf %add3A_3311, %mul3A_3342 : vector<16xf32>
      %add3A_3344 = arith.addf %add3A_3327, %add3A_3343 : vector<16xf32>
      %broadcast_in_dim3A_3345 = vector.shape_cast %and3A_8 : vector<16xi32> to vector<16x1xi32>
      %gather3A_3346 = vector.shape_cast %broadcast_in_dim3A_3345 : vector<16x1xi32> to vector<16xi32>
      %gather3A_3347 = tpu.dynamic_gather %add3A_3344[%gather3A_3346] in [0] : vector<16xf32>, vector<16xi32> -> vector<16xf32>
      %add3A_3348 = arith.addf %add3A_3344, %gather3A_3347 : vector<16xf32>
      %broadcast_in_dim3A_3349 = vector.shape_cast %and3A_14 : vector<16xi32> to vector<16x1xi32>
      %gather3A_3350 = vector.shape_cast %broadcast_in_dim3A_3349 : vector<16x1xi32> to vector<16xi32>
      %gather3A_3351 = tpu.dynamic_gather %add3A_3348[%gather3A_3350] in [0] : vector<16xf32>, vector<16xi32> -> vector<16xf32>
      %add3A_3352 = arith.addf %add3A_3348, %gather3A_3351 : vector<16xf32>
      %broadcast_in_dim3A_3353 = vector.shape_cast %and3A_20 : vector<16xi32> to vector<16x1xi32>
      %gather3A_3354 = vector.shape_cast %broadcast_in_dim3A_3353 : vector<16x1xi32> to vector<16xi32>
      %gather3A_3355 = tpu.dynamic_gather %add3A_3352[%gather3A_3354] in [0] : vector<16xf32>, vector<16xi32> -> vector<16xf32>
      %add3A_3356 = arith.addf %add3A_3352, %gather3A_3355 : vector<16xf32>
      %broadcast_in_dim3A_3357 = vector.shape_cast %and3A_26 : vector<16xi32> to vector<16x1xi32>
      %gather3A_3358 = vector.shape_cast %broadcast_in_dim3A_3357 : vector<16x1xi32> to vector<16xi32>
      %gather3A_3359 = tpu.dynamic_gather %add3A_3356[%gather3A_3358] in [0] : vector<16xf32>, vector<16xi32> -> vector<16xf32>
      %add3A_3360 = arith.addf %add3A_3356, %gather3A_3359 : vector<16xf32>
      %eq3A_3361 = arith.constant 5 : i32
      %eq3A_3362 = vector.broadcast %eq3A_3361 : i32 to vector<16xi32>
      %eq3A_3363 = arith.cmpi eq, %iota3A, %eq3A_3362 : vector<16xi32>
      %select_n3A_3364 = arith.select %eq3A_3363, %add3A_3360, %select_n3A_3217 : vector<16xi1>, vector<16xf32>
      %get3A_3365 = arith.constant 1 : i32
      %get3A_3366 = arith.constant 6 : i32
      %get3A_3367 = arith.index_cast %get3A_3365 : i32 to index
      %get3A_3368 = arith.index_cast %get3A_3366 : i32 to index
      %get3A_3369 = arith.constant 0 : index
      %get3A_3370 = tpu.vector_load %arg9[%get3A_3367, %get3A_3368, %get3A_3369] {strides = array<i32>} : memref<2x16x128xf32, #tpu.memory_space<vmem>>, vector<1x1x16xf32>,
      %get3A_3371 = vector.shape_cast %get3A_3370 : vector<1x1x16xf32> to vector<16xf32>
      %get3A_3372 = arith.constant 1 : i32
      %get3A_3373 = arith.constant 6 : i32
      %get3A_3374 = arith.index_cast %get3A_3372 : i32 to index
      %get3A_3375 = arith.index_cast %get3A_3373 : i32 to index
      %get3A_3376 = arith.constant 0 : index
      %get3A_3377 = tpu.vector_load %arg10[%get3A_3374, %get3A_3375, %get3A_3376] {strides = array<i32>} : memref<2x16x128xf32, #tpu.memory_space<vmem>>, vector<1x1x16xf32>,
      %get3A_3378 = vector.shape_cast %get3A_3377 : vector<1x1x16xf32> to vector<16xf32>
      %mul3A_3379 = arith.mulf %get3A_3371, %get3A_3378 : vector<16xf32>
      %get3A_3380 = arith.constant 1 : i32
      %get3A_3381 = arith.constant 6 : i32
      %get3A_3382 = arith.index_cast %get3A_3380 : i32 to index
      %get3A_3383 = arith.index_cast %get3A_3381 : i32 to index
      %get3A_3384 = arith.constant 16 : index
      %get3A_3385 = tpu.vector_load %arg9[%get3A_3382, %get3A_3383, %get3A_3384] {strides = array<i32>} : memref<2x16x128xf32, #tpu.memory_space<vmem>>, vector<1x1x16xf32>,
      %get3A_3386 = vector.shape_cast %get3A_3385 : vector<1x1x16xf32> to vector<16xf32>
      %get3A_3387 = arith.constant 1 : i32
      %get3A_3388 = arith.constant 6 : i32
      %get3A_3389 = arith.index_cast %get3A_3387 : i32 to index
      %get3A_3390 = arith.index_cast %get3A_3388 : i32 to index
      %get3A_3391 = arith.constant 16 : index
      %get3A_3392 = tpu.vector_load %arg10[%get3A_3389, %get3A_3390, %get3A_3391] {strides = array<i32>} : memref<2x16x128xf32, #tpu.memory_space<vmem>>, vector<1x1x16xf32>,
      %get3A_3393 = vector.shape_cast %get3A_3392 : vector<1x1x16xf32> to vector<16xf32>
      %mul3A_3394 = arith.mulf %get3A_3386, %get3A_3393 : vector<16xf32>
      %get3A_3395 = arith.constant 1 : i32
      %get3A_3396 = arith.constant 6 : i32
      %get3A_3397 = arith.index_cast %get3A_3395 : i32 to index
      %get3A_3398 = arith.index_cast %get3A_3396 : i32 to index
      %get3A_3399 = arith.constant 32 : index
      %get3A_3400 = tpu.vector_load %arg9[%get3A_3397, %get3A_3398, %get3A_3399] {strides = array<i32>} : memref<2x16x128xf32, #tpu.memory_space<vmem>>, vector<1x1x16xf32>,
      %get3A_3401 = vector.shape_cast %get3A_3400 : vector<1x1x16xf32> to vector<16xf32>
      %get3A_3402 = arith.constant 1 : i32
      %get3A_3403 = arith.constant 6 : i32
      %get3A_3404 = arith.index_cast %get3A_3402 : i32 to index
      %get3A_3405 = arith.index_cast %get3A_3403 : i32 to index
      %get3A_3406 = arith.constant 32 : index
      %get3A_3407 = tpu.vector_load %arg10[%get3A_3404, %get3A_3405, %get3A_3406] {strides = array<i32>} : memref<2x16x128xf32, #tpu.memory_space<vmem>>, vector<1x1x16xf32>,
      %get3A_3408 = vector.shape_cast %get3A_3407 : vector<1x1x16xf32> to vector<16xf32>
      %mul3A_3409 = arith.mulf %get3A_3401, %get3A_3408 : vector<16xf32>
      %add3A_3410 = arith.addf %mul3A_3379, %mul3A_3409 : vector<16xf32>
      %get3A_3411 = arith.constant 1 : i32
      %get3A_3412 = arith.constant 6 : i32
      %get3A_3413 = arith.index_cast %get3A_3411 : i32 to index
      %get3A_3414 = arith.index_cast %get3A_3412 : i32 to index
      %get3A_3415 = arith.constant 48 : index
      %get3A_3416 = tpu.vector_load %arg9[%get3A_3413, %get3A_3414, %get3A_3415] {strides = array<i32>} : memref<2x16x128xf32, #tpu.memory_space<vmem>>, vector<1x1x16xf32>,
      %get3A_3417 = vector.shape_cast %get3A_3416 : vector<1x1x16xf32> to vector<16xf32>
      %get3A_3418 = arith.constant 1 : i32
      %get3A_3419 = arith.constant 6 : i32
      %get3A_3420 = arith.index_cast %get3A_3418 : i32 to index
      %get3A_3421 = arith.index_cast %get3A_3419 : i32 to index
      %get3A_3422 = arith.constant 48 : index
      %get3A_3423 = tpu.vector_load %arg10[%get3A_3420, %get3A_3421, %get3A_3422] {strides = array<i32>} : memref<2x16x128xf32, #tpu.memory_space<vmem>>, vector<1x1x16xf32>,
      %get3A_3424 = vector.shape_cast %get3A_3423 : vector<1x1x16xf32> to vector<16xf32>
      %mul3A_3425 = arith.mulf %get3A_3417, %get3A_3424 : vector<16xf32>
      %add3A_3426 = arith.addf %mul3A_3394, %mul3A_3425 : vector<16xf32>
      %get3A_3427 = arith.constant 1 : i32
      %get3A_3428 = arith.constant 6 : i32
      %get3A_3429 = arith.index_cast %get3A_3427 : i32 to index
      %get3A_3430 = arith.index_cast %get3A_3428 : i32 to index
      %get3A_3431 = arith.constant 64 : index
      %get3A_3432 = tpu.vector_load %arg9[%get3A_3429, %get3A_3430, %get3A_3431] {strides = array<i32>} : memref<2x16x128xf32, #tpu.memory_space<vmem>>, vector<1x1x16xf32>,
      %get3A_3433 = vector.shape_cast %get3A_3432 : vector<1x1x16xf32> to vector<16xf32>
      %get3A_3434 = arith.constant 1 : i32
      %get3A_3435 = arith.constant 6 : i32
      %get3A_3436 = arith.index_cast %get3A_3434 : i32 to index
      %get3A_3437 = arith.index_cast %get3A_3435 : i32 to index
      %get3A_3438 = arith.constant 64 : index
      %get3A_3439 = tpu.vector_load %arg10[%get3A_3436, %get3A_3437, %get3A_3438] {strides = array<i32>} : memref<2x16x128xf32, #tpu.memory_space<vmem>>, vector<1x1x16xf32>,
      %get3A_3440 = vector.shape_cast %get3A_3439 : vector<1x1x16xf32> to vector<16xf32>
      %mul3A_3441 = arith.mulf %get3A_3433, %get3A_3440 : vector<16xf32>
      %add3A_3442 = arith.addf %add3A_3410, %mul3A_3441 : vector<16xf32>
      %get3A_3443 = arith.constant 1 : i32
      %get3A_3444 = arith.constant 6 : i32
      %get3A_3445 = arith.index_cast %get3A_3443 : i32 to index
      %get3A_3446 = arith.index_cast %get3A_3444 : i32 to index
      %get3A_3447 = arith.constant 80 : index
      %get3A_3448 = tpu.vector_load %arg9[%get3A_3445, %get3A_3446, %get3A_3447] {strides = array<i32>} : memref<2x16x128xf32, #tpu.memory_space<vmem>>, vector<1x1x16xf32>,
      %get3A_3449 = vector.shape_cast %get3A_3448 : vector<1x1x16xf32> to vector<16xf32>
      %get3A_3450 = arith.constant 1 : i32
      %get3A_3451 = arith.constant 6 : i32
      %get3A_3452 = arith.index_cast %get3A_3450 : i32 to index
      %get3A_3453 = arith.index_cast %get3A_3451 : i32 to index
      %get3A_3454 = arith.constant 80 : index
      %get3A_3455 = tpu.vector_load %arg10[%get3A_3452, %get3A_3453, %get3A_3454] {strides = array<i32>} : memref<2x16x128xf32, #tpu.memory_space<vmem>>, vector<1x1x16xf32>,
      %get3A_3456 = vector.shape_cast %get3A_3455 : vector<1x1x16xf32> to vector<16xf32>
      %mul3A_3457 = arith.mulf %get3A_3449, %get3A_3456 : vector<16xf32>
      %add3A_3458 = arith.addf %add3A_3426, %mul3A_3457 : vector<16xf32>
      %get3A_3459 = arith.constant 1 : i32
      %get3A_3460 = arith.constant 6 : i32
      %get3A_3461 = arith.index_cast %get3A_3459 : i32 to index
      %get3A_3462 = arith.index_cast %get3A_3460 : i32 to index
      %get3A_3463 = arith.constant 96 : index
      %get3A_3464 = tpu.vector_load %arg9[%get3A_3461, %get3A_3462, %get3A_3463] {strides = array<i32>} : memref<2x16x128xf32, #tpu.memory_space<vmem>>, vector<1x1x16xf32>,
      %get3A_3465 = vector.shape_cast %get3A_3464 : vector<1x1x16xf32> to vector<16xf32>
      %get3A_3466 = arith.constant 1 : i32
      %get3A_3467 = arith.constant 6 : i32
      %get3A_3468 = arith.index_cast %get3A_3466 : i32 to index
      %get3A_3469 = arith.index_cast %get3A_3467 : i32 to index
      %get3A_3470 = arith.constant 96 : index
      %get3A_3471 = tpu.vector_load %arg10[%get3A_3468, %get3A_3469, %get3A_3470] {strides = array<i32>} : memref<2x16x128xf32, #tpu.memory_space<vmem>>, vector<1x1x16xf32>,
      %get3A_3472 = vector.shape_cast %get3A_3471 : vector<1x1x16xf32> to vector<16xf32>
      %mul3A_3473 = arith.mulf %get3A_3465, %get3A_3472 : vector<16xf32>
      %add3A_3474 = arith.addf %add3A_3442, %mul3A_3473 : vector<16xf32>
      %get3A_3475 = arith.constant 1 : i32
      %get3A_3476 = arith.constant 6 : i32
      %get3A_3477 = arith.index_cast %get3A_3475 : i32 to index
      %get3A_3478 = arith.index_cast %get3A_3476 : i32 to index
      %get3A_3479 = arith.constant 112 : index
      %get3A_3480 = tpu.vector_load %arg9[%get3A_3477, %get3A_3478, %get3A_3479] {strides = array<i32>} : memref<2x16x128xf32, #tpu.memory_space<vmem>>, vector<1x1x16xf32>,
      %get3A_3481 = vector.shape_cast %get3A_3480 : vector<1x1x16xf32> to vector<16xf32>
      %get3A_3482 = arith.constant 1 : i32
      %get3A_3483 = arith.constant 6 : i32
      %get3A_3484 = arith.index_cast %get3A_3482 : i32 to index
      %get3A_3485 = arith.index_cast %get3A_3483 : i32 to index
      %get3A_3486 = arith.constant 112 : index
      %get3A_3487 = tpu.vector_load %arg10[%get3A_3484, %get3A_3485, %get3A_3486] {strides = array<i32>} : memref<2x16x128xf32, #tpu.memory_space<vmem>>, vector<1x1x16xf32>,
      %get3A_3488 = vector.shape_cast %get3A_3487 : vector<1x1x16xf32> to vector<16xf32>
      %mul3A_3489 = arith.mulf %get3A_3481, %get3A_3488 : vector<16xf32>
      %add3A_3490 = arith.addf %add3A_3458, %mul3A_3489 : vector<16xf32>
      %add3A_3491 = arith.addf %add3A_3474, %add3A_3490 : vector<16xf32>
      %broadcast_in_dim3A_3492 = vector.shape_cast %and3A_8 : vector<16xi32> to vector<16x1xi32>
      %gather3A_3493 = vector.shape_cast %broadcast_in_dim3A_3492 : vector<16x1xi32> to vector<16xi32>
      %gather3A_3494 = tpu.dynamic_gather %add3A_3491[%gather3A_3493] in [0] : vector<16xf32>, vector<16xi32> -> vector<16xf32>
      %add3A_3495 = arith.addf %add3A_3491, %gather3A_3494 : vector<16xf32>
      %broadcast_in_dim3A_3496 = vector.shape_cast %and3A_14 : vector<16xi32> to vector<16x1xi32>
      %gather3A_3497 = vector.shape_cast %broadcast_in_dim3A_3496 : vector<16x1xi32> to vector<16xi32>
      %gather3A_3498 = tpu.dynamic_gather %add3A_3495[%gather3A_3497] in [0] : vector<16xf32>, vector<16xi32> -> vector<16xf32>
      %add3A_3499 = arith.addf %add3A_3495, %gather3A_3498 : vector<16xf32>
      %broadcast_in_dim3A_3500 = vector.shape_cast %and3A_20 : vector<16xi32> to vector<16x1xi32>
      %gather3A_3501 = vector.shape_cast %broadcast_in_dim3A_3500 : vector<16x1xi32> to vector<16xi32>
      %gather3A_3502 = tpu.dynamic_gather %add3A_3499[%gather3A_3501] in [0] : vector<16xf32>, vector<16xi32> -> vector<16xf32>
      %add3A_3503 = arith.addf %add3A_3499, %gather3A_3502 : vector<16xf32>
      %broadcast_in_dim3A_3504 = vector.shape_cast %and3A_26 : vector<16xi32> to vector<16x1xi32>
      %gather3A_3505 = vector.shape_cast %broadcast_in_dim3A_3504 : vector<16x1xi32> to vector<16xi32>
      %gather3A_3506 = tpu.dynamic_gather %add3A_3503[%gather3A_3505] in [0] : vector<16xf32>, vector<16xi32> -> vector<16xf32>
      %add3A_3507 = arith.addf %add3A_3503, %gather3A_3506 : vector<16xf32>
      %eq3A_3508 = arith.constant 6 : i32
      %eq3A_3509 = vector.broadcast %eq3A_3508 : i32 to vector<16xi32>
      %eq3A_3510 = arith.cmpi eq, %iota3A, %eq3A_3509 : vector<16xi32>
      %select_n3A_3511 = arith.select %eq3A_3510, %add3A_3507, %select_n3A_3364 : vector<16xi1>, vector<16xf32>
      %get3A_3512 = arith.constant 1 : i32
      %get3A_3513 = arith.constant 7 : i32
      %get3A_3514 = arith.index_cast %get3A_3512 : i32 to index
      %get3A_3515 = arith.index_cast %get3A_3513 : i32 to index
      %get3A_3516 = arith.constant 0 : index
      %get3A_3517 = tpu.vector_load %arg9[%get3A_3514, %get3A_3515, %get3A_3516] {strides = array<i32>} : memref<2x16x128xf32, #tpu.memory_space<vmem>>, vector<1x1x16xf32>,
      %get3A_3518 = vector.shape_cast %get3A_3517 : vector<1x1x16xf32> to vector<16xf32>
      %get3A_3519 = arith.constant 1 : i32
      %get3A_3520 = arith.constant 7 : i32
      %get3A_3521 = arith.index_cast %get3A_3519 : i32 to index
      %get3A_3522 = arith.index_cast %get3A_3520 : i32 to index
      %get3A_3523 = arith.constant 0 : index
      %get3A_3524 = tpu.vector_load %arg10[%get3A_3521, %get3A_3522, %get3A_3523] {strides = array<i32>} : memref<2x16x128xf32, #tpu.memory_space<vmem>>, vector<1x1x16xf32>,
      %get3A_3525 = vector.shape_cast %get3A_3524 : vector<1x1x16xf32> to vector<16xf32>
      %mul3A_3526 = arith.mulf %get3A_3518, %get3A_3525 : vector<16xf32>
      %get3A_3527 = arith.constant 1 : i32
      %get3A_3528 = arith.constant 7 : i32
      %get3A_3529 = arith.index_cast %get3A_3527 : i32 to index
      %get3A_3530 = arith.index_cast %get3A_3528 : i32 to index
      %get3A_3531 = arith.constant 16 : index
      %get3A_3532 = tpu.vector_load %arg9[%get3A_3529, %get3A_3530, %get3A_3531] {strides = array<i32>} : memref<2x16x128xf32, #tpu.memory_space<vmem>>, vector<1x1x16xf32>,
      %get3A_3533 = vector.shape_cast %get3A_3532 : vector<1x1x16xf32> to vector<16xf32>
      %get3A_3534 = arith.constant 1 : i32
      %get3A_3535 = arith.constant 7 : i32
      %get3A_3536 = arith.index_cast %get3A_3534 : i32 to index
      %get3A_3537 = arith.index_cast %get3A_3535 : i32 to index
      %get3A_3538 = arith.constant 16 : index
      %get3A_3539 = tpu.vector_load %arg10[%get3A_3536, %get3A_3537, %get3A_3538] {strides = array<i32>} : memref<2x16x128xf32, #tpu.memory_space<vmem>>, vector<1x1x16xf32>,
      %get3A_3540 = vector.shape_cast %get3A_3539 : vector<1x1x16xf32> to vector<16xf32>
      %mul3A_3541 = arith.mulf %get3A_3533, %get3A_3540 : vector<16xf32>
      %get3A_3542 = arith.constant 1 : i32
      %get3A_3543 = arith.constant 7 : i32
      %get3A_3544 = arith.index_cast %get3A_3542 : i32 to index
      %get3A_3545 = arith.index_cast %get3A_3543 : i32 to index
      %get3A_3546 = arith.constant 32 : index
      %get3A_3547 = tpu.vector_load %arg9[%get3A_3544, %get3A_3545, %get3A_3546] {strides = array<i32>} : memref<2x16x128xf32, #tpu.memory_space<vmem>>, vector<1x1x16xf32>,
      %get3A_3548 = vector.shape_cast %get3A_3547 : vector<1x1x16xf32> to vector<16xf32>
      %get3A_3549 = arith.constant 1 : i32
      %get3A_3550 = arith.constant 7 : i32
      %get3A_3551 = arith.index_cast %get3A_3549 : i32 to index
      %get3A_3552 = arith.index_cast %get3A_3550 : i32 to index
      %get3A_3553 = arith.constant 32 : index
      %get3A_3554 = tpu.vector_load %arg10[%get3A_3551, %get3A_3552, %get3A_3553] {strides = array<i32>} : memref<2x16x128xf32, #tpu.memory_space<vmem>>, vector<1x1x16xf32>,
      %get3A_3555 = vector.shape_cast %get3A_3554 : vector<1x1x16xf32> to vector<16xf32>
      %mul3A_3556 = arith.mulf %get3A_3548, %get3A_3555 : vector<16xf32>
      %add3A_3557 = arith.addf %mul3A_3526, %mul3A_3556 : vector<16xf32>
      %get3A_3558 = arith.constant 1 : i32
      %get3A_3559 = arith.constant 7 : i32
      %get3A_3560 = arith.index_cast %get3A_3558 : i32 to index
      %get3A_3561 = arith.index_cast %get3A_3559 : i32 to index
      %get3A_3562 = arith.constant 48 : index
      %get3A_3563 = tpu.vector_load %arg9[%get3A_3560, %get3A_3561, %get3A_3562] {strides = array<i32>} : memref<2x16x128xf32, #tpu.memory_space<vmem>>, vector<1x1x16xf32>,
      %get3A_3564 = vector.shape_cast %get3A_3563 : vector<1x1x16xf32> to vector<16xf32>
      %get3A_3565 = arith.constant 1 : i32
      %get3A_3566 = arith.constant 7 : i32
      %get3A_3567 = arith.index_cast %get3A_3565 : i32 to index
      %get3A_3568 = arith.index_cast %get3A_3566 : i32 to index
      %get3A_3569 = arith.constant 48 : index
      %get3A_3570 = tpu.vector_load %arg10[%get3A_3567, %get3A_3568, %get3A_3569] {strides = array<i32>} : memref<2x16x128xf32, #tpu.memory_space<vmem>>, vector<1x1x16xf32>,
      %get3A_3571 = vector.shape_cast %get3A_3570 : vector<1x1x16xf32> to vector<16xf32>
      %mul3A_3572 = arith.mulf %get3A_3564, %get3A_3571 : vector<16xf32>
      %add3A_3573 = arith.addf %mul3A_3541, %mul3A_3572 : vector<16xf32>
      %get3A_3574 = arith.constant 1 : i32
      %get3A_3575 = arith.constant 7 : i32
      %get3A_3576 = arith.index_cast %get3A_3574 : i32 to index
      %get3A_3577 = arith.index_cast %get3A_3575 : i32 to index
      %get3A_3578 = arith.constant 64 : index
      %get3A_3579 = tpu.vector_load %arg9[%get3A_3576, %get3A_3577, %get3A_3578] {strides = array<i32>} : memref<2x16x128xf32, #tpu.memory_space<vmem>>, vector<1x1x16xf32>,
      %get3A_3580 = vector.shape_cast %get3A_3579 : vector<1x1x16xf32> to vector<16xf32>
      %get3A_3581 = arith.constant 1 : i32
      %get3A_3582 = arith.constant 7 : i32
      %get3A_3583 = arith.index_cast %get3A_3581 : i32 to index
      %get3A_3584 = arith.index_cast %get3A_3582 : i32 to index
      %get3A_3585 = arith.constant 64 : index
      %get3A_3586 = tpu.vector_load %arg10[%get3A_3583, %get3A_3584, %get3A_3585] {strides = array<i32>} : memref<2x16x128xf32, #tpu.memory_space<vmem>>, vector<1x1x16xf32>,
      %get3A_3587 = vector.shape_cast %get3A_3586 : vector<1x1x16xf32> to vector<16xf32>
      %mul3A_3588 = arith.mulf %get3A_3580, %get3A_3587 : vector<16xf32>
      %add3A_3589 = arith.addf %add3A_3557, %mul3A_3588 : vector<16xf32>
      %get3A_3590 = arith.constant 1 : i32
      %get3A_3591 = arith.constant 7 : i32
      %get3A_3592 = arith.index_cast %get3A_3590 : i32 to index
      %get3A_3593 = arith.index_cast %get3A_3591 : i32 to index
      %get3A_3594 = arith.constant 80 : index
      %get3A_3595 = tpu.vector_load %arg9[%get3A_3592, %get3A_3593, %get3A_3594] {strides = array<i32>} : memref<2x16x128xf32, #tpu.memory_space<vmem>>, vector<1x1x16xf32>,
      %get3A_3596 = vector.shape_cast %get3A_3595 : vector<1x1x16xf32> to vector<16xf32>
      %get3A_3597 = arith.constant 1 : i32
      %get3A_3598 = arith.constant 7 : i32
      %get3A_3599 = arith.index_cast %get3A_3597 : i32 to index
      %get3A_3600 = arith.index_cast %get3A_3598 : i32 to index
      %get3A_3601 = arith.constant 80 : index
      %get3A_3602 = tpu.vector_load %arg10[%get3A_3599, %get3A_3600, %get3A_3601] {strides = array<i32>} : memref<2x16x128xf32, #tpu.memory_space<vmem>>, vector<1x1x16xf32>,
      %get3A_3603 = vector.shape_cast %get3A_3602 : vector<1x1x16xf32> to vector<16xf32>
      %mul3A_3604 = arith.mulf %get3A_3596, %get3A_3603 : vector<16xf32>
      %add3A_3605 = arith.addf %add3A_3573, %mul3A_3604 : vector<16xf32>
      %get3A_3606 = arith.constant 1 : i32
      %get3A_3607 = arith.constant 7 : i32
      %get3A_3608 = arith.index_cast %get3A_3606 : i32 to index
      %get3A_3609 = arith.index_cast %get3A_3607 : i32 to index
      %get3A_3610 = arith.constant 96 : index
      %get3A_3611 = tpu.vector_load %arg9[%get3A_3608, %get3A_3609, %get3A_3610] {strides = array<i32>} : memref<2x16x128xf32, #tpu.memory_space<vmem>>, vector<1x1x16xf32>,
      %get3A_3612 = vector.shape_cast %get3A_3611 : vector<1x1x16xf32> to vector<16xf32>
      %get3A_3613 = arith.constant 1 : i32
      %get3A_3614 = arith.constant 7 : i32
      %get3A_3615 = arith.index_cast %get3A_3613 : i32 to index
      %get3A_3616 = arith.index_cast %get3A_3614 : i32 to index
      %get3A_3617 = arith.constant 96 : index
      %get3A_3618 = tpu.vector_load %arg10[%get3A_3615, %get3A_3616, %get3A_3617] {strides = array<i32>} : memref<2x16x128xf32, #tpu.memory_space<vmem>>, vector<1x1x16xf32>,
      %get3A_3619 = vector.shape_cast %get3A_3618 : vector<1x1x16xf32> to vector<16xf32>
      %mul3A_3620 = arith.mulf %get3A_3612, %get3A_3619 : vector<16xf32>
      %add3A_3621 = arith.addf %add3A_3589, %mul3A_3620 : vector<16xf32>
      %get3A_3622 = arith.constant 1 : i32
      %get3A_3623 = arith.constant 7 : i32
      %get3A_3624 = arith.index_cast %get3A_3622 : i32 to index
      %get3A_3625 = arith.index_cast %get3A_3623 : i32 to index
      %get3A_3626 = arith.constant 112 : index
      %get3A_3627 = tpu.vector_load %arg9[%get3A_3624, %get3A_3625, %get3A_3626] {strides = array<i32>} : memref<2x16x128xf32, #tpu.memory_space<vmem>>, vector<1x1x16xf32>,
      %get3A_3628 = vector.shape_cast %get3A_3627 : vector<1x1x16xf32> to vector<16xf32>
      %get3A_3629 = arith.constant 1 : i32
      %get3A_3630 = arith.constant 7 : i32
      %get3A_3631 = arith.index_cast %get3A_3629 : i32 to index
      %get3A_3632 = arith.index_cast %get3A_3630 : i32 to index
      %get3A_3633 = arith.constant 112 : index
      %get3A_3634 = tpu.vector_load %arg10[%get3A_3631, %get3A_3632, %get3A_3633] {strides = array<i32>} : memref<2x16x128xf32, #tpu.memory_space<vmem>>, vector<1x1x16xf32>,
      %get3A_3635 = vector.shape_cast %get3A_3634 : vector<1x1x16xf32> to vector<16xf32>
      %mul3A_3636 = arith.mulf %get3A_3628, %get3A_3635 : vector<16xf32>
      %add3A_3637 = arith.addf %add3A_3605, %mul3A_3636 : vector<16xf32>
      %add3A_3638 = arith.addf %add3A_3621, %add3A_3637 : vector<16xf32>
      %broadcast_in_dim3A_3639 = vector.shape_cast %and3A_8 : vector<16xi32> to vector<16x1xi32>
      %gather3A_3640 = vector.shape_cast %broadcast_in_dim3A_3639 : vector<16x1xi32> to vector<16xi32>
      %gather3A_3641 = tpu.dynamic_gather %add3A_3638[%gather3A_3640] in [0] : vector<16xf32>, vector<16xi32> -> vector<16xf32>
      %add3A_3642 = arith.addf %add3A_3638, %gather3A_3641 : vector<16xf32>
      %broadcast_in_dim3A_3643 = vector.shape_cast %and3A_14 : vector<16xi32> to vector<16x1xi32>
      %gather3A_3644 = vector.shape_cast %broadcast_in_dim3A_3643 : vector<16x1xi32> to vector<16xi32>
      %gather3A_3645 = tpu.dynamic_gather %add3A_3642[%gather3A_3644] in [0] : vector<16xf32>, vector<16xi32> -> vector<16xf32>
      %add3A_3646 = arith.addf %add3A_3642, %gather3A_3645 : vector<16xf32>
      %broadcast_in_dim3A_3647 = vector.shape_cast %and3A_20 : vector<16xi32> to vector<16x1xi32>
      %gather3A_3648 = vector.shape_cast %broadcast_in_dim3A_3647 : vector<16x1xi32> to vector<16xi32>
      %gather3A_3649 = tpu.dynamic_gather %add3A_3646[%gather3A_3648] in [0] : vector<16xf32>, vector<16xi32> -> vector<16xf32>
      %add3A_3650 = arith.addf %add3A_3646, %gather3A_3649 : vector<16xf32>
      %broadcast_in_dim3A_3651 = vector.shape_cast %and3A_26 : vector<16xi32> to vector<16x1xi32>
      %gather3A_3652 = vector.shape_cast %broadcast_in_dim3A_3651 : vector<16x1xi32> to vector<16xi32>
      %gather3A_3653 = tpu.dynamic_gather %add3A_3650[%gather3A_3652] in [0] : vector<16xf32>, vector<16xi32> -> vector<16xf32>
      %add3A_3654 = arith.addf %add3A_3650, %gather3A_3653 : vector<16xf32>
      %eq3A_3655 = arith.constant 7 : i32
      %eq3A_3656 = vector.broadcast %eq3A_3655 : i32 to vector<16xi32>
      %eq3A_3657 = arith.cmpi eq, %iota3A, %eq3A_3656 : vector<16xi32>
      %select_n3A_3658 = arith.select %eq3A_3657, %add3A_3654, %select_n3A_3511 : vector<16xi1>, vector<16xf32>
      %get3A_3659 = arith.constant 1 : i32
      %get3A_3660 = arith.constant 8 : i32
      %get3A_3661 = arith.index_cast %get3A_3659 : i32 to index
      %get3A_3662 = arith.index_cast %get3A_3660 : i32 to index
      %get3A_3663 = arith.constant 0 : index
      %get3A_3664 = tpu.vector_load %arg9[%get3A_3661, %get3A_3662, %get3A_3663] {strides = array<i32>} : memref<2x16x128xf32, #tpu.memory_space<vmem>>, vector<1x1x16xf32>,
      %get3A_3665 = vector.shape_cast %get3A_3664 : vector<1x1x16xf32> to vector<16xf32>
      %get3A_3666 = arith.constant 1 : i32
      %get3A_3667 = arith.constant 8 : i32
      %get3A_3668 = arith.index_cast %get3A_3666 : i32 to index
      %get3A_3669 = arith.index_cast %get3A_3667 : i32 to index
      %get3A_3670 = arith.constant 0 : index
      %get3A_3671 = tpu.vector_load %arg10[%get3A_3668, %get3A_3669, %get3A_3670] {strides = array<i32>} : memref<2x16x128xf32, #tpu.memory_space<vmem>>, vector<1x1x16xf32>,
      %get3A_3672 = vector.shape_cast %get3A_3671 : vector<1x1x16xf32> to vector<16xf32>
      %mul3A_3673 = arith.mulf %get3A_3665, %get3A_3672 : vector<16xf32>
      %get3A_3674 = arith.constant 1 : i32
      %get3A_3675 = arith.constant 8 : i32
      %get3A_3676 = arith.index_cast %get3A_3674 : i32 to index
      %get3A_3677 = arith.index_cast %get3A_3675 : i32 to index
      %get3A_3678 = arith.constant 16 : index
      %get3A_3679 = tpu.vector_load %arg9[%get3A_3676, %get3A_3677, %get3A_3678] {strides = array<i32>} : memref<2x16x128xf32, #tpu.memory_space<vmem>>, vector<1x1x16xf32>,
      %get3A_3680 = vector.shape_cast %get3A_3679 : vector<1x1x16xf32> to vector<16xf32>
      %get3A_3681 = arith.constant 1 : i32
      %get3A_3682 = arith.constant 8 : i32
      %get3A_3683 = arith.index_cast %get3A_3681 : i32 to index
      %get3A_3684 = arith.index_cast %get3A_3682 : i32 to index
      %get3A_3685 = arith.constant 16 : index
      %get3A_3686 = tpu.vector_load %arg10[%get3A_3683, %get3A_3684, %get3A_3685] {strides = array<i32>} : memref<2x16x128xf32, #tpu.memory_space<vmem>>, vector<1x1x16xf32>,
      %get3A_3687 = vector.shape_cast %get3A_3686 : vector<1x1x16xf32> to vector<16xf32>
      %mul3A_3688 = arith.mulf %get3A_3680, %get3A_3687 : vector<16xf32>
      %get3A_3689 = arith.constant 1 : i32
      %get3A_3690 = arith.constant 8 : i32
      %get3A_3691 = arith.index_cast %get3A_3689 : i32 to index
      %get3A_3692 = arith.index_cast %get3A_3690 : i32 to index
      %get3A_3693 = arith.constant 32 : index
      %get3A_3694 = tpu.vector_load %arg9[%get3A_3691, %get3A_3692, %get3A_3693] {strides = array<i32>} : memref<2x16x128xf32, #tpu.memory_space<vmem>>, vector<1x1x16xf32>,
      %get3A_3695 = vector.shape_cast %get3A_3694 : vector<1x1x16xf32> to vector<16xf32>
      %get3A_3696 = arith.constant 1 : i32
      %get3A_3697 = arith.constant 8 : i32
      %get3A_3698 = arith.index_cast %get3A_3696 : i32 to index
      %get3A_3699 = arith.index_cast %get3A_3697 : i32 to index
      %get3A_3700 = arith.constant 32 : index
      %get3A_3701 = tpu.vector_load %arg10[%get3A_3698, %get3A_3699, %get3A_3700] {strides = array<i32>} : memref<2x16x128xf32, #tpu.memory_space<vmem>>, vector<1x1x16xf32>,
      %get3A_3702 = vector.shape_cast %get3A_3701 : vector<1x1x16xf32> to vector<16xf32>
      %mul3A_3703 = arith.mulf %get3A_3695, %get3A_3702 : vector<16xf32>
      %add3A_3704 = arith.addf %mul3A_3673, %mul3A_3703 : vector<16xf32>
      %get3A_3705 = arith.constant 1 : i32
      %get3A_3706 = arith.constant 8 : i32
      %get3A_3707 = arith.index_cast %get3A_3705 : i32 to index
      %get3A_3708 = arith.index_cast %get3A_3706 : i32 to index
      %get3A_3709 = arith.constant 48 : index
      %get3A_3710 = tpu.vector_load %arg9[%get3A_3707, %get3A_3708, %get3A_3709] {strides = array<i32>} : memref<2x16x128xf32, #tpu.memory_space<vmem>>, vector<1x1x16xf32>,
      %get3A_3711 = vector.shape_cast %get3A_3710 : vector<1x1x16xf32> to vector<16xf32>
      %get3A_3712 = arith.constant 1 : i32
      %get3A_3713 = arith.constant 8 : i32
      %get3A_3714 = arith.index_cast %get3A_3712 : i32 to index
      %get3A_3715 = arith.index_cast %get3A_3713 : i32 to index
      %get3A_3716 = arith.constant 48 : index
      %get3A_3717 = tpu.vector_load %arg10[%get3A_3714, %get3A_3715, %get3A_3716] {strides = array<i32>} : memref<2x16x128xf32, #tpu.memory_space<vmem>>, vector<1x1x16xf32>,
      %get3A_3718 = vector.shape_cast %get3A_3717 : vector<1x1x16xf32> to vector<16xf32>
      %mul3A_3719 = arith.mulf %get3A_3711, %get3A_3718 : vector<16xf32>
      %add3A_3720 = arith.addf %mul3A_3688, %mul3A_3719 : vector<16xf32>
      %get3A_3721 = arith.constant 1 : i32
      %get3A_3722 = arith.constant 8 : i32
      %get3A_3723 = arith.index_cast %get3A_3721 : i32 to index
      %get3A_3724 = arith.index_cast %get3A_3722 : i32 to index
      %get3A_3725 = arith.constant 64 : index
      %get3A_3726 = tpu.vector_load %arg9[%get3A_3723, %get3A_3724, %get3A_3725] {strides = array<i32>} : memref<2x16x128xf32, #tpu.memory_space<vmem>>, vector<1x1x16xf32>,
      %get3A_3727 = vector.shape_cast %get3A_3726 : vector<1x1x16xf32> to vector<16xf32>
      %get3A_3728 = arith.constant 1 : i32
      %get3A_3729 = arith.constant 8 : i32
      %get3A_3730 = arith.index_cast %get3A_3728 : i32 to index
      %get3A_3731 = arith.index_cast %get3A_3729 : i32 to index
      %get3A_3732 = arith.constant 64 : index
      %get3A_3733 = tpu.vector_load %arg10[%get3A_3730, %get3A_3731, %get3A_3732] {strides = array<i32>} : memref<2x16x128xf32, #tpu.memory_space<vmem>>, vector<1x1x16xf32>,
      %get3A_3734 = vector.shape_cast %get3A_3733 : vector<1x1x16xf32> to vector<16xf32>
      %mul3A_3735 = arith.mulf %get3A_3727, %get3A_3734 : vector<16xf32>
      %add3A_3736 = arith.addf %add3A_3704, %mul3A_3735 : vector<16xf32>
      %get3A_3737 = arith.constant 1 : i32
      %get3A_3738 = arith.constant 8 : i32
      %get3A_3739 = arith.index_cast %get3A_3737 : i32 to index
      %get3A_3740 = arith.index_cast %get3A_3738 : i32 to index
      %get3A_3741 = arith.constant 80 : index
      %get3A_3742 = tpu.vector_load %arg9[%get3A_3739, %get3A_3740, %get3A_3741] {strides = array<i32>} : memref<2x16x128xf32, #tpu.memory_space<vmem>>, vector<1x1x16xf32>,
      %get3A_3743 = vector.shape_cast %get3A_3742 : vector<1x1x16xf32> to vector<16xf32>
      %get3A_3744 = arith.constant 1 : i32
      %get3A_3745 = arith.constant 8 : i32
      %get3A_3746 = arith.index_cast %get3A_3744 : i32 to index
      %get3A_3747 = arith.index_cast %get3A_3745 : i32 to index
      %get3A_3748 = arith.constant 80 : index
      %get3A_3749 = tpu.vector_load %arg10[%get3A_3746, %get3A_3747, %get3A_3748] {strides = array<i32>} : memref<2x16x128xf32, #tpu.memory_space<vmem>>, vector<1x1x16xf32>,
      %get3A_3750 = vector.shape_cast %get3A_3749 : vector<1x1x16xf32> to vector<16xf32>
      %mul3A_3751 = arith.mulf %get3A_3743, %get3A_3750 : vector<16xf32>
      %add3A_3752 = arith.addf %add3A_3720, %mul3A_3751 : vector<16xf32>
      %get3A_3753 = arith.constant 1 : i32
      %get3A_3754 = arith.constant 8 : i32
      %get3A_3755 = arith.index_cast %get3A_3753 : i32 to index
      %get3A_3756 = arith.index_cast %get3A_3754 : i32 to index
      %get3A_3757 = arith.constant 96 : index
      %get3A_3758 = tpu.vector_load %arg9[%get3A_3755, %get3A_3756, %get3A_3757] {strides = array<i32>} : memref<2x16x128xf32, #tpu.memory_space<vmem>>, vector<1x1x16xf32>,
      %get3A_3759 = vector.shape_cast %get3A_3758 : vector<1x1x16xf32> to vector<16xf32>
      %get3A_3760 = arith.constant 1 : i32
      %get3A_3761 = arith.constant 8 : i32
      %get3A_3762 = arith.index_cast %get3A_3760 : i32 to index
      %get3A_3763 = arith.index_cast %get3A_3761 : i32 to index
      %get3A_3764 = arith.constant 96 : index
      %get3A_3765 = tpu.vector_load %arg10[%get3A_3762, %get3A_3763, %get3A_3764] {strides = array<i32>} : memref<2x16x128xf32, #tpu.memory_space<vmem>>, vector<1x1x16xf32>,
      %get3A_3766 = vector.shape_cast %get3A_3765 : vector<1x1x16xf32> to vector<16xf32>
      %mul3A_3767 = arith.mulf %get3A_3759, %get3A_3766 : vector<16xf32>
      %add3A_3768 = arith.addf %add3A_3736, %mul3A_3767 : vector<16xf32>
      %get3A_3769 = arith.constant 1 : i32
      %get3A_3770 = arith.constant 8 : i32
      %get3A_3771 = arith.index_cast %get3A_3769 : i32 to index
      %get3A_3772 = arith.index_cast %get3A_3770 : i32 to index
      %get3A_3773 = arith.constant 112 : index
      %get3A_3774 = tpu.vector_load %arg9[%get3A_3771, %get3A_3772, %get3A_3773] {strides = array<i32>} : memref<2x16x128xf32, #tpu.memory_space<vmem>>, vector<1x1x16xf32>,
      %get3A_3775 = vector.shape_cast %get3A_3774 : vector<1x1x16xf32> to vector<16xf32>
      %get3A_3776 = arith.constant 1 : i32
      %get3A_3777 = arith.constant 8 : i32
      %get3A_3778 = arith.index_cast %get3A_3776 : i32 to index
      %get3A_3779 = arith.index_cast %get3A_3777 : i32 to index
      %get3A_3780 = arith.constant 112 : index
      %get3A_3781 = tpu.vector_load %arg10[%get3A_3778, %get3A_3779, %get3A_3780] {strides = array<i32>} : memref<2x16x128xf32, #tpu.memory_space<vmem>>, vector<1x1x16xf32>,
      %get3A_3782 = vector.shape_cast %get3A_3781 : vector<1x1x16xf32> to vector<16xf32>
      %mul3A_3783 = arith.mulf %get3A_3775, %get3A_3782 : vector<16xf32>
      %add3A_3784 = arith.addf %add3A_3752, %mul3A_3783 : vector<16xf32>
      %add3A_3785 = arith.addf %add3A_3768, %add3A_3784 : vector<16xf32>
      %broadcast_in_dim3A_3786 = vector.shape_cast %and3A_8 : vector<16xi32> to vector<16x1xi32>
      %gather3A_3787 = vector.shape_cast %broadcast_in_dim3A_3786 : vector<16x1xi32> to vector<16xi32>
      %gather3A_3788 = tpu.dynamic_gather %add3A_3785[%gather3A_3787] in [0] : vector<16xf32>, vector<16xi32> -> vector<16xf32>
      %add3A_3789 = arith.addf %add3A_3785, %gather3A_3788 : vector<16xf32>
      %broadcast_in_dim3A_3790 = vector.shape_cast %and3A_14 : vector<16xi32> to vector<16x1xi32>
      %gather3A_3791 = vector.shape_cast %broadcast_in_dim3A_3790 : vector<16x1xi32> to vector<16xi32>
      %gather3A_3792 = tpu.dynamic_gather %add3A_3789[%gather3A_3791] in [0] : vector<16xf32>, vector<16xi32> -> vector<16xf32>
      %add3A_3793 = arith.addf %add3A_3789, %gather3A_3792 : vector<16xf32>
      %broadcast_in_dim3A_3794 = vector.shape_cast %and3A_20 : vector<16xi32> to vector<16x1xi32>
      %gather3A_3795 = vector.shape_cast %broadcast_in_dim3A_3794 : vector<16x1xi32> to vector<16xi32>
      %gather3A_3796 = tpu.dynamic_gather %add3A_3793[%gather3A_3795] in [0] : vector<16xf32>, vector<16xi32> -> vector<16xf32>
      %add3A_3797 = arith.addf %add3A_3793, %gather3A_3796 : vector<16xf32>
      %broadcast_in_dim3A_3798 = vector.shape_cast %and3A_26 : vector<16xi32> to vector<16x1xi32>
      %gather3A_3799 = vector.shape_cast %broadcast_in_dim3A_3798 : vector<16x1xi32> to vector<16xi32>
      %gather3A_3800 = tpu.dynamic_gather %add3A_3797[%gather3A_3799] in [0] : vector<16xf32>, vector<16xi32> -> vector<16xf32>
      %add3A_3801 = arith.addf %add3A_3797, %gather3A_3800 : vector<16xf32>
      %eq3A_3802 = arith.constant 8 : i32
      %eq3A_3803 = vector.broadcast %eq3A_3802 : i32 to vector<16xi32>
      %eq3A_3804 = arith.cmpi eq, %iota3A, %eq3A_3803 : vector<16xi32>
      %select_n3A_3805 = arith.select %eq3A_3804, %add3A_3801, %select_n3A_3658 : vector<16xi1>, vector<16xf32>
      %get3A_3806 = arith.constant 1 : i32
      %get3A_3807 = arith.constant 9 : i32
      %get3A_3808 = arith.index_cast %get3A_3806 : i32 to index
      %get3A_3809 = arith.index_cast %get3A_3807 : i32 to index
      %get3A_3810 = arith.constant 0 : index
      %get3A_3811 = tpu.vector_load %arg9[%get3A_3808, %get3A_3809, %get3A_3810] {strides = array<i32>} : memref<2x16x128xf32, #tpu.memory_space<vmem>>, vector<1x1x16xf32>,
      %get3A_3812 = vector.shape_cast %get3A_3811 : vector<1x1x16xf32> to vector<16xf32>
      %get3A_3813 = arith.constant 1 : i32
      %get3A_3814 = arith.constant 9 : i32
      %get3A_3815 = arith.index_cast %get3A_3813 : i32 to index
      %get3A_3816 = arith.index_cast %get3A_3814 : i32 to index
      %get3A_3817 = arith.constant 0 : index
      %get3A_3818 = tpu.vector_load %arg10[%get3A_3815, %get3A_3816, %get3A_3817] {strides = array<i32>} : memref<2x16x128xf32, #tpu.memory_space<vmem>>, vector<1x1x16xf32>,
      %get3A_3819 = vector.shape_cast %get3A_3818 : vector<1x1x16xf32> to vector<16xf32>
      %mul3A_3820 = arith.mulf %get3A_3812, %get3A_3819 : vector<16xf32>
      %get3A_3821 = arith.constant 1 : i32
      %get3A_3822 = arith.constant 9 : i32
      %get3A_3823 = arith.index_cast %get3A_3821 : i32 to index
      %get3A_3824 = arith.index_cast %get3A_3822 : i32 to index
      %get3A_3825 = arith.constant 16 : index
      %get3A_3826 = tpu.vector_load %arg9[%get3A_3823, %get3A_3824, %get3A_3825] {strides = array<i32>} : memref<2x16x128xf32, #tpu.memory_space<vmem>>, vector<1x1x16xf32>,
      %get3A_3827 = vector.shape_cast %get3A_3826 : vector<1x1x16xf32> to vector<16xf32>
      %get3A_3828 = arith.constant 1 : i32
      %get3A_3829 = arith.constant 9 : i32
      %get3A_3830 = arith.index_cast %get3A_3828 : i32 to index
      %get3A_3831 = arith.index_cast %get3A_3829 : i32 to index
      %get3A_3832 = arith.constant 16 : index
      %get3A_3833 = tpu.vector_load %arg10[%get3A_3830, %get3A_3831, %get3A_3832] {strides = array<i32>} : memref<2x16x128xf32, #tpu.memory_space<vmem>>, vector<1x1x16xf32>,
      %get3A_3834 = vector.shape_cast %get3A_3833 : vector<1x1x16xf32> to vector<16xf32>
      %mul3A_3835 = arith.mulf %get3A_3827, %get3A_3834 : vector<16xf32>
      %get3A_3836 = arith.constant 1 : i32
      %get3A_3837 = arith.constant 9 : i32
      %get3A_3838 = arith.index_cast %get3A_3836 : i32 to index
      %get3A_3839 = arith.index_cast %get3A_3837 : i32 to index
      %get3A_3840 = arith.constant 32 : index
      %get3A_3841 = tpu.vector_load %arg9[%get3A_3838, %get3A_3839, %get3A_3840] {strides = array<i32>} : memref<2x16x128xf32, #tpu.memory_space<vmem>>, vector<1x1x16xf32>,
      %get3A_3842 = vector.shape_cast %get3A_3841 : vector<1x1x16xf32> to vector<16xf32>
      %get3A_3843 = arith.constant 1 : i32
      %get3A_3844 = arith.constant 9 : i32
      %get3A_3845 = arith.index_cast %get3A_3843 : i32 to index
      %get3A_3846 = arith.index_cast %get3A_3844 : i32 to index
      %get3A_3847 = arith.constant 32 : index
      %get3A_3848 = tpu.vector_load %arg10[%get3A_3845, %get3A_3846, %get3A_3847] {strides = array<i32>} : memref<2x16x128xf32, #tpu.memory_space<vmem>>, vector<1x1x16xf32>,
      %get3A_3849 = vector.shape_cast %get3A_3848 : vector<1x1x16xf32> to vector<16xf32>
      %mul3A_3850 = arith.mulf %get3A_3842, %get3A_3849 : vector<16xf32>
      %add3A_3851 = arith.addf %mul3A_3820, %mul3A_3850 : vector<16xf32>
      %get3A_3852 = arith.constant 1 : i32
      %get3A_3853 = arith.constant 9 : i32
      %get3A_3854 = arith.index_cast %get3A_3852 : i32 to index
      %get3A_3855 = arith.index_cast %get3A_3853 : i32 to index
      %get3A_3856 = arith.constant 48 : index
      %get3A_3857 = tpu.vector_load %arg9[%get3A_3854, %get3A_3855, %get3A_3856] {strides = array<i32>} : memref<2x16x128xf32, #tpu.memory_space<vmem>>, vector<1x1x16xf32>,
      %get3A_3858 = vector.shape_cast %get3A_3857 : vector<1x1x16xf32> to vector<16xf32>
      %get3A_3859 = arith.constant 1 : i32
      %get3A_3860 = arith.constant 9 : i32
      %get3A_3861 = arith.index_cast %get3A_3859 : i32 to index
      %get3A_3862 = arith.index_cast %get3A_3860 : i32 to index
      %get3A_3863 = arith.constant 48 : index
      %get3A_3864 = tpu.vector_load %arg10[%get3A_3861, %get3A_3862, %get3A_3863] {strides = array<i32>} : memref<2x16x128xf32, #tpu.memory_space<vmem>>, vector<1x1x16xf32>,
      %get3A_3865 = vector.shape_cast %get3A_3864 : vector<1x1x16xf32> to vector<16xf32>
      %mul3A_3866 = arith.mulf %get3A_3858, %get3A_3865 : vector<16xf32>
      %add3A_3867 = arith.addf %mul3A_3835, %mul3A_3866 : vector<16xf32>
      %get3A_3868 = arith.constant 1 : i32
      %get3A_3869 = arith.constant 9 : i32
      %get3A_3870 = arith.index_cast %get3A_3868 : i32 to index
      %get3A_3871 = arith.index_cast %get3A_3869 : i32 to index
      %get3A_3872 = arith.constant 64 : index
      %get3A_3873 = tpu.vector_load %arg9[%get3A_3870, %get3A_3871, %get3A_3872] {strides = array<i32>} : memref<2x16x128xf32, #tpu.memory_space<vmem>>, vector<1x1x16xf32>,
      %get3A_3874 = vector.shape_cast %get3A_3873 : vector<1x1x16xf32> to vector<16xf32>
      %get3A_3875 = arith.constant 1 : i32
      %get3A_3876 = arith.constant 9 : i32
      %get3A_3877 = arith.index_cast %get3A_3875 : i32 to index
      %get3A_3878 = arith.index_cast %get3A_3876 : i32 to index
      %get3A_3879 = arith.constant 64 : index
      %get3A_3880 = tpu.vector_load %arg10[%get3A_3877, %get3A_3878, %get3A_3879] {strides = array<i32>} : memref<2x16x128xf32, #tpu.memory_space<vmem>>, vector<1x1x16xf32>,
      %get3A_3881 = vector.shape_cast %get3A_3880 : vector<1x1x16xf32> to vector<16xf32>
      %mul3A_3882 = arith.mulf %get3A_3874, %get3A_3881 : vector<16xf32>
      %add3A_3883 = arith.addf %add3A_3851, %mul3A_3882 : vector<16xf32>
      %get3A_3884 = arith.constant 1 : i32
      %get3A_3885 = arith.constant 9 : i32
      %get3A_3886 = arith.index_cast %get3A_3884 : i32 to index
      %get3A_3887 = arith.index_cast %get3A_3885 : i32 to index
      %get3A_3888 = arith.constant 80 : index
      %get3A_3889 = tpu.vector_load %arg9[%get3A_3886, %get3A_3887, %get3A_3888] {strides = array<i32>} : memref<2x16x128xf32, #tpu.memory_space<vmem>>, vector<1x1x16xf32>,
      %get3A_3890 = vector.shape_cast %get3A_3889 : vector<1x1x16xf32> to vector<16xf32>
      %get3A_3891 = arith.constant 1 : i32
      %get3A_3892 = arith.constant 9 : i32
      %get3A_3893 = arith.index_cast %get3A_3891 : i32 to index
      %get3A_3894 = arith.index_cast %get3A_3892 : i32 to index
      %get3A_3895 = arith.constant 80 : index
      %get3A_3896 = tpu.vector_load %arg10[%get3A_3893, %get3A_3894, %get3A_3895] {strides = array<i32>} : memref<2x16x128xf32, #tpu.memory_space<vmem>>, vector<1x1x16xf32>,
      %get3A_3897 = vector.shape_cast %get3A_3896 : vector<1x1x16xf32> to vector<16xf32>
      %mul3A_3898 = arith.mulf %get3A_3890, %get3A_3897 : vector<16xf32>
      %add3A_3899 = arith.addf %add3A_3867, %mul3A_3898 : vector<16xf32>
      %get3A_3900 = arith.constant 1 : i32
      %get3A_3901 = arith.constant 9 : i32
      %get3A_3902 = arith.index_cast %get3A_3900 : i32 to index
      %get3A_3903 = arith.index_cast %get3A_3901 : i32 to index
      %get3A_3904 = arith.constant 96 : index
      %get3A_3905 = tpu.vector_load %arg9[%get3A_3902, %get3A_3903, %get3A_3904] {strides = array<i32>} : memref<2x16x128xf32, #tpu.memory_space<vmem>>, vector<1x1x16xf32>,
      %get3A_3906 = vector.shape_cast %get3A_3905 : vector<1x1x16xf32> to vector<16xf32>
      %get3A_3907 = arith.constant 1 : i32
      %get3A_3908 = arith.constant 9 : i32
      %get3A_3909 = arith.index_cast %get3A_3907 : i32 to index
      %get3A_3910 = arith.index_cast %get3A_3908 : i32 to index
      %get3A_3911 = arith.constant 96 : index
      %get3A_3912 = tpu.vector_load %arg10[%get3A_3909, %get3A_3910, %get3A_3911] {strides = array<i32>} : memref<2x16x128xf32, #tpu.memory_space<vmem>>, vector<1x1x16xf32>,
      %get3A_3913 = vector.shape_cast %get3A_3912 : vector<1x1x16xf32> to vector<16xf32>
      %mul3A_3914 = arith.mulf %get3A_3906, %get3A_3913 : vector<16xf32>
      %add3A_3915 = arith.addf %add3A_3883, %mul3A_3914 : vector<16xf32>
      %get3A_3916 = arith.constant 1 : i32
      %get3A_3917 = arith.constant 9 : i32
      %get3A_3918 = arith.index_cast %get3A_3916 : i32 to index
      %get3A_3919 = arith.index_cast %get3A_3917 : i32 to index
      %get3A_3920 = arith.constant 112 : index
      %get3A_3921 = tpu.vector_load %arg9[%get3A_3918, %get3A_3919, %get3A_3920] {strides = array<i32>} : memref<2x16x128xf32, #tpu.memory_space<vmem>>, vector<1x1x16xf32>,
      %get3A_3922 = vector.shape_cast %get3A_3921 : vector<1x1x16xf32> to vector<16xf32>
      %get3A_3923 = arith.constant 1 : i32
      %get3A_3924 = arith.constant 9 : i32
      %get3A_3925 = arith.index_cast %get3A_3923 : i32 to index
      %get3A_3926 = arith.index_cast %get3A_3924 : i32 to index
      %get3A_3927 = arith.constant 112 : index
      %get3A_3928 = tpu.vector_load %arg10[%get3A_3925, %get3A_3926, %get3A_3927] {strides = array<i32>} : memref<2x16x128xf32, #tpu.memory_space<vmem>>, vector<1x1x16xf32>,
      %get3A_3929 = vector.shape_cast %get3A_3928 : vector<1x1x16xf32> to vector<16xf32>
      %mul3A_3930 = arith.mulf %get3A_3922, %get3A_3929 : vector<16xf32>
      %add3A_3931 = arith.addf %add3A_3899, %mul3A_3930 : vector<16xf32>
      %add3A_3932 = arith.addf %add3A_3915, %add3A_3931 : vector<16xf32>
      %broadcast_in_dim3A_3933 = vector.shape_cast %and3A_8 : vector<16xi32> to vector<16x1xi32>
      %gather3A_3934 = vector.shape_cast %broadcast_in_dim3A_3933 : vector<16x1xi32> to vector<16xi32>
      %gather3A_3935 = tpu.dynamic_gather %add3A_3932[%gather3A_3934] in [0] : vector<16xf32>, vector<16xi32> -> vector<16xf32>
      %add3A_3936 = arith.addf %add3A_3932, %gather3A_3935 : vector<16xf32>
      %broadcast_in_dim3A_3937 = vector.shape_cast %and3A_14 : vector<16xi32> to vector<16x1xi32>
      %gather3A_3938 = vector.shape_cast %broadcast_in_dim3A_3937 : vector<16x1xi32> to vector<16xi32>
      %gather3A_3939 = tpu.dynamic_gather %add3A_3936[%gather3A_3938] in [0] : vector<16xf32>, vector<16xi32> -> vector<16xf32>
      %add3A_3940 = arith.addf %add3A_3936, %gather3A_3939 : vector<16xf32>
      %broadcast_in_dim3A_3941 = vector.shape_cast %and3A_20 : vector<16xi32> to vector<16x1xi32>
      %gather3A_3942 = vector.shape_cast %broadcast_in_dim3A_3941 : vector<16x1xi32> to vector<16xi32>
      %gather3A_3943 = tpu.dynamic_gather %add3A_3940[%gather3A_3942] in [0] : vector<16xf32>, vector<16xi32> -> vector<16xf32>
      %add3A_3944 = arith.addf %add3A_3940, %gather3A_3943 : vector<16xf32>
      %broadcast_in_dim3A_3945 = vector.shape_cast %and3A_26 : vector<16xi32> to vector<16x1xi32>
      %gather3A_3946 = vector.shape_cast %broadcast_in_dim3A_3945 : vector<16x1xi32> to vector<16xi32>
      %gather3A_3947 = tpu.dynamic_gather %add3A_3944[%gather3A_3946] in [0] : vector<16xf32>, vector<16xi32> -> vector<16xf32>
      %add3A_3948 = arith.addf %add3A_3944, %gather3A_3947 : vector<16xf32>
      %eq3A_3949 = arith.constant 9 : i32
      %eq3A_3950 = vector.broadcast %eq3A_3949 : i32 to vector<16xi32>
      %eq3A_3951 = arith.cmpi eq, %iota3A, %eq3A_3950 : vector<16xi32>
      %select_n3A_3952 = arith.select %eq3A_3951, %add3A_3948, %select_n3A_3805 : vector<16xi1>, vector<16xf32>
      %get3A_3953 = arith.constant 1 : i32
      %get3A_3954 = arith.constant 10 : i32
      %get3A_3955 = arith.index_cast %get3A_3953 : i32 to index
      %get3A_3956 = arith.index_cast %get3A_3954 : i32 to index
      %get3A_3957 = arith.constant 0 : index
      %get3A_3958 = tpu.vector_load %arg9[%get3A_3955, %get3A_3956, %get3A_3957] {strides = array<i32>} : memref<2x16x128xf32, #tpu.memory_space<vmem>>, vector<1x1x16xf32>,
      %get3A_3959 = vector.shape_cast %get3A_3958 : vector<1x1x16xf32> to vector<16xf32>
      %get3A_3960 = arith.constant 1 : i32
      %get3A_3961 = arith.constant 10 : i32
      %get3A_3962 = arith.index_cast %get3A_3960 : i32 to index
      %get3A_3963 = arith.index_cast %get3A_3961 : i32 to index
      %get3A_3964 = arith.constant 0 : index
      %get3A_3965 = tpu.vector_load %arg10[%get3A_3962, %get3A_3963, %get3A_3964] {strides = array<i32>} : memref<2x16x128xf32, #tpu.memory_space<vmem>>, vector<1x1x16xf32>,
      %get3A_3966 = vector.shape_cast %get3A_3965 : vector<1x1x16xf32> to vector<16xf32>
      %mul3A_3967 = arith.mulf %get3A_3959, %get3A_3966 : vector<16xf32>
      %get3A_3968 = arith.constant 1 : i32
      %get3A_3969 = arith.constant 10 : i32
      %get3A_3970 = arith.index_cast %get3A_3968 : i32 to index
      %get3A_3971 = arith.index_cast %get3A_3969 : i32 to index
      %get3A_3972 = arith.constant 16 : index
      %get3A_3973 = tpu.vector_load %arg9[%get3A_3970, %get3A_3971, %get3A_3972] {strides = array<i32>} : memref<2x16x128xf32, #tpu.memory_space<vmem>>, vector<1x1x16xf32>,
      %get3A_3974 = vector.shape_cast %get3A_3973 : vector<1x1x16xf32> to vector<16xf32>
      %get3A_3975 = arith.constant 1 : i32
      %get3A_3976 = arith.constant 10 : i32
      %get3A_3977 = arith.index_cast %get3A_3975 : i32 to index
      %get3A_3978 = arith.index_cast %get3A_3976 : i32 to index
      %get3A_3979 = arith.constant 16 : index
      %get3A_3980 = tpu.vector_load %arg10[%get3A_3977, %get3A_3978, %get3A_3979] {strides = array<i32>} : memref<2x16x128xf32, #tpu.memory_space<vmem>>, vector<1x1x16xf32>,
      %get3A_3981 = vector.shape_cast %get3A_3980 : vector<1x1x16xf32> to vector<16xf32>
      %mul3A_3982 = arith.mulf %get3A_3974, %get3A_3981 : vector<16xf32>
      %get3A_3983 = arith.constant 1 : i32
      %get3A_3984 = arith.constant 10 : i32
      %get3A_3985 = arith.index_cast %get3A_3983 : i32 to index
      %get3A_3986 = arith.index_cast %get3A_3984 : i32 to index
      %get3A_3987 = arith.constant 32 : index
      %get3A_3988 = tpu.vector_load %arg9[%get3A_3985, %get3A_3986, %get3A_3987] {strides = array<i32>} : memref<2x16x128xf32, #tpu.memory_space<vmem>>, vector<1x1x16xf32>,
      %get3A_3989 = vector.shape_cast %get3A_3988 : vector<1x1x16xf32> to vector<16xf32>
      %get3A_3990 = arith.constant 1 : i32
      %get3A_3991 = arith.constant 10 : i32
      %get3A_3992 = arith.index_cast %get3A_3990 : i32 to index
      %get3A_3993 = arith.index_cast %get3A_3991 : i32 to index
      %get3A_3994 = arith.constant 32 : index
      %get3A_3995 = tpu.vector_load %arg10[%get3A_3992, %get3A_3993, %get3A_3994] {strides = array<i32>} : memref<2x16x128xf32, #tpu.memory_space<vmem>>, vector<1x1x16xf32>,
      %get3A_3996 = vector.shape_cast %get3A_3995 : vector<1x1x16xf32> to vector<16xf32>
      %mul3A_3997 = arith.mulf %get3A_3989, %get3A_3996 : vector<16xf32>
      %add3A_3998 = arith.addf %mul3A_3967, %mul3A_3997 : vector<16xf32>
      %get3A_3999 = arith.constant 1 : i32
      %get3A_4000 = arith.constant 10 : i32
      %get3A_4001 = arith.index_cast %get3A_3999 : i32 to index
      %get3A_4002 = arith.index_cast %get3A_4000 : i32 to index
      %get3A_4003 = arith.constant 48 : index
      %get3A_4004 = tpu.vector_load %arg9[%get3A_4001, %get3A_4002, %get3A_4003] {strides = array<i32>} : memref<2x16x128xf32, #tpu.memory_space<vmem>>, vector<1x1x16xf32>,
      %get3A_4005 = vector.shape_cast %get3A_4004 : vector<1x1x16xf32> to vector<16xf32>
      %get3A_4006 = arith.constant 1 : i32
      %get3A_4007 = arith.constant 10 : i32
      %get3A_4008 = arith.index_cast %get3A_4006 : i32 to index
      %get3A_4009 = arith.index_cast %get3A_4007 : i32 to index
      %get3A_4010 = arith.constant 48 : index
      %get3A_4011 = tpu.vector_load %arg10[%get3A_4008, %get3A_4009, %get3A_4010] {strides = array<i32>} : memref<2x16x128xf32, #tpu.memory_space<vmem>>, vector<1x1x16xf32>,
      %get3A_4012 = vector.shape_cast %get3A_4011 : vector<1x1x16xf32> to vector<16xf32>
      %mul3A_4013 = arith.mulf %get3A_4005, %get3A_4012 : vector<16xf32>
      %add3A_4014 = arith.addf %mul3A_3982, %mul3A_4013 : vector<16xf32>
      %get3A_4015 = arith.constant 1 : i32
      %get3A_4016 = arith.constant 10 : i32
      %get3A_4017 = arith.index_cast %get3A_4015 : i32 to index
      %get3A_4018 = arith.index_cast %get3A_4016 : i32 to index
      %get3A_4019 = arith.constant 64 : index
      %get3A_4020 = tpu.vector_load %arg9[%get3A_4017, %get3A_4018, %get3A_4019] {strides = array<i32>} : memref<2x16x128xf32, #tpu.memory_space<vmem>>, vector<1x1x16xf32>,
      %get3A_4021 = vector.shape_cast %get3A_4020 : vector<1x1x16xf32> to vector<16xf32>
      %get3A_4022 = arith.constant 1 : i32
      %get3A_4023 = arith.constant 10 : i32
      %get3A_4024 = arith.index_cast %get3A_4022 : i32 to index
      %get3A_4025 = arith.index_cast %get3A_4023 : i32 to index
      %get3A_4026 = arith.constant 64 : index
      %get3A_4027 = tpu.vector_load %arg10[%get3A_4024, %get3A_4025, %get3A_4026] {strides = array<i32>} : memref<2x16x128xf32, #tpu.memory_space<vmem>>, vector<1x1x16xf32>,
      %get3A_4028 = vector.shape_cast %get3A_4027 : vector<1x1x16xf32> to vector<16xf32>
      %mul3A_4029 = arith.mulf %get3A_4021, %get3A_4028 : vector<16xf32>
      %add3A_4030 = arith.addf %add3A_3998, %mul3A_4029 : vector<16xf32>
      %get3A_4031 = arith.constant 1 : i32
      %get3A_4032 = arith.constant 10 : i32
      %get3A_4033 = arith.index_cast %get3A_4031 : i32 to index
      %get3A_4034 = arith.index_cast %get3A_4032 : i32 to index
      %get3A_4035 = arith.constant 80 : index
      %get3A_4036 = tpu.vector_load %arg9[%get3A_4033, %get3A_4034, %get3A_4035] {strides = array<i32>} : memref<2x16x128xf32, #tpu.memory_space<vmem>>, vector<1x1x16xf32>,
      %get3A_4037 = vector.shape_cast %get3A_4036 : vector<1x1x16xf32> to vector<16xf32>
      %get3A_4038 = arith.constant 1 : i32
      %get3A_4039 = arith.constant 10 : i32
      %get3A_4040 = arith.index_cast %get3A_4038 : i32 to index
      %get3A_4041 = arith.index_cast %get3A_4039 : i32 to index
      %get3A_4042 = arith.constant 80 : index
      %get3A_4043 = tpu.vector_load %arg10[%get3A_4040, %get3A_4041, %get3A_4042] {strides = array<i32>} : memref<2x16x128xf32, #tpu.memory_space<vmem>>, vector<1x1x16xf32>,
      %get3A_4044 = vector.shape_cast %get3A_4043 : vector<1x1x16xf32> to vector<16xf32>
      %mul3A_4045 = arith.mulf %get3A_4037, %get3A_4044 : vector<16xf32>
      %add3A_4046 = arith.addf %add3A_4014, %mul3A_4045 : vector<16xf32>
      %get3A_4047 = arith.constant 1 : i32
      %get3A_4048 = arith.constant 10 : i32
      %get3A_4049 = arith.index_cast %get3A_4047 : i32 to index
      %get3A_4050 = arith.index_cast %get3A_4048 : i32 to index
      %get3A_4051 = arith.constant 96 : index
      %get3A_4052 = tpu.vector_load %arg9[%get3A_4049, %get3A_4050, %get3A_4051] {strides = array<i32>} : memref<2x16x128xf32, #tpu.memory_space<vmem>>, vector<1x1x16xf32>,
      %get3A_4053 = vector.shape_cast %get3A_4052 : vector<1x1x16xf32> to vector<16xf32>
      %get3A_4054 = arith.constant 1 : i32
      %get3A_4055 = arith.constant 10 : i32
      %get3A_4056 = arith.index_cast %get3A_4054 : i32 to index
      %get3A_4057 = arith.index_cast %get3A_4055 : i32 to index
      %get3A_4058 = arith.constant 96 : index
      %get3A_4059 = tpu.vector_load %arg10[%get3A_4056, %get3A_4057, %get3A_4058] {strides = array<i32>} : memref<2x16x128xf32, #tpu.memory_space<vmem>>, vector<1x1x16xf32>,
      %get3A_4060 = vector.shape_cast %get3A_4059 : vector<1x1x16xf32> to vector<16xf32>
      %mul3A_4061 = arith.mulf %get3A_4053, %get3A_4060 : vector<16xf32>
      %add3A_4062 = arith.addf %add3A_4030, %mul3A_4061 : vector<16xf32>
      %get3A_4063 = arith.constant 1 : i32
      %get3A_4064 = arith.constant 10 : i32
      %get3A_4065 = arith.index_cast %get3A_4063 : i32 to index
      %get3A_4066 = arith.index_cast %get3A_4064 : i32 to index
      %get3A_4067 = arith.constant 112 : index
      %get3A_4068 = tpu.vector_load %arg9[%get3A_4065, %get3A_4066, %get3A_4067] {strides = array<i32>} : memref<2x16x128xf32, #tpu.memory_space<vmem>>, vector<1x1x16xf32>,
      %get3A_4069 = vector.shape_cast %get3A_4068 : vector<1x1x16xf32> to vector<16xf32>
      %get3A_4070 = arith.constant 1 : i32
      %get3A_4071 = arith.constant 10 : i32
      %get3A_4072 = arith.index_cast %get3A_4070 : i32 to index
      %get3A_4073 = arith.index_cast %get3A_4071 : i32 to index
      %get3A_4074 = arith.constant 112 : index
      %get3A_4075 = tpu.vector_load %arg10[%get3A_4072, %get3A_4073, %get3A_4074] {strides = array<i32>} : memref<2x16x128xf32, #tpu.memory_space<vmem>>, vector<1x1x16xf32>,
      %get3A_4076 = vector.shape_cast %get3A_4075 : vector<1x1x16xf32> to vector<16xf32>
      %mul3A_4077 = arith.mulf %get3A_4069, %get3A_4076 : vector<16xf32>
      %add3A_4078 = arith.addf %add3A_4046, %mul3A_4077 : vector<16xf32>
      %add3A_4079 = arith.addf %add3A_4062, %add3A_4078 : vector<16xf32>
      %broadcast_in_dim3A_4080 = vector.shape_cast %and3A_8 : vector<16xi32> to vector<16x1xi32>
      %gather3A_4081 = vector.shape_cast %broadcast_in_dim3A_4080 : vector<16x1xi32> to vector<16xi32>
      %gather3A_4082 = tpu.dynamic_gather %add3A_4079[%gather3A_4081] in [0] : vector<16xf32>, vector<16xi32> -> vector<16xf32>
      %add3A_4083 = arith.addf %add3A_4079, %gather3A_4082 : vector<16xf32>
      %broadcast_in_dim3A_4084 = vector.shape_cast %and3A_14 : vector<16xi32> to vector<16x1xi32>
      %gather3A_4085 = vector.shape_cast %broadcast_in_dim3A_4084 : vector<16x1xi32> to vector<16xi32>
      %gather3A_4086 = tpu.dynamic_gather %add3A_4083[%gather3A_4085] in [0] : vector<16xf32>, vector<16xi32> -> vector<16xf32>
      %add3A_4087 = arith.addf %add3A_4083, %gather3A_4086 : vector<16xf32>
      %broadcast_in_dim3A_4088 = vector.shape_cast %and3A_20 : vector<16xi32> to vector<16x1xi32>
      %gather3A_4089 = vector.shape_cast %broadcast_in_dim3A_4088 : vector<16x1xi32> to vector<16xi32>
      %gather3A_4090 = tpu.dynamic_gather %add3A_4087[%gather3A_4089] in [0] : vector<16xf32>, vector<16xi32> -> vector<16xf32>
      %add3A_4091 = arith.addf %add3A_4087, %gather3A_4090 : vector<16xf32>
      %broadcast_in_dim3A_4092 = vector.shape_cast %and3A_26 : vector<16xi32> to vector<16x1xi32>
      %gather3A_4093 = vector.shape_cast %broadcast_in_dim3A_4092 : vector<16x1xi32> to vector<16xi32>
      %gather3A_4094 = tpu.dynamic_gather %add3A_4091[%gather3A_4093] in [0] : vector<16xf32>, vector<16xi32> -> vector<16xf32>
      %add3A_4095 = arith.addf %add3A_4091, %gather3A_4094 : vector<16xf32>
      %eq3A_4096 = arith.constant 10 : i32
      %eq3A_4097 = vector.broadcast %eq3A_4096 : i32 to vector<16xi32>
      %eq3A_4098 = arith.cmpi eq, %iota3A, %eq3A_4097 : vector<16xi32>
      %select_n3A_4099 = arith.select %eq3A_4098, %add3A_4095, %select_n3A_3952 : vector<16xi1>, vector<16xf32>
      %get3A_4100 = arith.constant 1 : i32
      %get3A_4101 = arith.constant 11 : i32
      %get3A_4102 = arith.index_cast %get3A_4100 : i32 to index
      %get3A_4103 = arith.index_cast %get3A_4101 : i32 to index
      %get3A_4104 = arith.constant 0 : index
      %get3A_4105 = tpu.vector_load %arg9[%get3A_4102, %get3A_4103, %get3A_4104] {strides = array<i32>} : memref<2x16x128xf32, #tpu.memory_space<vmem>>, vector<1x1x16xf32>,
      %get3A_4106 = vector.shape_cast %get3A_4105 : vector<1x1x16xf32> to vector<16xf32>
      %get3A_4107 = arith.constant 1 : i32
      %get3A_4108 = arith.constant 11 : i32
      %get3A_4109 = arith.index_cast %get3A_4107 : i32 to index
      %get3A_4110 = arith.index_cast %get3A_4108 : i32 to index
      %get3A_4111 = arith.constant 0 : index
      %get3A_4112 = tpu.vector_load %arg10[%get3A_4109, %get3A_4110, %get3A_4111] {strides = array<i32>} : memref<2x16x128xf32, #tpu.memory_space<vmem>>, vector<1x1x16xf32>,
      %get3A_4113 = vector.shape_cast %get3A_4112 : vector<1x1x16xf32> to vector<16xf32>
      %mul3A_4114 = arith.mulf %get3A_4106, %get3A_4113 : vector<16xf32>
      %get3A_4115 = arith.constant 1 : i32
      %get3A_4116 = arith.constant 11 : i32
      %get3A_4117 = arith.index_cast %get3A_4115 : i32 to index
      %get3A_4118 = arith.index_cast %get3A_4116 : i32 to index
      %get3A_4119 = arith.constant 16 : index
      %get3A_4120 = tpu.vector_load %arg9[%get3A_4117, %get3A_4118, %get3A_4119] {strides = array<i32>} : memref<2x16x128xf32, #tpu.memory_space<vmem>>, vector<1x1x16xf32>,
      %get3A_4121 = vector.shape_cast %get3A_4120 : vector<1x1x16xf32> to vector<16xf32>
      %get3A_4122 = arith.constant 1 : i32
      %get3A_4123 = arith.constant 11 : i32
      %get3A_4124 = arith.index_cast %get3A_4122 : i32 to index
      %get3A_4125 = arith.index_cast %get3A_4123 : i32 to index
      %get3A_4126 = arith.constant 16 : index
      %get3A_4127 = tpu.vector_load %arg10[%get3A_4124, %get3A_4125, %get3A_4126] {strides = array<i32>} : memref<2x16x128xf32, #tpu.memory_space<vmem>>, vector<1x1x16xf32>,
      %get3A_4128 = vector.shape_cast %get3A_4127 : vector<1x1x16xf32> to vector<16xf32>
      %mul3A_4129 = arith.mulf %get3A_4121, %get3A_4128 : vector<16xf32>
      %get3A_4130 = arith.constant 1 : i32
      %get3A_4131 = arith.constant 11 : i32
      %get3A_4132 = arith.index_cast %get3A_4130 : i32 to index
      %get3A_4133 = arith.index_cast %get3A_4131 : i32 to index
      %get3A_4134 = arith.constant 32 : index
      %get3A_4135 = tpu.vector_load %arg9[%get3A_4132, %get3A_4133, %get3A_4134] {strides = array<i32>} : memref<2x16x128xf32, #tpu.memory_space<vmem>>, vector<1x1x16xf32>,
      %get3A_4136 = vector.shape_cast %get3A_4135 : vector<1x1x16xf32> to vector<16xf32>
      %get3A_4137 = arith.constant 1 : i32
      %get3A_4138 = arith.constant 11 : i32
      %get3A_4139 = arith.index_cast %get3A_4137 : i32 to index
      %get3A_4140 = arith.index_cast %get3A_4138 : i32 to index
      %get3A_4141 = arith.constant 32 : index
      %get3A_4142 = tpu.vector_load %arg10[%get3A_4139, %get3A_4140, %get3A_4141] {strides = array<i32>} : memref<2x16x128xf32, #tpu.memory_space<vmem>>, vector<1x1x16xf32>,
      %get3A_4143 = vector.shape_cast %get3A_4142 : vector<1x1x16xf32> to vector<16xf32>
      %mul3A_4144 = arith.mulf %get3A_4136, %get3A_4143 : vector<16xf32>
      %add3A_4145 = arith.addf %mul3A_4114, %mul3A_4144 : vector<16xf32>
      %get3A_4146 = arith.constant 1 : i32
      %get3A_4147 = arith.constant 11 : i32
      %get3A_4148 = arith.index_cast %get3A_4146 : i32 to index
      %get3A_4149 = arith.index_cast %get3A_4147 : i32 to index
      %get3A_4150 = arith.constant 48 : index
      %get3A_4151 = tpu.vector_load %arg9[%get3A_4148, %get3A_4149, %get3A_4150] {strides = array<i32>} : memref<2x16x128xf32, #tpu.memory_space<vmem>>, vector<1x1x16xf32>,
      %get3A_4152 = vector.shape_cast %get3A_4151 : vector<1x1x16xf32> to vector<16xf32>
      %get3A_4153 = arith.constant 1 : i32
      %get3A_4154 = arith.constant 11 : i32
      %get3A_4155 = arith.index_cast %get3A_4153 : i32 to index
      %get3A_4156 = arith.index_cast %get3A_4154 : i32 to index
      %get3A_4157 = arith.constant 48 : index
      %get3A_4158 = tpu.vector_load %arg10[%get3A_4155, %get3A_4156, %get3A_4157] {strides = array<i32>} : memref<2x16x128xf32, #tpu.memory_space<vmem>>, vector<1x1x16xf32>,
      %get3A_4159 = vector.shape_cast %get3A_4158 : vector<1x1x16xf32> to vector<16xf32>
      %mul3A_4160 = arith.mulf %get3A_4152, %get3A_4159 : vector<16xf32>
      %add3A_4161 = arith.addf %mul3A_4129, %mul3A_4160 : vector<16xf32>
      %get3A_4162 = arith.constant 1 : i32
      %get3A_4163 = arith.constant 11 : i32
      %get3A_4164 = arith.index_cast %get3A_4162 : i32 to index
      %get3A_4165 = arith.index_cast %get3A_4163 : i32 to index
      %get3A_4166 = arith.constant 64 : index
      %get3A_4167 = tpu.vector_load %arg9[%get3A_4164, %get3A_4165, %get3A_4166] {strides = array<i32>} : memref<2x16x128xf32, #tpu.memory_space<vmem>>, vector<1x1x16xf32>,
      %get3A_4168 = vector.shape_cast %get3A_4167 : vector<1x1x16xf32> to vector<16xf32>
      %get3A_4169 = arith.constant 1 : i32
      %get3A_4170 = arith.constant 11 : i32
      %get3A_4171 = arith.index_cast %get3A_4169 : i32 to index
      %get3A_4172 = arith.index_cast %get3A_4170 : i32 to index
      %get3A_4173 = arith.constant 64 : index
      %get3A_4174 = tpu.vector_load %arg10[%get3A_4171, %get3A_4172, %get3A_4173] {strides = array<i32>} : memref<2x16x128xf32, #tpu.memory_space<vmem>>, vector<1x1x16xf32>,
      %get3A_4175 = vector.shape_cast %get3A_4174 : vector<1x1x16xf32> to vector<16xf32>
      %mul3A_4176 = arith.mulf %get3A_4168, %get3A_4175 : vector<16xf32>
      %add3A_4177 = arith.addf %add3A_4145, %mul3A_4176 : vector<16xf32>
      %get3A_4178 = arith.constant 1 : i32
      %get3A_4179 = arith.constant 11 : i32
      %get3A_4180 = arith.index_cast %get3A_4178 : i32 to index
      %get3A_4181 = arith.index_cast %get3A_4179 : i32 to index
      %get3A_4182 = arith.constant 80 : index
      %get3A_4183 = tpu.vector_load %arg9[%get3A_4180, %get3A_4181, %get3A_4182] {strides = array<i32>} : memref<2x16x128xf32, #tpu.memory_space<vmem>>, vector<1x1x16xf32>,
      %get3A_4184 = vector.shape_cast %get3A_4183 : vector<1x1x16xf32> to vector<16xf32>
      %get3A_4185 = arith.constant 1 : i32
      %get3A_4186 = arith.constant 11 : i32
      %get3A_4187 = arith.index_cast %get3A_4185 : i32 to index
      %get3A_4188 = arith.index_cast %get3A_4186 : i32 to index
      %get3A_4189 = arith.constant 80 : index
      %get3A_4190 = tpu.vector_load %arg10[%get3A_4187, %get3A_4188, %get3A_4189] {strides = array<i32>} : memref<2x16x128xf32, #tpu.memory_space<vmem>>, vector<1x1x16xf32>,
      %get3A_4191 = vector.shape_cast %get3A_4190 : vector<1x1x16xf32> to vector<16xf32>
      %mul3A_4192 = arith.mulf %get3A_4184, %get3A_4191 : vector<16xf32>
      %add3A_4193 = arith.addf %add3A_4161, %mul3A_4192 : vector<16xf32>
      %get3A_4194 = arith.constant 1 : i32
      %get3A_4195 = arith.constant 11 : i32
      %get3A_4196 = arith.index_cast %get3A_4194 : i32 to index
      %get3A_4197 = arith.index_cast %get3A_4195 : i32 to index
      %get3A_4198 = arith.constant 96 : index
      %get3A_4199 = tpu.vector_load %arg9[%get3A_4196, %get3A_4197, %get3A_4198] {strides = array<i32>} : memref<2x16x128xf32, #tpu.memory_space<vmem>>, vector<1x1x16xf32>,
      %get3A_4200 = vector.shape_cast %get3A_4199 : vector<1x1x16xf32> to vector<16xf32>
      %get3A_4201 = arith.constant 1 : i32
      %get3A_4202 = arith.constant 11 : i32
      %get3A_4203 = arith.index_cast %get3A_4201 : i32 to index
      %get3A_4204 = arith.index_cast %get3A_4202 : i32 to index
      %get3A_4205 = arith.constant 96 : index
      %get3A_4206 = tpu.vector_load %arg10[%get3A_4203, %get3A_4204, %get3A_4205] {strides = array<i32>} : memref<2x16x128xf32, #tpu.memory_space<vmem>>, vector<1x1x16xf32>,
      %get3A_4207 = vector.shape_cast %get3A_4206 : vector<1x1x16xf32> to vector<16xf32>
      %mul3A_4208 = arith.mulf %get3A_4200, %get3A_4207 : vector<16xf32>
      %add3A_4209 = arith.addf %add3A_4177, %mul3A_4208 : vector<16xf32>
      %get3A_4210 = arith.constant 1 : i32
      %get3A_4211 = arith.constant 11 : i32
      %get3A_4212 = arith.index_cast %get3A_4210 : i32 to index
      %get3A_4213 = arith.index_cast %get3A_4211 : i32 to index
      %get3A_4214 = arith.constant 112 : index
      %get3A_4215 = tpu.vector_load %arg9[%get3A_4212, %get3A_4213, %get3A_4214] {strides = array<i32>} : memref<2x16x128xf32, #tpu.memory_space<vmem>>, vector<1x1x16xf32>,
      %get3A_4216 = vector.shape_cast %get3A_4215 : vector<1x1x16xf32> to vector<16xf32>
      %get3A_4217 = arith.constant 1 : i32
      %get3A_4218 = arith.constant 11 : i32
      %get3A_4219 = arith.index_cast %get3A_4217 : i32 to index
      %get3A_4220 = arith.index_cast %get3A_4218 : i32 to index
      %get3A_4221 = arith.constant 112 : index
      %get3A_4222 = tpu.vector_load %arg10[%get3A_4219, %get3A_4220, %get3A_4221] {strides = array<i32>} : memref<2x16x128xf32, #tpu.memory_space<vmem>>, vector<1x1x16xf32>,
      %get3A_4223 = vector.shape_cast %get3A_4222 : vector<1x1x16xf32> to vector<16xf32>
      %mul3A_4224 = arith.mulf %get3A_4216, %get3A_4223 : vector<16xf32>
      %add3A_4225 = arith.addf %add3A_4193, %mul3A_4224 : vector<16xf32>
      %add3A_4226 = arith.addf %add3A_4209, %add3A_4225 : vector<16xf32>
      %broadcast_in_dim3A_4227 = vector.shape_cast %and3A_8 : vector<16xi32> to vector<16x1xi32>
      %gather3A_4228 = vector.shape_cast %broadcast_in_dim3A_4227 : vector<16x1xi32> to vector<16xi32>
      %gather3A_4229 = tpu.dynamic_gather %add3A_4226[%gather3A_4228] in [0] : vector<16xf32>, vector<16xi32> -> vector<16xf32>
      %add3A_4230 = arith.addf %add3A_4226, %gather3A_4229 : vector<16xf32>
      %broadcast_in_dim3A_4231 = vector.shape_cast %and3A_14 : vector<16xi32> to vector<16x1xi32>
      %gather3A_4232 = vector.shape_cast %broadcast_in_dim3A_4231 : vector<16x1xi32> to vector<16xi32>
      %gather3A_4233 = tpu.dynamic_gather %add3A_4230[%gather3A_4232] in [0] : vector<16xf32>, vector<16xi32> -> vector<16xf32>
      %add3A_4234 = arith.addf %add3A_4230, %gather3A_4233 : vector<16xf32>
      %broadcast_in_dim3A_4235 = vector.shape_cast %and3A_20 : vector<16xi32> to vector<16x1xi32>
      %gather3A_4236 = vector.shape_cast %broadcast_in_dim3A_4235 : vector<16x1xi32> to vector<16xi32>
      %gather3A_4237 = tpu.dynamic_gather %add3A_4234[%gather3A_4236] in [0] : vector<16xf32>, vector<16xi32> -> vector<16xf32>
      %add3A_4238 = arith.addf %add3A_4234, %gather3A_4237 : vector<16xf32>
      %broadcast_in_dim3A_4239 = vector.shape_cast %and3A_26 : vector<16xi32> to vector<16x1xi32>
      %gather3A_4240 = vector.shape_cast %broadcast_in_dim3A_4239 : vector<16x1xi32> to vector<16xi32>
      %gather3A_4241 = tpu.dynamic_gather %add3A_4238[%gather3A_4240] in [0] : vector<16xf32>, vector<16xi32> -> vector<16xf32>
      %add3A_4242 = arith.addf %add3A_4238, %gather3A_4241 : vector<16xf32>
      %eq3A_4243 = arith.constant 11 : i32
      %eq3A_4244 = vector.broadcast %eq3A_4243 : i32 to vector<16xi32>
      %eq3A_4245 = arith.cmpi eq, %iota3A, %eq3A_4244 : vector<16xi32>
      %select_n3A_4246 = arith.select %eq3A_4245, %add3A_4242, %select_n3A_4099 : vector<16xi1>, vector<16xf32>
      %get3A_4247 = arith.constant 1 : i32
      %get3A_4248 = arith.constant 12 : i32
      %get3A_4249 = arith.index_cast %get3A_4247 : i32 to index
      %get3A_4250 = arith.index_cast %get3A_4248 : i32 to index
      %get3A_4251 = arith.constant 0 : index
      %get3A_4252 = tpu.vector_load %arg9[%get3A_4249, %get3A_4250, %get3A_4251] {strides = array<i32>} : memref<2x16x128xf32, #tpu.memory_space<vmem>>, vector<1x1x16xf32>,
      %get3A_4253 = vector.shape_cast %get3A_4252 : vector<1x1x16xf32> to vector<16xf32>
      %get3A_4254 = arith.constant 1 : i32
      %get3A_4255 = arith.constant 12 : i32
      %get3A_4256 = arith.index_cast %get3A_4254 : i32 to index
      %get3A_4257 = arith.index_cast %get3A_4255 : i32 to index
      %get3A_4258 = arith.constant 0 : index
      %get3A_4259 = tpu.vector_load %arg10[%get3A_4256, %get3A_4257, %get3A_4258] {strides = array<i32>} : memref<2x16x128xf32, #tpu.memory_space<vmem>>, vector<1x1x16xf32>,
      %get3A_4260 = vector.shape_cast %get3A_4259 : vector<1x1x16xf32> to vector<16xf32>
      %mul3A_4261 = arith.mulf %get3A_4253, %get3A_4260 : vector<16xf32>
      %get3A_4262 = arith.constant 1 : i32
      %get3A_4263 = arith.constant 12 : i32
      %get3A_4264 = arith.index_cast %get3A_4262 : i32 to index
      %get3A_4265 = arith.index_cast %get3A_4263 : i32 to index
      %get3A_4266 = arith.constant 16 : index
      %get3A_4267 = tpu.vector_load %arg9[%get3A_4264, %get3A_4265, %get3A_4266] {strides = array<i32>} : memref<2x16x128xf32, #tpu.memory_space<vmem>>, vector<1x1x16xf32>,
      %get3A_4268 = vector.shape_cast %get3A_4267 : vector<1x1x16xf32> to vector<16xf32>
      %get3A_4269 = arith.constant 1 : i32
      %get3A_4270 = arith.constant 12 : i32
      %get3A_4271 = arith.index_cast %get3A_4269 : i32 to index
      %get3A_4272 = arith.index_cast %get3A_4270 : i32 to index
      %get3A_4273 = arith.constant 16 : index
      %get3A_4274 = tpu.vector_load %arg10[%get3A_4271, %get3A_4272, %get3A_4273] {strides = array<i32>} : memref<2x16x128xf32, #tpu.memory_space<vmem>>, vector<1x1x16xf32>,
      %get3A_4275 = vector.shape_cast %get3A_4274 : vector<1x1x16xf32> to vector<16xf32>
      %mul3A_4276 = arith.mulf %get3A_4268, %get3A_4275 : vector<16xf32>
      %get3A_4277 = arith.constant 1 : i32
      %get3A_4278 = arith.constant 12 : i32
      %get3A_4279 = arith.index_cast %get3A_4277 : i32 to index
      %get3A_4280 = arith.index_cast %get3A_4278 : i32 to index
      %get3A_4281 = arith.constant 32 : index
      %get3A_4282 = tpu.vector_load %arg9[%get3A_4279, %get3A_4280, %get3A_4281] {strides = array<i32>} : memref<2x16x128xf32, #tpu.memory_space<vmem>>, vector<1x1x16xf32>,
      %get3A_4283 = vector.shape_cast %get3A_4282 : vector<1x1x16xf32> to vector<16xf32>
      %get3A_4284 = arith.constant 1 : i32
      %get3A_4285 = arith.constant 12 : i32
      %get3A_4286 = arith.index_cast %get3A_4284 : i32 to index
      %get3A_4287 = arith.index_cast %get3A_4285 : i32 to index
      %get3A_4288 = arith.constant 32 : index
      %get3A_4289 = tpu.vector_load %arg10[%get3A_4286, %get3A_4287, %get3A_4288] {strides = array<i32>} : memref<2x16x128xf32, #tpu.memory_space<vmem>>, vector<1x1x16xf32>,
      %get3A_4290 = vector.shape_cast %get3A_4289 : vector<1x1x16xf32> to vector<16xf32>
      %mul3A_4291 = arith.mulf %get3A_4283, %get3A_4290 : vector<16xf32>
      %add3A_4292 = arith.addf %mul3A_4261, %mul3A_4291 : vector<16xf32>
      %get3A_4293 = arith.constant 1 : i32
      %get3A_4294 = arith.constant 12 : i32
      %get3A_4295 = arith.index_cast %get3A_4293 : i32 to index
      %get3A_4296 = arith.index_cast %get3A_4294 : i32 to index
      %get3A_4297 = arith.constant 48 : index
      %get3A_4298 = tpu.vector_load %arg9[%get3A_4295, %get3A_4296, %get3A_4297] {strides = array<i32>} : memref<2x16x128xf32, #tpu.memory_space<vmem>>, vector<1x1x16xf32>,
      %get3A_4299 = vector.shape_cast %get3A_4298 : vector<1x1x16xf32> to vector<16xf32>
      %get3A_4300 = arith.constant 1 : i32
      %get3A_4301 = arith.constant 12 : i32
      %get3A_4302 = arith.index_cast %get3A_4300 : i32 to index
      %get3A_4303 = arith.index_cast %get3A_4301 : i32 to index
      %get3A_4304 = arith.constant 48 : index
      %get3A_4305 = tpu.vector_load %arg10[%get3A_4302, %get3A_4303, %get3A_4304] {strides = array<i32>} : memref<2x16x128xf32, #tpu.memory_space<vmem>>, vector<1x1x16xf32>,
      %get3A_4306 = vector.shape_cast %get3A_4305 : vector<1x1x16xf32> to vector<16xf32>
      %mul3A_4307 = arith.mulf %get3A_4299, %get3A_4306 : vector<16xf32>
      %add3A_4308 = arith.addf %mul3A_4276, %mul3A_4307 : vector<16xf32>
      %get3A_4309 = arith.constant 1 : i32
      %get3A_4310 = arith.constant 12 : i32
      %get3A_4311 = arith.index_cast %get3A_4309 : i32 to index
      %get3A_4312 = arith.index_cast %get3A_4310 : i32 to index
      %get3A_4313 = arith.constant 64 : index
      %get3A_4314 = tpu.vector_load %arg9[%get3A_4311, %get3A_4312, %get3A_4313] {strides = array<i32>} : memref<2x16x128xf32, #tpu.memory_space<vmem>>, vector<1x1x16xf32>,
      %get3A_4315 = vector.shape_cast %get3A_4314 : vector<1x1x16xf32> to vector<16xf32>
      %get3A_4316 = arith.constant 1 : i32
      %get3A_4317 = arith.constant 12 : i32
      %get3A_4318 = arith.index_cast %get3A_4316 : i32 to index
      %get3A_4319 = arith.index_cast %get3A_4317 : i32 to index
      %get3A_4320 = arith.constant 64 : index
      %get3A_4321 = tpu.vector_load %arg10[%get3A_4318, %get3A_4319, %get3A_4320] {strides = array<i32>} : memref<2x16x128xf32, #tpu.memory_space<vmem>>, vector<1x1x16xf32>,
      %get3A_4322 = vector.shape_cast %get3A_4321 : vector<1x1x16xf32> to vector<16xf32>
      %mul3A_4323 = arith.mulf %get3A_4315, %get3A_4322 : vector<16xf32>
      %add3A_4324 = arith.addf %add3A_4292, %mul3A_4323 : vector<16xf32>
      %get3A_4325 = arith.constant 1 : i32
      %get3A_4326 = arith.constant 12 : i32
      %get3A_4327 = arith.index_cast %get3A_4325 : i32 to index
      %get3A_4328 = arith.index_cast %get3A_4326 : i32 to index
      %get3A_4329 = arith.constant 80 : index
      %get3A_4330 = tpu.vector_load %arg9[%get3A_4327, %get3A_4328, %get3A_4329] {strides = array<i32>} : memref<2x16x128xf32, #tpu.memory_space<vmem>>, vector<1x1x16xf32>,
      %get3A_4331 = vector.shape_cast %get3A_4330 : vector<1x1x16xf32> to vector<16xf32>
      %get3A_4332 = arith.constant 1 : i32
      %get3A_4333 = arith.constant 12 : i32
      %get3A_4334 = arith.index_cast %get3A_4332 : i32 to index
      %get3A_4335 = arith.index_cast %get3A_4333 : i32 to index
      %get3A_4336 = arith.constant 80 : index
      %get3A_4337 = tpu.vector_load %arg10[%get3A_4334, %get3A_4335, %get3A_4336] {strides = array<i32>} : memref<2x16x128xf32, #tpu.memory_space<vmem>>, vector<1x1x16xf32>,
      %get3A_4338 = vector.shape_cast %get3A_4337 : vector<1x1x16xf32> to vector<16xf32>
      %mul3A_4339 = arith.mulf %get3A_4331, %get3A_4338 : vector<16xf32>
      %add3A_4340 = arith.addf %add3A_4308, %mul3A_4339 : vector<16xf32>
      %get3A_4341 = arith.constant 1 : i32
      %get3A_4342 = arith.constant 12 : i32
      %get3A_4343 = arith.index_cast %get3A_4341 : i32 to index
      %get3A_4344 = arith.index_cast %get3A_4342 : i32 to index
      %get3A_4345 = arith.constant 96 : index
      %get3A_4346 = tpu.vector_load %arg9[%get3A_4343, %get3A_4344, %get3A_4345] {strides = array<i32>} : memref<2x16x128xf32, #tpu.memory_space<vmem>>, vector<1x1x16xf32>,
      %get3A_4347 = vector.shape_cast %get3A_4346 : vector<1x1x16xf32> to vector<16xf32>
      %get3A_4348 = arith.constant 1 : i32
      %get3A_4349 = arith.constant 12 : i32
      %get3A_4350 = arith.index_cast %get3A_4348 : i32 to index
      %get3A_4351 = arith.index_cast %get3A_4349 : i32 to index
      %get3A_4352 = arith.constant 96 : index
      %get3A_4353 = tpu.vector_load %arg10[%get3A_4350, %get3A_4351, %get3A_4352] {strides = array<i32>} : memref<2x16x128xf32, #tpu.memory_space<vmem>>, vector<1x1x16xf32>,
      %get3A_4354 = vector.shape_cast %get3A_4353 : vector<1x1x16xf32> to vector<16xf32>
      %mul3A_4355 = arith.mulf %get3A_4347, %get3A_4354 : vector<16xf32>
      %add3A_4356 = arith.addf %add3A_4324, %mul3A_4355 : vector<16xf32>
      %get3A_4357 = arith.constant 1 : i32
      %get3A_4358 = arith.constant 12 : i32
      %get3A_4359 = arith.index_cast %get3A_4357 : i32 to index
      %get3A_4360 = arith.index_cast %get3A_4358 : i32 to index
      %get3A_4361 = arith.constant 112 : index
      %get3A_4362 = tpu.vector_load %arg9[%get3A_4359, %get3A_4360, %get3A_4361] {strides = array<i32>} : memref<2x16x128xf32, #tpu.memory_space<vmem>>, vector<1x1x16xf32>,
      %get3A_4363 = vector.shape_cast %get3A_4362 : vector<1x1x16xf32> to vector<16xf32>
      %get3A_4364 = arith.constant 1 : i32
      %get3A_4365 = arith.constant 12 : i32
      %get3A_4366 = arith.index_cast %get3A_4364 : i32 to index
      %get3A_4367 = arith.index_cast %get3A_4365 : i32 to index
      %get3A_4368 = arith.constant 112 : index
      %get3A_4369 = tpu.vector_load %arg10[%get3A_4366, %get3A_4367, %get3A_4368] {strides = array<i32>} : memref<2x16x128xf32, #tpu.memory_space<vmem>>, vector<1x1x16xf32>,
      %get3A_4370 = vector.shape_cast %get3A_4369 : vector<1x1x16xf32> to vector<16xf32>
      %mul3A_4371 = arith.mulf %get3A_4363, %get3A_4370 : vector<16xf32>
      %add3A_4372 = arith.addf %add3A_4340, %mul3A_4371 : vector<16xf32>
      %add3A_4373 = arith.addf %add3A_4356, %add3A_4372 : vector<16xf32>
      %broadcast_in_dim3A_4374 = vector.shape_cast %and3A_8 : vector<16xi32> to vector<16x1xi32>
      %gather3A_4375 = vector.shape_cast %broadcast_in_dim3A_4374 : vector<16x1xi32> to vector<16xi32>
      %gather3A_4376 = tpu.dynamic_gather %add3A_4373[%gather3A_4375] in [0] : vector<16xf32>, vector<16xi32> -> vector<16xf32>
      %add3A_4377 = arith.addf %add3A_4373, %gather3A_4376 : vector<16xf32>
      %broadcast_in_dim3A_4378 = vector.shape_cast %and3A_14 : vector<16xi32> to vector<16x1xi32>
      %gather3A_4379 = vector.shape_cast %broadcast_in_dim3A_4378 : vector<16x1xi32> to vector<16xi32>
      %gather3A_4380 = tpu.dynamic_gather %add3A_4377[%gather3A_4379] in [0] : vector<16xf32>, vector<16xi32> -> vector<16xf32>
      %add3A_4381 = arith.addf %add3A_4377, %gather3A_4380 : vector<16xf32>
      %broadcast_in_dim3A_4382 = vector.shape_cast %and3A_20 : vector<16xi32> to vector<16x1xi32>
      %gather3A_4383 = vector.shape_cast %broadcast_in_dim3A_4382 : vector<16x1xi32> to vector<16xi32>
      %gather3A_4384 = tpu.dynamic_gather %add3A_4381[%gather3A_4383] in [0] : vector<16xf32>, vector<16xi32> -> vector<16xf32>
      %add3A_4385 = arith.addf %add3A_4381, %gather3A_4384 : vector<16xf32>
      %broadcast_in_dim3A_4386 = vector.shape_cast %and3A_26 : vector<16xi32> to vector<16x1xi32>
      %gather3A_4387 = vector.shape_cast %broadcast_in_dim3A_4386 : vector<16x1xi32> to vector<16xi32>
      %gather3A_4388 = tpu.dynamic_gather %add3A_4385[%gather3A_4387] in [0] : vector<16xf32>, vector<16xi32> -> vector<16xf32>
      %add3A_4389 = arith.addf %add3A_4385, %gather3A_4388 : vector<16xf32>
      %eq3A_4390 = arith.constant 12 : i32
      %eq3A_4391 = vector.broadcast %eq3A_4390 : i32 to vector<16xi32>
      %eq3A_4392 = arith.cmpi eq, %iota3A, %eq3A_4391 : vector<16xi32>
      %select_n3A_4393 = arith.select %eq3A_4392, %add3A_4389, %select_n3A_4246 : vector<16xi1>, vector<16xf32>
      %get3A_4394 = arith.constant 1 : i32
      %get3A_4395 = arith.constant 13 : i32
      %get3A_4396 = arith.index_cast %get3A_4394 : i32 to index
      %get3A_4397 = arith.index_cast %get3A_4395 : i32 to index
      %get3A_4398 = arith.constant 0 : index
      %get3A_4399 = tpu.vector_load %arg9[%get3A_4396, %get3A_4397, %get3A_4398] {strides = array<i32>} : memref<2x16x128xf32, #tpu.memory_space<vmem>>, vector<1x1x16xf32>,
      %get3A_4400 = vector.shape_cast %get3A_4399 : vector<1x1x16xf32> to vector<16xf32>
      %get3A_4401 = arith.constant 1 : i32
      %get3A_4402 = arith.constant 13 : i32
      %get3A_4403 = arith.index_cast %get3A_4401 : i32 to index
      %get3A_4404 = arith.index_cast %get3A_4402 : i32 to index
      %get3A_4405 = arith.constant 0 : index
      %get3A_4406 = tpu.vector_load %arg10[%get3A_4403, %get3A_4404, %get3A_4405] {strides = array<i32>} : memref<2x16x128xf32, #tpu.memory_space<vmem>>, vector<1x1x16xf32>,
      %get3A_4407 = vector.shape_cast %get3A_4406 : vector<1x1x16xf32> to vector<16xf32>
      %mul3A_4408 = arith.mulf %get3A_4400, %get3A_4407 : vector<16xf32>
      %get3A_4409 = arith.constant 1 : i32
      %get3A_4410 = arith.constant 13 : i32
      %get3A_4411 = arith.index_cast %get3A_4409 : i32 to index
      %get3A_4412 = arith.index_cast %get3A_4410 : i32 to index
      %get3A_4413 = arith.constant 16 : index
      %get3A_4414 = tpu.vector_load %arg9[%get3A_4411, %get3A_4412, %get3A_4413] {strides = array<i32>} : memref<2x16x128xf32, #tpu.memory_space<vmem>>, vector<1x1x16xf32>,
      %get3A_4415 = vector.shape_cast %get3A_4414 : vector<1x1x16xf32> to vector<16xf32>
      %get3A_4416 = arith.constant 1 : i32
      %get3A_4417 = arith.constant 13 : i32
      %get3A_4418 = arith.index_cast %get3A_4416 : i32 to index
      %get3A_4419 = arith.index_cast %get3A_4417 : i32 to index
      %get3A_4420 = arith.constant 16 : index
      %get3A_4421 = tpu.vector_load %arg10[%get3A_4418, %get3A_4419, %get3A_4420] {strides = array<i32>} : memref<2x16x128xf32, #tpu.memory_space<vmem>>, vector<1x1x16xf32>,
      %get3A_4422 = vector.shape_cast %get3A_4421 : vector<1x1x16xf32> to vector<16xf32>
      %mul3A_4423 = arith.mulf %get3A_4415, %get3A_4422 : vector<16xf32>
      %get3A_4424 = arith.constant 1 : i32
      %get3A_4425 = arith.constant 13 : i32
      %get3A_4426 = arith.index_cast %get3A_4424 : i32 to index
      %get3A_4427 = arith.index_cast %get3A_4425 : i32 to index
      %get3A_4428 = arith.constant 32 : index
      %get3A_4429 = tpu.vector_load %arg9[%get3A_4426, %get3A_4427, %get3A_4428] {strides = array<i32>} : memref<2x16x128xf32, #tpu.memory_space<vmem>>, vector<1x1x16xf32>,
      %get3A_4430 = vector.shape_cast %get3A_4429 : vector<1x1x16xf32> to vector<16xf32>
      %get3A_4431 = arith.constant 1 : i32
      %get3A_4432 = arith.constant 13 : i32
      %get3A_4433 = arith.index_cast %get3A_4431 : i32 to index
      %get3A_4434 = arith.index_cast %get3A_4432 : i32 to index
      %get3A_4435 = arith.constant 32 : index
      %get3A_4436 = tpu.vector_load %arg10[%get3A_4433, %get3A_4434, %get3A_4435] {strides = array<i32>} : memref<2x16x128xf32, #tpu.memory_space<vmem>>, vector<1x1x16xf32>,
      %get3A_4437 = vector.shape_cast %get3A_4436 : vector<1x1x16xf32> to vector<16xf32>
      %mul3A_4438 = arith.mulf %get3A_4430, %get3A_4437 : vector<16xf32>
      %add3A_4439 = arith.addf %mul3A_4408, %mul3A_4438 : vector<16xf32>
      %get3A_4440 = arith.constant 1 : i32
      %get3A_4441 = arith.constant 13 : i32
      %get3A_4442 = arith.index_cast %get3A_4440 : i32 to index
      %get3A_4443 = arith.index_cast %get3A_4441 : i32 to index
      %get3A_4444 = arith.constant 48 : index
      %get3A_4445 = tpu.vector_load %arg9[%get3A_4442, %get3A_4443, %get3A_4444] {strides = array<i32>} : memref<2x16x128xf32, #tpu.memory_space<vmem>>, vector<1x1x16xf32>,
      %get3A_4446 = vector.shape_cast %get3A_4445 : vector<1x1x16xf32> to vector<16xf32>
      %get3A_4447 = arith.constant 1 : i32
      %get3A_4448 = arith.constant 13 : i32
      %get3A_4449 = arith.index_cast %get3A_4447 : i32 to index
      %get3A_4450 = arith.index_cast %get3A_4448 : i32 to index
      %get3A_4451 = arith.constant 48 : index
      %get3A_4452 = tpu.vector_load %arg10[%get3A_4449, %get3A_4450, %get3A_4451] {strides = array<i32>} : memref<2x16x128xf32, #tpu.memory_space<vmem>>, vector<1x1x16xf32>,
      %get3A_4453 = vector.shape_cast %get3A_4452 : vector<1x1x16xf32> to vector<16xf32>
      %mul3A_4454 = arith.mulf %get3A_4446, %get3A_4453 : vector<16xf32>
      %add3A_4455 = arith.addf %mul3A_4423, %mul3A_4454 : vector<16xf32>
      %get3A_4456 = arith.constant 1 : i32
      %get3A_4457 = arith.constant 13 : i32
      %get3A_4458 = arith.index_cast %get3A_4456 : i32 to index
      %get3A_4459 = arith.index_cast %get3A_4457 : i32 to index
      %get3A_4460 = arith.constant 64 : index
      %get3A_4461 = tpu.vector_load %arg9[%get3A_4458, %get3A_4459, %get3A_4460] {strides = array<i32>} : memref<2x16x128xf32, #tpu.memory_space<vmem>>, vector<1x1x16xf32>,
      %get3A_4462 = vector.shape_cast %get3A_4461 : vector<1x1x16xf32> to vector<16xf32>
      %get3A_4463 = arith.constant 1 : i32
      %get3A_4464 = arith.constant 13 : i32
      %get3A_4465 = arith.index_cast %get3A_4463 : i32 to index
      %get3A_4466 = arith.index_cast %get3A_4464 : i32 to index
      %get3A_4467 = arith.constant 64 : index
      %get3A_4468 = tpu.vector_load %arg10[%get3A_4465, %get3A_4466, %get3A_4467] {strides = array<i32>} : memref<2x16x128xf32, #tpu.memory_space<vmem>>, vector<1x1x16xf32>,
      %get3A_4469 = vector.shape_cast %get3A_4468 : vector<1x1x16xf32> to vector<16xf32>
      %mul3A_4470 = arith.mulf %get3A_4462, %get3A_4469 : vector<16xf32>
      %add3A_4471 = arith.addf %add3A_4439, %mul3A_4470 : vector<16xf32>
      %get3A_4472 = arith.constant 1 : i32
      %get3A_4473 = arith.constant 13 : i32
      %get3A_4474 = arith.index_cast %get3A_4472 : i32 to index
      %get3A_4475 = arith.index_cast %get3A_4473 : i32 to index
      %get3A_4476 = arith.constant 80 : index
      %get3A_4477 = tpu.vector_load %arg9[%get3A_4474, %get3A_4475, %get3A_4476] {strides = array<i32>} : memref<2x16x128xf32, #tpu.memory_space<vmem>>, vector<1x1x16xf32>,
      %get3A_4478 = vector.shape_cast %get3A_4477 : vector<1x1x16xf32> to vector<16xf32>
      %get3A_4479 = arith.constant 1 : i32
      %get3A_4480 = arith.constant 13 : i32
      %get3A_4481 = arith.index_cast %get3A_4479 : i32 to index
      %get3A_4482 = arith.index_cast %get3A_4480 : i32 to index
      %get3A_4483 = arith.constant 80 : index
      %get3A_4484 = tpu.vector_load %arg10[%get3A_4481, %get3A_4482, %get3A_4483] {strides = array<i32>} : memref<2x16x128xf32, #tpu.memory_space<vmem>>, vector<1x1x16xf32>,
      %get3A_4485 = vector.shape_cast %get3A_4484 : vector<1x1x16xf32> to vector<16xf32>
      %mul3A_4486 = arith.mulf %get3A_4478, %get3A_4485 : vector<16xf32>
      %add3A_4487 = arith.addf %add3A_4455, %mul3A_4486 : vector<16xf32>
      %get3A_4488 = arith.constant 1 : i32
      %get3A_4489 = arith.constant 13 : i32
      %get3A_4490 = arith.index_cast %get3A_4488 : i32 to index
      %get3A_4491 = arith.index_cast %get3A_4489 : i32 to index
      %get3A_4492 = arith.constant 96 : index
      %get3A_4493 = tpu.vector_load %arg9[%get3A_4490, %get3A_4491, %get3A_4492] {strides = array<i32>} : memref<2x16x128xf32, #tpu.memory_space<vmem>>, vector<1x1x16xf32>,
      %get3A_4494 = vector.shape_cast %get3A_4493 : vector<1x1x16xf32> to vector<16xf32>
      %get3A_4495 = arith.constant 1 : i32
      %get3A_4496 = arith.constant 13 : i32
      %get3A_4497 = arith.index_cast %get3A_4495 : i32 to index
      %get3A_4498 = arith.index_cast %get3A_4496 : i32 to index
      %get3A_4499 = arith.constant 96 : index
      %get3A_4500 = tpu.vector_load %arg10[%get3A_4497, %get3A_4498, %get3A_4499] {strides = array<i32>} : memref<2x16x128xf32, #tpu.memory_space<vmem>>, vector<1x1x16xf32>,
      %get3A_4501 = vector.shape_cast %get3A_4500 : vector<1x1x16xf32> to vector<16xf32>
      %mul3A_4502 = arith.mulf %get3A_4494, %get3A_4501 : vector<16xf32>
      %add3A_4503 = arith.addf %add3A_4471, %mul3A_4502 : vector<16xf32>
      %get3A_4504 = arith.constant 1 : i32
      %get3A_4505 = arith.constant 13 : i32
      %get3A_4506 = arith.index_cast %get3A_4504 : i32 to index
      %get3A_4507 = arith.index_cast %get3A_4505 : i32 to index
      %get3A_4508 = arith.constant 112 : index
      %get3A_4509 = tpu.vector_load %arg9[%get3A_4506, %get3A_4507, %get3A_4508] {strides = array<i32>} : memref<2x16x128xf32, #tpu.memory_space<vmem>>, vector<1x1x16xf32>,
      %get3A_4510 = vector.shape_cast %get3A_4509 : vector<1x1x16xf32> to vector<16xf32>
      %get3A_4511 = arith.constant 1 : i32
      %get3A_4512 = arith.constant 13 : i32
      %get3A_4513 = arith.index_cast %get3A_4511 : i32 to index
      %get3A_4514 = arith.index_cast %get3A_4512 : i32 to index
      %get3A_4515 = arith.constant 112 : index
      %get3A_4516 = tpu.vector_load %arg10[%get3A_4513, %get3A_4514, %get3A_4515] {strides = array<i32>} : memref<2x16x128xf32, #tpu.memory_space<vmem>>, vector<1x1x16xf32>,
      %get3A_4517 = vector.shape_cast %get3A_4516 : vector<1x1x16xf32> to vector<16xf32>
      %mul3A_4518 = arith.mulf %get3A_4510, %get3A_4517 : vector<16xf32>
      %add3A_4519 = arith.addf %add3A_4487, %mul3A_4518 : vector<16xf32>
      %add3A_4520 = arith.addf %add3A_4503, %add3A_4519 : vector<16xf32>
      %broadcast_in_dim3A_4521 = vector.shape_cast %and3A_8 : vector<16xi32> to vector<16x1xi32>
      %gather3A_4522 = vector.shape_cast %broadcast_in_dim3A_4521 : vector<16x1xi32> to vector<16xi32>
      %gather3A_4523 = tpu.dynamic_gather %add3A_4520[%gather3A_4522] in [0] : vector<16xf32>, vector<16xi32> -> vector<16xf32>
      %add3A_4524 = arith.addf %add3A_4520, %gather3A_4523 : vector<16xf32>
      %broadcast_in_dim3A_4525 = vector.shape_cast %and3A_14 : vector<16xi32> to vector<16x1xi32>
      %gather3A_4526 = vector.shape_cast %broadcast_in_dim3A_4525 : vector<16x1xi32> to vector<16xi32>
      %gather3A_4527 = tpu.dynamic_gather %add3A_4524[%gather3A_4526] in [0] : vector<16xf32>, vector<16xi32> -> vector<16xf32>
      %add3A_4528 = arith.addf %add3A_4524, %gather3A_4527 : vector<16xf32>
      %broadcast_in_dim3A_4529 = vector.shape_cast %and3A_20 : vector<16xi32> to vector<16x1xi32>
      %gather3A_4530 = vector.shape_cast %broadcast_in_dim3A_4529 : vector<16x1xi32> to vector<16xi32>
      %gather3A_4531 = tpu.dynamic_gather %add3A_4528[%gather3A_4530] in [0] : vector<16xf32>, vector<16xi32> -> vector<16xf32>
      %add3A_4532 = arith.addf %add3A_4528, %gather3A_4531 : vector<16xf32>
      %broadcast_in_dim3A_4533 = vector.shape_cast %and3A_26 : vector<16xi32> to vector<16x1xi32>
      %gather3A_4534 = vector.shape_cast %broadcast_in_dim3A_4533 : vector<16x1xi32> to vector<16xi32>
      %gather3A_4535 = tpu.dynamic_gather %add3A_4532[%gather3A_4534] in [0] : vector<16xf32>, vector<16xi32> -> vector<16xf32>
      %add3A_4536 = arith.addf %add3A_4532, %gather3A_4535 : vector<16xf32>
      %eq3A_4537 = arith.constant 13 : i32
      %eq3A_4538 = vector.broadcast %eq3A_4537 : i32 to vector<16xi32>
      %eq3A_4539 = arith.cmpi eq, %iota3A, %eq3A_4538 : vector<16xi32>
      %select_n3A_4540 = arith.select %eq3A_4539, %add3A_4536, %select_n3A_4393 : vector<16xi1>, vector<16xf32>
      %get3A_4541 = arith.constant 1 : i32
      %get3A_4542 = arith.constant 14 : i32
      %get3A_4543 = arith.index_cast %get3A_4541 : i32 to index
      %get3A_4544 = arith.index_cast %get3A_4542 : i32 to index
      %get3A_4545 = arith.constant 0 : index
      %get3A_4546 = tpu.vector_load %arg9[%get3A_4543, %get3A_4544, %get3A_4545] {strides = array<i32>} : memref<2x16x128xf32, #tpu.memory_space<vmem>>, vector<1x1x16xf32>,
      %get3A_4547 = vector.shape_cast %get3A_4546 : vector<1x1x16xf32> to vector<16xf32>
      %get3A_4548 = arith.constant 1 : i32
      %get3A_4549 = arith.constant 14 : i32
      %get3A_4550 = arith.index_cast %get3A_4548 : i32 to index
      %get3A_4551 = arith.index_cast %get3A_4549 : i32 to index
      %get3A_4552 = arith.constant 0 : index
      %get3A_4553 = tpu.vector_load %arg10[%get3A_4550, %get3A_4551, %get3A_4552] {strides = array<i32>} : memref<2x16x128xf32, #tpu.memory_space<vmem>>, vector<1x1x16xf32>,
      %get3A_4554 = vector.shape_cast %get3A_4553 : vector<1x1x16xf32> to vector<16xf32>
      %mul3A_4555 = arith.mulf %get3A_4547, %get3A_4554 : vector<16xf32>
      %get3A_4556 = arith.constant 1 : i32
      %get3A_4557 = arith.constant 14 : i32
      %get3A_4558 = arith.index_cast %get3A_4556 : i32 to index
      %get3A_4559 = arith.index_cast %get3A_4557 : i32 to index
      %get3A_4560 = arith.constant 16 : index
      %get3A_4561 = tpu.vector_load %arg9[%get3A_4558, %get3A_4559, %get3A_4560] {strides = array<i32>} : memref<2x16x128xf32, #tpu.memory_space<vmem>>, vector<1x1x16xf32>,
      %get3A_4562 = vector.shape_cast %get3A_4561 : vector<1x1x16xf32> to vector<16xf32>
      %get3A_4563 = arith.constant 1 : i32
      %get3A_4564 = arith.constant 14 : i32
      %get3A_4565 = arith.index_cast %get3A_4563 : i32 to index
      %get3A_4566 = arith.index_cast %get3A_4564 : i32 to index
      %get3A_4567 = arith.constant 16 : index
      %get3A_4568 = tpu.vector_load %arg10[%get3A_4565, %get3A_4566, %get3A_4567] {strides = array<i32>} : memref<2x16x128xf32, #tpu.memory_space<vmem>>, vector<1x1x16xf32>,
      %get3A_4569 = vector.shape_cast %get3A_4568 : vector<1x1x16xf32> to vector<16xf32>
      %mul3A_4570 = arith.mulf %get3A_4562, %get3A_4569 : vector<16xf32>
      %get3A_4571 = arith.constant 1 : i32
      %get3A_4572 = arith.constant 14 : i32
      %get3A_4573 = arith.index_cast %get3A_4571 : i32 to index
      %get3A_4574 = arith.index_cast %get3A_4572 : i32 to index
      %get3A_4575 = arith.constant 32 : index
      %get3A_4576 = tpu.vector_load %arg9[%get3A_4573, %get3A_4574, %get3A_4575] {strides = array<i32>} : memref<2x16x128xf32, #tpu.memory_space<vmem>>, vector<1x1x16xf32>,
      %get3A_4577 = vector.shape_cast %get3A_4576 : vector<1x1x16xf32> to vector<16xf32>
      %get3A_4578 = arith.constant 1 : i32
      %get3A_4579 = arith.constant 14 : i32
      %get3A_4580 = arith.index_cast %get3A_4578 : i32 to index
      %get3A_4581 = arith.index_cast %get3A_4579 : i32 to index
      %get3A_4582 = arith.constant 32 : index
      %get3A_4583 = tpu.vector_load %arg10[%get3A_4580, %get3A_4581, %get3A_4582] {strides = array<i32>} : memref<2x16x128xf32, #tpu.memory_space<vmem>>, vector<1x1x16xf32>,
      %get3A_4584 = vector.shape_cast %get3A_4583 : vector<1x1x16xf32> to vector<16xf32>
      %mul3A_4585 = arith.mulf %get3A_4577, %get3A_4584 : vector<16xf32>
      %add3A_4586 = arith.addf %mul3A_4555, %mul3A_4585 : vector<16xf32>
      %get3A_4587 = arith.constant 1 : i32
      %get3A_4588 = arith.constant 14 : i32
      %get3A_4589 = arith.index_cast %get3A_4587 : i32 to index
      %get3A_4590 = arith.index_cast %get3A_4588 : i32 to index
      %get3A_4591 = arith.constant 48 : index
      %get3A_4592 = tpu.vector_load %arg9[%get3A_4589, %get3A_4590, %get3A_4591] {strides = array<i32>} : memref<2x16x128xf32, #tpu.memory_space<vmem>>, vector<1x1x16xf32>,
      %get3A_4593 = vector.shape_cast %get3A_4592 : vector<1x1x16xf32> to vector<16xf32>
      %get3A_4594 = arith.constant 1 : i32
      %get3A_4595 = arith.constant 14 : i32
      %get3A_4596 = arith.index_cast %get3A_4594 : i32 to index
      %get3A_4597 = arith.index_cast %get3A_4595 : i32 to index
      %get3A_4598 = arith.constant 48 : index
      %get3A_4599 = tpu.vector_load %arg10[%get3A_4596, %get3A_4597, %get3A_4598] {strides = array<i32>} : memref<2x16x128xf32, #tpu.memory_space<vmem>>, vector<1x1x16xf32>,
      %get3A_4600 = vector.shape_cast %get3A_4599 : vector<1x1x16xf32> to vector<16xf32>
      %mul3A_4601 = arith.mulf %get3A_4593, %get3A_4600 : vector<16xf32>
      %add3A_4602 = arith.addf %mul3A_4570, %mul3A_4601 : vector<16xf32>
      %get3A_4603 = arith.constant 1 : i32
      %get3A_4604 = arith.constant 14 : i32
      %get3A_4605 = arith.index_cast %get3A_4603 : i32 to index
      %get3A_4606 = arith.index_cast %get3A_4604 : i32 to index
      %get3A_4607 = arith.constant 64 : index
      %get3A_4608 = tpu.vector_load %arg9[%get3A_4605, %get3A_4606, %get3A_4607] {strides = array<i32>} : memref<2x16x128xf32, #tpu.memory_space<vmem>>, vector<1x1x16xf32>,
      %get3A_4609 = vector.shape_cast %get3A_4608 : vector<1x1x16xf32> to vector<16xf32>
      %get3A_4610 = arith.constant 1 : i32
      %get3A_4611 = arith.constant 14 : i32
      %get3A_4612 = arith.index_cast %get3A_4610 : i32 to index
      %get3A_4613 = arith.index_cast %get3A_4611 : i32 to index
      %get3A_4614 = arith.constant 64 : index
      %get3A_4615 = tpu.vector_load %arg10[%get3A_4612, %get3A_4613, %get3A_4614] {strides = array<i32>} : memref<2x16x128xf32, #tpu.memory_space<vmem>>, vector<1x1x16xf32>,
      %get3A_4616 = vector.shape_cast %get3A_4615 : vector<1x1x16xf32> to vector<16xf32>
      %mul3A_4617 = arith.mulf %get3A_4609, %get3A_4616 : vector<16xf32>
      %add3A_4618 = arith.addf %add3A_4586, %mul3A_4617 : vector<16xf32>
      %get3A_4619 = arith.constant 1 : i32
      %get3A_4620 = arith.constant 14 : i32
      %get3A_4621 = arith.index_cast %get3A_4619 : i32 to index
      %get3A_4622 = arith.index_cast %get3A_4620 : i32 to index
      %get3A_4623 = arith.constant 80 : index
      %get3A_4624 = tpu.vector_load %arg9[%get3A_4621, %get3A_4622, %get3A_4623] {strides = array<i32>} : memref<2x16x128xf32, #tpu.memory_space<vmem>>, vector<1x1x16xf32>,
      %get3A_4625 = vector.shape_cast %get3A_4624 : vector<1x1x16xf32> to vector<16xf32>
      %get3A_4626 = arith.constant 1 : i32
      %get3A_4627 = arith.constant 14 : i32
      %get3A_4628 = arith.index_cast %get3A_4626 : i32 to index
      %get3A_4629 = arith.index_cast %get3A_4627 : i32 to index
      %get3A_4630 = arith.constant 80 : index
      %get3A_4631 = tpu.vector_load %arg10[%get3A_4628, %get3A_4629, %get3A_4630] {strides = array<i32>} : memref<2x16x128xf32, #tpu.memory_space<vmem>>, vector<1x1x16xf32>,
      %get3A_4632 = vector.shape_cast %get3A_4631 : vector<1x1x16xf32> to vector<16xf32>
      %mul3A_4633 = arith.mulf %get3A_4625, %get3A_4632 : vector<16xf32>
      %add3A_4634 = arith.addf %add3A_4602, %mul3A_4633 : vector<16xf32>
      %get3A_4635 = arith.constant 1 : i32
      %get3A_4636 = arith.constant 14 : i32
      %get3A_4637 = arith.index_cast %get3A_4635 : i32 to index
      %get3A_4638 = arith.index_cast %get3A_4636 : i32 to index
      %get3A_4639 = arith.constant 96 : index
      %get3A_4640 = tpu.vector_load %arg9[%get3A_4637, %get3A_4638, %get3A_4639] {strides = array<i32>} : memref<2x16x128xf32, #tpu.memory_space<vmem>>, vector<1x1x16xf32>,
      %get3A_4641 = vector.shape_cast %get3A_4640 : vector<1x1x16xf32> to vector<16xf32>
      %get3A_4642 = arith.constant 1 : i32
      %get3A_4643 = arith.constant 14 : i32
      %get3A_4644 = arith.index_cast %get3A_4642 : i32 to index
      %get3A_4645 = arith.index_cast %get3A_4643 : i32 to index
      %get3A_4646 = arith.constant 96 : index
      %get3A_4647 = tpu.vector_load %arg10[%get3A_4644, %get3A_4645, %get3A_4646] {strides = array<i32>} : memref<2x16x128xf32, #tpu.memory_space<vmem>>, vector<1x1x16xf32>,
      %get3A_4648 = vector.shape_cast %get3A_4647 : vector<1x1x16xf32> to vector<16xf32>
      %mul3A_4649 = arith.mulf %get3A_4641, %get3A_4648 : vector<16xf32>
      %add3A_4650 = arith.addf %add3A_4618, %mul3A_4649 : vector<16xf32>
      %get3A_4651 = arith.constant 1 : i32
      %get3A_4652 = arith.constant 14 : i32
      %get3A_4653 = arith.index_cast %get3A_4651 : i32 to index
      %get3A_4654 = arith.index_cast %get3A_4652 : i32 to index
      %get3A_4655 = arith.constant 112 : index
      %get3A_4656 = tpu.vector_load %arg9[%get3A_4653, %get3A_4654, %get3A_4655] {strides = array<i32>} : memref<2x16x128xf32, #tpu.memory_space<vmem>>, vector<1x1x16xf32>,
      %get3A_4657 = vector.shape_cast %get3A_4656 : vector<1x1x16xf32> to vector<16xf32>
      %get3A_4658 = arith.constant 1 : i32
      %get3A_4659 = arith.constant 14 : i32
      %get3A_4660 = arith.index_cast %get3A_4658 : i32 to index
      %get3A_4661 = arith.index_cast %get3A_4659 : i32 to index
      %get3A_4662 = arith.constant 112 : index
      %get3A_4663 = tpu.vector_load %arg10[%get3A_4660, %get3A_4661, %get3A_4662] {strides = array<i32>} : memref<2x16x128xf32, #tpu.memory_space<vmem>>, vector<1x1x16xf32>,
      %get3A_4664 = vector.shape_cast %get3A_4663 : vector<1x1x16xf32> to vector<16xf32>
      %mul3A_4665 = arith.mulf %get3A_4657, %get3A_4664 : vector<16xf32>
      %add3A_4666 = arith.addf %add3A_4634, %mul3A_4665 : vector<16xf32>
      %add3A_4667 = arith.addf %add3A_4650, %add3A_4666 : vector<16xf32>
      %broadcast_in_dim3A_4668 = vector.shape_cast %and3A_8 : vector<16xi32> to vector<16x1xi32>
      %gather3A_4669 = vector.shape_cast %broadcast_in_dim3A_4668 : vector<16x1xi32> to vector<16xi32>
      %gather3A_4670 = tpu.dynamic_gather %add3A_4667[%gather3A_4669] in [0] : vector<16xf32>, vector<16xi32> -> vector<16xf32>
      %add3A_4671 = arith.addf %add3A_4667, %gather3A_4670 : vector<16xf32>
      %broadcast_in_dim3A_4672 = vector.shape_cast %and3A_14 : vector<16xi32> to vector<16x1xi32>
      %gather3A_4673 = vector.shape_cast %broadcast_in_dim3A_4672 : vector<16x1xi32> to vector<16xi32>
      %gather3A_4674 = tpu.dynamic_gather %add3A_4671[%gather3A_4673] in [0] : vector<16xf32>, vector<16xi32> -> vector<16xf32>
      %add3A_4675 = arith.addf %add3A_4671, %gather3A_4674 : vector<16xf32>
      %broadcast_in_dim3A_4676 = vector.shape_cast %and3A_20 : vector<16xi32> to vector<16x1xi32>
      %gather3A_4677 = vector.shape_cast %broadcast_in_dim3A_4676 : vector<16x1xi32> to vector<16xi32>
      %gather3A_4678 = tpu.dynamic_gather %add3A_4675[%gather3A_4677] in [0] : vector<16xf32>, vector<16xi32> -> vector<16xf32>
      %add3A_4679 = arith.addf %add3A_4675, %gather3A_4678 : vector<16xf32>
      %broadcast_in_dim3A_4680 = vector.shape_cast %and3A_26 : vector<16xi32> to vector<16x1xi32>
      %gather3A_4681 = vector.shape_cast %broadcast_in_dim3A_4680 : vector<16x1xi32> to vector<16xi32>
      %gather3A_4682 = tpu.dynamic_gather %add3A_4679[%gather3A_4681] in [0] : vector<16xf32>, vector<16xi32> -> vector<16xf32>
      %add3A_4683 = arith.addf %add3A_4679, %gather3A_4682 : vector<16xf32>
      %eq3A_4684 = arith.constant 14 : i32
      %eq3A_4685 = vector.broadcast %eq3A_4684 : i32 to vector<16xi32>
      %eq3A_4686 = arith.cmpi eq, %iota3A, %eq3A_4685 : vector<16xi32>
      %select_n3A_4687 = arith.select %eq3A_4686, %add3A_4683, %select_n3A_4540 : vector<16xi1>, vector<16xf32>
      %get3A_4688 = arith.constant 1 : i32
      %get3A_4689 = arith.constant 15 : i32
      %get3A_4690 = arith.index_cast %get3A_4688 : i32 to index
      %get3A_4691 = arith.index_cast %get3A_4689 : i32 to index
      %get3A_4692 = arith.constant 0 : index
      %get3A_4693 = tpu.vector_load %arg9[%get3A_4690, %get3A_4691, %get3A_4692] {strides = array<i32>} : memref<2x16x128xf32, #tpu.memory_space<vmem>>, vector<1x1x16xf32>,
      %get3A_4694 = vector.shape_cast %get3A_4693 : vector<1x1x16xf32> to vector<16xf32>
      %get3A_4695 = arith.constant 1 : i32
      %get3A_4696 = arith.constant 15 : i32
      %get3A_4697 = arith.index_cast %get3A_4695 : i32 to index
      %get3A_4698 = arith.index_cast %get3A_4696 : i32 to index
      %get3A_4699 = arith.constant 0 : index
      %get3A_4700 = tpu.vector_load %arg10[%get3A_4697, %get3A_4698, %get3A_4699] {strides = array<i32>} : memref<2x16x128xf32, #tpu.memory_space<vmem>>, vector<1x1x16xf32>,
      %get3A_4701 = vector.shape_cast %get3A_4700 : vector<1x1x16xf32> to vector<16xf32>
      %mul3A_4702 = arith.mulf %get3A_4694, %get3A_4701 : vector<16xf32>
      %get3A_4703 = arith.constant 1 : i32
      %get3A_4704 = arith.constant 15 : i32
      %get3A_4705 = arith.index_cast %get3A_4703 : i32 to index
      %get3A_4706 = arith.index_cast %get3A_4704 : i32 to index
      %get3A_4707 = arith.constant 16 : index
      %get3A_4708 = tpu.vector_load %arg9[%get3A_4705, %get3A_4706, %get3A_4707] {strides = array<i32>} : memref<2x16x128xf32, #tpu.memory_space<vmem>>, vector<1x1x16xf32>,
      %get3A_4709 = vector.shape_cast %get3A_4708 : vector<1x1x16xf32> to vector<16xf32>
      %get3A_4710 = arith.constant 1 : i32
      %get3A_4711 = arith.constant 15 : i32
      %get3A_4712 = arith.index_cast %get3A_4710 : i32 to index
      %get3A_4713 = arith.index_cast %get3A_4711 : i32 to index
      %get3A_4714 = arith.constant 16 : index
      %get3A_4715 = tpu.vector_load %arg10[%get3A_4712, %get3A_4713, %get3A_4714] {strides = array<i32>} : memref<2x16x128xf32, #tpu.memory_space<vmem>>, vector<1x1x16xf32>,
      %get3A_4716 = vector.shape_cast %get3A_4715 : vector<1x1x16xf32> to vector<16xf32>
      %mul3A_4717 = arith.mulf %get3A_4709, %get3A_4716 : vector<16xf32>
      %get3A_4718 = arith.constant 1 : i32
      %get3A_4719 = arith.constant 15 : i32
      %get3A_4720 = arith.index_cast %get3A_4718 : i32 to index
      %get3A_4721 = arith.index_cast %get3A_4719 : i32 to index
      %get3A_4722 = arith.constant 32 : index
      %get3A_4723 = tpu.vector_load %arg9[%get3A_4720, %get3A_4721, %get3A_4722] {strides = array<i32>} : memref<2x16x128xf32, #tpu.memory_space<vmem>>, vector<1x1x16xf32>,
      %get3A_4724 = vector.shape_cast %get3A_4723 : vector<1x1x16xf32> to vector<16xf32>
      %get3A_4725 = arith.constant 1 : i32
      %get3A_4726 = arith.constant 15 : i32
      %get3A_4727 = arith.index_cast %get3A_4725 : i32 to index
      %get3A_4728 = arith.index_cast %get3A_4726 : i32 to index
      %get3A_4729 = arith.constant 32 : index
      %get3A_4730 = tpu.vector_load %arg10[%get3A_4727, %get3A_4728, %get3A_4729] {strides = array<i32>} : memref<2x16x128xf32, #tpu.memory_space<vmem>>, vector<1x1x16xf32>,
      %get3A_4731 = vector.shape_cast %get3A_4730 : vector<1x1x16xf32> to vector<16xf32>
      %mul3A_4732 = arith.mulf %get3A_4724, %get3A_4731 : vector<16xf32>
      %add3A_4733 = arith.addf %mul3A_4702, %mul3A_4732 : vector<16xf32>
      %get3A_4734 = arith.constant 1 : i32
      %get3A_4735 = arith.constant 15 : i32
      %get3A_4736 = arith.index_cast %get3A_4734 : i32 to index
      %get3A_4737 = arith.index_cast %get3A_4735 : i32 to index
      %get3A_4738 = arith.constant 48 : index
      %get3A_4739 = tpu.vector_load %arg9[%get3A_4736, %get3A_4737, %get3A_4738] {strides = array<i32>} : memref<2x16x128xf32, #tpu.memory_space<vmem>>, vector<1x1x16xf32>,
      %get3A_4740 = vector.shape_cast %get3A_4739 : vector<1x1x16xf32> to vector<16xf32>
      %get3A_4741 = arith.constant 1 : i32
      %get3A_4742 = arith.constant 15 : i32
      %get3A_4743 = arith.index_cast %get3A_4741 : i32 to index
      %get3A_4744 = arith.index_cast %get3A_4742 : i32 to index
      %get3A_4745 = arith.constant 48 : index
      %get3A_4746 = tpu.vector_load %arg10[%get3A_4743, %get3A_4744, %get3A_4745] {strides = array<i32>} : memref<2x16x128xf32, #tpu.memory_space<vmem>>, vector<1x1x16xf32>,
      %get3A_4747 = vector.shape_cast %get3A_4746 : vector<1x1x16xf32> to vector<16xf32>
      %mul3A_4748 = arith.mulf %get3A_4740, %get3A_4747 : vector<16xf32>
      %add3A_4749 = arith.addf %mul3A_4717, %mul3A_4748 : vector<16xf32>
      %get3A_4750 = arith.constant 1 : i32
      %get3A_4751 = arith.constant 15 : i32
      %get3A_4752 = arith.index_cast %get3A_4750 : i32 to index
      %get3A_4753 = arith.index_cast %get3A_4751 : i32 to index
      %get3A_4754 = arith.constant 64 : index
      %get3A_4755 = tpu.vector_load %arg9[%get3A_4752, %get3A_4753, %get3A_4754] {strides = array<i32>} : memref<2x16x128xf32, #tpu.memory_space<vmem>>, vector<1x1x16xf32>,
      %get3A_4756 = vector.shape_cast %get3A_4755 : vector<1x1x16xf32> to vector<16xf32>
      %get3A_4757 = arith.constant 1 : i32
      %get3A_4758 = arith.constant 15 : i32
      %get3A_4759 = arith.index_cast %get3A_4757 : i32 to index
      %get3A_4760 = arith.index_cast %get3A_4758 : i32 to index
      %get3A_4761 = arith.constant 64 : index
      %get3A_4762 = tpu.vector_load %arg10[%get3A_4759, %get3A_4760, %get3A_4761] {strides = array<i32>} : memref<2x16x128xf32, #tpu.memory_space<vmem>>, vector<1x1x16xf32>,
      %get3A_4763 = vector.shape_cast %get3A_4762 : vector<1x1x16xf32> to vector<16xf32>
      %mul3A_4764 = arith.mulf %get3A_4756, %get3A_4763 : vector<16xf32>
      %add3A_4765 = arith.addf %add3A_4733, %mul3A_4764 : vector<16xf32>
      %get3A_4766 = arith.constant 1 : i32
      %get3A_4767 = arith.constant 15 : i32
      %get3A_4768 = arith.index_cast %get3A_4766 : i32 to index
      %get3A_4769 = arith.index_cast %get3A_4767 : i32 to index
      %get3A_4770 = arith.constant 80 : index
      %get3A_4771 = tpu.vector_load %arg9[%get3A_4768, %get3A_4769, %get3A_4770] {strides = array<i32>} : memref<2x16x128xf32, #tpu.memory_space<vmem>>, vector<1x1x16xf32>,
      %get3A_4772 = vector.shape_cast %get3A_4771 : vector<1x1x16xf32> to vector<16xf32>
      %get3A_4773 = arith.constant 1 : i32
      %get3A_4774 = arith.constant 15 : i32
      %get3A_4775 = arith.index_cast %get3A_4773 : i32 to index
      %get3A_4776 = arith.index_cast %get3A_4774 : i32 to index
      %get3A_4777 = arith.constant 80 : index
      %get3A_4778 = tpu.vector_load %arg10[%get3A_4775, %get3A_4776, %get3A_4777] {strides = array<i32>} : memref<2x16x128xf32, #tpu.memory_space<vmem>>, vector<1x1x16xf32>,
      %get3A_4779 = vector.shape_cast %get3A_4778 : vector<1x1x16xf32> to vector<16xf32>
      %mul3A_4780 = arith.mulf %get3A_4772, %get3A_4779 : vector<16xf32>
      %add3A_4781 = arith.addf %add3A_4749, %mul3A_4780 : vector<16xf32>
      %get3A_4782 = arith.constant 1 : i32
      %get3A_4783 = arith.constant 15 : i32
      %get3A_4784 = arith.index_cast %get3A_4782 : i32 to index
      %get3A_4785 = arith.index_cast %get3A_4783 : i32 to index
      %get3A_4786 = arith.constant 96 : index
      %get3A_4787 = tpu.vector_load %arg9[%get3A_4784, %get3A_4785, %get3A_4786] {strides = array<i32>} : memref<2x16x128xf32, #tpu.memory_space<vmem>>, vector<1x1x16xf32>,
      %get3A_4788 = vector.shape_cast %get3A_4787 : vector<1x1x16xf32> to vector<16xf32>
      %get3A_4789 = arith.constant 1 : i32
      %get3A_4790 = arith.constant 15 : i32
      %get3A_4791 = arith.index_cast %get3A_4789 : i32 to index
      %get3A_4792 = arith.index_cast %get3A_4790 : i32 to index
      %get3A_4793 = arith.constant 96 : index
      %get3A_4794 = tpu.vector_load %arg10[%get3A_4791, %get3A_4792, %get3A_4793] {strides = array<i32>} : memref<2x16x128xf32, #tpu.memory_space<vmem>>, vector<1x1x16xf32>,
      %get3A_4795 = vector.shape_cast %get3A_4794 : vector<1x1x16xf32> to vector<16xf32>
      %mul3A_4796 = arith.mulf %get3A_4788, %get3A_4795 : vector<16xf32>
      %add3A_4797 = arith.addf %add3A_4765, %mul3A_4796 : vector<16xf32>
      %get3A_4798 = arith.constant 1 : i32
      %get3A_4799 = arith.constant 15 : i32
      %get3A_4800 = arith.index_cast %get3A_4798 : i32 to index
      %get3A_4801 = arith.index_cast %get3A_4799 : i32 to index
      %get3A_4802 = arith.constant 112 : index
      %get3A_4803 = tpu.vector_load %arg9[%get3A_4800, %get3A_4801, %get3A_4802] {strides = array<i32>} : memref<2x16x128xf32, #tpu.memory_space<vmem>>, vector<1x1x16xf32>,
      %get3A_4804 = vector.shape_cast %get3A_4803 : vector<1x1x16xf32> to vector<16xf32>
      %get3A_4805 = arith.constant 1 : i32
      %get3A_4806 = arith.constant 15 : i32
      %get3A_4807 = arith.index_cast %get3A_4805 : i32 to index
      %get3A_4808 = arith.index_cast %get3A_4806 : i32 to index
      %get3A_4809 = arith.constant 112 : index
      %get3A_4810 = tpu.vector_load %arg10[%get3A_4807, %get3A_4808, %get3A_4809] {strides = array<i32>} : memref<2x16x128xf32, #tpu.memory_space<vmem>>, vector<1x1x16xf32>,
      %get3A_4811 = vector.shape_cast %get3A_4810 : vector<1x1x16xf32> to vector<16xf32>
      %mul3A_4812 = arith.mulf %get3A_4804, %get3A_4811 : vector<16xf32>
      %add3A_4813 = arith.addf %add3A_4781, %mul3A_4812 : vector<16xf32>
      %add3A_4814 = arith.addf %add3A_4797, %add3A_4813 : vector<16xf32>
      %broadcast_in_dim3A_4815 = vector.shape_cast %and3A_8 : vector<16xi32> to vector<16x1xi32>
      %gather3A_4816 = vector.shape_cast %broadcast_in_dim3A_4815 : vector<16x1xi32> to vector<16xi32>
      %gather3A_4817 = tpu.dynamic_gather %add3A_4814[%gather3A_4816] in [0] : vector<16xf32>, vector<16xi32> -> vector<16xf32>
      %add3A_4818 = arith.addf %add3A_4814, %gather3A_4817 : vector<16xf32>
      %broadcast_in_dim3A_4819 = vector.shape_cast %and3A_14 : vector<16xi32> to vector<16x1xi32>
      %gather3A_4820 = vector.shape_cast %broadcast_in_dim3A_4819 : vector<16x1xi32> to vector<16xi32>
      %gather3A_4821 = tpu.dynamic_gather %add3A_4818[%gather3A_4820] in [0] : vector<16xf32>, vector<16xi32> -> vector<16xf32>
      %add3A_4822 = arith.addf %add3A_4818, %gather3A_4821 : vector<16xf32>
      %broadcast_in_dim3A_4823 = vector.shape_cast %and3A_20 : vector<16xi32> to vector<16x1xi32>
      %gather3A_4824 = vector.shape_cast %broadcast_in_dim3A_4823 : vector<16x1xi32> to vector<16xi32>
      %gather3A_4825 = tpu.dynamic_gather %add3A_4822[%gather3A_4824] in [0] : vector<16xf32>, vector<16xi32> -> vector<16xf32>
      %add3A_4826 = arith.addf %add3A_4822, %gather3A_4825 : vector<16xf32>
      %broadcast_in_dim3A_4827 = vector.shape_cast %and3A_26 : vector<16xi32> to vector<16x1xi32>
      %gather3A_4828 = vector.shape_cast %broadcast_in_dim3A_4827 : vector<16x1xi32> to vector<16xi32>
      %gather3A_4829 = tpu.dynamic_gather %add3A_4826[%gather3A_4828] in [0] : vector<16xf32>, vector<16xi32> -> vector<16xf32>
      %add3A_4830 = arith.addf %add3A_4826, %gather3A_4829 : vector<16xf32>
      %eq3A_4831 = arith.constant 15 : i32
      %eq3A_4832 = vector.broadcast %eq3A_4831 : i32 to vector<16xi32>
      %eq3A_4833 = arith.cmpi eq, %iota3A, %eq3A_4832 : vector<16xi32>
      %select_n3A_4834 = arith.select %eq3A_4833, %add3A_4830, %select_n3A_4687 : vector<16xi1>, vector<16xf32>
      %mul3A_4835 = arith.constant 16 : i32
      %mul3A_4836 = arith.muli %add3A_2458, %mul3A_4835 : i32
      %swap3A_4837 = arith.index_cast %mul3A_4836 : i32 to index
      %swap3A_4838 = tpu.vector_load %arg11[%swap3A_4837] {strides = array<i32>} : memref<10240xf32, #tpu.memory_space<vmem>>, vector<16xf32>,
      %swap3A_4839 = vector.shape_cast %swap3A_4838 : vector<16xf32> to vector<16xf32>
      %swap3A_4840 = vector.shape_cast %select_n3A_4834 : vector<16xf32> to vector<16xf32>
      tpu.vector_store %arg11[%swap3A_4837], %swap3A_4840 {strides = array<i32>} : memref<10240xf32, #tpu.memory_space<vmem>>, vector<16xf32>,
      %add3A_4841 = arith.constant 2 : i32
      %add3A_4842 = arith.addi %add3A_2458, %add3A_4841 : i32
      %lt3A_4843 = arith.constant 640 : i32
      %lt3A_4844 = arith.cmpi slt, %add3A_4842, %lt3A_4843 : i32
      %convert_element_type3A_4845 = arith.extui %lt3A_4844 : i1 to i32
      %cond3A_4846 = arith.constant 0 : i32
      %cond3A_4847 = arith.cmpi ne, %convert_element_type3A_4845, %cond3A_4846 : i32
      scf.if %cond3A_4847 {
        %add3A_4848 = arith.constant 2 : i32
        %add3A_4849 = arith.addi %add3A_2458, %add3A_4848 : i32
        %mul3A_4850 = arith.constant 16 : i32
        %mul3A_4851 = arith.muli %add3A_4849, %mul3A_4850 : i32
        %dma_start3A_4852 = arith.constant 1 : i32
        %dma_start3A_4853 = arith.constant 0 : i32
        %dma_start3A_4854 = arith.constant 0 : i32
        %dma_start3A_4855 = tpu.memref_slice %arg9[%dma_start3A_4852, %dma_start3A_4853, %dma_start3A_4854] : memref<2x16x128xf32, #tpu.memory_space<vmem>> -> memref<1x16x128xf32, #tpu.memory_space<vmem>>
        %dma_start3A_4856 = tpu.memref_squeeze %dma_start3A_4855 : memref<1x16x128xf32, #tpu.memory_space<vmem>> -> memref<16x128xf32, #tpu.memory_space<vmem>>
        %dma_start3A_4857 = tpu.memref_slice %arg7[%mul3A_4851] : memref<10240xi32, #tpu.memory_space<vmem>> -> memref<16xi32, #tpu.memory_space<vmem>>
        %dma_start3A_4858 = arith.constant 0 : i32
        %dma_start3A_4859 = arith.constant 0 : i32
        %dma_start3A_4860 = tpu.memref_slice %arg6[%dma_start3A_4858, %dma_start3A_4859] : memref<10240x128xf32, #tpu.memory_space<vmem_shared>> -> memref<10240x128xf32, #tpu.memory_space<vmem_shared>>
        tpu.enqueue_indirect_dma source(%dma_start3A_4860 : memref<10240x128xf32, #tpu.memory_space<vmem_shared>>) target(%dma_start3A_4856 : memref<16x128xf32, #tpu.memory_space<vmem>>) offsets(%dma_start3A_4857 : memref<16xi32, #tpu.memory_space<vmem>>) semaphore(%arg13 : memref<!tpu.dma_semaphore, #tpu.memory_space<semaphore_mem>>)
        %mul3A_4861 = arith.constant 16 : i32
        %mul3A_4862 = arith.muli %add3A_4849, %mul3A_4861 : i32
        %dma_start3A_4863 = arith.constant 1 : i32
        %dma_start3A_4864 = arith.constant 0 : i32
        %dma_start3A_4865 = arith.constant 0 : i32
        %dma_start3A_4866 = tpu.memref_slice %arg10[%dma_start3A_4863, %dma_start3A_4864, %dma_start3A_4865] : memref<2x16x128xf32, #tpu.memory_space<vmem>> -> memref<1x16x128xf32, #tpu.memory_space<vmem>>
        %dma_start3A_4867 = tpu.memref_squeeze %dma_start3A_4866 : memref<1x16x128xf32, #tpu.memory_space<vmem>> -> memref<16x128xf32, #tpu.memory_space<vmem>>
        %dma_start3A_4868 = tpu.memref_slice %arg8[%mul3A_4862] : memref<10240xi32, #tpu.memory_space<vmem>> -> memref<16xi32, #tpu.memory_space<vmem>>
        %dma_start3A_4869 = arith.constant 0 : i32
        %dma_start3A_4870 = arith.constant 0 : i32
        %dma_start3A_4871 = tpu.memref_slice %arg6[%dma_start3A_4869, %dma_start3A_4870] : memref<10240x128xf32, #tpu.memory_space<vmem_shared>> -> memref<10240x128xf32, #tpu.memory_space<vmem_shared>>
        tpu.enqueue_indirect_dma source(%dma_start3A_4871 : memref<10240x128xf32, #tpu.memory_space<vmem_shared>>) target(%dma_start3A_4867 : memref<16x128xf32, #tpu.memory_space<vmem>>) offsets(%dma_start3A_4868 : memref<16xi32, #tpu.memory_space<vmem>>) semaphore(%arg15 : memref<!tpu.dma_semaphore, #tpu.memory_space<semaphore_mem>>)
      } else {
      }
    }
    %scan3A_70 = arith.constant 320 : i32
    "tpu.region"() ({
      %run_scoped3A = tpu.sem_alloc : memref<!tpu.dma_semaphore, #tpu.memory_space<semaphore_mem>>
      %dma_start3A_71 = tpu.memref_slice %arg5[%arg0, %mul3A_0] : memref<2x163840xf32, #tpu.memory_space<hbm>> -> memref<1x10240xf32, #tpu.memory_space<hbm>>
      %dma_start3A_72 = tpu.memref_squeeze %dma_start3A_71 : memref<1x10240xf32, #tpu.memory_space<hbm>> -> memref<10240xf32, #tpu.memory_space<hbm>>
      %dma_start3A_73 = tpu.memref_slice %arg5[%arg0, %mul3A_0] : memref<2x163840xf32, #tpu.memory_space<hbm>> -> memref<1x10240xf32, #tpu.memory_space<hbm>>
      %dma_start3A_74 = tpu.memref_squeeze %dma_start3A_73 : memref<1x10240xf32, #tpu.memory_space<hbm>> -> memref<10240xf32, #tpu.memory_space<hbm>>
      tpu.enqueue_dma source(%arg11 : memref<10240xf32, #tpu.memory_space<vmem>>) target(%dma_start3A_74 : memref<10240xf32, #tpu.memory_space<hbm>>) target_semaphore(%run_scoped3A : memref<!tpu.dma_semaphore, #tpu.memory_space<semaphore_mem>>)
      %dma_wait3A = tpu.memref_slice %arg5[%arg0, %mul3A_0] : memref<2x163840xf32, #tpu.memory_space<hbm>> -> memref<1x10240xf32, #tpu.memory_space<hbm>>
      %dma_wait3A_75 = tpu.memref_squeeze %dma_wait3A : memref<1x10240xf32, #tpu.memory_space<hbm>> -> memref<10240xf32, #tpu.memory_space<hbm>>
      %dma_wait3A_76 = tpu.memref_slice %arg5[%arg0, %mul3A_0] : memref<2x163840xf32, #tpu.memory_space<hbm>> -> memref<1x10240xf32, #tpu.memory_space<hbm>>
      %dma_wait3A_77 = tpu.memref_squeeze %dma_wait3A_76 : memref<1x10240xf32, #tpu.memory_space<hbm>> -> memref<10240xf32, #tpu.memory_space<hbm>>
      tpu.wait_dma2 semaphore(%run_scoped3A : memref<!tpu.dma_semaphore, #tpu.memory_space<semaphore_mem>>) src(%arg11 : memref<10240xf32, #tpu.memory_space<vmem>>) dst(%dma_wait3A_77 : memref<10240xf32, #tpu.memory_space<hbm>>)
      tpu.yield
    }) : () -> ()
    return
  }
}

</mosaic_0001>

<sc_bundles>
// kernel: _partial_dots.3.cloned.1.call-start
scs
__scs_entry_jumppad:
0x0: {  	(pc) =	sbr.rel $0x88, $3  }
0x1: {  	(tag) =	ssettag $0x0;
	lr =	simm.s32 $0x1  }
0x2: {  	[smem:$0x3F9E] =	sst lr;
	_ =	strace $0xD0000000  }
0x3: {  	_ = 	snop  }
0x4: {  	_ = 	snop  }
0x5: {  	_ = 	snop  }
0x6: {  	_ = 	snop  }
0x7: {  	_ = 	snop  }
__scs_overlays_trampoline_lowered:
0x8: {  	[smem:$0x3FAD] =	sst s0  }
0x9: {  	[smem:$0x3FAE] =	sst s1  }
0xa: {  	[smem:$0x3FAF] =	sst s2  }
0xb: {  	[smem:$0x3FB0] =	sst s3  }
0xc: {  	[smem:$0x3FB1] =	sst s4  }
0xd: {  	[smem:$0x3FB2] =	sst s5  }
0xe: {  	[smem:$0x3FB3] =	sst s6  }
0xf: {  	[smem:$0x3FB4] =	sst s7  }
0x10: {  	[smem:$0x3FB5] =	sst s8  }
0x11: {  	[smem:$0x3FB6] =	sst s9;
	s0 =	simm.s32 @!p0 $0x0  }
0x12: {  	s1 =	sld [smem:$0x3F9C];
	s0 =	simm.s32 @p0 $0x1  }
0x13: {  	[smem:$0x3FB7] =	sst s0;
	s0 =	simm.s32 @!p1 $0x0  }
0x14: {  	s2 =	sld [smem:$0x3F9B];
	s0 =	simm.s32 @p1 $0x1  }
0x15: {  	[smem:$0x3FB8] =	sst s0;
	s0 =	simm.s32 @!p2 $0x0  }
0x16: {  	s3 =	sld [smem:$0x3FDB];
	s0 =	simm.s32 @p2 $0x1  }
0x17: {  	s4 =	simm.s32 $0x1BF5;
	[smem:$0x3FBA] =	sst s0  }
0x18: {  	s0 =	sld [smem:$0x3F9D];
	_ =	swait.ge [sflag:s4], $0x0  }
0x19: {  	s7 =	sld [smem:$0x3F9E]  }
0x1a: {  	s8 =	sadd.s32 $0xFFFFE003, lr  }
0x1b: {  	s9 =	sadd.s32 $0xFFFFFEF7, lr;
	s5 =	simm.s32 $0xFFFFFFFF;
	p2 =	slt.u32 s8, $0xFFFFF086  }
0x1c: {  	p1 =	slt.u32 s9, $0xF7A;
	s5 =	simm.s32 @!p2 $0x0  }
0x1d: {  	s5 =	simm.s32 @p1 $0x1;
	p0 =	seq.s32 s7, s2  }
0x1e: {  	s7 =	smul.u32 @!p0 $0xF7A, s2;
	p2 =	seq.s32 @!p0 s5, $0x0  }
0x1f: {  	s9 =	smul.u32 $0xF7A, s1;
	s8 =	simm.s32 @!p0 $0x1BF5;
	p2 =	por !p2, p0  }
0x20: {  	[sflag:s8] =	ssyncset.s32 @!p0 $0xFFFFF086;
	s6 =	sadd.s32 @!p0 s3, s7;
	s7 =	simm.s32 @!p0 $0x108  }
0x21: {  	s3 =	sadd.s32 s3, s9;
	s6 =	sadd.s32 @!p0 $0x88, s6;
	s7 =	simm.s32 @p2 $0x1082  }
0x22: {  	[simem:s7], [sflag:s8] =	dma.local @!p0 [hbm:s6], $0xF7A  }
0x23: {  	s9 =	sor.u32 $0xD0000000, s2;
	s6 =	simm.s32 $0x108;
	_ =	swait.ge @!p0 [sflag:s8], $0x0  }
0x24: {  	s3 =	sadd.s32 $0x88, s3;
	s6 =	simm.s32 @!p1 $0x1082;
	[sflag:s4] =	ssyncset.s32 $0xFFFFF086  }
0x25: {  	[simem:s6], [sflag:s4] =	dma.local [hbm:s3], $0xF7A  }
0x26: {  	[smem:$0x3F9E] =	sst s1;
	(tag) =	ssettag s2;
	_ =	strace s9  }
0x27: {  	s1 =	sld [smem:$0x3FAE]  }
0x28: {  	s2 =	sld [smem:$0x3FAF]  }
0x29: {  	s4 =	sld [smem:$0x3FB1]  }
0x2a: {  	p0 =	seq.s32 s5, $0x0;
	s5 =	sld [smem:$0x3FB2]  }
0x2b: {  	s6 =	sld [smem:$0x3FB3]  }
0x2c: {  	s7 =	sld [smem:$0x3FB4]  }
0x2d: {  	s3 =	simm.s32 $0x108;
	s8 =	sld [smem:$0x3FB5]  }
0x2e: {  	s3 =	simm.s32 @!p0 $0x1082;
	s9 =	sld [smem:$0x3FB6]  }
0x2f: {  	lr =	sadd.s32 s0, s3;
	s0 =	sld [smem:$0x3FAD]  }
0x30: {  	s3 =	sld [smem:$0x3FB0]  }
0x31: {  	[smem:$0x3FB9] =	sst s10  }
0x32: {  	s10 =	sld [smem:$0x3FB7];
	_ =	sdelay $0x3  }
0x33: {  	p0 =	seq.s32 s10, $0x1;
	s10 =	sld [smem:$0x3FB9];
	_ =	sdelay $0x3  }
0x34: {  	[smem:$0x3FB9] =	sst s10  }
0x35: {  	s10 =	sld [smem:$0x3FB8];
	_ =	sdelay $0x3  }
0x36: {  	p1 =	seq.s32 s10, $0x1;
	s10 =	sld [smem:$0x3FB9];
	_ =	sdelay $0x3  }
0x37: {  	[smem:$0x3FB9] =	sst s10  }
0x38: {  	s10 =	sld [smem:$0x3FBA]  }
0x39: {  	_ = 	snop;
	(pc) =	sbr.ind lr, $3  }
0x3a: {  	_ = 	snop  }
0x3b: {  	_ = 	snop  }
0x3c: {  	p2 =	seq.s32 s10, $0x1;
	s10 =	sld [smem:$0x3FB9]  }
0x3d: {  	_ =	shalt  }
0x3e: {  	_ =	shalt  }
0x3f: {  	_ =	shalt  }
0x40: {  	_ =	shalt  }
0x41: {  	_ =	shalt  }
0x42: {  	_ =	shalt  }
0x43: {  	_ =	shalt  }
0x44: {  	_ =	shalt  }
0x45: {  	_ =	shalt  }
0x46: {  	_ =	shalt  }
0x47: {  	_ =	shalt  }
0x48: {  	_ =	shalt  }
0x49: {  	_ =	shalt  }
0x4a: {  	_ =	shalt  }
0x4b: {  	_ =	shalt  }
0x4c: {  	_ =	shalt  }
0x4d: {  	_ =	shalt  }
0x4e: {  	_ =	shalt  }
0x4f: {  	_ =	shalt  }
0x50: {  	_ =	shalt  }
0x51: {  	_ =	shalt  }
0x52: {  	_ =	shalt  }
0x53: {  	_ =	shalt  }
0x54: {  	_ =	shalt  }
0x55: {  	_ =	shalt  }
0x56: {  	_ =	shalt  }
0x57: {  	_ =	shalt  }
0x58: {  	_ =	shalt  }
0x59: {  	_ =	shalt  }
0x5a: {  	_ =	shalt  }
0x5b: {  	_ =	shalt  }
0x5c: {  	_ =	shalt  }
0x5d: {  	_ =	shalt  }
0x5e: {  	_ =	shalt  }
0x5f: {  	_ =	shalt  }
0x60: {  	_ =	shalt  }
0x61: {  	_ =	shalt  }
0x62: {  	_ =	shalt  }
0x63: {  	_ =	shalt  }
0x64: {  	_ =	shalt  }
0x65: {  	_ =	shalt  }
0x66: {  	_ =	shalt  }
0x67: {  	_ =	shalt  }
0x68: {  	_ =	shalt  }
0x69: {  	_ =	shalt  }
0x6a: {  	_ =	shalt  }
0x6b: {  	_ =	shalt  }
0x6c: {  	_ =	shalt  }
0x6d: {  	_ =	shalt  }
0x6e: {  	_ =	shalt  }
0x6f: {  	_ =	shalt  }
0x70: {  	_ =	shalt  }
0x71: {  	_ =	shalt  }
0x72: {  	_ =	shalt  }
0x73: {  	_ =	shalt  }
0x74: {  	_ =	shalt  }
0x75: {  	_ =	shalt  }
0x76: {  	_ =	shalt  }
0x77: {  	_ =	shalt  }
0x78: {  	_ =	shalt  }
0x79: {  	_ =	shalt  }
0x7a: {  	_ =	shalt  }
0x7b: {  	_ =	shalt  }
0x7c: {  	_ =	shalt  }
0x7d: {  	_ =	shalt  }
0x7e: {  	_ =	shalt  }
0x7f: {  	_ =	shalt  }
0x80: {  	_ =	shalt  }
0x81: {  	_ =	shalt  }
0x82: {  	_ =	shalt  }
0x83: {  	_ =	shalt  }
0x84: {  	_ =	shalt  }
0x85: {  	_ =	shalt  }
0x86: {  	_ =	shalt  }
0x87: {  	_ =	shalt  }
.Lfunc_end0:
.L_simem_size_0:
called_computation_lowered:
.L_overlay_start_0:
0x88: {  	s2 =	sld [smem:$0x3FD9]  }
0x89: {  	s3 =	sld [smem:$0x3FFE];
	_ =	sdelay $0x1  }
0x8a: {  	s1 =	srdreg.scid  }
0x8b: {  	s0 =	sand.u32 $0x1, s1  }
0x8c: {  	s18 =	sshll.u32 s0, $0xA;
	s2 =	sadd.s32 s3, s2  }
0x8d: {  	s2 =	sadd.s32 s2, s18  }
0x8e: {  	[smem:$0x3FC5] =	sst s2  }
0x8f: {  	_ = 	snop  }
0x90: {  	s2 =	sld [smem:$0x3FC9]  }
0x91: {  	s19 =	sld [smem:$0x3FC8]  }
0x92: {  	s4 =	sld [smem:$0x3FC7]  }
0x93: {  	s5 =	sld [smem:$0x3FD0];
	(tm) =	ssettm $0x1  }
0x94: {  	s6 =	sld [smem:$0x3FFB];
	_ =	sdelay $0x3  }
0x95: {  	_ =	strace s6  }
0x96: {  	s6 =	sld [smem:$0x3FFC];
	_ =	sdelay $0x3  }
0x97: {  	_ =	strace s6  }
0x98: {  	s6 =	sld [smem:$0x3FFD];
	_ =	sdelay $0x3  }
0x99: {  	_ =	strace s6  }
0x9a: {  	_ =	strace $0x8FFFFFFF  }
0x9b: {  	s20 =	sld [smem:$0x3FDB];
	_ =	sdelay $0x1  }
0x9c: {  	s7 =	simm.s32 $_scs_section_size  }
0x9d: {  	s8 =	simm.s32 $_size__tile_overlayer_lowered;
	s9 =	simm.s32 $_tile_overlayer_lowered  }
0x9e: {  	s23 =	simm.s32 $0x1BFF;
	s22 =	sshll.u32 s9, $0x1;
	s6 =	sadd.s32 s7, s20  }
0x9f: {  	s10 =	simm.s32 $0x0;
	s21 =	sshll.u32 s8, $0x1;
	s8 =	sadd.s32 s22, s6  }
0xa0: {  	[timem:s10], [sflag:s23] =	dma.local [hbm:s8], s21  }
0xa1: {  	_ =	swait.ge [sflag:s23], s21  }
0xa2: {  	s7 =	ssub.s32 $0x0, s21;
	[sflag:s23] =	ssyncset.done $0x0  }
0xa3: {  	[sflag:s23] =	ssyncadd.s32 s7;
	_ =	sdelay $0x1  }
0xa4: {  	s24 =	simm.s32 $0x1B8B  }
0xa5: {  	_ =	swait.ge [sflag:s24], $0x1  }
0xa6: {  	[sflag:s24] =	ssyncset.done $0x0  }
0xa7: {  	s25 =	simm.s32 $0x1B8E;
	[sflag:s24] =	ssyncadd.s32 $0xFFFFFFFF  }
0xa8: {  	s26 =	simm.s32 $execute0_lowered;
	[smem:$0x3FD2] =	sst s25  }
0xa9: {  	s7 =	sshll.u32 s26, $0x1;
	_ =	strace $0x80000046;
	[dreg:$0x1] =	wrdreg $0xFFFFFFFF  }
0xaa: {  	s28 =	simm.s32 $_size_execute0_lowered;
	s6 =	sadd.s32 s6, s7;
	[dreg:$0x0] =	wrdreg $0x0  }
0xab: {  	s7 =	sshll.u32 s28, $0x1;
	[dreg:$0x2] =	wrdreg s6  }
0xac: {  	[dreg:$0x3] =	wrdreg s7  }
0xad: {  	[dreg:$0x4] =	wrdreg $0xC0  }
0xae: {  	_ =	task [dreg:s10], $0x5FFFF  }
0xaf: {  	[dreg:$0x1] =	wrdreg $0xFFFFFFFF  }
0xb0: {  	[dreg:$0x0] =	wrdreg $0x60  }
0xb1: {  	[dreg:$0x2] =	wrdreg s2  }
0xb2: {  	[dreg:$0x3] =	wrdreg s19  }
0xb3: {  	[dreg:$0x4] =	wrdreg s4  }
0xb4: {  	[dreg:$0x5] =	wrdreg s5  }
0xb5: {  	[dreg:$0x6] =	wrdreg $0x0  }
0xb6: {  	[dreg:$0x7] =	wrdreg $0x9  }
0xb7: {  	_ =	task.clear_ibuf [dreg:s10], $0x8FFFF;
	_ =	strace $0x90000046  }
0xb8: {  	s29 =	simm.s32 $0x9;
	_ =	strace $0x80000048  }
0xb9: {  	_ =	swait.ge [sflag:s29], $0x1  }
0xba: {  	[sflag:s29] =	ssyncadd.s32 $0xFFFFFFFF  }
0xbb: {  	_ =	strace $0x90000048  }
0xbc: {  	_ =	sfence  }
0xbd: {  	s30 =	sld [smem:$0x0];
	_ =	sdelay $0x2  }
0xbe: {  	s31 =	sshll.u32 s1, $0xD;
	s1 =	sshrl.u32 s1, $0x2  }
0xbf: {  	s3 =	sand.u32 $0x4000, s31;
	s1 =	sadd.s32 s1, s30  }
0xc0: {  	s0 =	sor.u32 s3, s0;
	s1 =	sshll.u32 s1, $0x11  }
0xc1: {  	s0 =	sor.u32 s1, s0  }
0xc2: {  	s0 =	sadd.s32 $0x8F2B, s0  }
0xc3: {  	[sflag:s0] =	ssyncadd.remote.s32 $0x1  }
0xc4: {  	_ =	sfence.sel $0xFFFF  }
0xc5: {  	[dreg:$0x0] =	wrdreg $0xFFFFFFFF;
	(pc) =	sbr.abs _section_cstart, $3  }
0xc6: {  	[dreg:$0x1] =	wrdreg $0xFFFFFFFF  }
0xc7: {  	_ =	task.clear_ibuf [dreg:s10], $0x2FFFF;
	_ =	strace $0x9FFFFFFF  }
0xc8: {  	(tm) =	ssettm $0x7FFFFFFF  }
0xc9: {  	_ =	shalt  }
tec
execute0_lowered:
.L_overlay_start_1:
0x0: {  	(tag) =	ssettag $0x1  }
0x1: {  	s4 =	rddreg [dreg:$0x0]  }
0x2: {  	s6 =	rddreg [dreg:$0x1]  }
0x3: {  	s7 =	rddreg [dreg:$0x2]  }
0x4: {  	s8 =	rddreg [dreg:$0x3];
	v0 =	vimm.s32 $0xFEDCBA98;
	v1 =	vimm.s32 $0x76543210  }
0x5: {  	s0 =	srdreg.scid;
	s1 =	rddreg [dreg:$0x4];
	v2 =	vimm.s32 $0x3210FEDC;
	v3 =	vimm.s32 $0xBA987654;
	v4 =	vimm.s32 $0x10FEDCBA  }
0x6: {  	s2 =	simm.s32 $0x0;
	s24 =	stileid.u32;
	v5 =	vimm.s32 $0x98765432;
	v6 =	vimm.s32 $0xFEDCBA9;
	s17 =	simm.s32 $0x14010  }
0x7: {  	v7 =	vimm.s32 $0x87654321;
	s18 =	simm.s32 $0x19800;
	s19 =	simm.s32 $0x16810;
	s20 =	simm.s32 $0x1A800  }
0x8: {  	vm0 =	vmmov $0x1;
	vm1 =	vmmov $0x3;
	vm2 =	vmmov $0x7;
	s21 =	simm.s32 $0x1;
	s22 =	simm.s32 $0x3;
	s10 =	smul.u32 $0x14000, s24  }
0x9: {  	vm3 =	vmmov $0xf;
	vm4 =	vmmov $0x1f;
	s23 =	simm.s32 $0x2;
	s28 =	simm.s32 $0x1B000;
	v0 =	vunpack.c.l.s4.s8 v0;
	s12 =	smul.u32 $0x50000, s24  }
0xa: {  	s29 =	simm.s32 $0x0;
	s5 =	sand.u32 $0x1, s0;
	v1 =	vunpack.c.l.s4.s8 v1;
	v2 =	vunpack.c.l.s4.s8 v2;
	v3 =	vunpack.c.l.s4.s8 v3;
	s26 =	smul.u32 $0x5000, s24  }
0xb: {  	[smem:$0x7FF] =	sst s2;
	v4 =	vunpack.c.l.s4.s8 v4;
	v5 =	vunpack.c.l.s4.s8 v5;
	v6 =	vunpack.c.l.s4.s8 v6;
	s30 =	sshll.u32 s24, $0x6;
	s14 =	smul.u32 $0x500, s24  }
0xc: {  	v7 =	vunpack.c.l.s4.s8 v7;
	s24 =	simm.s32 $0x4;
	s9 =	smul.u32 $0x140000, s5;
	_ =	strace $0x80000047;
	v0 =	vunpack.c.0.s8.s32 v0;
	v2 =	vunpack.c.0.s8.s32 v2  }
0xd: {  	s11 =	ssub.s32 $0x2, s5;
	s15 =	sshll.u32 s5, $0x7;
	s5 =	sor.u32 $0x1C05, s30;
	v3 =	vunpack.c.0.s8.s32 v3;
	v4 =	vunpack.c.0.s8.s32 v4;
	v1 =	vunpack.c.0.s8.s32 v1  }
0xe: {  	s13 =	sshrl.u32 s11, $0x1;
	s25 =	sshrl.u32 s12, $0x2;
	v5 =	vunpack.c.0.s8.s32 v5;
	v6 =	vunpack.c.0.s8.s32 v6;
	s31 =	sor.u32 s15, s26;
	v0 =	vand.u32 $0xF, v0  }
0xf: {  	v7 =	vunpack.c.0.s8.s32 v7;
	s6 =	sadd.s32 s6, s14;
	s7 =	sadd.s32 s7, s14;
	s12 =	simm.s32 $0x14000;
	v2 =	vcombine.low v3, v2;
	v0 =	vcombine.low v0, v1  }
.Ltmp0:
0x10: {  	vm5 =	vmmov $0x3f;
	vm6 =	vmmov $0x7f;
	s14 =	simm.s32 $0x10;
	s26 =	simm.s32 $0x100;
	v59 =	vcombine.low v5, v4;
	(pc) =	sbr.rel .LBB2_1-.Ltmp0, $4  }
0x11: {  	vm7 =	vmmov $0xff;
	s11 =	ssub.s32 s11, s13;
	s9 =	sadd.s32 s10, s9;
	s10 =	sadd.s32 s25, s1;
	v60 =	vcombine.low v7, v6;
	v61 =	vand.u32 $0xF, v2;
	[tilespmem:$0x1FFC0] =	vst v0  }
0x12: {  	vm8 =	vmmov $0x1ff;
	vm9 =	vmmov $0x3ff;
	s13 =	simm.s32 $0x16800;
	s25 =	simm.s32 $0x80;
	s9 =	sshrl.u32 s9, $0x3;
	v62 =	vand.u32 $0xF, v59;
	[tilespmem:$0x1FFD0] =	vst v61  }
0x13: {  	vm10 =	vmmov $0x7ff;
	vm11 =	vmmov $0xfff;
	s10 =	sshrl.u32 s10, $0x3;
	s4 =	sadd.s32 s4, s9;
	s9 =	sshrl.u32 s31, $0x3;
	v63 =	vand.u32 $0xF, v60;
	[tilespmem:$0x1FFE0] =	vst v62  }
0x14: {  	vm12 =	vmmov $0x1fff;
	vm13 =	vmmov $0x3fff;
	vm14 =	vmmov $0x7fff;
	s8 =	sadd.s32 s8, s9;
	s9 =	smax.u32 s11, $0x1;
	s11 =	simm.s32 $0x5;
	[tilespmem:$0x1FFF0] =	vst v63  }
.LBB2_4:
0x15: {  	s29 =	sadd.s32 $0x1, s29  }
0x16: {  	p0 =	sne.s32 s29, s9  }
.Ltmp1:
0x17: {  	_ = 	snop;
	(pc) =	sbr.rel @!p0 .LBB2_5-.Ltmp1, $4  }
0x18: {  	[hbm4b:s8+s25] =	stream.strided.scatter [tilespmem:s28], [sflag:$0x5], $0x2800, s26, s25, $0x38;
	[tilespmem:$0x1D800] =	vst v63  }
0x19: {  	_ =	swait.ge [sflag:s11], $0x2800  }
0x1a: {  	[sflag:s11] =	ssyncset.done $0x0  }
0x1b: {  	[sflag:s11] =	ssyncadd.s32 $0xFFFFD800  }
.LBB2_1:
0x1c: {  	[spmem:s10], [sflag:s5] =	dma.local [hbm:s4], $0x2800  }
0x1d: {  	_ =	swait.ge [sflag:s11], $0x2800  }
0x1e: {  	[sflag:s11] =	ssyncset.done $0x0  }
0x1f: {  	[sflag:s11] =	ssyncadd.s32 $0xFFFFD800  }
0x20: {  	[tilespmem:s12], [sflag:$0x5] =	stream.linear.gather [hbm4b:s6+s2], $0x2800, $0x38;
	[tilespmem:$0x1D800] =	vst v63  }
0x21: {  	_ =	swait.ge [sflag:s11], $0x2800  }
0x22: {  	[sflag:s11] =	ssyncset.done $0x0  }
0x23: {  	[sflag:s11] =	ssyncadd.s32 $0xFFFFD800  }
0x24: {  	[tilespmem:s13], [sflag:$0x5] =	stream.linear.gather [hbm4b:s7+s2], $0x2800, $0x38;
	[tilespmem:$0x1D800] =	vst v63  }
0x25: {  	_ =	swait.ge [sflag:s11], $0x2800  }
0x26: {  	[sflag:s11] =	ssyncset.done $0x0  }
0x27: {  	[sflag:s11] =	ssyncadd.s32 $0xFFFFD800  }
0x28: {  	s0 =	simm.s32 $0x19000;
	[bflag:$0x0] =	sbarrier.arrive $0xFFFF  }
0x29: {  	[tilespmem:s0], [sflag:$0x1] =	stream.indirect.gather [spmem:s1], $0x80, s12, s14, $0xb8;
	[tilespmem:$0x1D800] =	vst v63  }
0x2a: {  	s31 =	simm.s32 $0x1A000  }
0x2b: {  	[tilespmem:s31], [sflag:$0x3] =	stream.indirect.gather [spmem:s1], $0x80, s13, s14, $0xb8;
	[tilespmem:$0x1D800] =	vst v63  }
0x2c: {  	_ = 	snop  }
0x2d: {  	[tilespmem:s18], [sflag:$0x2] =	stream.indirect.gather [spmem:s1], $0x80, s17, s14, $0xb8;
	[tilespmem:$0x1D800] =	vst v63  }
0x2e: {  	s30 =	simm.s32 $0x0  }
0x2f: {  	[tilespmem:s20], [sflag:$0x4] =	stream.indirect.gather [spmem:s1], $0x80, s19, s14, $0xb8;
	[tilespmem:$0x1D800] =	vst v63  }
.LBB2_2:
0x30: {  	_ =	swait.ge [sflag:s21], $0x800  }
0x31: {  	[sflag:s21] =	ssyncset.done $0x0  }
0x32: {  	[sflag:s21] =	ssyncadd.s32 $0xFFFFF800  }
0x33: {  	_ =	swait.ge [sflag:s22], $0x800  }
0x34: {  	[sflag:s22] =	ssyncset.done $0x0  }
0x35: {  	[sflag:s22] =	ssyncadd.s32 $0xFFFFF800  }
0x36: {  	v18 =	vld [tilespmem:$0x19000]  }
0x37: {  	v14 =	vld [tilespmem:$0x1A000]  }
0x38: {  	v24 =	vld [tilespmem:$0x19010]  }
0x39: {  	v19 =	vld [tilespmem:$0x1A010]  }
0x3a: {  	v7 =	vld [tilespmem:$0x19020]  }
0x3b: {  	v4 =	vld [tilespmem:$0x1A020]  }
0x3c: {  	v10 =	vld [tilespmem:$0x19030]  }
0x3d: {  	v1 =	vld [tilespmem:$0x19200];
	_ =	sdelay $0x4  }
0x3e: {  	[tilespmem:$0x1F0D0] =	vst v1;
	v1 =	vld [tilespmem:$0x1A200];
	_ =	sdelay $0x4  }
0x3f: {  	[tilespmem:$0x1F0E0] =	vst v1;
	v1 =	vld [tilespmem:$0x19210];
	_ =	sdelay $0x4  }
0x40: {  	[tilespmem:$0x1F0F0] =	vst v1;
	v1 =	vld [tilespmem:$0x1A210];
	_ =	sdelay $0x4  }
0x41: {  	[tilespmem:$0x1F100] =	vst v1;
	v1 =	vld [tilespmem:$0x19220];
	_ =	sdelay $0x4  }
0x42: {  	[tilespmem:$0x1F110] =	vst v1;
	v1 =	vld [tilespmem:$0x1A220];
	_ =	sdelay $0x4  }
0x43: {  	[tilespmem:$0x1F120] =	vst v1;
	v1 =	vld [tilespmem:$0x19230];
	_ =	sdelay $0x4  }
0x44: {  	[tilespmem:$0x1F130] =	vst v1;
	v1 =	vld [tilespmem:$0x1A230];
	_ =	sdelay $0x4  }
0x45: {  	[tilespmem:$0x1F140] =	vst v1;
	v1 =	vld [tilespmem:$0x19240];
	_ =	sdelay $0x4  }
0x46: {  	[tilespmem:$0x1F150] =	vst v1;
	v1 =	vld [tilespmem:$0x1A240];
	_ =	sdelay $0x4  }
0x47: {  	[tilespmem:$0x1F160] =	vst v1;
	v1 =	vld [tilespmem:$0x19250];
	_ =	sdelay $0x4  }
0x48: {  	[tilespmem:$0x1F170] =	vst v1;
	v1 =	vld [tilespmem:$0x1A250];
	_ =	sdelay $0x4  }
0x49: {  	[tilespmem:$0x1F180] =	vst v1;
	v1 =	vld [tilespmem:$0x19260];
	_ =	sdelay $0x4  }
0x4a: {  	[tilespmem:$0x1F250] =	vst v1;
	v1 =	vld [tilespmem:$0x1A260];
	_ =	sdelay $0x4  }
0x4b: {  	[tilespmem:$0x1F260] =	vst v1;
	v1 =	vld [tilespmem:$0x19270];
	_ =	sdelay $0x4  }
0x4c: {  	[tilespmem:$0x1F270] =	vst v1;
	v1 =	vld [tilespmem:$0x1A270];
	_ =	sdelay $0x4  }
0x4d: {  	[tilespmem:$0x1F280] =	vst v1;
	v1 =	vld [tilespmem:$0x19280];
	_ =	sdelay $0x4  }
0x4e: {  	[tilespmem:$0x1F190] =	vst v1;
	v1 =	vld [tilespmem:$0x1A280];
	_ =	sdelay $0x4  }
0x4f: {  	[tilespmem:$0x1F1A0] =	vst v1;
	v1 =	vld [tilespmem:$0x19290];
	_ =	sdelay $0x4  }
0x50: {  	[tilespmem:$0x1F1D0] =	vst v1;
	v1 =	vld [tilespmem:$0x1A290];
	_ =	sdelay $0x4  }
0x51: {  	[tilespmem:$0x1F1E0] =	vst v1;
	v1 =	vld [tilespmem:$0x192A0];
	_ =	sdelay $0x4  }
0x52: {  	[tilespmem:$0x1F1B0] =	vst v1;
	v1 =	vld [tilespmem:$0x1A2A0];
	_ =	sdelay $0x4  }
0x53: {  	[tilespmem:$0x1F1C0] =	vst v1;
	v1 =	vld [tilespmem:$0x192B0];
	_ =	sdelay $0x4  }
0x54: {  	[tilespmem:$0x1F1F0] =	vst v1;
	v1 =	vld [tilespmem:$0x1A2B0];
	_ =	sdelay $0x4  }
0x55: {  	[tilespmem:$0x1F200] =	vst v1;
	v1 =	vld [tilespmem:$0x192C0];
	_ =	sdelay $0x4  }
0x56: {  	[tilespmem:$0x1F210] =	vst v1;
	v1 =	vld [tilespmem:$0x1A2C0];
	_ =	sdelay $0x4  }
0x57: {  	[tilespmem:$0x1F220] =	vst v1;
	v1 =	vld [tilespmem:$0x192D0];
	_ =	sdelay $0x4  }
0x58: {  	[tilespmem:$0x1F230] =	vst v1;
	v1 =	vld [tilespmem:$0x1A2D0];
	_ =	sdelay $0x4  }
0x59: {  	[tilespmem:$0x1F240] =	vst v1;
	v1 =	vld [tilespmem:$0x192E0];
	_ =	sdelay $0x4  }
0x5a: {  	[tilespmem:$0x1F290] =	vst v1;
	v1 =	vld [tilespmem:$0x1A2E0];
	_ =	sdelay $0x4  }
0x5b: {  	[tilespmem:$0x1F2A0] =	vst v1;
	v1 =	vld [tilespmem:$0x192F0];
	_ =	sdelay $0x4  }
0x5c: {  	[tilespmem:$0x1F2B0] =	vst v1;
	v1 =	vld [tilespmem:$0x1A2F0];
	_ =	sdelay $0x4  }
0x5d: {  	[tilespmem:$0x1F2C0] =	vst v1;
	v1 =	vld [tilespmem:$0x19300];
	_ =	sdelay $0x4  }
0x5e: {  	[tilespmem:$0x1F2D0] =	vst v1;
	v1 =	vld [tilespmem:$0x1A300];
	_ =	sdelay $0x4  }
0x5f: {  	[tilespmem:$0x1F2E0] =	vst v1;
	v1 =	vld [tilespmem:$0x19310];
	_ =	sdelay $0x4  }
0x60: {  	[tilespmem:$0x1F310] =	vst v1;
	v1 =	vld [tilespmem:$0x1A310];
	_ =	sdelay $0x4  }
0x61: {  	[tilespmem:$0x1F320] =	vst v1;
	v1 =	vld [tilespmem:$0x19320];
	_ =	sdelay $0x4  }
0x62: {  	[tilespmem:$0x1F2F0] =	vst v1;
	v1 =	vld [tilespmem:$0x1A320];
	_ =	sdelay $0x4  }
0x63: {  	[tilespmem:$0x1F300] =	vst v1;
	v1 =	vld [tilespmem:$0x19330];
	_ =	sdelay $0x4  }
0x64: {  	[tilespmem:$0x1F330] =	vst v1;
	v1 =	vld [tilespmem:$0x1A330];
	_ =	sdelay $0x4  }
0x65: {  	[tilespmem:$0x1F340] =	vst v1;
	v1 =	vld [tilespmem:$0x19340];
	_ =	sdelay $0x4  }
0x66: {  	[tilespmem:$0x1F350] =	vst v1;
	v1 =	vld [tilespmem:$0x1A340];
	_ =	sdelay $0x4  }
0x67: {  	[tilespmem:$0x1F360] =	vst v1;
	v1 =	vld [tilespmem:$0x19350];
	_ =	sdelay $0x4  }
0x68: {  	[tilespmem:$0x1F370] =	vst v1;
	v1 =	vld [tilespmem:$0x1A350];
	_ =	sdelay $0x4  }
0x69: {  	[tilespmem:$0x1F380] =	vst v1;
	v1 =	vld [tilespmem:$0x19360];
	_ =	sdelay $0x4  }
0x6a: {  	[tilespmem:$0x1F430] =	vst v1;
	v1 =	vld [tilespmem:$0x1A360];
	_ =	sdelay $0x4  }
0x6b: {  	[tilespmem:$0x1F440] =	vst v1;
	v1 =	vld [tilespmem:$0x19370];
	_ =	sdelay $0x4  }
0x6c: {  	[tilespmem:$0x1F470] =	vst v1;
	v1 =	vld [tilespmem:$0x1A370];
	_ =	sdelay $0x4  }
0x6d: {  	[tilespmem:$0x1F480] =	vst v1;
	v1 =	vld [tilespmem:$0x19380];
	_ =	sdelay $0x4  }
0x6e: {  	[tilespmem:$0x1F390] =	vst v1;
	v1 =	vld [tilespmem:$0x1A380];
	_ =	sdelay $0x4  }
0x6f: {  	[tilespmem:$0x1F3A0] =	vst v1;
	v1 =	vld [tilespmem:$0x19390];
	_ =	sdelay $0x4  }
0x70: {  	[tilespmem:$0x1F3D0] =	vst v1;
	v1 =	vld [tilespmem:$0x1A390];
	_ =	sdelay $0x4  }
0x71: {  	[tilespmem:$0x1F3E0] =	vst v1;
	v1 =	vld [tilespmem:$0x193A0]  }
0x72: {  	v5 =	vld [tilespmem:$0x1A030]  }
0x73: {  	v15 =	vld [tilespmem:$0x19040]  }
0x74: {  	v8 =	vld [tilespmem:$0x1A040]  }
0x75: {  	v20 =	vld [tilespmem:$0x19050]  }
0x76: {  	[tilespmem:$0x1F3B0] =	vst v1;
	v1 =	vld [tilespmem:$0x1A3A0]  }
0x77: {  	v11 =	vld [tilespmem:$0x1A050]  }
0x78: {  	v25 =	vld [tilespmem:$0x19060]  }
0x79: {  	v21 =	vld [tilespmem:$0x1A060]  }
0x7a: {  	v22 =	vld [tilespmem:$0x19070]  }
0x7b: {  	[tilespmem:$0x1F3C0] =	vst v1;
	v1 =	vld [tilespmem:$0x193B0]  }
0x7c: {  	v12 =	vld [tilespmem:$0x1A070]  }
0x7d: {  	v26 =	vld [tilespmem:$0x19080]  }
0x7e: {  	v28 =	vld [tilespmem:$0x1A080]  }
0x7f: {  	v31 =	vld [tilespmem:$0x19090]  }
0x80: {  	[tilespmem:$0x1F3F0] =	vst v1;
	v1 =	vld [tilespmem:$0x1A3B0]  }
0x81: {  	v40 =	vld [tilespmem:$0x1A090]  }
0x82: {  	v9 =	vld [tilespmem:$0x190A0]  }
0x83: {  	v6 =	vld [tilespmem:$0x1A0A0]  }
0x84: {  	v17 =	vld [tilespmem:$0x190B0]  }
0x85: {  	[tilespmem:$0x1F400] =	vst v1;
	v1 =	vld [tilespmem:$0x193C0]  }
0x86: {  	v13 =	vld [tilespmem:$0x1A0B0]  }
0x87: {  	v29 =	vld [tilespmem:$0x190C0]  }
0x88: {  	v23 =	vld [tilespmem:$0x1A0C0]  }
0x89: {  	v32 =	vld [tilespmem:$0x190D0]  }
0x8a: {  	[tilespmem:$0x1F410] =	vst v1;
	v1 =	vld [tilespmem:$0x1A3C0]  }
0x8b: {  	v30 =	vld [tilespmem:$0x1A0D0]  }
0x8c: {  	v59 =	vld [tilespmem:$0x190E0]  }
0x8d: {  	v34 =	vld [tilespmem:$0x1A0E0]  }
0x8e: {  	v48 =	vld [tilespmem:$0x190F0]  }
0x8f: {  	[tilespmem:$0x1F420] =	vst v1;
	v1 =	vld [tilespmem:$0x193D0]  }
0x90: {  	v61 =	vld [tilespmem:$0x1A0F0]  }
0x91: {  	v54 =	vld [tilespmem:$0x19100]  }
0x92: {  	v51 =	vld [tilespmem:$0x1A100]  }
0x93: {  	v16 =	vld [tilespmem:$0x19110]  }
0x94: {  	[tilespmem:$0x1F450] =	vst v1;
	v1 =	vld [tilespmem:$0x1A3D0]  }
0x95: {  	v44 =	vld [tilespmem:$0x1A110]  }
0x96: {  	v62 =	vld [tilespmem:$0x19120]  }
0x97: {  	v49 =	vld [tilespmem:$0x1A120]  }
0x98: {  	v50 =	vld [tilespmem:$0x19130]  }
0x99: {  	[tilespmem:$0x1F460] =	vst v1;
	v1 =	vld [tilespmem:$0x193E0]  }
0x9a: {  	v45 =	vld [tilespmem:$0x1A130]  }
0x9b: {  	v55 =	vld [tilespmem:$0x19140]  }
0x9c: {  	v52 =	vld [tilespmem:$0x1A140]  }
0x9d: {  	v53 =	vld [tilespmem:$0x19150]  }
0x9e: {  	[tilespmem:$0x1F490] =	vst v1;
	v1 =	vld [tilespmem:$0x1A3E0]  }
0x9f: {  	v46 =	vld [tilespmem:$0x1A150]  }
0xa0: {  	v3 =	vld [tilespmem:$0x19160]  }
0xa1: {  	v56 =	vld [tilespmem:$0x1A160]  }
0xa2: {  	v0 =	vld [tilespmem:$0x19170]  }
0xa3: {  	[tilespmem:$0x1F4A0] =	vst v1;
	v1 =	vld [tilespmem:$0x193F0]  }
0xa4: {  	v63 =	vld [tilespmem:$0x1A170]  }
0xa5: {  	v38 =	vld [tilespmem:$0x19180]  }
0xa6: {  	v36 =	vld [tilespmem:$0x1A180]  }
0xa7: {  	v42 =	vld [tilespmem:$0x19190]  }
0xa8: {  	[tilespmem:$0x1F4B0] =	vst v1;
	v1 =	vld [tilespmem:$0x1A3F0]  }
0xa9: {  	v57 =	vld [tilespmem:$0x1A190]  }
0xaa: {  	v33 =	vld [tilespmem:$0x191A0]  }
0xab: {  	v27 =	vld [tilespmem:$0x1A1A0]  }
0xac: {  	v37 =	vld [tilespmem:$0x191B0]  }
0xad: {  	[tilespmem:$0x1F4C0] =	vst v1;
	v1 =	vld [tilespmem:$0x19400]  }
0xae: {  	v35 =	vld [tilespmem:$0x1A1B0]  }
0xaf: {  	v41 =	vld [tilespmem:$0x191C0]  }
0xb0: {  	v39 =	vld [tilespmem:$0x1A1C0]  }
0xb1: {  	v47 =	vld [tilespmem:$0x191D0]  }
0xb2: {  	[tilespmem:$0x1F4D0] =	vst v1;
	v1 =	vld [tilespmem:$0x1A400]  }
0xb3: {  	v43 =	vld [tilespmem:$0x1A1D0]  }
0xb4: {  	v60 =	vld [tilespmem:$0x1A1E0]  }
0xb5: {  	v58 =	vld [tilespmem:$0x1A1F0]  }
0xb6: {  	v2 =	vld [tilespmem:$0x1A510]  }
0xb7: {  	[tilespmem:$0x1F4E0] =	vst v1;
	v1 =	vld [tilespmem:$0x19410]  }
0xb8: {  	[tilespmem:$0x1F0C0] =	vst v63;
	v63 =	vld [tilespmem:$0x191E0]  }
0xb9: {  	[tilespmem:$0x1F0B0] =	vst v0;
	v0 =	vld [tilespmem:$0x191F0]  }
0xba: {  	v14 =	vmul.f32 v14, v18;
	v18 =	vld [tilespmem:$0x19490]  }
0xbb: {  	v5 =	vmul.f32 v5, v10;
	v10 =	vld [tilespmem:$0x1A490]  }
0xbc: {  	[tilespmem:$0x1F4F0] =	vst v1;
	v1 =	vld [tilespmem:$0x1A410]  }
0xbd: {  	v24 =	vmul.f32 v19, v24;
	v19 =	vmul.f32 v11, v20;
	v20 =	vld [tilespmem:$0x1A4A0]  }
0xbe: {  	v21 =	vmul.f32 v21, v25;
	v25 =	vld [tilespmem:$0x194B0]  }
0xbf: {  	v11 =	vld [tilespmem:$0x1A4B0]  }
0xc0: {  	v13 =	vmul.f32 v13, v17;
	v17 =	vld [tilespmem:$0x1A4C0]  }
0xc1: {  	v8 =	vmul.f32 v8, v15;
	[tilespmem:$0x1F500] =	vst v1;
	v1 =	vld [tilespmem:$0x19420]  }
0xc2: {  	v15 =	vmul.f32 v23, v29;
	v23 =	vmul.f32 v61, v48;
	v61 =	vld [tilespmem:$0x194E0]  }
0xc3: {  	v28 =	vmul.f32 v28, v26;
	v26 =	vmul.f32 v44, v16;
	v44 =	vld [tilespmem:$0x194F0]  }
0xc4: {  	v16 =	vld [tilespmem:$0x1A4F0]  }
0xc5: {  	v29 =	vmul.f32 v49, v62;
	v62 =	vld [tilespmem:$0x1A500]  }
0xc6: {  	[tilespmem:$0x1F510] =	vst v1;
	v1 =	vld [tilespmem:$0x1A420]  }
0xc7: {  	v4 =	vmul.f32 v4, v7;
	v49 =	vld [tilespmem:$0x19520]  }
0xc8: {  	v6 =	vmul.f32 v6, v9;
	[tilespmem:$0x1F680] =	vst v2;
	v2 =	vld [tilespmem:$0x1FFE0]  }
0xc9: {  	v4 =	vadd.f32 v4, v14;
	v14 =	vld [tilespmem:$0x194C0]  }
0xca: {  	v6 =	vadd.f32 v6, v28;
	v28 =	vld [tilespmem:$0x1A4E0]  }
0xcb: {  	[tilespmem:$0x1F520] =	vst v1;
	v1 =	vld [tilespmem:$0x19430]  }
0xcc: {  	v5 =	vadd.f32 v5, v24;
	v24 =	vmul.f32 v12, v22;
	v12 =	vmul.f32 v40, v31;
	v40 =	vld [tilespmem:$0x19500]  }
0xcd: {  	v31 =	vmul.f32 v52, v55;
	v52 =	vld [tilespmem:$0x1F0C0]  }
0xce: {  	v5 =	vadd.f32 v19, v5;
	v19 =	vld [tilespmem:$0x194D0]  }
0xcf: {  	v4 =	vadd.f32 v8, v4;
	v8 =	vadd.f32 v13, v12;
	v12 =	vld [tilespmem:$0x1A530]  }
0xd0: {  	[tilespmem:$0x1F530] =	vst v1;
	v1 =	vld [tilespmem:$0x1A430]  }
0xd1: {  	v13 =	vld [tilespmem:$0x19540]  }
0xd2: {  	[tilespmem:$0x1F5D0] =	vst v18;
	v18 =	vld [tilespmem:$0x194A0]  }
0xd3: {  	[tilespmem:$0x1F5F0] =	vst v25;
	v25 =	vmul.f32 v51, v54;
	v51 =	vld [tilespmem:$0x1F0B0]  }
0xd4: {  	v54 =	vld [tilespmem:$0x1A520]  }
0xd5: {  	[tilespmem:$0x1F540] =	vst v1;
	v1 =	vld [tilespmem:$0x19440]  }
0xd6: {  	[tilespmem:$0x1F620] =	vst v17;
	v17 =	vld [tilespmem:$0x19550]  }
0xd7: {  	v44 =	vmul.f32 v16, v44;
	v16 =	vld [tilespmem:$0x1A6A0]  }
0xd8: {  	v4 =	vadd.f32 v21, v4;
	v21 =	vmul.f32 v34, v59;
	v59 =	vld [tilespmem:$0x1A4D0]  }
0xd9: {  	v34 =	vmul.f32 v36, v38;
	v38 =	vmul.f32 v57, v42;
	v57 =	vld [tilespmem:$0x19510]  }
0xda: {  	[tilespmem:$0x1F550] =	vst v1;
	v1 =	vld [tilespmem:$0x1A440]  }
0xdb: {  	v36 =	vmul.f32 v27, v33;
	v33 =	vld [tilespmem:$0x1A580]  }
0xdc: {  	v42 =	vmul.f32 v35, v37;
	v35 =	vld [tilespmem:$0x19590]  }
0xdd: {  	[tilespmem:$0x1F5C0] =	vst v20;
	v20 =	vadd.f32 v15, v6;
	v37 =	vld [tilespmem:$0x1F0E0]  }
0xde: {  	v5 =	vadd.f32 v24, v5;
	v6 =	vadd.f32 v29, v25;
	v29 =	vld [tilespmem:$0x1A570]  }
0xdf: {  	[tilespmem:$0x1F560] =	vst v1;
	v1 =	vld [tilespmem:$0x19450]  }
0xe0: {  	v4 =	vadd.f32 v5, v4;
	v5 =	vadd.f32 v21, v20;
	v21 =	vld [tilespmem:$0x19560]  }
0xe1: {  	[tilespmem:$0x1F630] =	vst v19;
	v19 =	vld [tilespmem:$0x1A550]  }
0xe2: {  	v6 =	vadd.f32 v31, v6;
	v31 =	vld [tilespmem:$0x19580];
	[tilespmem:$0x1F5B0] =	vst v18;
	v18 =	vmul.f32 v30, v32;
	v30 =	vmul.f32 v45, v50  }
0xe3: {  	v50 =	vmul.f32 v56, v3;
	v56 =	vmul.f32 v60, v63;
	v63 =	vld [tilespmem:$0x19530]  }
0xe4: {  	[tilespmem:$0x1F570] =	vst v1;
	v1 =	vld [tilespmem:$0x1A450]  }
0xe5: {  	v3 =	vld [tilespmem:$0x1FFD0]  }
0xe6: {  	v45 =	vadd.f32 v36, v34;
	v36 =	vld [tilespmem:$0x1F0D0]  }
0xe7: {  	[tilespmem:$0x1F5E0] =	vst v10;
	v32 =	vmul.f32 v46, v53;
	v46 =	vmul.f32 v39, v41;
	v39 =	vld [tilespmem:$0x1A590]  }
0xe8: {  	v48 =	vmul.f32 v43, v47;
	v10 =	vadd.f32 v42, v38;
	[tilespmem:$0x1F6E0] =	vst v17;
	v17 =	vld [tilespmem:$0x1A5D0]  }
0xe9: {  	[tilespmem:$0x1F580] =	vst v1;
	v1 =	vld [tilespmem:$0x19460]  }
0xea: {  	v55 =	vadd.f32 v48, v10;
	v10 =	vld [tilespmem:$0x195E0]  }
0xeb: {  	v41 =	vld [tilespmem:$0x1F0F0]  }
0xec: {  	[tilespmem:$0x1F710] =	vst v33;
	v33 =	vld [tilespmem:$0x195C0]  }
0xed: {  	v9 =	vadd.f32 v30, v26;
	v26 =	vld [tilespmem:$0x19570]  }
0xee: {  	v60 =	vmul.f32 v58, v0;
	[tilespmem:$0x1F640] =	vst v1;
	v1 =	vld [tilespmem:$0x1A460]  }
0xef: {  	v22 =	vadd.f32 v18, v8;
	v6 =	vadd.f32 v50, v6;
	v50 =	vld [tilespmem:$0x1A5A0]  }
0xf0: {  	v8 =	vadd.f32 v60, v55;
	v55 =	vld [tilespmem:$0x195B0]  }
0xf1: {  	v7 =	vadd.f32 v23, v22;
	v22 =	vld [tilespmem:$0x1A540]  }
0xf2: {  	[tilespmem:$0x1F750] =	vst v39;
	v39 =	vld [tilespmem:$0x1A5C0]  }
0xf3: {  	[tilespmem:$0x1F650] =	vst v1;
	v1 =	vld [tilespmem:$0x19470]  }
0xf4: {  	v42 =	vld [tilespmem:$0x1F100]  }
0xf5: {  	v5 =	vadd.f32 v7, v5;
	v7 =	vadd.f32 v46, v45;
	v45 =	vld [tilespmem:$0x195A0]  }
0xf6: {  	[tilespmem:$0x1F780] =	vst v33;
	v33 =	vld [tilespmem:$0x19600]  }
0xf7: {  	v7 =	vadd.f32 v56, v7;
	v56 =	vld [tilespmem:$0x1FFF0]  }
0xf8: {  	[tilespmem:$0x1F660] =	vst v1;
	v1 =	vld [tilespmem:$0x1A470]  }
0xf9: {  	v46 =	vld [tilespmem:$0x1F110]  }
0xfa: {  	v47 =	vld [tilespmem:$0x1F120]  }
0xfb: {  	v48 =	vld [tilespmem:$0x1F130]  }
0xfc: {  	[tilespmem:$0x1F690] =	vst v49;
	v49 =	vld [tilespmem:$0x1F140]  }
0xfd: {  	[tilespmem:$0x1F670] =	vst v1;
	v1 =	vld [tilespmem:$0x19480]  }
0xfe: {  	v53 =	vmul.f32 v52, v51;
	v9 =	vadd.f32 v32, v9;
	v51 =	vld [tilespmem:$0x1F150]  }
0xff: {  	v52 =	vld [tilespmem:$0x1F160]  }
0x100: {  	v9 =	vadd.f32 v53, v9;
	v53 =	vld [tilespmem:$0x1F170]  }
0x101: {  	[tilespmem:$0x1F6A0] =	vst v54;
	v54 =	vld [tilespmem:$0x1F180]  }
0x102: {  	[tilespmem:$0x1F590] =	vst v1;
	v1 =	vld [tilespmem:$0x1A480]  }
0x103: {  	v6 =	vadd.f32 v9, v6;
	v9 =	vmul.f32 v49, v48;
	v48 =	vld [tilespmem:$0x1F260]  }
0x104: {  	[tilespmem:$0x1F730] =	vst v50;
	v50 =	vld [tilespmem:$0x1F270]  }
0x105: {  	v58 =	vld [tilespmem:$0x1F190]  }
0x106: {  	v60 =	vld [tilespmem:$0x1F1A0]  }
0x107: {  	[tilespmem:$0x1F5A0] =	vst v1;
	v1 =	vld [tilespmem:$0x1FFC0]  }
0x108: {  	[tilespmem:$0x1F7D0] =	vst v26;
	v26 =	vld [tilespmem:$0x1F1D0]  }
0x109: {  	v7 =	vadd.f32 v8, v7;
	v8 =	vmul.f32 v54, v53;
	v54 =	vld [tilespmem:$0x1F290]  }
0x10a: {  	[tilespmem:$0x1F760] =	vst v55;
	v55 =	vld [tilespmem:$0x1F2A0]  }
0x10b: {  	[tilespmem:$0x1F7B0] =	vst v21;
	v21 =	vld [tilespmem:$0x1F1B0]  }
0x10c: {  	[tilespmem:$0x1F700] =	vst v31;
	v31 =	vld [tilespmem:$0x1F200];
	v24 =	vperm.xlane v4, v1  }
0x10d: {  	[tilespmem:$0x1F6B0] =	vst v63;
	v63 =	vmul.f32 v60, v58;
	v60 =	vld [tilespmem:$0x1F2B0];
	v15 =	vperm.xlane v5, v1  }
0x10e: {  	[tilespmem:$0x1F790] =	vst v39;
	v39 =	vld [tilespmem:$0x1F2D0];
	v18 =	vperm.xlane v6, v1;
	v20 =	vperm.xlane v7, v1;
	v4 =	vadd.f32 v4, v24  }
0x10f: {  	v58 =	vmul.f32 v55, v54;
	v54 =	vld [tilespmem:$0x1F360];
	v5 =	vadd.f32 v5, v15  }
0x110: {  	[tilespmem:$0x1F610] =	vst v14;
	v6 =	vadd.f32 v6, v18;
	v24 =	vld [tilespmem:$0x1A560];
	v7 =	vadd.f32 v7, v20;
	v14 =	vperm.xlane v4, v3  }
0x111: {  	v15 =	vld [tilespmem:$0x1A5F0];
	v25 =	vperm.xlane v5, v3  }
0x112: {  	v20 =	vld [tilespmem:$0x1A620];
	v27 =	vperm.xlane v6, v3;
	v30 =	vperm.xlane v7, v3;
	v4 =	vadd.f32 v4, v14  }
0x113: {  	v5 =	vadd.f32 v5, v25;
	v25 =	vld [tilespmem:$0x1A5B0]  }
0x114: {  	v6 =	vadd.f32 v6, v27;
	v7 =	vadd.f32 v7, v30;
	v27 =	vld [tilespmem:$0x1F1E0];
	v23 =	vperm.xlane v4, v2  }
0x115: {  	v30 =	vld [tilespmem:$0x1F1F0];
	v34 =	vperm.xlane v5, v2  }
0x116: {  	v43 =	vperm.xlane v7, v2;
	v4 =	vadd.f32 v4, v23;
	v23 =	vld [tilespmem:$0x1F1C0]  }
0x117: {  	[tilespmem:$0x1F6C0] =	vst v12;
	v38 =	vperm.xlane v6, v2;
	v12 =	vadd.f32 v5, v34;
	v5 =	vmul.f32 v42, v41;
	v42 =	vld [tilespmem:$0x1F230]  }
0x118: {  	v18 =	vadd.f32 v7, v43;
	v43 =	vld [tilespmem:$0x1F240]  }
0x119: {  	[tilespmem:$0x1F6D0] =	vst v13;
	v13 =	vadd.f32 v6, v38;
	v6 =	vmul.f32 v47, v46;
	v46 =	vld [tilespmem:$0x195D0]  }
0x11a: {  	v47 =	vld [tilespmem:$0x1F250]  }
0x11b: {  	v7 =	vmul.f32 v52, v51;
	v51 =	vld [tilespmem:$0x1F280];
	v32 =	vperm.xlane v4, v56  }
0x11c: {  	[tilespmem:$0x1F7E0] =	vst v29;
	v29 =	vmul.f32 v27, v26;
	v26 =	vld [tilespmem:$0x1A5E0]  }
0x11d: {  	[tilespmem:$0x1F600] =	vst v11;
	v9 =	vadd.f32 v9, v5;
	v11 =	vadd.f32 v4, v32;
	v4 =	vmul.f32 v37, v36;
	v36 =	vld [tilespmem:$0x1F210]  }
0x11e: {  	v37 =	vld [tilespmem:$0x1F220]  }
0x11f: {  	v9 =	vadd.f32 v8, v9;
	v8 =	vld [tilespmem:$0x1F390]  }
0x120: {  	[tilespmem:$0x1F720] =	vst v45;
	v45 =	vmul.f32 v43, v42;
	v43 =	vld [tilespmem:$0x1F2F0]  }
0x121: {  	v49 =	vmul.f32 v48, v47;
	v47 =	vld [tilespmem:$0x1F310]  }
0x122: {  	[tilespmem:$0x1F770] =	vst v25;
	v25 =	vperm.xlane v12, v56;
	v48 =	vld [tilespmem:$0x1F320]  }
0x123: {  	v52 =	vmul.f32 v51, v50;
	v50 =	vld [tilespmem:$0x1F330]  }
0x124: {  	v12 =	vadd.f32 v12, v25;
	v51 =	vld [tilespmem:$0x1F340]  }
0x125: {  	[tilespmem:$0x1F7C0] =	vst v24;
	v24 =	vmul.f32 v23, v21;
	v21 =	vld [tilespmem:$0x19630]  }
0x126: {  	v32 =	vmul.f32 v31, v30;
	v25 =	vsel vm0, v11, v12;
	v11 =	vld [tilespmem:$0x1A600]  }
0x127: {  	v12 =	vld [tilespmem:$0x19610]  }
0x128: {  	[tilespmem:$0x1F740] =	vst v35;
	v41 =	vadd.f32 v32, v29;
	v35 =	vadd.f32 v24, v63;
	v63 =	vld [tilespmem:$0x1F2C0]  }
0x129: {  	v24 =	vld [tilespmem:$0x19640]  }
0x12a: {  	v6 =	vadd.f32 v6, v4;
	v32 =	vperm.xlane v18, v56;
	v14 =	vadd.f32 v45, v41;
	v41 =	vld [tilespmem:$0x1F2E0]  }
0x12b: {  	v45 =	vld [tilespmem:$0x1F300]  }
0x12c: {  	v34 =	vadd.f32 v7, v6;
	v38 =	vmul.f32 v37, v36;
	v37 =	vadd.f32 v18, v32;
	v18 =	vld [tilespmem:$0x1A610]  }
0x12d: {  	v36 =	vld [tilespmem:$0x1F3C0]  }
0x12e: {  	[tilespmem:$0x1F6F0] =	vst v19;
	v19 =	vadd.f32 v49, v34;
	v49 =	vmul.f32 v48, v47;
	v47 =	vld [tilespmem:$0x1F3F0]  }
0x12f: {  	v48 =	vld [tilespmem:$0x1F400]  }
0x130: {  	v9 =	vadd.f32 v52, v9;
	v52 =	vmul.f32 v51, v50;
	v50 =	vld [tilespmem:$0x1F410]  }
0x131: {  	v51 =	vld [tilespmem:$0x1F420]  }
0x132: {  	v53 =	vadd.f32 v38, v35;
	v7 =	vmul.f32 v63, v60;
	v60 =	vld [tilespmem:$0x1F380]  }
0x133: {  	v19 =	vadd.f32 v9, v19;
	v9 =	vld [tilespmem:$0x1F3A0]  }
0x134: {  	v27 =	vadd.f32 v58, v53;
	v53 =	vld [tilespmem:$0x1F350]  }
0x135: {  	v58 =	vld [tilespmem:$0x1F370]  }
0x136: {  	[tilespmem:$0x1F7A0] =	vst v46;
	v46 =	vmul.f32 v45, v43;
	v43 =	vld [tilespmem:$0x1F3D0]  }
0x137: {  	v45 =	vld [tilespmem:$0x1F3E0]  }
0x138: {  	v29 =	vadd.f32 v7, v14;
	v14 =	vld [tilespmem:$0x195F0]  }
0x139: {  	[tilespmem:$0x1F800] =	vst v26;
	v26 =	vadd.f32 v52, v49;
	v34 =	vperm.xlane v19, v1;
	v49 =	vmul.f32 v48, v47;
	v48 =	vld [tilespmem:$0x1F4B0]  }
0x13a: {  	v52 =	vmul.f32 v51, v50;
	v51 =	vld [tilespmem:$0x1F4D0]  }
0x13b: {  	v38 =	vadd.f32 v19, v34;
	v19 =	vld [tilespmem:$0x19620]  }
0x13c: {  	v30 =	vadd.f32 v29, v27;
	v27 =	vld [tilespmem:$0x1A640]  }
0x13d: {  	[tilespmem:$0x1F7F0] =	vst v10;
	v10 =	vmul.f32 v9, v8;
	v8 =	vld [tilespmem:$0x1F470]  }
0x13e: {  	v9 =	vld [tilespmem:$0x1F480]  }
0x13f: {  	v55 =	vmul.f32 v54, v53;
	v53 =	vld [tilespmem:$0x1F430]  }
0x140: {  	v54 =	vld [tilespmem:$0x1F440]  }
0x141: {  	v42 =	vmul.f32 v41, v39;
	v63 =	vmul.f32 v60, v58;
	v58 =	vld [tilespmem:$0x1F450]  }
0x142: {  	v60 =	vld [tilespmem:$0x1F460]  }
0x143: {  	v23 =	vadd.f32 v46, v42;
	v35 =	vperm.xlane v30, v1;
	v46 =	vmul.f32 v45, v43;
	v45 =	vld [tilespmem:$0x1F490]  }
0x144: {  	v14 =	vmul.f32 v15, v14;
	v15 =	vld [tilespmem:$0x1A770]  }
0x145: {  	v39 =	vadd.f32 v30, v35;
	v35 =	vld [tilespmem:$0x1F3B0]  }
0x146: {  	v42 =	vadd.f32 v55, v23;
	v23 =	vld [tilespmem:$0x1A630]  }
0x147: {  	v32 =	vadd.f32 v49, v46;
	v46 =	vld [tilespmem:$0x1F4A0]  }
0x148: {  	v30 =	vld [tilespmem:$0x19650]  }
0x149: {  	v49 =	vld [tilespmem:$0x1F4C0]  }
0x14a: {  	v19 =	vmul.f32 v20, v19;
	v20 =	vld [tilespmem:$0x19790]  }
0x14b: {  	v55 =	vmul.f32 v54, v53;
	v54 =	vld [tilespmem:$0x1F4F0]  }
0x14c: {  	v26 =	vadd.f32 v63, v26;
	v63 =	vmul.f32 v60, v58;
	v58 =	vld [tilespmem:$0x1F510]  }
0x14d: {  	v31 =	vperm.xlane v13, v56;
	v60 =	vld [tilespmem:$0x1F520]  }
0x14e: {  	[tilespmem:$0x1F810] =	vst v33;
	v33 =	vadd.f32 v63, v32;
	v32 =	vld [tilespmem:$0x1A650]  }
0x14f: {  	v13 =	vadd.f32 v13, v31;
	v31 =	vadd.f32 v55, v42;
	v55 =	vld [tilespmem:$0x1F500]  }
0x150: {  	v41 =	vmul.f32 v36, v35;
	v50 =	vmul.f32 v49, v48;
	v49 =	vld [tilespmem:$0x1F550]  }
0x151: {  	v48 =	vld [tilespmem:$0x1A6E0]  }
0x152: {  	v29 =	vadd.f32 v41, v10;
	v41 =	vsel vm1, v25, v13;
	v25 =	vld [tilespmem:$0x19660]  }
0x153: {  	v13 =	vld [tilespmem:$0x1A660]  }
0x154: {  	v10 =	vmul.f32 v9, v8;
	v8 =	vld [tilespmem:$0x1F530]  }
0x155: {  	v9 =	vld [tilespmem:$0x1F540]  }
0x156: {  	v33 =	vadd.f32 v50, v33;
	v50 =	vld [tilespmem:$0x1F560]  }
0x157: {  	v63 =	vmul.f32 v60, v58;
	v58 =	vld [tilespmem:$0x1F5B0]  }
0x158: {  	v60 =	vld [tilespmem:$0x1F5C0]  }
0x159: {  	v29 =	vadd.f32 v52, v29;
	v26 =	vadd.f32 v10, v26;
	v52 =	vld [tilespmem:$0x1F4E0]  }
0x15a: {  	v35 =	vmul.f32 v55, v54;
	v54 =	vld [tilespmem:$0x1F5A0]  }
0x15b: {  	v42 =	vadd.f32 v26, v31;
	v26 =	vld [tilespmem:$0x19670]  }
0x15c: {  	v47 =	vmul.f32 v46, v45;
	v31 =	vld [tilespmem:$0x1A670]  }
0x15d: {  	v10 =	vmul.f32 v9, v8;
	v8 =	vld [tilespmem:$0x1F5D0]  }
0x15e: {  	v29 =	vadd.f32 v47, v29;
	v9 =	vld [tilespmem:$0x1F5E0]  }
0x15f: {  	v46 =	vmul.f32 v50, v49;
	v50 =	vld [tilespmem:$0x1A6D0]  }
0x160: {  	v45 =	vadd.f32 v33, v29;
	v29 =	vld [tilespmem:$0x19680]  }
0x161: {  	v53 =	vmul.f32 v52, v51;
	v51 =	vld [tilespmem:$0x1F570]  }
0x162: {  	v52 =	vld [tilespmem:$0x1F580]  }
0x163: {  	v34 =	vadd.f32 v63, v53;
	v53 =	vld [tilespmem:$0x1F590]  }
0x164: {  	v33 =	vld [tilespmem:$0x1A680]  }
0x165: {  	v63 =	vmul.f32 v60, v58;
	v58 =	vld [tilespmem:$0x1F620]  }
0x166: {  	v60 =	vld [tilespmem:$0x1F630]  }
0x167: {  	v35 =	vadd.f32 v10, v35;
	v10 =	vmul.f32 v9, v8;
	v8 =	vld [tilespmem:$0x1F640]  }
0x168: {  	v47 =	vmul.f32 v52, v51;
	v52 =	vld [tilespmem:$0x1F5F0];
	v55 =	vmul.f32 v54, v53  }
0x169: {  	v53 =	vld [tilespmem:$0x1F600]  }
0x16a: {  	v36 =	vadd.f32 v63, v55;
	v55 =	vld [tilespmem:$0x1F610]  }
0x16b: {  	v9 =	vld [tilespmem:$0x1F650]  }
0x16c: {  	v46 =	vadd.f32 v46, v34;
	v34 =	vld [tilespmem:$0x19690]  }
0x16d: {  	v0 =	vperm.xlane v38, v3;
	v51 =	vld [tilespmem:$0x1A6C0]  }
0x16e: {  	v4 =	vperm.xlane v39, v3;
	v47 =	vadd.f32 v47, v35;
	v35 =	vld [tilespmem:$0x1A690];
	v63 =	vmul.f32 v59, v60  }
0x16f: {  	v54 =	vmul.f32 v53, v52;
	v49 =	vmul.f32 v58, v55;
	v55 =	vld [tilespmem:$0x1F660]  }
0x170: {  	v60 =	vmul.f32 v28, v61;
	v61 =	vperm.xlane v42, v1;
	v58 =	vld [tilespmem:$0x1F670]  }
0x171: {  	v38 =	vadd.f32 v38, v0;
	v52 =	vld [tilespmem:$0x196B0];
	v43 =	vadd.f32 v54, v10  }
0x172: {  	v39 =	vadd.f32 v39, v4;
	v5 =	vperm.xlane v45, v1;
	v42 =	vadd.f32 v42, v61;
	v53 =	vld [tilespmem:$0x196E0]  }
0x173: {  	v54 =	vld [tilespmem:$0x196D0];
	v49 =	vadd.f32 v49, v36;
	v43 =	vadd.f32 v63, v43  }
0x174: {  	v6 =	vperm.xlane v42, v3;
	v10 =	vmul.f32 v9, v8;
	v8 =	vadd.f32 v45, v5;
	v45 =	vld [tilespmem:$0x1A720]  }
0x175: {  	v36 =	vld [tilespmem:$0x196A0];
	v63 =	vadd.f32 v60, v49;
	v43 =	vadd.f32 v44, v43;
	v59 =	vmul.f32 v58, v55  }
0x176: {  	v42 =	vadd.f32 v42, v6;
	v46 =	vadd.f32 v10, v46;
	v10 =	vperm.xlane v38, v2;
	v44 =	vld [tilespmem:$0x1A6B0]  }
0x177: {  	v37 =	vsel vm2, v41, v37;
	v49 =	vld [tilespmem:$0x196C0];
	v41 =	vadd.f32 v43, v63;
	v47 =	vadd.f32 v59, v47  }
0x178: {  	v28 =	vperm.xlane v39, v2;
	v38 =	vadd.f32 v38, v10;
	v10 =	vld [tilespmem:$0x19710]  }
0x179: {  	v61 =	vperm.xlane v42, v2;
	v55 =	vld [tilespmem:$0x1A6F0];
	v9 =	vperm.xlane v41, v1;
	v46 =	vadd.f32 v47, v46  }
0x17a: {  	v39 =	vadd.f32 v39, v28;
	v60 =	vperm.xlane v8, v3;
	v58 =	vld [tilespmem:$0x19700]  }
0x17b: {  	v42 =	vadd.f32 v42, v61;
	v61 =	vld [tilespmem:$0x1A700];
	v41 =	vadd.f32 v41, v9;
	v7 =	vperm.xlane v46, v1  }
0x17c: {  	v5 =	vperm.xlane v39, v56;
	v43 =	vadd.f32 v8, v60;
	v4 =	vperm.xlane v38, v56;
	v60 =	vld [tilespmem:$0x1A710]  }
0x17d: {  	v8 =	vld [tilespmem:$0x19740];
	v0 =	vperm.xlane v41, v3;
	v46 =	vadd.f32 v46, v7  }
0x17e: {  	v39 =	vadd.f32 v39, v5;
	v6 =	vperm.xlane v43, v2;
	v38 =	vadd.f32 v38, v4;
	v47 =	vld [tilespmem:$0x1F6A0]  }
0x17f: {  	v44 =	vmul.f32 v44, v52;
	v9 =	vld [tilespmem:$0x1F680];
	v41 =	vadd.f32 v41, v0;
	v63 =	vperm.xlane v46, v3  }
0x180: {  	v43 =	vadd.f32 v43, v6;
	v37 =	vsel vm3, v37, v38;
	v38 =	vmul.f32 v62, v40;
	v40 =	vld [tilespmem:$0x1F690]  }
0x181: {  	v59 =	vld [tilespmem:$0x196F0];
	v52 =	vmul.f32 v51, v49;
	v0 =	vperm.xlane v41, v2;
	v46 =	vadd.f32 v46, v63  }
0x182: {  	v49 =	vld [tilespmem:$0x197F0];
	v6 =	vperm.xlane v43, v56;
	v7 =	vperm.xlane v42, v56  }
0x183: {  	v62 =	vld [tilespmem:$0x1F6C0];
	v37 =	vsel vm4, v37, v39;
	v39 =	vadd.f32 v41, v0;
	v28 =	vperm.xlane v46, v2  }
0x184: {  	v4 =	vadd.f32 v42, v7;
	v41 =	vadd.f32 v43, v6;
	v43 =	vmul.f32 v9, v57;
	v57 =	vld [tilespmem:$0x1F6B0]  }
0x185: {  	v47 =	vmul.f32 v47, v40;
	v40 =	vld [tilespmem:$0x1F6F0];
	v5 =	vadd.f32 v46, v28;
	v28 =	vperm.xlane v39, v56  }
0x186: {  	v63 =	vld [tilespmem:$0x19730]  }
0x187: {  	v37 =	vsel vm5, v37, v4;
	v7 =	vperm.xlane v5, v56;
	v4 =	vadd.f32 v39, v28;
	v28 =	vld [tilespmem:$0x1F6E0]  }
0x188: {  	v38 =	vadd.f32 v47, v38;
	v47 =	vld [tilespmem:$0x1F700]  }
0x189: {  	v62 =	vmul.f32 v62, v57;
	v42 =	vadd.f32 v5, v7;
	v7 =	vld [tilespmem:$0x1F6D0]  }
0x18a: {  	v57 =	vld [tilespmem:$0x1F710]  }
0x18b: {  	v43 =	vadd.f32 v62, v43;
	v62 =	vld [tilespmem:$0x1F750]  }
0x18c: {  	v0 =	vmul.f32 v40, v28;
	v28 =	vld [tilespmem:$0x1F730]  }
0x18d: {  	v40 =	vld [tilespmem:$0x1F740]  }
0x18e: {  	v39 =	vmul.f32 v22, v7;
	v22 =	vld [tilespmem:$0x1F720]  }
0x18f: {  	v9 =	vld [tilespmem:$0x1A730]  }
0x190: {  	v6 =	vld [tilespmem:$0x19750]  }
0x191: {  	v37 =	vsel vm6, v37, v41;
	v41 =	vmul.f32 v16, v36;
	v36 =	vld [tilespmem:$0x1A7C0]  }
0x192: {  	v62 =	vmul.f32 v62, v40;
	v40 =	vld [tilespmem:$0x1F770]  }
0x193: {  	v47 =	vmul.f32 v57, v47;
	v57 =	vmul.f32 v28, v22;
	v28 =	vld [tilespmem:$0x1F760]  }
0x194: {  	v46 =	vld [tilespmem:$0x19720]  }
0x195: {  	v5 =	vld [tilespmem:$0x1A750]  }
0x196: {  	v37 =	vsel vm7, v37, v42;
	v42 =	vld [tilespmem:$0x1F810]  }
0x197: {  	v22 =	vld [tilespmem:$0x1F7C0]  }
0x198: {  	v38 =	vadd.f32 v39, v38;
	v39 =	vadd.f32 v57, v47;
	v47 =	vld [tilespmem:$0x1F780];
	v40 =	vmul.f32 v40, v28  }
0x199: {  	v28 =	vld [tilespmem:$0x1F7B0]  }
0x19a: {  	v40 =	vadd.f32 v40, v62;
	v62 =	vld [tilespmem:$0x1F7A0]  }
0x19b: {  	v57 =	vld [tilespmem:$0x1F790]  }
0x19c: {  	v7 =	vld [tilespmem:$0x1A740]  }
0x19d: {  	v0 =	vadd.f32 v0, v43;
	v43 =	vld [tilespmem:$0x1A760];
	v11 =	vmul.f32 v11, v42  }
0x19e: {  	v42 =	vmul.f32 v35, v34;
	v35 =	vmul.f32 v48, v53;
	v48 =	vld [tilespmem:$0x1A7E0]  }
0x19f: {  	v17 =	vmul.f32 v17, v62;
	v62 =	vmul.f32 v22, v28;
	v28 =	vld [tilespmem:$0x1F7D0]  }
0x1a0: {  	v47 =	vmul.f32 v57, v47;
	v22 =	vld [tilespmem:$0x1F7E0]  }
0x1a1: {  	v57 =	vld [tilespmem:$0x19760]  }
0x1a2: {  	v12 =	vmul.f32 v18, v12;
	v39 =	vadd.f32 v47, v39;
	v47 =	vld [tilespmem:$0x19770]  }
0x1a3: {  	v13 =	vmul.f32 v13, v25;
	v10 =	vmul.f32 v60, v10;
	v17 =	vadd.f32 v17, v40;
	v40 =	vld [tilespmem:$0x1F800]  }
0x1a4: {  	v9 =	vmul.f32 v9, v63;
	v38 =	vadd.f32 v62, v38;
	v62 =	vmul.f32 v23, v21;
	v21 =	vld [tilespmem:$0x1A790]  }
0x1a5: {  	v26 =	vmul.f32 v31, v26;
	v28 =	vmul.f32 v22, v28;
	v22 =	vld [tilespmem:$0x1F7F0]  }
0x1a6: {  	v9 =	vadd.f32 v9, v10;
	v46 =	vmul.f32 v45, v46;
	v11 =	vadd.f32 v19, v11;
	v23 =	vld [tilespmem:$0x197A0]  }
0x1a7: {  	v19 =	vadd.f32 v44, v42;
	v42 =	vmul.f32 v61, v58;
	v14 =	vadd.f32 v14, v17;
	v17 =	vld [tilespmem:$0x1A780]  }
0x1a8: {  	v54 =	vmul.f32 v50, v54;
	v12 =	vadd.f32 v62, v12;
	v62 =	vld [tilespmem:$0x197C0];
	v0 =	vadd.f32 v28, v0  }
0x1a9: {  	v5 =	vmul.f32 v5, v6;
	v7 =	vmul.f32 v7, v8;
	v50 =	vadd.f32 v46, v42;
	v28 =	vld [tilespmem:$0x19780]  }
0x1aa: {  	v0 =	vadd.f32 v0, v38;
	v38 =	vmul.f32 v27, v24;
	v27 =	vld [tilespmem:$0x1A7A0];
	v22 =	vmul.f32 v40, v22  }
0x1ab: {  	v5 =	vadd.f32 v5, v9;
	v7 =	vadd.f32 v7, v50;
	v24 =	vld [tilespmem:$0x1A7B0];
	v40 =	vmul.f32 v33, v29  }
0x1ac: {  	v15 =	vmul.f32 v15, v47;
	v22 =	vadd.f32 v22, v39;
	v39 =	vmul.f32 v32, v30;
	v30 =	vld [tilespmem:$0x197B0]  }
0x1ad: {  	v4 =	vsel vm8, v37, v4;
	v11 =	vadd.f32 v38, v11;
	v18 =	vadd.f32 v41, v40;
	v40 =	vld [tilespmem:$0x197D0]  }
0x1ae: {  	v5 =	vadd.f32 v15, v5;
	v38 =	vadd.f32 v54, v19;
	v54 =	vmul.f32 v21, v20;
	v41 =	vld [tilespmem:$0x1A7D0]  }
0x1af: {  	v53 =	vld [tilespmem:$0x1A7F0];
	v51 =	vmul.f32 v17, v28;
	v11 =	vadd.f32 v13, v11;
	v12 =	vadd.f32 v39, v12  }
0x1b0: {  	v44 =	vld [tilespmem:$0x197E0];
	v18 =	vadd.f32 v52, v18;
	v39 =	vmul.f32 v55, v59;
	v52 =	vmul.f32 v27, v23  }
0x1b1: {  	v14 =	vadd.f32 v14, v22;
	v59 =	vmul.f32 v36, v62;
	v55 =	vmul.f32 v24, v30  }
0x1b2: {  	v62 =	vmul.f32 v43, v57;
	v12 =	vadd.f32 v26, v12;
	v18 =	vadd.f32 v35, v18  }
0x1b3: {  	v58 =	vadd.f32 v52, v51;
	v61 =	vmul.f32 v41, v40;
	v60 =	vadd.f32 v55, v54  }
0x1b4: {  	v6 =	vmul.f32 v53, v49;
	v13 =	vadd.f32 v39, v38;
	v7 =	vadd.f32 v62, v7  }
0x1b5: {  	v63 =	vmul.f32 v48, v44;
	v8 =	vadd.f32 v59, v58;
	v9 =	vadd.f32 v61, v60  }
0x1b6: {  	v11 =	vadd.f32 v12, v11;
	v13 =	vadd.f32 v13, v18;
	v18 =	vperm.xlane v0, v1  }
0x1b7: {  	v19 =	vperm.xlane v14, v1;
	v8 =	vadd.f32 v63, v8;
	v6 =	vadd.f32 v6, v9  }
0x1b8: {  	v5 =	vadd.f32 v5, v7;
	v0 =	vadd.f32 v0, v18;
	v20 =	vperm.xlane v11, v1  }
0x1b9: {  	v21 =	vadd.f32 v14, v19;
	v22 =	vperm.xlane v13, v1;
	v6 =	vadd.f32 v6, v8  }
0x1ba: {  	v24 =	vperm.xlane v5, v1;
	v23 =	vperm.xlane v0, v3;
	v9 =	vadd.f32 v11, v20  }
0x1bb: {  	v25 =	vperm.xlane v21, v3;
	v10 =	vadd.f32 v13, v22;
	v26 =	vperm.xlane v6, v1  }
0x1bc: {  	v5 =	vadd.f32 v5, v24;
	v0 =	vadd.f32 v0, v23;
	v27 =	vperm.xlane v9, v3  }
0x1bd: {  	v7 =	vadd.f32 v21, v25;
	v28 =	vperm.xlane v10, v3;
	v6 =	vadd.f32 v6, v26  }
0x1be: {  	v30 =	vperm.xlane v5, v3;
	v29 =	vperm.xlane v0, v2;
	v8 =	vadd.f32 v9, v27  }
0x1bf: {  	v31 =	vperm.xlane v7, v2;
	v10 =	vadd.f32 v10, v28;
	v32 =	vperm.xlane v6, v3  }
0x1c0: {  	v5 =	vadd.f32 v5, v30;
	v0 =	vadd.f32 v0, v29;
	v33 =	vperm.xlane v8, v2  }
0x1c1: {  	v7 =	vadd.f32 v7, v31;
	v34 =	vperm.xlane v10, v2;
	v6 =	vadd.f32 v6, v32  }
0x1c2: {  	v36 =	vperm.xlane v5, v2;
	v35 =	vperm.xlane v0, v56;
	v8 =	vadd.f32 v8, v33  }
0x1c3: {  	v13 =	vperm.xlane v7, v56;
	v9 =	vadd.f32 v10, v34;
	v37 =	vperm.xlane v6, v2  }
0x1c4: {  	v5 =	vadd.f32 v5, v36;
	v0 =	vadd.f32 v0, v35;
	v39 =	vperm.xlane v8, v56  }
0x1c5: {  	v7 =	vadd.f32 v7, v13;
	v40 =	vperm.xlane v9, v56;
	v6 =	vadd.f32 v6, v37  }
0x1c6: {  	v42 =	vperm.xlane v5, v56;
	v0 =	vsel vm9, v4, v0;
	v41 =	vadd.f32 v8, v39  }
0x1c7: {  	v43 =	vadd.f32 v9, v40;
	v0 =	vsel vm10, v0, v7;
	v44 =	vperm.xlane v6, v56  }
0x1c8: {  	v45 =	vadd.f32 v5, v42;
	v0 =	vsel vm11, v0, v41  }
0x1c9: {  	v0 =	vsel vm12, v0, v43;
	v46 =	vadd.f32 v6, v44  }
0x1ca: {  	p0 =	seq.s32 s30, $0x9F80;
	v0 =	vsel vm13, v0, v45  }
0x1cb: {  	s31 =	sshra.s32 s30, $0x2;
	s3 =	sshra.s32 @!p0 s30, $0x2;
	v0 =	vsel vm14, v0, v46  }
0x1cc: {  	s15 =	simm.s32 @!p0 $0x10;
	s16 =	simm.s32 @!p0 $0x19000;
	s0 =	sadd.s32 @!p0 $0x14020, s3;
	[tilespmem:s31+$0x1B000] =	vst v0  }
0x1cd: {  	[tilespmem:s16], [sflag:$0x1] =	stream.indirect.gather @!p0 [spmem:s1], $0x80, s0, s15, $0xb8;
	[tilespmem:$0x1D800] =	vst v63  }
0x1ce: {  	s0 =	sadd.s32 @!p0 $0x16820, s3;
	s3 =	simm.s32 @!p0 $0x1A000  }
0x1cf: {  	[tilespmem:s3], [sflag:$0x3] =	stream.indirect.gather @!p0 [spmem:s1], $0x80, s0, s15, $0xb8;
	[tilespmem:$0x1D800] =	vst v63  }
0x1d0: {  	_ =	swait.ge [sflag:s23], $0x800  }
0x1d1: {  	[sflag:s23] =	ssyncset.done $0x0  }
0x1d2: {  	[sflag:s23] =	ssyncadd.s32 $0xFFFFF800  }
0x1d3: {  	_ =	swait.ge [sflag:s24], $0x800  }
0x1d4: {  	[sflag:s24] =	ssyncset.done $0x0  }
0x1d5: {  	[sflag:s24] =	ssyncadd.s32 $0xFFFFF800  }
0x1d6: {  	v18 =	vld [tilespmem:$0x19800]  }
0x1d7: {  	v14 =	vld [tilespmem:$0x1A800]  }
0x1d8: {  	v63 =	vld [tilespmem:$0x199E0];
	_ =	sdelay $0x4  }
0x1d9: {  	[tilespmem:$0x1F860] =	vst v63;
	v63 =	vld [tilespmem:$0x19A00];
	_ =	sdelay $0x4  }
0x1da: {  	[tilespmem:$0x1F870] =	vst v63;
	v63 =	vld [tilespmem:$0x1AA00];
	_ =	sdelay $0x4  }
0x1db: {  	[tilespmem:$0x1F880] =	vst v63;
	v63 =	vld [tilespmem:$0x19A10];
	_ =	sdelay $0x4  }
0x1dc: {  	[tilespmem:$0x1F890] =	vst v63;
	v63 =	vld [tilespmem:$0x1AA10];
	_ =	sdelay $0x4  }
0x1dd: {  	[tilespmem:$0x1F8A0] =	vst v63;
	v63 =	vld [tilespmem:$0x19A20];
	_ =	sdelay $0x4  }
0x1de: {  	[tilespmem:$0x1F8B0] =	vst v63;
	v63 =	vld [tilespmem:$0x1AA20];
	_ =	sdelay $0x4  }
0x1df: {  	[tilespmem:$0x1F8C0] =	vst v63;
	v63 =	vld [tilespmem:$0x19A30];
	_ =	sdelay $0x4  }
0x1e0: {  	[tilespmem:$0x1F8D0] =	vst v63;
	v63 =	vld [tilespmem:$0x1AA30];
	_ =	sdelay $0x4  }
0x1e1: {  	[tilespmem:$0x1F8E0] =	vst v63;
	v63 =	vld [tilespmem:$0x19A40];
	_ =	sdelay $0x4  }
0x1e2: {  	[tilespmem:$0x1F8F0] =	vst v63;
	v63 =	vld [tilespmem:$0x1AA40];
	_ =	sdelay $0x4  }
0x1e3: {  	[tilespmem:$0x1F900] =	vst v63;
	v63 =	vld [tilespmem:$0x19A50];
	_ =	sdelay $0x4  }
0x1e4: {  	[tilespmem:$0x1F910] =	vst v63;
	v63 =	vld [tilespmem:$0x1AA50];
	_ =	sdelay $0x4  }
0x1e5: {  	[tilespmem:$0x1F920] =	vst v63;
	v63 =	vld [tilespmem:$0x19A60];
	_ =	sdelay $0x4  }
0x1e6: {  	[tilespmem:$0x1F9F0] =	vst v63;
	v63 =	vld [tilespmem:$0x1AA60];
	_ =	sdelay $0x4  }
0x1e7: {  	[tilespmem:$0x1FA00] =	vst v63;
	v63 =	vld [tilespmem:$0x19A70];
	_ =	sdelay $0x4  }
0x1e8: {  	[tilespmem:$0x1FA10] =	vst v63;
	v63 =	vld [tilespmem:$0x1AA70];
	_ =	sdelay $0x4  }
0x1e9: {  	[tilespmem:$0x1FA20] =	vst v63;
	v63 =	vld [tilespmem:$0x19A80];
	_ =	sdelay $0x4  }
0x1ea: {  	[tilespmem:$0x1F930] =	vst v63;
	v63 =	vld [tilespmem:$0x1AA80];
	_ =	sdelay $0x4  }
0x1eb: {  	[tilespmem:$0x1F940] =	vst v63;
	v63 =	vld [tilespmem:$0x19A90];
	_ =	sdelay $0x4  }
0x1ec: {  	[tilespmem:$0x1F970] =	vst v63;
	v63 =	vld [tilespmem:$0x1AA90];
	_ =	sdelay $0x4  }
0x1ed: {  	[tilespmem:$0x1F980] =	vst v63;
	v63 =	vld [tilespmem:$0x19AA0];
	_ =	sdelay $0x4  }
0x1ee: {  	[tilespmem:$0x1F950] =	vst v63;
	v63 =	vld [tilespmem:$0x1AAA0];
	_ =	sdelay $0x4  }
0x1ef: {  	[tilespmem:$0x1F960] =	vst v63;
	v63 =	vld [tilespmem:$0x19AB0];
	_ =	sdelay $0x4  }
0x1f0: {  	[tilespmem:$0x1F990] =	vst v63;
	v63 =	vld [tilespmem:$0x1AAB0];
	_ =	sdelay $0x4  }
0x1f1: {  	[tilespmem:$0x1F9A0] =	vst v63;
	v63 =	vld [tilespmem:$0x19AC0];
	_ =	sdelay $0x4  }
0x1f2: {  	[tilespmem:$0x1F9B0] =	vst v63;
	v63 =	vld [tilespmem:$0x1AAC0];
	_ =	sdelay $0x4  }
0x1f3: {  	[tilespmem:$0x1F9C0] =	vst v63;
	v63 =	vld [tilespmem:$0x19AD0];
	_ =	sdelay $0x4  }
0x1f4: {  	[tilespmem:$0x1F9D0] =	vst v63;
	v63 =	vld [tilespmem:$0x1AAD0];
	_ =	sdelay $0x4  }
0x1f5: {  	[tilespmem:$0x1F9E0] =	vst v63;
	v63 =	vld [tilespmem:$0x19AE0];
	_ =	sdelay $0x4  }
0x1f6: {  	[tilespmem:$0x1FA30] =	vst v63;
	v63 =	vld [tilespmem:$0x1AAE0];
	_ =	sdelay $0x4  }
0x1f7: {  	[tilespmem:$0x1FA40] =	vst v63;
	v63 =	vld [tilespmem:$0x19AF0]  }
0x1f8: {  	v24 =	vld [tilespmem:$0x19810]  }
0x1f9: {  	v19 =	vld [tilespmem:$0x1A810]  }
0x1fa: {  	v7 =	vld [tilespmem:$0x19820]  }
0x1fb: {  	v4 =	vld [tilespmem:$0x1A820]  }
0x1fc: {  	[tilespmem:$0x1FA50] =	vst v63;
	v63 =	vld [tilespmem:$0x1AAF0]  }
0x1fd: {  	v10 =	vld [tilespmem:$0x19830]  }
0x1fe: {  	v5 =	vld [tilespmem:$0x1A830]  }
0x1ff: {  	v15 =	vld [tilespmem:$0x19840]  }
0x200: {  	v8 =	vld [tilespmem:$0x1A840]  }
0x201: {  	[tilespmem:$0x1FA60] =	vst v63;
	v63 =	vld [tilespmem:$0x19B00]  }
0x202: {  	v20 =	vld [tilespmem:$0x19850]  }
0x203: {  	v11 =	vld [tilespmem:$0x1A850]  }
0x204: {  	v25 =	vld [tilespmem:$0x19860]  }
0x205: {  	v21 =	vld [tilespmem:$0x1A860]  }
0x206: {  	[tilespmem:$0x1FA70] =	vst v63;
	v63 =	vld [tilespmem:$0x1AB00]  }
0x207: {  	v22 =	vld [tilespmem:$0x19870]  }
0x208: {  	v12 =	vld [tilespmem:$0x1A870]  }
0x209: {  	v26 =	vld [tilespmem:$0x19880]  }
0x20a: {  	v28 =	vld [tilespmem:$0x1A880]  }
0x20b: {  	[tilespmem:$0x1FA80] =	vst v63;
	v63 =	vld [tilespmem:$0x19B10]  }
0x20c: {  	v31 =	vld [tilespmem:$0x19890]  }
0x20d: {  	v40 =	vld [tilespmem:$0x1A890]  }
0x20e: {  	v9 =	vld [tilespmem:$0x198A0]  }
0x20f: {  	v6 =	vld [tilespmem:$0x1A8A0]  }
0x210: {  	[tilespmem:$0x1FAB0] =	vst v63;
	v63 =	vld [tilespmem:$0x1AB10]  }
0x211: {  	v17 =	vld [tilespmem:$0x198B0]  }
0x212: {  	v13 =	vld [tilespmem:$0x1A8B0]  }
0x213: {  	v29 =	vld [tilespmem:$0x198C0]  }
0x214: {  	v23 =	vld [tilespmem:$0x1A8C0]  }
0x215: {  	[tilespmem:$0x1FAC0] =	vst v63;
	v63 =	vld [tilespmem:$0x19B20]  }
0x216: {  	v32 =	vld [tilespmem:$0x198D0]  }
0x217: {  	v30 =	vld [tilespmem:$0x1A8D0]  }
0x218: {  	v59 =	vld [tilespmem:$0x198E0]  }
0x219: {  	v34 =	vld [tilespmem:$0x1A8E0]  }
0x21a: {  	[tilespmem:$0x1FA90] =	vst v63;
	v63 =	vld [tilespmem:$0x1AB20]  }
0x21b: {  	v48 =	vld [tilespmem:$0x198F0]  }
0x21c: {  	v61 =	vld [tilespmem:$0x1A8F0]  }
0x21d: {  	v54 =	vld [tilespmem:$0x19900]  }
0x21e: {  	v51 =	vld [tilespmem:$0x1A900]  }
0x21f: {  	[tilespmem:$0x1FAA0] =	vst v63;
	v63 =	vld [tilespmem:$0x19B30]  }
0x220: {  	v16 =	vld [tilespmem:$0x19910]  }
0x221: {  	v44 =	vld [tilespmem:$0x1A910]  }
0x222: {  	v62 =	vld [tilespmem:$0x19920]  }
0x223: {  	v49 =	vld [tilespmem:$0x1A920]  }
0x224: {  	[tilespmem:$0x1FAD0] =	vst v63;
	v63 =	vld [tilespmem:$0x1AB30]  }
0x225: {  	v50 =	vld [tilespmem:$0x19930]  }
0x226: {  	v45 =	vld [tilespmem:$0x1A930]  }
0x227: {  	v55 =	vld [tilespmem:$0x19940]  }
0x228: {  	v52 =	vld [tilespmem:$0x1A940]  }
0x229: {  	[tilespmem:$0x1FAE0] =	vst v63;
	v63 =	vld [tilespmem:$0x19B40]  }
0x22a: {  	v53 =	vld [tilespmem:$0x19950]  }
0x22b: {  	v46 =	vld [tilespmem:$0x1A950]  }
0x22c: {  	v47 =	vld [tilespmem:$0x19960]  }
0x22d: {  	v38 =	vmov v56;
	v56 =	vld [tilespmem:$0x1A960]  }
0x22e: {  	[tilespmem:$0x1FAF0] =	vst v63;
	v63 =	vld [tilespmem:$0x1AB40]  }
0x22f: {  	v57 =	vld [tilespmem:$0x19970]  }
0x230: {  	v60 =	vld [tilespmem:$0x1A970]  }
0x231: {  	v58 =	vmov v1;
	v1 =	vld [tilespmem:$0x19980]  }
0x232: {  	v36 =	vld [tilespmem:$0x1A980]  }
0x233: {  	[tilespmem:$0x1FB00] =	vst v63;
	v63 =	vld [tilespmem:$0x19B50]  }
0x234: {  	v42 =	vld [tilespmem:$0x19990]  }
0x235: {  	v33 =	vld [tilespmem:$0x199A0]  }
0x236: {  	v27 =	vld [tilespmem:$0x1A9A0]  }
0x237: {  	v37 =	vld [tilespmem:$0x199B0]  }
0x238: {  	[tilespmem:$0x1FB10] =	vst v63;
	v63 =	vld [tilespmem:$0x1AB50]  }
0x239: {  	v35 =	vld [tilespmem:$0x1A9B0]  }
0x23a: {  	v41 =	vld [tilespmem:$0x199C0]  }
0x23b: {  	v39 =	vld [tilespmem:$0x1A9C0]  }
0x23c: {  	v43 =	vld [tilespmem:$0x1A9D0]  }
0x23d: {  	[tilespmem:$0x1FB20] =	vst v63;
	v63 =	vld [tilespmem:$0x19B60]  }
0x23e: {  	v0 =	vld [tilespmem:$0x199F0]  }
0x23f: {  	[tilespmem:$0x1F840] =	vst v57;
	v57 =	vld [tilespmem:$0x1A990]  }
0x240: {  	[tilespmem:$0x1F820] =	vst v47;
	v47 =	vld [tilespmem:$0x199D0]  }
0x241: {  	[tilespmem:$0x1F850] =	vst v60;
	v60 =	vld [tilespmem:$0x1A9E0]  }
0x242: {  	[tilespmem:$0x1FBD0] =	vst v63;
	v63 =	vld [tilespmem:$0x1AB60]  }
0x243: {  	[tilespmem:$0x1F830] =	vst v56;
	v56 =	vld [tilespmem:$0x1A9F0]  }
0x244: {  	v19 =	vmul.f32 v19, v24;
	v24 =	vld [tilespmem:$0x1AC90]  }
0x245: {  	v14 =	vmul.f32 v14, v18;
	v18 =	vld [tilespmem:$0x19CA0]  }
0x246: {  	v21 =	vmul.f32 v21, v25;
	v25 =	vld [tilespmem:$0x19CB0]  }
0x247: {  	[tilespmem:$0x1FBE0] =	vst v63;
	v63 =	vld [tilespmem:$0x19B70]  }
0x248: {  	v26 =	vmul.f32 v28, v26;
	v28 =	vld [tilespmem:$0x1ACB0]  }
0x249: {  	v5 =	vmul.f32 v5, v10;
	v8 =	vmul.f32 v8, v15;
	v15 =	vld [tilespmem:$0x1ACC0]  }
0x24a: {  	v40 =	vmul.f32 v40, v31;
	v31 =	vld [tilespmem:$0x19D00]  }
0x24b: {  	v6 =	vmul.f32 v6, v9;
	v5 =	vadd.f32 v5, v19;
	v19 =	vmul.f32 v11, v20;
	v20 =	vld [tilespmem:$0x1ACA0]  }
0x24c: {  	v4 =	vmul.f32 v4, v7;
	[tilespmem:$0x1FC10] =	vst v63;
	v63 =	vld [tilespmem:$0x1AB70]  }
0x24d: {  	v6 =	vadd.f32 v6, v26;
	v26 =	vmul.f32 v49, v62;
	v49 =	vld [tilespmem:$0x1AD20]  }
0x24e: {  	v4 =	vadd.f32 v4, v14;
	v14 =	vmul.f32 v23, v29;
	v29 =	vmul.f32 v52, v55;
	v52 =	vld [tilespmem:$0x1AD30]  }
0x24f: {  	v62 =	vld [tilespmem:$0x1AD50]  }
0x250: {  	[tilespmem:$0x1FD70] =	vst v24;
	v24 =	vmul.f32 v12, v22;
	v12 =	vmul.f32 v13, v17;
	v13 =	vld [tilespmem:$0x19CC0]  }
0x251: {  	[tilespmem:$0x1FC20] =	vst v63;
	v63 =	vld [tilespmem:$0x19B80]  }
0x252: {  	[tilespmem:$0x1FD50] =	vst v18;
	v18 =	vld [tilespmem:$0x19CD0]  }
0x253: {  	v22 =	vmul.f32 v61, v48;
	v61 =	vld [tilespmem:$0x19CE0]  }
0x254: {  	v48 =	vld [tilespmem:$0x1ACE0]  }
0x255: {  	[tilespmem:$0x1FD80] =	vst v25;
	v25 =	vmul.f32 v44, v16;
	v44 =	vld [tilespmem:$0x19CF0]  }
0x256: {  	[tilespmem:$0x1FB30] =	vst v63;
	v63 =	vld [tilespmem:$0x1AB80]  }
0x257: {  	v16 =	vld [tilespmem:$0x1ACF0]  }
0x258: {  	v17 =	vmul.f32 v30, v32;
	v32 =	vmul.f32 v36, v1;
	v1 =	vld [tilespmem:$0x1AD00]  }
0x259: {  	v36 =	vld [tilespmem:$0x19D10]  }
0x25a: {  	v39 =	vmul.f32 v39, v41;
	v41 =	vmul.f32 v43, v47;
	v43 =	vld [tilespmem:$0x1F820]  }
0x25b: {  	[tilespmem:$0x1FB40] =	vst v63;
	v63 =	vld [tilespmem:$0x19B90]  }
0x25c: {  	[tilespmem:$0x1FD90] =	vst v28;
	v28 =	vmul.f32 v45, v50;
	v45 =	vld [tilespmem:$0x1F830]  }
0x25d: {  	v30 =	vmul.f32 v46, v53;
	v46 =	vld [tilespmem:$0x1F840]  }
0x25e: {  	v47 =	vld [tilespmem:$0x1F850]  }
0x25f: {  	v0 =	vmul.f32 v56, v0;
	v56 =	vld [tilespmem:$0x19D30]  }
0x260: {  	[tilespmem:$0x1FB70] =	vst v63;
	v63 =	vld [tilespmem:$0x1AB90]  }
0x261: {  	v53 =	vld [tilespmem:$0x19D40]  }
0x262: {  	[tilespmem:$0x1FDB0] =	vst v15;
	v15 =	vld [tilespmem:$0x1AD60]  }
0x263: {  	v33 =	vmul.f32 v27, v33;
	v27 =	vld [tilespmem:$0x1F870]  }
0x264: {  	[tilespmem:$0x1FD60] =	vst v20;
	v20 =	vmul.f32 v34, v59;
	v59 =	vld [tilespmem:$0x1ACD0]  }
0x265: {  	v4 =	vadd.f32 v8, v4;
	[tilespmem:$0x1FB80] =	vst v63;
	v63 =	vld [tilespmem:$0x19BA0]  }
0x266: {  	v5 =	vadd.f32 v19, v5;
	v8 =	vadd.f32 v12, v40;
	v40 =	vld [tilespmem:$0x1AD10]  }
0x267: {  	v34 =	vmul.f32 v57, v42;
	v42 =	vld [tilespmem:$0x19D20]  }
0x268: {  	v5 =	vadd.f32 v24, v5;
	v24 =	vmul.f32 v51, v54;
	v51 =	vld [tilespmem:$0x1F860]  }
0x269: {  	v19 =	vadd.f32 v14, v6;
	v4 =	vadd.f32 v21, v4;
	v57 =	vld [tilespmem:$0x19D50]  }
0x26a: {  	[tilespmem:$0x1FB50] =	vst v63;
	v63 =	vld [tilespmem:$0x1ABA0]  }
0x26b: {  	v4 =	vadd.f32 v5, v4;
	v5 =	vadd.f32 v20, v19;
	v20 =	vld [tilespmem:$0x1AD70]  }
0x26c: {  	v9 =	vadd.f32 v28, v25;
	v6 =	vadd.f32 v26, v24;
	v24 =	vld [tilespmem:$0x1AD80]  }
0x26d: {  	v26 =	vld [tilespmem:$0x19D90]  }
0x26e: {  	v35 =	vmul.f32 v35, v37;
	v9 =	vadd.f32 v30, v9;
	v30 =	vld [tilespmem:$0x1AD90]  }
0x26f: {  	[tilespmem:$0x1FB60] =	vst v63;
	v63 =	vld [tilespmem:$0x19BB0]  }
0x270: {  	v10 =	vadd.f32 v35, v34;
	v34 =	vld [tilespmem:$0x19DA0]  }
0x271: {  	v21 =	vadd.f32 v17, v8;
	[tilespmem:$0x1FDC0] =	vst v18;
	v18 =	vld [tilespmem:$0x19D70]  }
0x272: {  	[tilespmem:$0x1FDA0] =	vst v13;
	v13 =	vmul.f32 v47, v46;
	v47 =	vld [tilespmem:$0x19DB0]  }
0x273: {  	v7 =	vadd.f32 v22, v21;
	v22 =	vld [tilespmem:$0x19D80]  }
0x274: {  	[tilespmem:$0x1FB90] =	vst v63;
	v63 =	vld [tilespmem:$0x1ABB0]  }
0x275: {  	v28 =	vld [tilespmem:$0x1F880];
	v5 =	vadd.f32 v7, v5  }
0x276: {  	v37 =	vadd.f32 v33, v32;
	v50 =	vadd.f32 v41, v10;
	v41 =	vld [tilespmem:$0x1ADA0]  }
0x277: {  	v9 =	vadd.f32 v13, v9;
	v13 =	vld [tilespmem:$0x19D60];
	v55 =	vperm.xlane v5, v58  }
0x278: {  	v7 =	vadd.f32 v39, v37;
	v39 =	vld [tilespmem:$0x1AD40]  }
0x279: {  	v5 =	vadd.f32 v5, v55;
	[tilespmem:$0x1FBA0] =	vst v63;
	v63 =	vld [tilespmem:$0x19BC0]  }
0x27a: {  	[tilespmem:$0x1FF80] =	vst v20;
	v20 =	vld [tilespmem:$0x1AE20]  }
0x27b: {  	v55 =	vld [tilespmem:$0x1ADB0];
	v17 =	vperm.xlane v5, v3  }
0x27c: {  	[tilespmem:$0x1FE10] =	vst v31;
	v31 =	vld [tilespmem:$0x1F890]  }
0x27d: {  	v12 =	vmul.f32 v45, v43;
	v6 =	vadd.f32 v29, v6;
	v5 =	vadd.f32 v5, v17;
	v32 =	vld [tilespmem:$0x1F8A0]  }
0x27e: {  	v10 =	vmul.f32 v60, v51;
	[tilespmem:$0x1FBB0] =	vst v63;
	v63 =	vld [tilespmem:$0x1ABC0]  }
0x27f: {  	v6 =	vadd.f32 v12, v6;
	v17 =	vld [tilespmem:$0x1AE00];
	v25 =	vperm.xlane v5, v2  }
0x280: {  	v0 =	vadd.f32 v0, v50;
	v7 =	vadd.f32 v10, v7;
	[tilespmem:$0x1FF10] =	vst v55;
	v55 =	vld [tilespmem:$0x19DE0]  }
0x281: {  	v6 =	vadd.f32 v9, v6;
	v9 =	vadd.f32 v5, v25;
	v25 =	vld [tilespmem:$0x19DC0]  }
0x282: {  	v23 =	vperm.xlane v4, v58;
	v0 =	vadd.f32 v0, v7;
	v35 =	vld [tilespmem:$0x1F8B0]  }
0x283: {  	[tilespmem:$0x1FBC0] =	vst v63;
	v63 =	vld [tilespmem:$0x19BD0]  }
0x284: {  	[tilespmem:$0x1FE20] =	vst v36;
	v4 =	vadd.f32 v4, v23;
	v12 =	vperm.xlane v0, v58;
	v36 =	vld [tilespmem:$0x1F8C0]  }
0x285: {  	v37 =	vld [tilespmem:$0x1F8D0]  }
0x286: {  	[tilespmem:$0x1FE40] =	vst v42;
	v54 =	vperm.xlane v4, v3;
	v0 =	vadd.f32 v0, v12;
	v42 =	vld [tilespmem:$0x1F8F0]  }
0x287: {  	v60 =	vperm.xlane v6, v58;
	v43 =	vld [tilespmem:$0x1F900]  }
0x288: {  	v4 =	vadd.f32 v4, v54;
	v21 =	vperm.xlane v0, v3;
	[tilespmem:$0x1FBF0] =	vst v63;
	v63 =	vld [tilespmem:$0x1ABD0]  }
0x289: {  	v6 =	vadd.f32 v6, v60;
	v45 =	vld [tilespmem:$0x1F910]  }
0x28a: {  	v14 =	vperm.xlane v4, v2;
	v7 =	vadd.f32 v0, v21;
	v46 =	vld [tilespmem:$0x1F920]  }
0x28b: {  	[tilespmem:$0x1FE30] =	vst v40;
	v19 =	vperm.xlane v6, v3;
	v40 =	vld [tilespmem:$0x1F8E0]  }
0x28c: {  	[tilespmem:$0x1FED0] =	vst v41;
	v4 =	vadd.f32 v4, v14;
	v33 =	vperm.xlane v7, v2;
	v41 =	vld [tilespmem:$0x1F9F0]  }
0x28d: {  	v6 =	vadd.f32 v6, v19;
	[tilespmem:$0x1FC00] =	vst v63;
	v63 =	vld [tilespmem:$0x19BE0]  }
0x28e: {  	[tilespmem:$0x1FF50] =	vst v13;
	v23 =	vperm.xlane v4, v38;
	v13 =	vadd.f32 v7, v33;
	v7 =	vmul.f32 v43, v42;
	v42 =	vld [tilespmem:$0x1FA00]  }
0x28f: {  	v29 =	vperm.xlane v6, v2;
	v10 =	vmul.f32 v46, v45;
	v45 =	vld [tilespmem:$0x1FA10]  }
0x290: {  	v11 =	vadd.f32 v4, v23;
	v46 =	vld [tilespmem:$0x1FA20]  }
0x291: {  	[tilespmem:$0x1FE80] =	vst v57;
	v4 =	vmul.f32 v28, v27;
	v12 =	vadd.f32 v6, v29;
	v6 =	vmul.f32 v36, v35;
	v57 =	vld [tilespmem:$0x1F970]  }
0x292: {  	v5 =	vmul.f32 v32, v31;
	v8 =	vmul.f32 v40, v37;
	[tilespmem:$0x1FC30] =	vst v63;
	v63 =	vld [tilespmem:$0x1ABE0]  }
0x293: {  	v6 =	vadd.f32 v6, v4;
	v60 =	vld [tilespmem:$0x1F980]  }
0x294: {  	[tilespmem:$0x1FE50] =	vst v49;
	v31 =	vld [tilespmem:$0x1ADC0];
	v8 =	vadd.f32 v8, v5  }
0x295: {  	[tilespmem:$0x1FEE0] =	vst v26;
	v40 =	vld [tilespmem:$0x19DD0];
	v26 =	vadd.f32 v7, v6  }
0x296: {  	[tilespmem:$0x1FF00] =	vst v47;
	v37 =	vld [tilespmem:$0x1ADD0];
	v10 =	vadd.f32 v10, v8;
	v43 =	vmul.f32 v42, v41;
	v47 =	vmul.f32 v46, v45  }
0x297: {  	[tilespmem:$0x1FC40] =	vst v63;
	v63 =	vld [tilespmem:$0x19BF0]  }
0x298: {  	[tilespmem:$0x1FE90] =	vst v62;
	v19 =	vadd.f32 v43, v26;
	v49 =	vld [tilespmem:$0x1F930];
	v62 =	vmul.f32 v60, v57;
	v57 =	vadd.f32 v47, v10  }
0x299: {  	v50 =	vld [tilespmem:$0x1F940];
	v60 =	vperm.xlane v9, v38  }
0x29a: {  	[tilespmem:$0x1FE60] =	vst v52;
	v52 =	vld [tilespmem:$0x1F950];
	v19 =	vadd.f32 v57, v19  }
0x29b: {  	v21 =	vadd.f32 v9, v60;
	v9 =	vld [tilespmem:$0x19E00]  }
0x29c: {  	v10 =	vperm.xlane v19, v58;
	[tilespmem:$0x1FC50] =	vst v63;
	v63 =	vld [tilespmem:$0x1ABF0]  }
0x29d: {  	[tilespmem:$0x1FF20] =	vst v25;
	v25 =	vsel vm0, v11, v21;
	v21 =	vld [tilespmem:$0x1AE30]  }
0x29e: {  	v41 =	vadd.f32 v19, v10;
	v19 =	vld [tilespmem:$0x19E20]  }
0x29f: {  	[tilespmem:$0x1FEA0] =	vst v22;
	v22 =	vld [tilespmem:$0x1F990]  }
0x2a0: {  	v23 =	vld [tilespmem:$0x1F9A0]  }
0x2a1: {  	[tilespmem:$0x1FC60] =	vst v63;
	v63 =	vld [tilespmem:$0x19C00]  }
0x2a2: {  	[tilespmem:$0x1FE70] =	vst v53;
	v53 =	vld [tilespmem:$0x1F960]  }
0x2a3: {  	v19 =	vmul.f32 v20, v19;
	v20 =	vld [tilespmem:$0x19F90]  }
0x2a4: {  	v28 =	vld [tilespmem:$0x1F9B0]  }
0x2a5: {  	[tilespmem:$0x1FEB0] =	vst v24;
	v24 =	vmul.f32 v23, v22;
	v22 =	vld [tilespmem:$0x19E30]  }
0x2a6: {  	[tilespmem:$0x1FC70] =	vst v63;
	v63 =	vld [tilespmem:$0x1AC00]  }
0x2a7: {  	v32 =	vadd.f32 v24, v62;
	v24 =	vld [tilespmem:$0x19E10]  }
0x2a8: {  	v29 =	vld [tilespmem:$0x1F9C0]  }
0x2a9: {  	v33 =	vld [tilespmem:$0x1F9D0]  }
0x2aa: {  	[tilespmem:$0x1FEC0] =	vst v34;
	v34 =	vld [tilespmem:$0x1F9E0]  }
0x2ab: {  	[tilespmem:$0x1FC80] =	vst v63;
	v63 =	vld [tilespmem:$0x19C10]  }
0x2ac: {  	v51 =	vmul.f32 v50, v49;
	v49 =	vld [tilespmem:$0x1FA30]  }
0x2ad: {  	v50 =	vld [tilespmem:$0x1FA40]  }
0x2ae: {  	v54 =	vmul.f32 v53, v52;
	v52 =	vld [tilespmem:$0x1FA50]  }
0x2af: {  	[tilespmem:$0x1FEF0] =	vst v30;
	v53 =	vld [tilespmem:$0x1FA60]  }
0x2b0: {  	v27 =	vadd.f32 v54, v51;
	v30 =	vmul.f32 v29, v28;
	[tilespmem:$0x1FC90] =	vst v63;
	v63 =	vld [tilespmem:$0x1AC10]  }
0x2b1: {  	v21 =	vmul.f32 v21, v22;
	v22 =	vld [tilespmem:$0x1AF90]  }
0x2b2: {  	[tilespmem:$0x1FFB0] =	vst v24;
	v24 =	vld [tilespmem:$0x19E40];
	v14 =	vadd.f32 v30, v27;
	v35 =	vmul.f32 v34, v33;
	v51 =	vmul.f32 v50, v49  }
0x2b3: {  	[tilespmem:$0x1FF60] =	vst v15;
	v28 =	vld [tilespmem:$0x1ADE0]  }
0x2b4: {  	[tilespmem:$0x1FF70] =	vst v18;
	v15 =	vadd.f32 v35, v32;
	v18 =	vadd.f32 v51, v14;
	v14 =	vld [tilespmem:$0x19DF0];
	v54 =	vmul.f32 v53, v52  }
0x2b5: {  	[tilespmem:$0x1FCA0] =	vst v63;
	v63 =	vld [tilespmem:$0x19C20]  }
0x2b6: {  	v23 =	vadd.f32 v54, v15;
	v15 =	vld [tilespmem:$0x1ADF0]  }
0x2b7: {  	v27 =	vld [tilespmem:$0x1FA70]  }
0x2b8: {  	v29 =	vld [tilespmem:$0x1FA80]  }
0x2b9: {  	v62 =	vadd.f32 v23, v18;
	v18 =	vld [tilespmem:$0x1AE10]  }
0x2ba: {  	[tilespmem:$0x1FCB0] =	vst v63;
	v63 =	vld [tilespmem:$0x1AC20]  }
0x2bb: {  	v14 =	vmul.f32 v15, v14;
	v15 =	vld [tilespmem:$0x1AF70]  }
0x2bc: {  	v34 =	vld [tilespmem:$0x1FAB0]  }
0x2bd: {  	v30 =	vmul.f32 v29, v27;
	v27 =	vld [tilespmem:$0x1AE40]  }
0x2be: {  	v35 =	vld [tilespmem:$0x1FAC0]  }
0x2bf: {  	[tilespmem:$0x1FCC0] =	vst v63;
	v63 =	vld [tilespmem:$0x19C30]  }
0x2c0: {  	[tilespmem:$0x1FF30] =	vst v31;
	v31 =	vld [tilespmem:$0x1FA90]  }
0x2c1: {  	v32 =	vld [tilespmem:$0x1FAA0]  }
0x2c2: {  	v47 =	vld [tilespmem:$0x1FAF0]  }
0x2c3: {  	v49 =	vld [tilespmem:$0x1FB00]  }
0x2c4: {  	[tilespmem:$0x1FCD0] =	vst v63;
	v63 =	vld [tilespmem:$0x1AC30]  }
0x2c5: {  	v51 =	vld [tilespmem:$0x1FB10]  }
0x2c6: {  	v33 =	vmul.f32 v32, v31;
	v52 =	vld [tilespmem:$0x1FB20]  }
0x2c7: {  	v43 =	vld [tilespmem:$0x1FAD0]  }
0x2c8: {  	v23 =	vadd.f32 v33, v30;
	v45 =	vld [tilespmem:$0x1FAE0];
	v50 =	vmul.f32 v49, v47  }
0x2c9: {  	[tilespmem:$0x1FCE0] =	vst v63;
	v63 =	vld [tilespmem:$0x19C40]  }
0x2ca: {  	v31 =	vadd.f32 v50, v23;
	v23 =	vld [tilespmem:$0x19E50]  }
0x2cb: {  	v53 =	vmul.f32 v52, v51;
	v51 =	vld [tilespmem:$0x1FBD0]  }
0x2cc: {  	v52 =	vld [tilespmem:$0x1FBE0]  }
0x2cd: {  	v54 =	vld [tilespmem:$0x1FB30]  }
0x2ce: {  	[tilespmem:$0x1FCF0] =	vst v63;
	v63 =	vld [tilespmem:$0x1AC40]  }
0x2cf: {  	[tilespmem:$0x1FF90] =	vst v55;
	v55 =	vld [tilespmem:$0x1FB40]  }
0x2d0: {  	[tilespmem:$0x1FFA0] =	vst v9;
	v11 =	vperm.xlane v62, v58;
	v9 =	vld [tilespmem:$0x1FB70]  }
0x2d1: {  	v60 =	vld [tilespmem:$0x1FB50]  }
0x2d2: {  	v8 =	vperm.xlane v13, v38;
	v42 =	vadd.f32 v62, v11;
	v62 =	vld [tilespmem:$0x1FB60]  }
0x2d3: {  	v36 =	vmul.f32 v35, v34;
	v46 =	vmul.f32 v45, v43;
	[tilespmem:$0x1FD00] =	vst v63;
	v63 =	vld [tilespmem:$0x19C50]  }
0x2d4: {  	v10 =	vld [tilespmem:$0x1FB80]  }
0x2d5: {  	[tilespmem:$0x1FF40] =	vst v40;
	v40 =	vadd.f32 v13, v8;
	v13 =	vadd.f32 v46, v36;
	v36 =	vld [tilespmem:$0x1FB90]  }
0x2d6: {  	v43 =	vld [tilespmem:$0x1FBA0]  }
0x2d7: {  	v7 =	vperm.xlane v12, v38;
	v8 =	vmul.f32 v62, v60;
	v60 =	vld [tilespmem:$0x1FC10]  }
0x2d8: {  	[tilespmem:$0x1FD10] =	vst v63;
	v63 =	vld [tilespmem:$0x1AC50]  }
0x2d9: {  	v26 =	vadd.f32 v12, v7;
	v62 =	vld [tilespmem:$0x1FC20]  }
0x2da: {  	v47 =	vld [tilespmem:$0x1FBB0]  }
0x2db: {  	v45 =	vmul.f32 v43, v36;
	v43 =	vsel vm1, v25, v26;
	v25 =	vld [tilespmem:$0x19E60]  }
0x2dc: {  	v49 =	vld [tilespmem:$0x1FBC0]  }
0x2dd: {  	[tilespmem:$0x1FD20] =	vst v63;
	v63 =	vld [tilespmem:$0x19C60]  }
0x2de: {  	v26 =	vld [tilespmem:$0x19E70]  }
0x2df: {  	v57 =	vmul.f32 v55, v54;
	v54 =	vld [tilespmem:$0x1FBF0]  }
0x2e0: {  	v55 =	vld [tilespmem:$0x1FC00]  }
0x2e1: {  	v11 =	vmul.f32 v10, v9;
	v9 =	vld [tilespmem:$0x1FC30]  }
0x2e2: {  	v46 =	vadd.f32 v8, v57;
	v50 =	vmul.f32 v49, v47;
	[tilespmem:$0x1FDD0] =	vst v63;
	v63 =	vld [tilespmem:$0x1AC60]  }
0x2e3: {  	v10 =	vld [tilespmem:$0x1FC40]  }
0x2e4: {  	v29 =	vadd.f32 v50, v46;
	v50 =	vld [tilespmem:$0x1FC70]  }
0x2e5: {  	v13 =	vadd.f32 v53, v13;
	v53 =	vmul.f32 v52, v51;
	v51 =	vld [tilespmem:$0x1FC80]  }
0x2e6: {  	v8 =	vmul.f32 v62, v60;
	v62 =	vld [tilespmem:$0x1FCB0]  }
0x2e7: {  	[tilespmem:$0x1FDE0] =	vst v63;
	v63 =	vld [tilespmem:$0x19C70]  }
0x2e8: {  	v49 =	vadd.f32 v8, v13;
	v8 =	vld [tilespmem:$0x1FCC0]  }
0x2e9: {  	v32 =	vadd.f32 v45, v11;
	v57 =	vmul.f32 v55, v54;
	v45 =	vld [tilespmem:$0x1FC50]  }
0x2ea: {  	v46 =	vld [tilespmem:$0x1FC60]  }
0x2eb: {  	v12 =	vadd.f32 v57, v32;
	v57 =	vld [tilespmem:$0x1FC90]  }
0x2ec: {  	v11 =	vmul.f32 v10, v9;
	[tilespmem:$0x1FDF0] =	vst v63;
	v63 =	vld [tilespmem:$0x1AC70]  }
0x2ed: {  	v52 =	vmul.f32 v51, v50;
	v60 =	vld [tilespmem:$0x1FCA0];
	v9 =	vmul.f32 v8, v62  }
0x2ee: {  	v10 =	vld [tilespmem:$0x1FCD0]  }
0x2ef: {  	v34 =	vadd.f32 v9, v52;
	v9 =	vld [tilespmem:$0x1FD50]  }
0x2f0: {  	v29 =	vadd.f32 v11, v29;
	v11 =	vld [tilespmem:$0x1FCE0]  }
0x2f1: {  	[tilespmem:$0x1FE00] =	vst v63;
	v63 =	vld [tilespmem:$0x19C80]  }
0x2f2: {  	v31 =	vadd.f32 v53, v31;
	v53 =	vld [tilespmem:$0x1FCF0]  }
0x2f3: {  	v47 =	vmul.f32 v46, v45;
	v55 =	vld [tilespmem:$0x1FD10]  }
0x2f4: {  	v35 =	vmul.f32 v60, v57;
	v57 =	vld [tilespmem:$0x1FD20]  }
0x2f5: {  	v33 =	vadd.f32 v47, v12;
	v12 =	vmul.f32 v11, v10;
	v10 =	vld [tilespmem:$0x1FD60]  }
0x2f6: {  	[tilespmem:$0x1FD30] =	vst v63;
	v63 =	vld [tilespmem:$0x1AC80]  }
0x2f7: {  	v35 =	vadd.f32 v12, v35;
	v12 =	vld [tilespmem:$0x1FD70]  }
0x2f8: {  	v54 =	vld [tilespmem:$0x1FD00]  }
0x2f9: {  	v50 =	vmul.f32 v57, v55;
	v55 =	vld [tilespmem:$0x1FD80]  }
0x2fa: {  	v60 =	vld [tilespmem:$0x1FD30]  }
0x2fb: {  	[tilespmem:$0x1FD40] =	vst v63;
	v63 =	vld [tilespmem:$0x19C90]  }
0x2fc: {  	v62 =	vld [tilespmem:$0x1FD40]  }
0x2fd: {  	v57 =	vld [tilespmem:$0x1FD90]  }
0x2fe: {  	v13 =	vld [tilespmem:$0x1AE60]  }
0x2ff: {  	v32 =	vld [tilespmem:$0x1AE50]  }
0x300: {  	v45 =	vadd.f32 v49, v31;
	v11 =	vmul.f32 v10, v9;
	v49 =	vmul.f32 v54, v53;
	v54 =	vld [tilespmem:$0x1FDF0]  }
0x301: {  	v30 =	vmul.f32 v12, v63;
	v12 =	vld [tilespmem:$0x1FDE0];
	v8 =	vmul.f32 v62, v60  }
0x302: {  	v60 =	vmul.f32 v57, v55;
	v55 =	vld [tilespmem:$0x1FE00]  }
0x303: {  	v36 =	vadd.f32 v11, v8;
	v11 =	vld [tilespmem:$0x1FDD0]  }
0x304: {  	v9 =	vld [tilespmem:$0x1FDC0]  }
0x305: {  	v47 =	vadd.f32 v33, v29;
	v63 =	vld [tilespmem:$0x1FDB0]  }
0x306: {  	v62 =	vld [tilespmem:$0x1FDA0]  }
0x307: {  	v31 =	vld [tilespmem:$0x1AE70];
	v0 =	vperm.xlane v47, v58;
	v49 =	vadd.f32 v49, v34;
	v50 =	vadd.f32 v50, v35  }
0x308: {  	v29 =	vld [tilespmem:$0x19E80];
	v46 =	vadd.f32 v60, v30;
	v57 =	vmul.f32 v55, v54;
	v30 =	vmul.f32 v12, v11  }
0x309: {  	v44 =	vmul.f32 v16, v44;
	v33 =	vld [tilespmem:$0x1AE80];
	v6 =	vadd.f32 v47, v0;
	v10 =	vmul.f32 v59, v9  }
0x30a: {  	v47 =	vld [tilespmem:$0x1AF20];
	v60 =	vperm.xlane v45, v58;
	v50 =	vadd.f32 v57, v50;
	v49 =	vadd.f32 v30, v49  }
0x30b: {  	v52 =	vld [tilespmem:$0x1AED0];
	v59 =	vmul.f32 v48, v61;
	v46 =	vadd.f32 v10, v46;
	v8 =	vmul.f32 v63, v62  }
0x30c: {  	v53 =	vld [tilespmem:$0x1AEC0];
	v45 =	vadd.f32 v45, v60;
	v62 =	vperm.xlane v41, v3;
	v49 =	vadd.f32 v50, v49  }
0x30d: {  	v34 =	vld [tilespmem:$0x19E90];
	v63 =	vperm.xlane v42, v3;
	v44 =	vadd.f32 v44, v46;
	v51 =	vadd.f32 v8, v36  }
0x30e: {  	v35 =	vld [tilespmem:$0x1AE90];
	v4 =	vperm.xlane v45, v3;
	v41 =	vadd.f32 v41, v62;
	v5 =	vperm.xlane v49, v58  }
0x30f: {  	v60 =	vld [tilespmem:$0x19EF0];
	v42 =	vadd.f32 v42, v63;
	v61 =	vadd.f32 v59, v51  }
0x310: {  	v40 =	vsel vm2, v43, v40;
	v54 =	vld [tilespmem:$0x19EB0];
	v45 =	vadd.f32 v45, v4;
	v49 =	vadd.f32 v49, v5  }
0x311: {  	v55 =	vld [tilespmem:$0x19EE0];
	v8 =	vperm.xlane v41, v2;
	v9 =	vperm.xlane v42, v2;
	v43 =	vadd.f32 v44, v61  }
0x312: {  	v46 =	vld [tilespmem:$0x1AEB0];
	v16 =	vperm.xlane v45, v2;
	v48 =	vperm.xlane v49, v3  }
0x313: {  	v36 =	vld [tilespmem:$0x19EA0];
	v41 =	vadd.f32 v41, v8;
	v42 =	vadd.f32 v42, v9;
	v7 =	vperm.xlane v43, v58  }
0x314: {  	v10 =	vperm.xlane v6, v3;
	v12 =	vld [tilespmem:$0x1AEA0];
	v45 =	vadd.f32 v45, v16;
	v49 =	vadd.f32 v49, v48  }
0x315: {  	v11 =	vld [tilespmem:$0x19ED0];
	v0 =	vperm.xlane v41, v38;
	v4 =	vperm.xlane v42, v38;
	v43 =	vadd.f32 v43, v7  }
0x316: {  	v57 =	vld [tilespmem:$0x1AEF0];
	v44 =	vadd.f32 v6, v10;
	v6 =	vperm.xlane v45, v38;
	v7 =	vperm.xlane v49, v2  }
0x317: {  	v62 =	vld [tilespmem:$0x1AF00];
	v41 =	vadd.f32 v41, v0;
	v42 =	vadd.f32 v42, v4;
	v63 =	vperm.xlane v43, v3  }
0x318: {  	v0 =	vadd.f32 v45, v6;
	v6 =	vld [tilespmem:$0x1FE10];
	v4 =	vadd.f32 v49, v7  }
0x319: {  	v51 =	vld [tilespmem:$0x19EC0];
	v5 =	vperm.xlane v44, v2;
	v43 =	vadd.f32 v43, v63  }
0x31a: {  	v50 =	vld [tilespmem:$0x1FE50];
	v7 =	vperm.xlane v4, v38  }
0x31b: {  	v44 =	vadd.f32 v44, v5;
	v40 =	vsel vm3, v40, v41;
	v48 =	vld [tilespmem:$0x1FE40];
	v16 =	vperm.xlane v43, v2  }
0x31c: {  	v40 =	vsel vm4, v40, v42;
	v45 =	vadd.f32 v4, v7;
	v7 =	vld [tilespmem:$0x1FE70]  }
0x31d: {  	v5 =	vperm.xlane v44, v38;
	v41 =	vmul.f32 v1, v6;
	v6 =	vld [tilespmem:$0x1FE60];
	v42 =	vadd.f32 v43, v16  }
0x31e: {  	v16 =	vld [tilespmem:$0x1FE20]  }
0x31f: {  	v40 =	vsel vm5, v40, v0;
	v43 =	vadd.f32 v44, v5;
	v44 =	vld [tilespmem:$0x1FE30];
	v0 =	vperm.xlane v42, v38  }
0x320: {  	v50 =	vmul.f32 v50, v48;
	v48 =	vld [tilespmem:$0x1FE90]  }
0x321: {  	v4 =	vadd.f32 v42, v0;
	v42 =	vmul.f32 v39, v7;
	v39 =	vld [tilespmem:$0x1FE80]  }
0x322: {  	v30 =	vld [tilespmem:$0x1AEE0]  }
0x323: {  	v59 =	vld [tilespmem:$0x19F00]  }
0x324: {  	v10 =	vld [tilespmem:$0x19F10]  }
0x325: {  	v44 =	vmul.f32 v44, v16;
	v16 =	vmul.f32 v6, v56;
	v56 =	vld [tilespmem:$0x1FEA0]  }
0x326: {  	v0 =	vmul.f32 v48, v39;
	v39 =	vld [tilespmem:$0x1FEB0]  }
0x327: {  	v61 =	vld [tilespmem:$0x1AF10]  }
0x328: {  	v9 =	vld [tilespmem:$0x1AF30]  }
0x329: {  	v16 =	vadd.f32 v16, v44;
	v44 =	vld [tilespmem:$0x1FEF0]  }
0x32a: {  	v48 =	vld [tilespmem:$0x1FEC0]  }
0x32b: {  	v41 =	vadd.f32 v50, v41;
	v50 =	vmul.f32 v39, v56;
	v56 =	vld [tilespmem:$0x1FED0]  }
0x32c: {  	v39 =	vld [tilespmem:$0x1FEE0]  }
0x32d: {  	v8 =	vld [tilespmem:$0x19F40]  }
0x32e: {  	v11 =	vmul.f32 v52, v11;
	v52 =	vld [tilespmem:$0x1AFC0]  }
0x32f: {  	v10 =	vmul.f32 v61, v10;
	v61 =	vld [tilespmem:$0x19FF0]  }
0x330: {  	v48 =	vmul.f32 v56, v48;
	v56 =	vld [tilespmem:$0x1FF00]  }
0x331: {  	v44 =	vmul.f32 v44, v39;
	v39 =	vld [tilespmem:$0x1FF10]  }
0x332: {  	v63 =	vld [tilespmem:$0x19F30]  }
0x333: {  	v1 =	vld [tilespmem:$0x1FF50]  }
0x334: {  	v49 =	vld [tilespmem:$0x19F20]  }
0x335: {  	v5 =	vld [tilespmem:$0x1AF50]  }
0x336: {  	v41 =	vadd.f32 v42, v41;
	v42 =	vadd.f32 v48, v50;
	v48 =	vld [tilespmem:$0x1FF20];
	v56 =	vmul.f32 v39, v56  }
0x337: {  	v50 =	vld [tilespmem:$0x1FF30]  }
0x338: {  	v0 =	vadd.f32 v0, v16;
	v16 =	vadd.f32 v56, v44;
	v56 =	vld [tilespmem:$0x1FF40]  }
0x339: {  	v39 =	vld [tilespmem:$0x1FF60]  }
0x33a: {  	v6 =	vld [tilespmem:$0x19F50]  }
0x33b: {  	v7 =	vld [tilespmem:$0x1AF40]  }
0x33c: {  	v48 =	vmul.f32 v50, v48;
	v50 =	vld [tilespmem:$0x19F60]  }
0x33d: {  	v44 =	vld [tilespmem:$0x1AF60];
	v37 =	vmul.f32 v37, v56  }
0x33e: {  	v56 =	vmul.f32 v39, v1;
	v1 =	vld [tilespmem:$0x1FF70]  }
0x33f: {  	v16 =	vadd.f32 v37, v16;
	v37 =	vld [tilespmem:$0x1FF90]  }
0x340: {  	v13 =	vmul.f32 v13, v25;
	v23 =	vmul.f32 v32, v23;
	v39 =	vld [tilespmem:$0x1FF80]  }
0x341: {  	v26 =	vmul.f32 v31, v26;
	v9 =	vmul.f32 v9, v63;
	v42 =	vadd.f32 v48, v42;
	v48 =	vld [tilespmem:$0x19F70]  }
0x342: {  	v33 =	vmul.f32 v33, v29;
	v56 =	vadd.f32 v56, v41;
	v41 =	vmul.f32 v46, v54;
	v46 =	vld [tilespmem:$0x19FC0]  }
0x343: {  	v12 =	vmul.f32 v12, v36;
	v43 =	vsel vm6, v40, v43;
	v9 =	vadd.f32 v9, v10;
	v54 =	vld [tilespmem:$0x19FD0]  }
0x344: {  	v5 =	vmul.f32 v5, v6;
	v28 =	vmul.f32 v28, v37;
	v37 =	vsel vm7, v43, v45;
	v43 =	vld [tilespmem:$0x1FFA0]  }
0x345: {  	v12 =	vadd.f32 v12, v33;
	v40 =	vmul.f32 v35, v34;
	v1 =	vmul.f32 v39, v1;
	v45 =	vld [tilespmem:$0x1FFB0]  }
0x346: {  	v5 =	vadd.f32 v5, v9;
	v15 =	vmul.f32 v15, v48;
	v14 =	vadd.f32 v14, v16;
	v16 =	vld [tilespmem:$0x1AF80]  }
0x347: {  	v7 =	vmul.f32 v7, v8;
	v34 =	vmul.f32 v44, v50;
	v39 =	vld [tilespmem:$0x1AFA0];
	v0 =	vadd.f32 v1, v0  }
0x348: {  	v5 =	vadd.f32 v15, v5;
	v1 =	vld [tilespmem:$0x19F80];
	v31 =	vmul.f32 v52, v46;
	v28 =	vadd.f32 v28, v42  }
0x349: {  	v0 =	vadd.f32 v0, v56;
	v56 =	vmul.f32 v27, v24;
	v24 =	vld [tilespmem:$0x19FA0];
	v17 =	vmul.f32 v17, v43  }
0x34a: {  	v42 =	vld [tilespmem:$0x19FB0];
	v27 =	vmul.f32 v22, v20;
	v14 =	vadd.f32 v14, v28;
	v18 =	vmul.f32 v18, v45  }
0x34b: {  	v43 =	vmul.f32 v53, v51;
	v45 =	vld [tilespmem:$0x1AFB0];
	v51 =	vmul.f32 v30, v55;
	v17 =	vadd.f32 v19, v17  }
0x34c: {  	v53 =	vmul.f32 v57, v60;
	v55 =	vld [tilespmem:$0x1AFD0];
	v18 =	vadd.f32 v21, v18;
	v19 =	vadd.f32 v41, v40  }
0x34d: {  	v57 =	vld [tilespmem:$0x19FE0];
	v1 =	vmul.f32 v16, v1;
	v12 =	vadd.f32 v43, v12;
	v17 =	vadd.f32 v56, v17  }
0x34e: {  	v60 =	vld [tilespmem:$0x1AFE0];
	v63 =	vmul.f32 v39, v24;
	v18 =	vadd.f32 v23, v18;
	v11 =	vadd.f32 v11, v19  }
0x34f: {  	v24 =	vld [tilespmem:$0x1AFF0];
	v12 =	vadd.f32 v51, v12;
	v56 =	vmul.f32 v62, v59;
	v59 =	vmul.f32 v47, v49  }
0x350: {  	v1 =	vadd.f32 v63, v1;
	v29 =	vmul.f32 v45, v42;
	v13 =	vadd.f32 v13, v17  }
0x351: {  	v4 =	vsel vm8, v37, v4;
	v18 =	vadd.f32 v26, v18;
	v62 =	vadd.f32 v59, v56  }
0x352: {  	v33 =	vmul.f32 v55, v54;
	v11 =	vadd.f32 v53, v11;
	v32 =	vadd.f32 v29, v27  }
0x353: {  	v36 =	vmul.f32 v60, v57;
	v1 =	vadd.f32 v31, v1;
	v7 =	vadd.f32 v7, v62  }
0x354: {  	v6 =	vmul.f32 v24, v61;
	v13 =	vadd.f32 v18, v13;
	v35 =	vadd.f32 v33, v32  }
0x355: {  	v37 =	vperm.xlane v0, v58;
	v11 =	vadd.f32 v11, v12;
	v7 =	vadd.f32 v34, v7  }
0x356: {  	v39 =	vperm.xlane v14, v58;
	v1 =	vadd.f32 v36, v1;
	v6 =	vadd.f32 v6, v35  }
0x357: {  	v0 =	vadd.f32 v0, v37;
	v40 =	vperm.xlane v13, v58;
	v5 =	vadd.f32 v5, v7  }
0x358: {  	v41 =	vadd.f32 v14, v39;
	v42 =	vperm.xlane v11, v58;
	v1 =	vadd.f32 v6, v1  }
0x359: {  	v43 =	vperm.xlane v0, v3;
	v9 =	vadd.f32 v13, v40;
	v44 =	vperm.xlane v5, v58  }
0x35a: {  	v45 =	vperm.xlane v41, v3;
	v8 =	vadd.f32 v11, v42;
	v46 =	vperm.xlane v1, v58  }
0x35b: {  	v0 =	vadd.f32 v0, v43;
	v47 =	vperm.xlane v9, v3;
	v5 =	vadd.f32 v5, v44  }
0x35c: {  	v7 =	vadd.f32 v41, v45;
	v48 =	vperm.xlane v8, v3;
	v1 =	vadd.f32 v1, v46  }
0x35d: {  	v49 =	vperm.xlane v0, v2;
	v6 =	vadd.f32 v9, v47;
	v50 =	vperm.xlane v5, v3  }
0x35e: {  	v12 =	vperm.xlane v7, v2;
	v8 =	vadd.f32 v8, v48;
	v51 =	vperm.xlane v1, v3  }
0x35f: {  	v0 =	vadd.f32 v0, v49;
	v52 =	vperm.xlane v6, v2;
	v5 =	vadd.f32 v5, v50  }
0x360: {  	v7 =	vadd.f32 v7, v12;
	v53 =	vperm.xlane v8, v2;
	v1 =	vadd.f32 v1, v51  }
0x361: {  	v54 =	vperm.xlane v0, v38;
	v6 =	vadd.f32 v6, v52;
	v55 =	vperm.xlane v5, v2  }
0x362: {  	v12 =	vperm.xlane v7, v38;
	v8 =	vadd.f32 v8, v53;
	v56 =	vperm.xlane v1, v2  }
0x363: {  	v0 =	vadd.f32 v0, v54;
	v57 =	vperm.xlane v6, v38;
	v5 =	vadd.f32 v5, v55  }
0x364: {  	v7 =	vadd.f32 v7, v12;
	v58 =	vperm.xlane v8, v38;
	v1 =	vadd.f32 v1, v56  }
0x365: {  	v0 =	vsel vm9, v4, v0;
	v59 =	vadd.f32 v6, v57;
	v60 =	vperm.xlane v5, v38  }
0x366: {  	v0 =	vsel vm10, v0, v7;
	v61 =	vadd.f32 v8, v58;
	v62 =	vperm.xlane v1, v38  }
.Ltmp2:
0x367: {  	v0 =	vsel vm11, v0, v59;
	v63 =	vadd.f32 v5, v60;
	(pc) =	sbr.rel @p0 .LBB2_4-.Ltmp2, $4  }
0x368: {  	v0 =	vsel vm12, v0, v61;
	v1 =	vadd.f32 v1, v62  }
0x369: {  	v0 =	vsel vm13, v0, v63  }
0x36a: {  	v0 =	vsel vm14, v0, v1  }
0x36b: {  	[tilespmem:s31+$0x1B010] =	vst v0  }
.Ltmp3:
0x36c: {  	(pc) =	sbr.rel .LBB2_2-.Ltmp3, $4  }
0x36d: {  	s0 =	sadd.s32 $0x14030, s31  }
0x36e: {  	[tilespmem:s18], [sflag:$0x2] =	stream.indirect.gather [spmem:s1], $0x80, s0, s14, $0xb8;
	[tilespmem:$0x1D800] =	vst v63  }
0x36f: {  	s31 =	sadd.s32 $0x16830, s31;
	s30 =	sadd.s32 $0x80, s30  }
0x370: {  	[tilespmem:s20], [sflag:$0x4] =	stream.indirect.gather [spmem:s1], $0x80, s31, s14, $0xb8;
	[tilespmem:$0x1D800] =	vst v63  }
.LBB2_5:
0x371: {  	_ =	sfence.sel $0x180000  }
0x372: {  	[bflag:$0x0] =	sbarrier.arrive $0xFFFF  }
0x373: {  	_ =	strace $0x90000047  }
0x374: {  	s0 =	stileid.u32;
	[bflag:$0x2] =	sbarrier.arrive $0xFFFF  }
0x375: {  	p0 =	sne.s32 s0, $0x0;
	s0 =	rddreg [dreg:$0x5]  }
0x376: {  	s0 =	sadd.s32 @!p0 $0x100000, s0  }
0x377: {  	[sflag:s0] =	ssyncadd.tile.s32 @!p0 $0x1;
	_ =	shalt  }
.Lfunc_end2:
_tile_overlayer_lowered:
.L_overlay_start_2:
0x378: {  	(tag) =	ssettag $0x2  }
0x379: {  	s0 =	rddreg [dreg:$0x0];
	s2 =	stileid.u32  }
0x37a: {  	s1 =	rddreg [dreg:$0x1];
	p0 =	sne.s32 s2, $0x0  }
0x37b: {  	s3 =	rddreg [dreg:$0x2];
	[bflag:$0x3] =	sbarrier.arrive $0xFFFF;
	s2 =	simm.s32 @!p0 $0x1C05  }
0x37c: {  	[timem:s3], [sflag:s2] =	dma.local @!p0 [hbm:s0], s1  }
0x37d: {  	s0 =	simm.s32 @!p0 $0x5  }
0x37e: {  	_ =	swait.ge @!p0 [sflag:s0], s1  }
0x37f: {  	s1 =	ssub.s32 @!p0 $0x0, s1;
	[sflag:s0] =	ssyncset.done @!p0 $0x0  }
0x380: {  	[sflag:s0] =	ssyncadd.s32 @!p0 s1  }
0x381: {  	[bflag:$0x3] =	sbarrier.arrive $0xFFFF  }
0x382: {  	_ =	shalt  }

</sc_bundles>
